<compile_context>
chip_gen: v7x
topology: tpu7x:2x2x1
jax: 0.10.2.dev20260603
libtpu: 0.0.44.dev20260713+nightly
codegen_flags: <defaults>
</compile_context>

<pallas_src>
import functools

import jax
import jax.numpy as jnp
from jax import lax
from jax.experimental import pallas as pl
from jax.experimental.pallas import tpu as pltpu
from jax.experimental.pallas import tpu_sc as plsc

LANE = 128
K = 1
CHUNK = K * LANE
PARTS = 8


@functools.lru_cache(maxsize=None)
def _build_gather(num_idx: int, vocab: int):
    info = plsc.get_sparse_core_info()
    nw = info.num_cores * info.num_subcores
    per_w = num_idx // nw
    assert num_idx % nw == 0 and per_w % CHUNK == 0
    nchunk = per_w // CHUNK
    nmain = nchunk // 2 * 2

    mesh = plsc.VectorSubcoreMesh(core_axis_name="c", subcore_axis_name="s")

    @functools.partial(
        pl.kernel,
        out_type=jax.ShapeDtypeStruct((num_idx, LANE), jnp.float32),
        mesh=mesh,
        scratch_types=[
            pltpu.VMEM((per_w,), jnp.int32),
            pltpu.VMEM((CHUNK, LANE), jnp.float32),
            pltpu.VMEM((CHUNK, LANE), jnp.float32),
            pltpu.SemaphoreType.DMA,
            pltpu.SemaphoreType.DMA,
            pltpu.SemaphoreType.DMA,
            pltpu.SemaphoreType.DMA,
        ],
    )
    def emb(idx_hbm, table_hbm, out_hbm, idxb, rows0, rows1,
            g0, g1, o0, o1):
        wid = lax.axis_index("s") * info.num_cores + lax.axis_index("c")
        base = wid * per_w
        row_bufs = (rows0, rows1)
        gsems = (g0, g1)
        osems = (o0, o1)

        pltpu.sync_copy(idx_hbm.at[pl.ds(base, per_w)], idxb)

        def chunk(c, b):
            rows_b = row_bufs[b]
            row0 = pl.multiple_of(base + c * CHUNK, CHUNK)

            @pl.when(c >= 2)
            def _():
                pltpu.make_async_copy(
                    rows_b, out_hbm.at[pl.ds(row0, CHUNK)], osems[b]
                ).wait()

            copies = [
                pltpu.async_copy(
                    table_hbm.at[idxb.at[pl.ds(c * CHUNK + j * LANE,
                                               LANE)]],
                    rows_b.at[pl.ds(j * LANE, LANE)],
                    gsems[b],
                )
                for j in range(K)
            ]
            for cp in copies:
                cp.wait()

            pltpu.async_copy(
                rows_b, out_hbm.at[pl.ds(row0, CHUNK)], osems[b])

        @pl.loop(0, nmain, step=2)
        def _(c0):
            for b in range(2):
                chunk(c0 + b, b)

        for c in range(nmain, nchunk):
            chunk(c, c % 2)

        for b in range(2):
            pltpu.make_async_copy(
                row_bufs[b], out_hbm.at[pl.ds(b * CHUNK, CHUNK)], osems[b]
            ).wait()

    return emb


@functools.lru_cache(maxsize=None)
def _build_pad(vocab: int, dim: int, rows: int = 16384):

    def body(t_ref, o_ref):
        o_ref[:, :dim] = jnp.swapaxes(t_ref[...], 0, 1)
        o_ref[:, dim:] = jnp.zeros((rows, LANE - dim), jnp.float32)

    return pl.pallas_call(
        body,
        grid=(pl.cdiv(vocab, rows),),
        in_specs=[pl.BlockSpec((dim, rows), lambda i: (0, i))],
        out_specs=pl.BlockSpec((rows, LANE), lambda i: (i, 0)),
        out_shape=jax.ShapeDtypeStruct((vocab, LANE), jnp.float32),
    )


@functools.lru_cache(maxsize=None)
def _build_narrow(bsz: int, hist: int, part: int, n_parts: int, dim: int,
                  hblk: int = 8):
    part_b = bsz // n_parts
    assert hist % hblk == 0
    nblk = hist // hblk
    b0 = part * part_b

    def body(p_ref, *rest):
        o_ref = rest[-1]
        for h in range(hblk):
            o_ref[:, h, :] = jnp.swapaxes(p_ref[:, h, :dim], 0, 1)

    in_specs = [pl.BlockSpec((part_b, hblk, LANE), lambda i: (0, i, 0))]
    kwargs = {}
    if part > 0:
        in_specs.append(pl.BlockSpec(memory_space=pl.ANY))
        kwargs["input_output_aliases"] = {1: 0}

    return pl.pallas_call(
        body,
        grid=(nblk,),
        in_specs=in_specs,
        out_specs=pl.BlockSpec((dim, hblk, part_b),
                               lambda i: (0, i, b0 // part_b)),
        out_shape=jax.ShapeDtypeStruct((dim, hist, bsz), jnp.float32),
        **kwargs,
    )


def kernel(x, table):
    bsz, hist = x.shape
    vocab, dim = table.shape
    num_idx = bsz * hist
    part_rows = num_idx // PARTS
    part_b = bsz // PARTS
    idx = x.reshape(num_idx).astype(jnp.int32)
    table_pad = _build_pad(vocab, dim)(jnp.swapaxes(table, 0, 1))
    gather = _build_gather(part_rows, vocab)
    out = None
    for p in range(PARTS):
        rows_pad = gather(
            lax.slice(idx, (p * part_rows,), ((p + 1) * part_rows,)),
            table_pad)
        rows_pad = rows_pad.reshape(part_b, hist, LANE)
        narrow = _build_narrow(bsz, hist, p, PARTS, dim)
        out = narrow(rows_pad) if p == 0 else narrow(rows_pad, out)
    return jnp.transpose(out, (2, 1, 0))

# --- scband reference (transcript-rebuilt; emitter-appended) ---
"""Pipeline reference for scband-glove-embedding-20684562498351 (READ-ONLY COPY).

The authoritative reference and input builder live on the scoring server;
editing this copy changes nothing except your own understanding.
"""

import jax, jax.numpy as jnp
import numpy as np

VOCAB = 1000000
EMBED_DIM = 100
BATCH = 4096
HIST = 200

def setup_inputs(seed: int = 0) -> dict:
    key = jax.random.key(seed)
    k_idx, k_tab = jax.random.split(key)
    x = jax.random.randint(k_idx, (BATCH, HIST), 0, VOCAB, dtype=jnp.int64 if jax.config.jax_enable_x64 else jnp.int32)
    # Embedding table stands in for the GloVe matrix loaded from file
    # (row 0 = PAD zeros, row 1 = UNK random normal, rest = word vectors).
    table = jax.random.normal(k_tab, (VOCAB, EMBED_DIM), dtype=jnp.float32) * 0.1
    table = table.at[0].set(0.0)
    return {"x": x, "table": table}

def reference(x, table):
    # GloveEmbedding.forward: self.embedding(x) -> table[x]
    return jnp.take(table, x, axis=0)

if __name__ == "__main__":
    import jax
    _d = setup_inputs()
    print(jax.jit(kernel)(*tuple(_d.values())))

</pallas_src>

<mosaic_0001>
#map = affine_map<(d0, d1) -> (0)>
#map1 = affine_map<(d0, d1) -> (0, 0)>
module attributes {stable_mosaic.version = 14 : i64} {
  func.func @emb(%arg0: i32, %arg1: i32, %arg2: memref<102400xi32, #tpu.memory_space<hbm>>, %arg3: memref<1000000x128xf32, #tpu.memory_space<hbm>>, %arg4: memref<102400x128xf32, #tpu.memory_space<hbm>>, %arg5: memref<3200xi32, #tpu.memory_space<vmem>>, %arg6: memref<128x128xf32, #tpu.memory_space<vmem>>, %arg7: memref<128x128xf32, #tpu.memory_space<vmem>>, %arg8: memref<!tpu.dma_semaphore, #tpu.memory_space<semaphore_mem>>, %arg9: memref<!tpu.dma_semaphore, #tpu.memory_space<semaphore_mem>>, %arg10: memref<!tpu.dma_semaphore, #tpu.memory_space<semaphore_mem>>, %arg11: memref<!tpu.dma_semaphore, #tpu.memory_space<semaphore_mem>>) attributes {dimension_semantics = [#tpu.dimension_semantics<core_parallel>, #tpu.dimension_semantics<subcore_parallel>], iteration_bounds = array<i64: 2, 16>, scalar_prefetch = 0 : i64, scratch_operands = 7 : i64, tpu.core_type = #tpu.core_type<sc_vector_subcore>, window_params = [{transform_indices = #map}, {transform_indices = #map1}, {transform_indices = #map1}]} {
    %mul3A = arith.constant 2 : i32
    %mul3A_0 = arith.muli %arg1, %mul3A : i32
    %add3A = arith.addi %mul3A_0, %arg0 : i32
    %mul3A_1 = arith.constant 3200 : i32
    %mul3A_2 = arith.muli %add3A, %mul3A_1 : i32
    "tpu.region"() ({
      %run_scoped3A = tpu.sem_alloc : memref<!tpu.dma_semaphore, #tpu.memory_space<semaphore_mem>>
      %dma_start3A_43 = tpu.memref_slice %arg2[%mul3A_2] : memref<102400xi32, #tpu.memory_space<hbm>> -> memref<3200xi32, #tpu.memory_space<hbm>>
      %dma_start3A_44 = tpu.memref_slice %arg2[%mul3A_2] : memref<102400xi32, #tpu.memory_space<hbm>> -> memref<3200xi32, #tpu.memory_space<hbm>>
      tpu.enqueue_dma source(%dma_start3A_44 : memref<3200xi32, #tpu.memory_space<hbm>>) target(%arg5 : memref<3200xi32, #tpu.memory_space<vmem>>) target_semaphore(%run_scoped3A : memref<!tpu.dma_semaphore, #tpu.memory_space<semaphore_mem>>)
      %dma_wait3A_45 = tpu.memref_slice %arg2[%mul3A_2] : memref<102400xi32, #tpu.memory_space<hbm>> -> memref<3200xi32, #tpu.memory_space<hbm>>
      %dma_wait3A_46 = tpu.memref_slice %arg2[%mul3A_2] : memref<102400xi32, #tpu.memory_space<hbm>> -> memref<3200xi32, #tpu.memory_space<hbm>>
      tpu.wait_dma2 semaphore(%run_scoped3A : memref<!tpu.dma_semaphore, #tpu.memory_space<semaphore_mem>>) src(%dma_wait3A_46 : memref<3200xi32, #tpu.memory_space<hbm>>) dst(%arg5 : memref<3200xi32, #tpu.memory_space<vmem>>)
      tpu.yield
    }) : () -> ()
    %scan3A = arith.constant 0 : i32
    %scan3A_3 = arith.constant 12 : i32
    %scan3A_4 = arith.addi %scan3A, %scan3A_3 : i32
    %scan3A_5 = arith.constant 1 : i32
    scf.for %scan3A_43 = %scan3A to %scan3A_4 step %scan3A_5  : i32 {
      %mul3A_44 = arith.constant 2 : i32
      %mul3A_45 = arith.muli %scan3A_43, %mul3A_44 : i32
      %add3A_46 = arith.constant 0 : i32
      %add3A_47 = arith.addi %add3A_46, %mul3A_45 : i32
      %add3A_48 = arith.constant 0 : i32
      %add3A_49 = arith.addi %add3A_47, %add3A_48 : i32
      %mul3A_50 = arith.constant 128 : i32
      %mul3A_51 = arith.muli %add3A_49, %mul3A_50 : i32
      %add3A_52 = arith.addi %mul3A_2, %mul3A_51 : i32
      %multiple_of3A_53 = tpu.assume_multiple %add3A_52, 128 : i32
      %ge3A = arith.constant 2 : i32
      %ge3A_54 = arith.cmpi sge, %add3A_49, %ge3A : i32
      %convert_element_type3A = arith.extui %ge3A_54 : i1 to i32
      %cond3A = arith.constant 0 : i32
      %cond3A_55 = arith.cmpi ne, %convert_element_type3A, %cond3A : i32
      scf.if %cond3A_55 {
        %dma_wait3A_111 = arith.constant 0 : i32
        %dma_wait3A_112 = tpu.memref_slice %arg4[%multiple_of3A_53, %dma_wait3A_111] : memref<102400x128xf32, #tpu.memory_space<hbm>> -> memref<128x128xf32, #tpu.memory_space<hbm>>
        %dma_wait3A_113 = arith.constant 0 : i32
        %dma_wait3A_114 = tpu.memref_slice %arg4[%multiple_of3A_53, %dma_wait3A_113] : memref<102400x128xf32, #tpu.memory_space<hbm>> -> memref<128x128xf32, #tpu.memory_space<hbm>>
        tpu.wait_dma2 semaphore(%arg10 : memref<!tpu.dma_semaphore, #tpu.memory_space<semaphore_mem>>) src(%arg6 : memref<128x128xf32, #tpu.memory_space<vmem>>) dst(%dma_wait3A_114 : memref<128x128xf32, #tpu.memory_space<hbm>>)
      } else {
      }
      %mul3A_56 = arith.constant 128 : i32
      %mul3A_57 = arith.muli %add3A_49, %mul3A_56 : i32
      %add3A_58 = arith.constant 0 : i32
      %add3A_59 = arith.addi %mul3A_57, %add3A_58 : i32
      %dma_start3A_60 = arith.constant 0 : i32
      %dma_start3A_61 = arith.constant 0 : i32
      %dma_start3A_62 = tpu.memref_slice %arg6[%dma_start3A_60, %dma_start3A_61] : memref<128x128xf32, #tpu.memory_space<vmem>> -> memref<128x128xf32, #tpu.memory_space<vmem>>
      %dma_start3A_63 = tpu.memref_slice %arg5[%add3A_59] : memref<3200xi32, #tpu.memory_space<vmem>> -> memref<128xi32, #tpu.memory_space<vmem>>
      %dma_start3A_64 = arith.constant 0 : i32
      %dma_start3A_65 = arith.constant 0 : i32
      %dma_start3A_66 = tpu.memref_slice %arg3[%dma_start3A_64, %dma_start3A_65] : memref<1000000x128xf32, #tpu.memory_space<hbm>> -> memref<1000000x128xf32, #tpu.memory_space<hbm>>
      tpu.enqueue_indirect_dma source(%dma_start3A_66 : memref<1000000x128xf32, #tpu.memory_space<hbm>>) target(%dma_start3A_62 : memref<128x128xf32, #tpu.memory_space<vmem>>) offsets(%dma_start3A_63 : memref<128xi32, #tpu.memory_space<vmem>>) semaphore(%arg8 : memref<!tpu.dma_semaphore, #tpu.memory_space<semaphore_mem>>)
      %dma_wait3A_67 = arith.constant 0 : i32
      %dma_wait3A_68 = arith.constant 0 : i32
      %dma_wait3A_69 = tpu.memref_slice %arg6[%dma_wait3A_67, %dma_wait3A_68] : memref<128x128xf32, #tpu.memory_space<vmem>> -> memref<128x128xf32, #tpu.memory_space<vmem>>
      %dma_wait3A_70 = tpu.memref_slice %arg5[%add3A_59] : memref<3200xi32, #tpu.memory_space<vmem>> -> memref<128xi32, #tpu.memory_space<vmem>>
      %dma_wait3A_71 = arith.constant 0 : i32
      %dma_wait3A_72 = arith.constant 0 : i32
      %dma_wait3A_73 = tpu.memref_slice %arg3[%dma_wait3A_71, %dma_wait3A_72] : memref<1000000x128xf32, #tpu.memory_space<hbm>> -> memref<1000000x128xf32, #tpu.memory_space<hbm>>
      tpu.wait_indirect_dma semaphore(%arg8 : memref<!tpu.dma_semaphore, #tpu.memory_space<semaphore_mem>>) src(%dma_wait3A_73 : memref<1000000x128xf32, #tpu.memory_space<hbm>>) dst(%dma_wait3A_69 : memref<128x128xf32, #tpu.memory_space<vmem>>)
      %dma_start3A_74 = arith.constant 0 : i32
      %dma_start3A_75 = tpu.memref_slice %arg4[%multiple_of3A_53, %dma_start3A_74] : memref<102400x128xf32, #tpu.memory_space<hbm>> -> memref<128x128xf32, #tpu.memory_space<hbm>>
      %dma_start3A_76 = arith.constant 0 : i32
      %dma_start3A_77 = tpu.memref_slice %arg4[%multiple_of3A_53, %dma_start3A_76] : memref<102400x128xf32, #tpu.memory_space<hbm>> -> memref<128x128xf32, #tpu.memory_space<hbm>>
      tpu.enqueue_dma source(%arg6 : memref<128x128xf32, #tpu.memory_space<vmem>>) target(%dma_start3A_77 : memref<128x128xf32, #tpu.memory_space<hbm>>) target_semaphore(%arg10 : memref<!tpu.dma_semaphore, #tpu.memory_space<semaphore_mem>>)
      %add3A_78 = arith.constant 1 : i32
      %add3A_79 = arith.addi %add3A_47, %add3A_78 : i32
      %mul3A_80 = arith.constant 128 : i32
      %mul3A_81 = arith.muli %add3A_79, %mul3A_80 : i32
      %add3A_82 = arith.addi %mul3A_2, %mul3A_81 : i32
      %multiple_of3A_83 = tpu.assume_multiple %add3A_82, 128 : i32
      %ge3A_84 = arith.constant 2 : i32
      %ge3A_85 = arith.cmpi sge, %add3A_79, %ge3A_84 : i32
      %convert_element_type3A_86 = arith.extui %ge3A_85 : i1 to i32
      %cond3A_87 = arith.constant 0 : i32
      %cond3A_88 = arith.cmpi ne, %convert_element_type3A_86, %cond3A_87 : i32
      scf.if %cond3A_88 {
        %dma_wait3A_111 = arith.constant 0 : i32
        %dma_wait3A_112 = tpu.memref_slice %arg4[%multiple_of3A_83, %dma_wait3A_111] : memref<102400x128xf32, #tpu.memory_space<hbm>> -> memref<128x128xf32, #tpu.memory_space<hbm>>
        %dma_wait3A_113 = arith.constant 0 : i32
        %dma_wait3A_114 = tpu.memref_slice %arg4[%multiple_of3A_83, %dma_wait3A_113] : memref<102400x128xf32, #tpu.memory_space<hbm>> -> memref<128x128xf32, #tpu.memory_space<hbm>>
        tpu.wait_dma2 semaphore(%arg11 : memref<!tpu.dma_semaphore, #tpu.memory_space<semaphore_mem>>) src(%arg7 : memref<128x128xf32, #tpu.memory_space<vmem>>) dst(%dma_wait3A_114 : memref<128x128xf32, #tpu.memory_space<hbm>>)
      } else {
      }
      %mul3A_89 = arith.constant 128 : i32
      %mul3A_90 = arith.muli %add3A_79, %mul3A_89 : i32
      %add3A_91 = arith.constant 0 : i32
      %add3A_92 = arith.addi %mul3A_90, %add3A_91 : i32
      %dma_start3A_93 = arith.constant 0 : i32
      %dma_start3A_94 = arith.constant 0 : i32
      %dma_start3A_95 = tpu.memref_slice %arg7[%dma_start3A_93, %dma_start3A_94] : memref<128x128xf32, #tpu.memory_space<vmem>> -> memref<128x128xf32, #tpu.memory_space<vmem>>
      %dma_start3A_96 = tpu.memref_slice %arg5[%add3A_92] : memref<3200xi32, #tpu.memory_space<vmem>> -> memref<128xi32, #tpu.memory_space<vmem>>
      %dma_start3A_97 = arith.constant 0 : i32
      %dma_start3A_98 = arith.constant 0 : i32
      %dma_start3A_99 = tpu.memref_slice %arg3[%dma_start3A_97, %dma_start3A_98] : memref<1000000x128xf32, #tpu.memory_space<hbm>> -> memref<1000000x128xf32, #tpu.memory_space<hbm>>
      tpu.enqueue_indirect_dma source(%dma_start3A_99 : memref<1000000x128xf32, #tpu.memory_space<hbm>>) target(%dma_start3A_95 : memref<128x128xf32, #tpu.memory_space<vmem>>) offsets(%dma_start3A_96 : memref<128xi32, #tpu.memory_space<vmem>>) semaphore(%arg9 : memref<!tpu.dma_semaphore, #tpu.memory_space<semaphore_mem>>)
      %dma_wait3A_100 = arith.constant 0 : i32
      %dma_wait3A_101 = arith.constant 0 : i32
      %dma_wait3A_102 = tpu.memref_slice %arg7[%dma_wait3A_100, %dma_wait3A_101] : memref<128x128xf32, #tpu.memory_space<vmem>> -> memref<128x128xf32, #tpu.memory_space<vmem>>
      %dma_wait3A_103 = tpu.memref_slice %arg5[%add3A_92] : memref<3200xi32, #tpu.memory_space<vmem>> -> memref<128xi32, #tpu.memory_space<vmem>>
      %dma_wait3A_104 = arith.constant 0 : i32
      %dma_wait3A_105 = arith.constant 0 : i32
      %dma_wait3A_106 = tpu.memref_slice %arg3[%dma_wait3A_104, %dma_wait3A_105] : memref<1000000x128xf32, #tpu.memory_space<hbm>> -> memref<1000000x128xf32, #tpu.memory_space<hbm>>
      tpu.wait_indirect_dma semaphore(%arg9 : memref<!tpu.dma_semaphore, #tpu.memory_space<semaphore_mem>>) src(%dma_wait3A_106 : memref<1000000x128xf32, #tpu.memory_space<hbm>>) dst(%dma_wait3A_102 : memref<128x128xf32, #tpu.memory_space<vmem>>)
      %dma_start3A_107 = arith.constant 0 : i32
      %dma_start3A_108 = tpu.memref_slice %arg4[%multiple_of3A_83, %dma_start3A_107] : memref<102400x128xf32, #tpu.memory_space<hbm>> -> memref<128x128xf32, #tpu.memory_space<hbm>>
      %dma_start3A_109 = arith.constant 0 : i32
      %dma_start3A_110 = tpu.memref_slice %arg4[%multiple_of3A_83, %dma_start3A_109] : memref<102400x128xf32, #tpu.memory_space<hbm>> -> memref<128x128xf32, #tpu.memory_space<hbm>>
      tpu.enqueue_dma source(%arg7 : memref<128x128xf32, #tpu.memory_space<vmem>>) target(%dma_start3A_110 : memref<128x128xf32, #tpu.memory_space<hbm>>) target_semaphore(%arg11 : memref<!tpu.dma_semaphore, #tpu.memory_space<semaphore_mem>>)
    }
    %scan3A_6 = arith.constant 12 : i32
    %add3A_7 = arith.constant 3072 : i32
    %add3A_8 = arith.addi %mul3A_2, %add3A_7 : i32
    %multiple_of3A = tpu.assume_multiple %add3A_8, 128 : i32
    %dma_wait3A = arith.constant 0 : i32
    %dma_wait3A_9 = tpu.memref_slice %arg4[%multiple_of3A, %dma_wait3A] : memref<102400x128xf32, #tpu.memory_space<hbm>> -> memref<128x128xf32, #tpu.memory_space<hbm>>
    %dma_wait3A_10 = arith.constant 0 : i32
    %dma_wait3A_11 = tpu.memref_slice %arg4[%multiple_of3A, %dma_wait3A_10] : memref<102400x128xf32, #tpu.memory_space<hbm>> -> memref<128x128xf32, #tpu.memory_space<hbm>>
    tpu.wait_dma2 semaphore(%arg10 : memref<!tpu.dma_semaphore, #tpu.memory_space<semaphore_mem>>) src(%arg6 : memref<128x128xf32, #tpu.memory_space<vmem>>) dst(%dma_wait3A_11 : memref<128x128xf32, #tpu.memory_space<hbm>>)
    %dma_start3A = arith.constant 0 : i32
    %dma_start3A_12 = arith.constant 0 : i32
    %dma_start3A_13 = tpu.memref_slice %arg6[%dma_start3A, %dma_start3A_12] : memref<128x128xf32, #tpu.memory_space<vmem>> -> memref<128x128xf32, #tpu.memory_space<vmem>>
    %dma_start3A_14 = arith.constant 3072 : i32
    %dma_start3A_15 = tpu.memref_slice %arg5[%dma_start3A_14] : memref<3200xi32, #tpu.memory_space<vmem>> -> memref<128xi32, #tpu.memory_space<vmem>>
    %dma_start3A_16 = arith.constant 0 : i32
    %dma_start3A_17 = arith.constant 0 : i32
    %dma_start3A_18 = tpu.memref_slice %arg3[%dma_start3A_16, %dma_start3A_17] : memref<1000000x128xf32, #tpu.memory_space<hbm>> -> memref<1000000x128xf32, #tpu.memory_space<hbm>>
    tpu.enqueue_indirect_dma source(%dma_start3A_18 : memref<1000000x128xf32, #tpu.memory_space<hbm>>) target(%dma_start3A_13 : memref<128x128xf32, #tpu.memory_space<vmem>>) offsets(%dma_start3A_15 : memref<128xi32, #tpu.memory_space<vmem>>) semaphore(%arg8 : memref<!tpu.dma_semaphore, #tpu.memory_space<semaphore_mem>>)
    %dma_wait3A_19 = arith.constant 0 : i32
    %dma_wait3A_20 = arith.constant 0 : i32
    %dma_wait3A_21 = tpu.memref_slice %arg6[%dma_wait3A_19, %dma_wait3A_20] : memref<128x128xf32, #tpu.memory_space<vmem>> -> memref<128x128xf32, #tpu.memory_space<vmem>>
    %dma_wait3A_22 = arith.constant 3072 : i32
    %dma_wait3A_23 = tpu.memref_slice %arg5[%dma_wait3A_22] : memref<3200xi32, #tpu.memory_space<vmem>> -> memref<128xi32, #tpu.memory_space<vmem>>
    %dma_wait3A_24 = arith.constant 0 : i32
    %dma_wait3A_25 = arith.constant 0 : i32
    %dma_wait3A_26 = tpu.memref_slice %arg3[%dma_wait3A_24, %dma_wait3A_25] : memref<1000000x128xf32, #tpu.memory_space<hbm>> -> memref<1000000x128xf32, #tpu.memory_space<hbm>>
    tpu.wait_indirect_dma semaphore(%arg8 : memref<!tpu.dma_semaphore, #tpu.memory_space<semaphore_mem>>) src(%dma_wait3A_26 : memref<1000000x128xf32, #tpu.memory_space<hbm>>) dst(%dma_wait3A_21 : memref<128x128xf32, #tpu.memory_space<vmem>>)
    %dma_start3A_27 = arith.constant 0 : i32
    %dma_start3A_28 = tpu.memref_slice %arg4[%multiple_of3A, %dma_start3A_27] : memref<102400x128xf32, #tpu.memory_space<hbm>> -> memref<128x128xf32, #tpu.memory_space<hbm>>
    %dma_start3A_29 = arith.constant 0 : i32
    %dma_start3A_30 = tpu.memref_slice %arg4[%multiple_of3A, %dma_start3A_29] : memref<102400x128xf32, #tpu.memory_space<hbm>> -> memref<128x128xf32, #tpu.memory_space<hbm>>
    tpu.enqueue_dma source(%arg6 : memref<128x128xf32, #tpu.memory_space<vmem>>) target(%dma_start3A_30 : memref<128x128xf32, #tpu.memory_space<hbm>>) target_semaphore(%arg10 : memref<!tpu.dma_semaphore, #tpu.memory_space<semaphore_mem>>)
    %dma_wait3A_31 = arith.constant 0 : i32
    %dma_wait3A_32 = arith.constant 0 : i32
    %dma_wait3A_33 = tpu.memref_slice %arg4[%dma_wait3A_31, %dma_wait3A_32] : memref<102400x128xf32, #tpu.memory_space<hbm>> -> memref<128x128xf32, #tpu.memory_space<hbm>>
    %dma_wait3A_34 = arith.constant 0 : i32
    %dma_wait3A_35 = arith.constant 0 : i32
    %dma_wait3A_36 = tpu.memref_slice %arg4[%dma_wait3A_34, %dma_wait3A_35] : memref<102400x128xf32, #tpu.memory_space<hbm>> -> memref<128x128xf32, #tpu.memory_space<hbm>>
    tpu.wait_dma2 semaphore(%arg10 : memref<!tpu.dma_semaphore, #tpu.memory_space<semaphore_mem>>) src(%arg6 : memref<128x128xf32, #tpu.memory_space<vmem>>) dst(%dma_wait3A_36 : memref<128x128xf32, #tpu.memory_space<hbm>>)
    %dma_wait3A_37 = arith.constant 128 : i32
    %dma_wait3A_38 = arith.constant 0 : i32
    %dma_wait3A_39 = tpu.memref_slice %arg4[%dma_wait3A_37, %dma_wait3A_38] : memref<102400x128xf32, #tpu.memory_space<hbm>> -> memref<128x128xf32, #tpu.memory_space<hbm>>
    %dma_wait3A_40 = arith.constant 128 : i32
    %dma_wait3A_41 = arith.constant 0 : i32
    %dma_wait3A_42 = tpu.memref_slice %arg4[%dma_wait3A_40, %dma_wait3A_41] : memref<102400x128xf32, #tpu.memory_space<hbm>> -> memref<128x128xf32, #tpu.memory_space<hbm>>
    tpu.wait_dma2 semaphore(%arg11 : memref<!tpu.dma_semaphore, #tpu.memory_space<semaphore_mem>>) src(%arg7 : memref<128x128xf32, #tpu.memory_space<vmem>>) dst(%dma_wait3A_42 : memref<128x128xf32, #tpu.memory_space<hbm>>)
    return
  }
}

#map = affine_map<(d0, d1) -> (0)>
#map1 = affine_map<(d0, d1) -> (0, 0)>
module attributes {stable_mosaic.version = 14 : i64} {
  func.func @emb(%arg0: i32, %arg1: i32, %arg2: memref<102400xi32, #tpu.memory_space<hbm>>, %arg3: memref<1000000x128xf32, #tpu.memory_space<hbm>>, %arg4: memref<102400x128xf32, #tpu.memory_space<hbm>>, %arg5: memref<3200xi32, #tpu.memory_space<vmem>>, %arg6: memref<128x128xf32, #tpu.memory_space<vmem>>, %arg7: memref<128x128xf32, #tpu.memory_space<vmem>>, %arg8: memref<!tpu.dma_semaphore, #tpu.memory_space<semaphore_mem>>, %arg9: memref<!tpu.dma_semaphore, #tpu.memory_space<semaphore_mem>>, %arg10: memref<!tpu.dma_semaphore, #tpu.memory_space<semaphore_mem>>, %arg11: memref<!tpu.dma_semaphore, #tpu.memory_space<semaphore_mem>>) attributes {dimension_semantics = [#tpu.dimension_semantics<core_parallel>, #tpu.dimension_semantics<subcore_parallel>], iteration_bounds = array<i64: 2, 16>, scalar_prefetch = 0 : i64, scratch_operands = 7 : i64, tpu.core_type = #tpu.core_type<sc_vector_subcore>, window_params = [{transform_indices = #map}, {transform_indices = #map1}, {transform_indices = #map1}]} {
    %mul3A = arith.constant 2 : i32
    %mul3A_0 = arith.muli %arg1, %mul3A : i32
    %add3A = arith.addi %mul3A_0, %arg0 : i32
    %mul3A_1 = arith.constant 3200 : i32
    %mul3A_2 = arith.muli %add3A, %mul3A_1 : i32
    "tpu.region"() ({
      %run_scoped3A = tpu.sem_alloc : memref<!tpu.dma_semaphore, #tpu.memory_space<semaphore_mem>>
      %dma_start3A_43 = tpu.memref_slice %arg2[%mul3A_2] : memref<102400xi32, #tpu.memory_space<hbm>> -> memref<3200xi32, #tpu.memory_space<hbm>>
      %dma_start3A_44 = tpu.memref_slice %arg2[%mul3A_2] : memref<102400xi32, #tpu.memory_space<hbm>> -> memref<3200xi32, #tpu.memory_space<hbm>>
      tpu.enqueue_dma source(%dma_start3A_44 : memref<3200xi32, #tpu.memory_space<hbm>>) target(%arg5 : memref<3200xi32, #tpu.memory_space<vmem>>) target_semaphore(%run_scoped3A : memref<!tpu.dma_semaphore, #tpu.memory_space<semaphore_mem>>)
      %dma_wait3A_45 = tpu.memref_slice %arg2[%mul3A_2] : memref<102400xi32, #tpu.memory_space<hbm>> -> memref<3200xi32, #tpu.memory_space<hbm>>
      %dma_wait3A_46 = tpu.memref_slice %arg2[%mul3A_2] : memref<102400xi32, #tpu.memory_space<hbm>> -> memref<3200xi32, #tpu.memory_space<hbm>>
      tpu.wait_dma2 semaphore(%run_scoped3A : memref<!tpu.dma_semaphore, #tpu.memory_space<semaphore_mem>>) src(%dma_wait3A_46 : memref<3200xi32, #tpu.memory_space<hbm>>) dst(%arg5 : memref<3200xi32, #tpu.memory_space<vmem>>)
      tpu.yield
    }) : () -> ()
    %scan3A = arith.constant 0 : i32
    %scan3A_3 = arith.constant 12 : i32
    %scan3A_4 = arith.addi %scan3A, %scan3A_3 : i32
    %scan3A_5 = arith.constant 1 : i32
    scf.for %scan3A_43 = %scan3A to %scan3A_4 step %scan3A_5  : i32 {
      %mul3A_44 = arith.constant 2 : i32
      %mul3A_45 = arith.muli %scan3A_43, %mul3A_44 : i32
      %add3A_46 = arith.constant 0 : i32
      %add3A_47 = arith.addi %add3A_46, %mul3A_45 : i32
      %add3A_48 = arith.constant 0 : i32
      %add3A_49 = arith.addi %add3A_47, %add3A_48 : i32
      %mul3A_50 = arith.constant 128 : i32
      %mul3A_51 = arith.muli %add3A_49, %mul3A_50 : i32
      %add3A_52 = arith.addi %mul3A_2, %mul3A_51 : i32
      %multiple_of3A_53 = tpu.assume_multiple %add3A_52, 128 : i32
      %ge3A = arith.constant 2 : i32
      %ge3A_54 = arith.cmpi sge, %add3A_49, %ge3A : i32
      %convert_element_type3A = arith.extui %ge3A_54 : i1 to i32
      %cond3A = arith.constant 0 : i32
      %cond3A_55 = arith.cmpi ne, %convert_element_type3A, %cond3A : i32
      scf.if %cond3A_55 {
        %dma_wait3A_111 = arith.constant 0 : i32
        %dma_wait3A_112 = tpu.memref_slice %arg4[%multiple_of3A_53, %dma_wait3A_111] : memref<102400x128xf32, #tpu.memory_space<hbm>> -> memref<128x128xf32, #tpu.memory_space<hbm>>
        %dma_wait3A_113 = arith.constant 0 : i32
        %dma_wait3A_114 = tpu.memref_slice %arg4[%multiple_of3A_53, %dma_wait3A_113] : memref<102400x128xf32, #tpu.memory_space<hbm>> -> memref<128x128xf32, #tpu.memory_space<hbm>>
        tpu.wait_dma2 semaphore(%arg10 : memref<!tpu.dma_semaphore, #tpu.memory_space<semaphore_mem>>) src(%arg6 : memref<128x128xf32, #tpu.memory_space<vmem>>) dst(%dma_wait3A_114 : memref<128x128xf32, #tpu.memory_space<hbm>>)
      } else {
      }
      %mul3A_56 = arith.constant 128 : i32
      %mul3A_57 = arith.muli %add3A_49, %mul3A_56 : i32
      %add3A_58 = arith.constant 0 : i32
      %add3A_59 = arith.addi %mul3A_57, %add3A_58 : i32
      %dma_start3A_60 = arith.constant 0 : i32
      %dma_start3A_61 = arith.constant 0 : i32
      %dma_start3A_62 = tpu.memref_slice %arg6[%dma_start3A_60, %dma_start3A_61] : memref<128x128xf32, #tpu.memory_space<vmem>> -> memref<128x128xf32, #tpu.memory_space<vmem>>
      %dma_start3A_63 = tpu.memref_slice %arg5[%add3A_59] : memref<3200xi32, #tpu.memory_space<vmem>> -> memref<128xi32, #tpu.memory_space<vmem>>
      %dma_start3A_64 = arith.constant 0 : i32
      %dma_start3A_65 = arith.constant 0 : i32
      %dma_start3A_66 = tpu.memref_slice %arg3[%dma_start3A_64, %dma_start3A_65] : memref<1000000x128xf32, #tpu.memory_space<hbm>> -> memref<1000000x128xf32, #tpu.memory_space<hbm>>
      tpu.enqueue_indirect_dma source(%dma_start3A_66 : memref<1000000x128xf32, #tpu.memory_space<hbm>>) target(%dma_start3A_62 : memref<128x128xf32, #tpu.memory_space<vmem>>) offsets(%dma_start3A_63 : memref<128xi32, #tpu.memory_space<vmem>>) semaphore(%arg8 : memref<!tpu.dma_semaphore, #tpu.memory_space<semaphore_mem>>)
      %dma_wait3A_67 = arith.constant 0 : i32
      %dma_wait3A_68 = arith.constant 0 : i32
      %dma_wait3A_69 = tpu.memref_slice %arg6[%dma_wait3A_67, %dma_wait3A_68] : memref<128x128xf32, #tpu.memory_space<vmem>> -> memref<128x128xf32, #tpu.memory_space<vmem>>
      %dma_wait3A_70 = tpu.memref_slice %arg5[%add3A_59] : memref<3200xi32, #tpu.memory_space<vmem>> -> memref<128xi32, #tpu.memory_space<vmem>>
      %dma_wait3A_71 = arith.constant 0 : i32
      %dma_wait3A_72 = arith.constant 0 : i32
      %dma_wait3A_73 = tpu.memref_slice %arg3[%dma_wait3A_71, %dma_wait3A_72] : memref<1000000x128xf32, #tpu.memory_space<hbm>> -> memref<1000000x128xf32, #tpu.memory_space<hbm>>
      tpu.wait_indirect_dma semaphore(%arg8 : memref<!tpu.dma_semaphore, #tpu.memory_space<semaphore_mem>>) src(%dma_wait3A_73 : memref<1000000x128xf32, #tpu.memory_space<hbm>>) dst(%dma_wait3A_69 : memref<128x128xf32, #tpu.memory_space<vmem>>)
      %dma_start3A_74 = arith.constant 0 : i32
      %dma_start3A_75 = tpu.memref_slice %arg4[%multiple_of3A_53, %dma_start3A_74] : memref<102400x128xf32, #tpu.memory_space<hbm>> -> memref<128x128xf32, #tpu.memory_space<hbm>>
      %dma_start3A_76 = arith.constant 0 : i32
      %dma_start3A_77 = tpu.memref_slice %arg4[%multiple_of3A_53, %dma_start3A_76] : memref<102400x128xf32, #tpu.memory_space<hbm>> -> memref<128x128xf32, #tpu.memory_space<hbm>>
      tpu.enqueue_dma source(%arg6 : memref<128x128xf32, #tpu.memory_space<vmem>>) target(%dma_start3A_77 : memref<128x128xf32, #tpu.memory_space<hbm>>) target_semaphore(%arg10 : memref<!tpu.dma_semaphore, #tpu.memory_space<semaphore_mem>>)
      %add3A_78 = arith.constant 1 : i32
      %add3A_79 = arith.addi %add3A_47, %add3A_78 : i32
      %mul3A_80 = arith.constant 128 : i32
      %mul3A_81 = arith.muli %add3A_79, %mul3A_80 : i32
      %add3A_82 = arith.addi %mul3A_2, %mul3A_81 : i32
      %multiple_of3A_83 = tpu.assume_multiple %add3A_82, 128 : i32
      %ge3A_84 = arith.constant 2 : i32
      %ge3A_85 = arith.cmpi sge, %add3A_79, %ge3A_84 : i32
      %convert_element_type3A_86 = arith.extui %ge3A_85 : i1 to i32
      %cond3A_87 = arith.constant 0 : i32
      %cond3A_88 = arith.cmpi ne, %convert_element_type3A_86, %cond3A_87 : i32
      scf.if %cond3A_88 {
        %dma_wait3A_111 = arith.constant 0 : i32
        %dma_wait3A_112 = tpu.memref_slice %arg4[%multiple_of3A_83, %dma_wait3A_111] : memref<102400x128xf32, #tpu.memory_space<hbm>> -> memref<128x128xf32, #tpu.memory_space<hbm>>
        %dma_wait3A_113 = arith.constant 0 : i32
        %dma_wait3A_114 = tpu.memref_slice %arg4[%multiple_of3A_83, %dma_wait3A_113] : memref<102400x128xf32, #tpu.memory_space<hbm>> -> memref<128x128xf32, #tpu.memory_space<hbm>>
        tpu.wait_dma2 semaphore(%arg11 : memref<!tpu.dma_semaphore, #tpu.memory_space<semaphore_mem>>) src(%arg7 : memref<128x128xf32, #tpu.memory_space<vmem>>) dst(%dma_wait3A_114 : memref<128x128xf32, #tpu.memory_space<hbm>>)
      } else {
      }
      %mul3A_89 = arith.constant 128 : i32
      %mul3A_90 = arith.muli %add3A_79, %mul3A_89 : i32
      %add3A_91 = arith.constant 0 : i32
      %add3A_92 = arith.addi %mul3A_90, %add3A_91 : i32
      %dma_start3A_93 = arith.constant 0 : i32
      %dma_start3A_94 = arith.constant 0 : i32
      %dma_start3A_95 = tpu.memref_slice %arg7[%dma_start3A_93, %dma_start3A_94] : memref<128x128xf32, #tpu.memory_space<vmem>> -> memref<128x128xf32, #tpu.memory_space<vmem>>
      %dma_start3A_96 = tpu.memref_slice %arg5[%add3A_92] : memref<3200xi32, #tpu.memory_space<vmem>> -> memref<128xi32, #tpu.memory_space<vmem>>
      %dma_start3A_97 = arith.constant 0 : i32
      %dma_start3A_98 = arith.constant 0 : i32
      %dma_start3A_99 = tpu.memref_slice %arg3[%dma_start3A_97, %dma_start3A_98] : memref<1000000x128xf32, #tpu.memory_space<hbm>> -> memref<1000000x128xf32, #tpu.memory_space<hbm>>
      tpu.enqueue_indirect_dma source(%dma_start3A_99 : memref<1000000x128xf32, #tpu.memory_space<hbm>>) target(%dma_start3A_95 : memref<128x128xf32, #tpu.memory_space<vmem>>) offsets(%dma_start3A_96 : memref<128xi32, #tpu.memory_space<vmem>>) semaphore(%arg9 : memref<!tpu.dma_semaphore, #tpu.memory_space<semaphore_mem>>)
      %dma_wait3A_100 = arith.constant 0 : i32
      %dma_wait3A_101 = arith.constant 0 : i32
      %dma_wait3A_102 = tpu.memref_slice %arg7[%dma_wait3A_100, %dma_wait3A_101] : memref<128x128xf32, #tpu.memory_space<vmem>> -> memref<128x128xf32, #tpu.memory_space<vmem>>
      %dma_wait3A_103 = tpu.memref_slice %arg5[%add3A_92] : memref<3200xi32, #tpu.memory_space<vmem>> -> memref<128xi32, #tpu.memory_space<vmem>>
      %dma_wait3A_104 = arith.constant 0 : i32
      %dma_wait3A_105 = arith.constant 0 : i32
      %dma_wait3A_106 = tpu.memref_slice %arg3[%dma_wait3A_104, %dma_wait3A_105] : memref<1000000x128xf32, #tpu.memory_space<hbm>> -> memref<1000000x128xf32, #tpu.memory_space<hbm>>
      tpu.wait_indirect_dma semaphore(%arg9 : memref<!tpu.dma_semaphore, #tpu.memory_space<semaphore_mem>>) src(%dma_wait3A_106 : memref<1000000x128xf32, #tpu.memory_space<hbm>>) dst(%dma_wait3A_102 : memref<128x128xf32, #tpu.memory_space<vmem>>)
      %dma_start3A_107 = arith.constant 0 : i32
      %dma_start3A_108 = tpu.memref_slice %arg4[%multiple_of3A_83, %dma_start3A_107] : memref<102400x128xf32, #tpu.memory_space<hbm>> -> memref<128x128xf32, #tpu.memory_space<hbm>>
      %dma_start3A_109 = arith.constant 0 : i32
      %dma_start3A_110 = tpu.memref_slice %arg4[%multiple_of3A_83, %dma_start3A_109] : memref<102400x128xf32, #tpu.memory_space<hbm>> -> memref<128x128xf32, #tpu.memory_space<hbm>>
      tpu.enqueue_dma source(%arg7 : memref<128x128xf32, #tpu.memory_space<vmem>>) target(%dma_start3A_110 : memref<128x128xf32, #tpu.memory_space<hbm>>) target_semaphore(%arg11 : memref<!tpu.dma_semaphore, #tpu.memory_space<semaphore_mem>>)
    }
    %scan3A_6 = arith.constant 12 : i32
    %add3A_7 = arith.constant 3072 : i32
    %add3A_8 = arith.addi %mul3A_2, %add3A_7 : i32
    %multiple_of3A = tpu.assume_multiple %add3A_8, 128 : i32
    %dma_wait3A = arith.constant 0 : i32
    %dma_wait3A_9 = tpu.memref_slice %arg4[%multiple_of3A, %dma_wait3A] : memref<102400x128xf32, #tpu.memory_space<hbm>> -> memref<128x128xf32, #tpu.memory_space<hbm>>
    %dma_wait3A_10 = arith.constant 0 : i32
    %dma_wait3A_11 = tpu.memref_slice %arg4[%multiple_of3A, %dma_wait3A_10] : memref<102400x128xf32, #tpu.memory_space<hbm>> -> memref<128x128xf32, #tpu.memory_space<hbm>>
    tpu.wait_dma2 semaphore(%arg10 : memref<!tpu.dma_semaphore, #tpu.memory_space<semaphore_mem>>) src(%arg6 : memref<128x128xf32, #tpu.memory_space<vmem>>) dst(%dma_wait3A_11 : memref<128x128xf32, #tpu.memory_space<hbm>>)
    %dma_start3A = arith.constant 0 : i32
    %dma_start3A_12 = arith.constant 0 : i32
    %dma_start3A_13 = tpu.memref_slice %arg6[%dma_start3A, %dma_start3A_12] : memref<128x128xf32, #tpu.memory_space<vmem>> -> memref<128x128xf32, #tpu.memory_space<vmem>>
    %dma_start3A_14 = arith.constant 3072 : i32
    %dma_start3A_15 = tpu.memref_slice %arg5[%dma_start3A_14] : memref<3200xi32, #tpu.memory_space<vmem>> -> memref<128xi32, #tpu.memory_space<vmem>>
    %dma_start3A_16 = arith.constant 0 : i32
    %dma_start3A_17 = arith.constant 0 : i32
    %dma_start3A_18 = tpu.memref_slice %arg3[%dma_start3A_16, %dma_start3A_17] : memref<1000000x128xf32, #tpu.memory_space<hbm>> -> memref<1000000x128xf32, #tpu.memory_space<hbm>>
    tpu.enqueue_indirect_dma source(%dma_start3A_18 : memref<1000000x128xf32, #tpu.memory_space<hbm>>) target(%dma_start3A_13 : memref<128x128xf32, #tpu.memory_space<vmem>>) offsets(%dma_start3A_15 : memref<128xi32, #tpu.memory_space<vmem>>) semaphore(%arg8 : memref<!tpu.dma_semaphore, #tpu.memory_space<semaphore_mem>>)
    %dma_wait3A_19 = arith.constant 0 : i32
    %dma_wait3A_20 = arith.constant 0 : i32
    %dma_wait3A_21 = tpu.memref_slice %arg6[%dma_wait3A_19, %dma_wait3A_20] : memref<128x128xf32, #tpu.memory_space<vmem>> -> memref<128x128xf32, #tpu.memory_space<vmem>>
    %dma_wait3A_22 = arith.constant 3072 : i32
    %dma_wait3A_23 = tpu.memref_slice %arg5[%dma_wait3A_22] : memref<3200xi32, #tpu.memory_space<vmem>> -> memref<128xi32, #tpu.memory_space<vmem>>
    %dma_wait3A_24 = arith.constant 0 : i32
    %dma_wait3A_25 = arith.constant 0 : i32
    %dma_wait3A_26 = tpu.memref_slice %arg3[%dma_wait3A_24, %dma_wait3A_25] : memref<1000000x128xf32, #tpu.memory_space<hbm>> -> memref<1000000x128xf32, #tpu.memory_space<hbm>>
    tpu.wait_indirect_dma semaphore(%arg8 : memref<!tpu.dma_semaphore, #tpu.memory_space<semaphore_mem>>) src(%dma_wait3A_26 : memref<1000000x128xf32, #tpu.memory_space<hbm>>) dst(%dma_wait3A_21 : memref<128x128xf32, #tpu.memory_space<vmem>>)
    %dma_start3A_27 = arith.constant 0 : i32
    %dma_start3A_28 = tpu.memref_slice %arg4[%multiple_of3A, %dma_start3A_27] : memref<102400x128xf32, #tpu.memory_space<hbm>> -> memref<128x128xf32, #tpu.memory_space<hbm>>
    %dma_start3A_29 = arith.constant 0 : i32
    %dma_start3A_30 = tpu.memref_slice %arg4[%multiple_of3A, %dma_start3A_29] : memref<102400x128xf32, #tpu.memory_space<hbm>> -> memref<128x128xf32, #tpu.memory_space<hbm>>
    tpu.enqueue_dma source(%arg6 : memref<128x128xf32, #tpu.memory_space<vmem>>) target(%dma_start3A_30 : memref<128x128xf32, #tpu.memory_space<hbm>>) target_semaphore(%arg10 : memref<!tpu.dma_semaphore, #tpu.memory_space<semaphore_mem>>)
    %dma_wait3A_31 = arith.constant 0 : i32
    %dma_wait3A_32 = arith.constant 0 : i32
    %dma_wait3A_33 = tpu.memref_slice %arg4[%dma_wait3A_31, %dma_wait3A_32] : memref<102400x128xf32, #tpu.memory_space<hbm>> -> memref<128x128xf32, #tpu.memory_space<hbm>>
    %dma_wait3A_34 = arith.constant 0 : i32
    %dma_wait3A_35 = arith.constant 0 : i32
    %dma_wait3A_36 = tpu.memref_slice %arg4[%dma_wait3A_34, %dma_wait3A_35] : memref<102400x128xf32, #tpu.memory_space<hbm>> -> memref<128x128xf32, #tpu.memory_space<hbm>>
    tpu.wait_dma2 semaphore(%arg10 : memref<!tpu.dma_semaphore, #tpu.memory_space<semaphore_mem>>) src(%arg6 : memref<128x128xf32, #tpu.memory_space<vmem>>) dst(%dma_wait3A_36 : memref<128x128xf32, #tpu.memory_space<hbm>>)
    %dma_wait3A_37 = arith.constant 128 : i32
    %dma_wait3A_38 = arith.constant 0 : i32
    %dma_wait3A_39 = tpu.memref_slice %arg4[%dma_wait3A_37, %dma_wait3A_38] : memref<102400x128xf32, #tpu.memory_space<hbm>> -> memref<128x128xf32, #tpu.memory_space<hbm>>
    %dma_wait3A_40 = arith.constant 128 : i32
    %dma_wait3A_41 = arith.constant 0 : i32
    %dma_wait3A_42 = tpu.memref_slice %arg4[%dma_wait3A_40, %dma_wait3A_41] : memref<102400x128xf32, #tpu.memory_space<hbm>> -> memref<128x128xf32, #tpu.memory_space<hbm>>
    tpu.wait_dma2 semaphore(%arg11 : memref<!tpu.dma_semaphore, #tpu.memory_space<semaphore_mem>>) src(%arg7 : memref<128x128xf32, #tpu.memory_space<vmem>>) dst(%dma_wait3A_42 : memref<128x128xf32, #tpu.memory_space<hbm>>)
    return
  }
}

#map = affine_map<(d0, d1) -> (0)>
#map1 = affine_map<(d0, d1) -> (0, 0)>
module attributes {stable_mosaic.version = 14 : i64} {
  func.func @emb(%arg0: i32, %arg1: i32, %arg2: memref<102400xi32, #tpu.memory_space<hbm>>, %arg3: memref<1000000x128xf32, #tpu.memory_space<hbm>>, %arg4: memref<102400x128xf32, #tpu.memory_space<hbm>>, %arg5: memref<3200xi32, #tpu.memory_space<vmem>>, %arg6: memref<128x128xf32, #tpu.memory_space<vmem>>, %arg7: memref<128x128xf32, #tpu.memory_space<vmem>>, %arg8: memref<!tpu.dma_semaphore, #tpu.memory_space<semaphore_mem>>, %arg9: memref<!tpu.dma_semaphore, #tpu.memory_space<semaphore_mem>>, %arg10: memref<!tpu.dma_semaphore, #tpu.memory_space<semaphore_mem>>, %arg11: memref<!tpu.dma_semaphore, #tpu.memory_space<semaphore_mem>>) attributes {dimension_semantics = [#tpu.dimension_semantics<core_parallel>, #tpu.dimension_semantics<subcore_parallel>], iteration_bounds = array<i64: 2, 16>, scalar_prefetch = 0 : i64, scratch_operands = 7 : i64, tpu.core_type = #tpu.core_type<sc_vector_subcore>, window_params = [{transform_indices = #map}, {transform_indices = #map1}, {transform_indices = #map1}]} {
    %mul3A = arith.constant 2 : i32
    %mul3A_0 = arith.muli %arg1, %mul3A : i32
    %add3A = arith.addi %mul3A_0, %arg0 : i32
    %mul3A_1 = arith.constant 3200 : i32
    %mul3A_2 = arith.muli %add3A, %mul3A_1 : i32
    "tpu.region"() ({
      %run_scoped3A = tpu.sem_alloc : memref<!tpu.dma_semaphore, #tpu.memory_space<semaphore_mem>>
      %dma_start3A_43 = tpu.memref_slice %arg2[%mul3A_2] : memref<102400xi32, #tpu.memory_space<hbm>> -> memref<3200xi32, #tpu.memory_space<hbm>>
      %dma_start3A_44 = tpu.memref_slice %arg2[%mul3A_2] : memref<102400xi32, #tpu.memory_space<hbm>> -> memref<3200xi32, #tpu.memory_space<hbm>>
      tpu.enqueue_dma source(%dma_start3A_44 : memref<3200xi32, #tpu.memory_space<hbm>>) target(%arg5 : memref<3200xi32, #tpu.memory_space<vmem>>) target_semaphore(%run_scoped3A : memref<!tpu.dma_semaphore, #tpu.memory_space<semaphore_mem>>)
      %dma_wait3A_45 = tpu.memref_slice %arg2[%mul3A_2] : memref<102400xi32, #tpu.memory_space<hbm>> -> memref<3200xi32, #tpu.memory_space<hbm>>
      %dma_wait3A_46 = tpu.memref_slice %arg2[%mul3A_2] : memref<102400xi32, #tpu.memory_space<hbm>> -> memref<3200xi32, #tpu.memory_space<hbm>>
      tpu.wait_dma2 semaphore(%run_scoped3A : memref<!tpu.dma_semaphore, #tpu.memory_space<semaphore_mem>>) src(%dma_wait3A_46 : memref<3200xi32, #tpu.memory_space<hbm>>) dst(%arg5 : memref<3200xi32, #tpu.memory_space<vmem>>)
      tpu.yield
    }) : () -> ()
    %scan3A = arith.constant 0 : i32
    %scan3A_3 = arith.constant 12 : i32
    %scan3A_4 = arith.addi %scan3A, %scan3A_3 : i32
    %scan3A_5 = arith.constant 1 : i32
    scf.for %scan3A_43 = %scan3A to %scan3A_4 step %scan3A_5  : i32 {
      %mul3A_44 = arith.constant 2 : i32
      %mul3A_45 = arith.muli %scan3A_43, %mul3A_44 : i32
      %add3A_46 = arith.constant 0 : i32
      %add3A_47 = arith.addi %add3A_46, %mul3A_45 : i32
      %add3A_48 = arith.constant 0 : i32
      %add3A_49 = arith.addi %add3A_47, %add3A_48 : i32
      %mul3A_50 = arith.constant 128 : i32
      %mul3A_51 = arith.muli %add3A_49, %mul3A_50 : i32
      %add3A_52 = arith.addi %mul3A_2, %mul3A_51 : i32
      %multiple_of3A_53 = tpu.assume_multiple %add3A_52, 128 : i32
      %ge3A = arith.constant 2 : i32
      %ge3A_54 = arith.cmpi sge, %add3A_49, %ge3A : i32
      %convert_element_type3A = arith.extui %ge3A_54 : i1 to i32
      %cond3A = arith.constant 0 : i32
      %cond3A_55 = arith.cmpi ne, %convert_element_type3A, %cond3A : i32
      scf.if %cond3A_55 {
        %dma_wait3A_111 = arith.constant 0 : i32
        %dma_wait3A_112 = tpu.memref_slice %arg4[%multiple_of3A_53, %dma_wait3A_111] : memref<102400x128xf32, #tpu.memory_space<hbm>> -> memref<128x128xf32, #tpu.memory_space<hbm>>
        %dma_wait3A_113 = arith.constant 0 : i32
        %dma_wait3A_114 = tpu.memref_slice %arg4[%multiple_of3A_53, %dma_wait3A_113] : memref<102400x128xf32, #tpu.memory_space<hbm>> -> memref<128x128xf32, #tpu.memory_space<hbm>>
        tpu.wait_dma2 semaphore(%arg10 : memref<!tpu.dma_semaphore, #tpu.memory_space<semaphore_mem>>) src(%arg6 : memref<128x128xf32, #tpu.memory_space<vmem>>) dst(%dma_wait3A_114 : memref<128x128xf32, #tpu.memory_space<hbm>>)
      } else {
      }
      %mul3A_56 = arith.constant 128 : i32
      %mul3A_57 = arith.muli %add3A_49, %mul3A_56 : i32
      %add3A_58 = arith.constant 0 : i32
      %add3A_59 = arith.addi %mul3A_57, %add3A_58 : i32
      %dma_start3A_60 = arith.constant 0 : i32
      %dma_start3A_61 = arith.constant 0 : i32
      %dma_start3A_62 = tpu.memref_slice %arg6[%dma_start3A_60, %dma_start3A_61] : memref<128x128xf32, #tpu.memory_space<vmem>> -> memref<128x128xf32, #tpu.memory_space<vmem>>
      %dma_start3A_63 = tpu.memref_slice %arg5[%add3A_59] : memref<3200xi32, #tpu.memory_space<vmem>> -> memref<128xi32, #tpu.memory_space<vmem>>
      %dma_start3A_64 = arith.constant 0 : i32
      %dma_start3A_65 = arith.constant 0 : i32
      %dma_start3A_66 = tpu.memref_slice %arg3[%dma_start3A_64, %dma_start3A_65] : memref<1000000x128xf32, #tpu.memory_space<hbm>> -> memref<1000000x128xf32, #tpu.memory_space<hbm>>
      tpu.enqueue_indirect_dma source(%dma_start3A_66 : memref<1000000x128xf32, #tpu.memory_space<hbm>>) target(%dma_start3A_62 : memref<128x128xf32, #tpu.memory_space<vmem>>) offsets(%dma_start3A_63 : memref<128xi32, #tpu.memory_space<vmem>>) semaphore(%arg8 : memref<!tpu.dma_semaphore, #tpu.memory_space<semaphore_mem>>)
      %dma_wait3A_67 = arith.constant 0 : i32
      %dma_wait3A_68 = arith.constant 0 : i32
      %dma_wait3A_69 = tpu.memref_slice %arg6[%dma_wait3A_67, %dma_wait3A_68] : memref<128x128xf32, #tpu.memory_space<vmem>> -> memref<128x128xf32, #tpu.memory_space<vmem>>
      %dma_wait3A_70 = tpu.memref_slice %arg5[%add3A_59] : memref<3200xi32, #tpu.memory_space<vmem>> -> memref<128xi32, #tpu.memory_space<vmem>>
      %dma_wait3A_71 = arith.constant 0 : i32
      %dma_wait3A_72 = arith.constant 0 : i32
      %dma_wait3A_73 = tpu.memref_slice %arg3[%dma_wait3A_71, %dma_wait3A_72] : memref<1000000x128xf32, #tpu.memory_space<hbm>> -> memref<1000000x128xf32, #tpu.memory_space<hbm>>
      tpu.wait_indirect_dma semaphore(%arg8 : memref<!tpu.dma_semaphore, #tpu.memory_space<semaphore_mem>>) src(%dma_wait3A_73 : memref<1000000x128xf32, #tpu.memory_space<hbm>>) dst(%dma_wait3A_69 : memref<128x128xf32, #tpu.memory_space<vmem>>)
      %dma_start3A_74 = arith.constant 0 : i32
      %dma_start3A_75 = tpu.memref_slice %arg4[%multiple_of3A_53, %dma_start3A_74] : memref<102400x128xf32, #tpu.memory_space<hbm>> -> memref<128x128xf32, #tpu.memory_space<hbm>>
      %dma_start3A_76 = arith.constant 0 : i32
      %dma_start3A_77 = tpu.memref_slice %arg4[%multiple_of3A_53, %dma_start3A_76] : memref<102400x128xf32, #tpu.memory_space<hbm>> -> memref<128x128xf32, #tpu.memory_space<hbm>>
      tpu.enqueue_dma source(%arg6 : memref<128x128xf32, #tpu.memory_space<vmem>>) target(%dma_start3A_77 : memref<128x128xf32, #tpu.memory_space<hbm>>) target_semaphore(%arg10 : memref<!tpu.dma_semaphore, #tpu.memory_space<semaphore_mem>>)
      %add3A_78 = arith.constant 1 : i32
      %add3A_79 = arith.addi %add3A_47, %add3A_78 : i32
      %mul3A_80 = arith.constant 128 : i32
      %mul3A_81 = arith.muli %add3A_79, %mul3A_80 : i32
      %add3A_82 = arith.addi %mul3A_2, %mul3A_81 : i32
      %multiple_of3A_83 = tpu.assume_multiple %add3A_82, 128 : i32
      %ge3A_84 = arith.constant 2 : i32
      %ge3A_85 = arith.cmpi sge, %add3A_79, %ge3A_84 : i32
      %convert_element_type3A_86 = arith.extui %ge3A_85 : i1 to i32
      %cond3A_87 = arith.constant 0 : i32
      %cond3A_88 = arith.cmpi ne, %convert_element_type3A_86, %cond3A_87 : i32
      scf.if %cond3A_88 {
        %dma_wait3A_111 = arith.constant 0 : i32
        %dma_wait3A_112 = tpu.memref_slice %arg4[%multiple_of3A_83, %dma_wait3A_111] : memref<102400x128xf32, #tpu.memory_space<hbm>> -> memref<128x128xf32, #tpu.memory_space<hbm>>
        %dma_wait3A_113 = arith.constant 0 : i32
        %dma_wait3A_114 = tpu.memref_slice %arg4[%multiple_of3A_83, %dma_wait3A_113] : memref<102400x128xf32, #tpu.memory_space<hbm>> -> memref<128x128xf32, #tpu.memory_space<hbm>>
        tpu.wait_dma2 semaphore(%arg11 : memref<!tpu.dma_semaphore, #tpu.memory_space<semaphore_mem>>) src(%arg7 : memref<128x128xf32, #tpu.memory_space<vmem>>) dst(%dma_wait3A_114 : memref<128x128xf32, #tpu.memory_space<hbm>>)
      } else {
      }
      %mul3A_89 = arith.constant 128 : i32
      %mul3A_90 = arith.muli %add3A_79, %mul3A_89 : i32
      %add3A_91 = arith.constant 0 : i32
      %add3A_92 = arith.addi %mul3A_90, %add3A_91 : i32
      %dma_start3A_93 = arith.constant 0 : i32
      %dma_start3A_94 = arith.constant 0 : i32
      %dma_start3A_95 = tpu.memref_slice %arg7[%dma_start3A_93, %dma_start3A_94] : memref<128x128xf32, #tpu.memory_space<vmem>> -> memref<128x128xf32, #tpu.memory_space<vmem>>
      %dma_start3A_96 = tpu.memref_slice %arg5[%add3A_92] : memref<3200xi32, #tpu.memory_space<vmem>> -> memref<128xi32, #tpu.memory_space<vmem>>
      %dma_start3A_97 = arith.constant 0 : i32
      %dma_start3A_98 = arith.constant 0 : i32
      %dma_start3A_99 = tpu.memref_slice %arg3[%dma_start3A_97, %dma_start3A_98] : memref<1000000x128xf32, #tpu.memory_space<hbm>> -> memref<1000000x128xf32, #tpu.memory_space<hbm>>
      tpu.enqueue_indirect_dma source(%dma_start3A_99 : memref<1000000x128xf32, #tpu.memory_space<hbm>>) target(%dma_start3A_95 : memref<128x128xf32, #tpu.memory_space<vmem>>) offsets(%dma_start3A_96 : memref<128xi32, #tpu.memory_space<vmem>>) semaphore(%arg9 : memref<!tpu.dma_semaphore, #tpu.memory_space<semaphore_mem>>)
      %dma_wait3A_100 = arith.constant 0 : i32
      %dma_wait3A_101 = arith.constant 0 : i32
      %dma_wait3A_102 = tpu.memref_slice %arg7[%dma_wait3A_100, %dma_wait3A_101] : memref<128x128xf32, #tpu.memory_space<vmem>> -> memref<128x128xf32, #tpu.memory_space<vmem>>
      %dma_wait3A_103 = tpu.memref_slice %arg5[%add3A_92] : memref<3200xi32, #tpu.memory_space<vmem>> -> memref<128xi32, #tpu.memory_space<vmem>>
      %dma_wait3A_104 = arith.constant 0 : i32
      %dma_wait3A_105 = arith.constant 0 : i32
      %dma_wait3A_106 = tpu.memref_slice %arg3[%dma_wait3A_104, %dma_wait3A_105] : memref<1000000x128xf32, #tpu.memory_space<hbm>> -> memref<1000000x128xf32, #tpu.memory_space<hbm>>
      tpu.wait_indirect_dma semaphore(%arg9 : memref<!tpu.dma_semaphore, #tpu.memory_space<semaphore_mem>>) src(%dma_wait3A_106 : memref<1000000x128xf32, #tpu.memory_space<hbm>>) dst(%dma_wait3A_102 : memref<128x128xf32, #tpu.memory_space<vmem>>)
      %dma_start3A_107 = arith.constant 0 : i32
      %dma_start3A_108 = tpu.memref_slice %arg4[%multiple_of3A_83, %dma_start3A_107] : memref<102400x128xf32, #tpu.memory_space<hbm>> -> memref<128x128xf32, #tpu.memory_space<hbm>>
      %dma_start3A_109 = arith.constant 0 : i32
      %dma_start3A_110 = tpu.memref_slice %arg4[%multiple_of3A_83, %dma_start3A_109] : memref<102400x128xf32, #tpu.memory_space<hbm>> -> memref<128x128xf32, #tpu.memory_space<hbm>>
      tpu.enqueue_dma source(%arg7 : memref<128x128xf32, #tpu.memory_space<vmem>>) target(%dma_start3A_110 : memref<128x128xf32, #tpu.memory_space<hbm>>) target_semaphore(%arg11 : memref<!tpu.dma_semaphore, #tpu.memory_space<semaphore_mem>>)
    }
    %scan3A_6 = arith.constant 12 : i32
    %add3A_7 = arith.constant 3072 : i32
    %add3A_8 = arith.addi %mul3A_2, %add3A_7 : i32
    %multiple_of3A = tpu.assume_multiple %add3A_8, 128 : i32
    %dma_wait3A = arith.constant 0 : i32
    %dma_wait3A_9 = tpu.memref_slice %arg4[%multiple_of3A, %dma_wait3A] : memref<102400x128xf32, #tpu.memory_space<hbm>> -> memref<128x128xf32, #tpu.memory_space<hbm>>
    %dma_wait3A_10 = arith.constant 0 : i32
    %dma_wait3A_11 = tpu.memref_slice %arg4[%multiple_of3A, %dma_wait3A_10] : memref<102400x128xf32, #tpu.memory_space<hbm>> -> memref<128x128xf32, #tpu.memory_space<hbm>>
    tpu.wait_dma2 semaphore(%arg10 : memref<!tpu.dma_semaphore, #tpu.memory_space<semaphore_mem>>) src(%arg6 : memref<128x128xf32, #tpu.memory_space<vmem>>) dst(%dma_wait3A_11 : memref<128x128xf32, #tpu.memory_space<hbm>>)
    %dma_start3A = arith.constant 0 : i32
    %dma_start3A_12 = arith.constant 0 : i32
    %dma_start3A_13 = tpu.memref_slice %arg6[%dma_start3A, %dma_start3A_12] : memref<128x128xf32, #tpu.memory_space<vmem>> -> memref<128x128xf32, #tpu.memory_space<vmem>>
    %dma_start3A_14 = arith.constant 3072 : i32
    %dma_start3A_15 = tpu.memref_slice %arg5[%dma_start3A_14] : memref<3200xi32, #tpu.memory_space<vmem>> -> memref<128xi32, #tpu.memory_space<vmem>>
    %dma_start3A_16 = arith.constant 0 : i32
    %dma_start3A_17 = arith.constant 0 : i32
    %dma_start3A_18 = tpu.memref_slice %arg3[%dma_start3A_16, %dma_start3A_17] : memref<1000000x128xf32, #tpu.memory_space<hbm>> -> memref<1000000x128xf32, #tpu.memory_space<hbm>>
    tpu.enqueue_indirect_dma source(%dma_start3A_18 : memref<1000000x128xf32, #tpu.memory_space<hbm>>) target(%dma_start3A_13 : memref<128x128xf32, #tpu.memory_space<vmem>>) offsets(%dma_start3A_15 : memref<128xi32, #tpu.memory_space<vmem>>) semaphore(%arg8 : memref<!tpu.dma_semaphore, #tpu.memory_space<semaphore_mem>>)
    %dma_wait3A_19 = arith.constant 0 : i32
    %dma_wait3A_20 = arith.constant 0 : i32
    %dma_wait3A_21 = tpu.memref_slice %arg6[%dma_wait3A_19, %dma_wait3A_20] : memref<128x128xf32, #tpu.memory_space<vmem>> -> memref<128x128xf32, #tpu.memory_space<vmem>>
    %dma_wait3A_22 = arith.constant 3072 : i32
    %dma_wait3A_23 = tpu.memref_slice %arg5[%dma_wait3A_22] : memref<3200xi32, #tpu.memory_space<vmem>> -> memref<128xi32, #tpu.memory_space<vmem>>
    %dma_wait3A_24 = arith.constant 0 : i32
    %dma_wait3A_25 = arith.constant 0 : i32
    %dma_wait3A_26 = tpu.memref_slice %arg3[%dma_wait3A_24, %dma_wait3A_25] : memref<1000000x128xf32, #tpu.memory_space<hbm>> -> memref<1000000x128xf32, #tpu.memory_space<hbm>>
    tpu.wait_indirect_dma semaphore(%arg8 : memref<!tpu.dma_semaphore, #tpu.memory_space<semaphore_mem>>) src(%dma_wait3A_26 : memref<1000000x128xf32, #tpu.memory_space<hbm>>) dst(%dma_wait3A_21 : memref<128x128xf32, #tpu.memory_space<vmem>>)
    %dma_start3A_27 = arith.constant 0 : i32
    %dma_start3A_28 = tpu.memref_slice %arg4[%multiple_of3A, %dma_start3A_27] : memref<102400x128xf32, #tpu.memory_space<hbm>> -> memref<128x128xf32, #tpu.memory_space<hbm>>
    %dma_start3A_29 = arith.constant 0 : i32
    %dma_start3A_30 = tpu.memref_slice %arg4[%multiple_of3A, %dma_start3A_29] : memref<102400x128xf32, #tpu.memory_space<hbm>> -> memref<128x128xf32, #tpu.memory_space<hbm>>
    tpu.enqueue_dma source(%arg6 : memref<128x128xf32, #tpu.memory_space<vmem>>) target(%dma_start3A_30 : memref<128x128xf32, #tpu.memory_space<hbm>>) target_semaphore(%arg10 : memref<!tpu.dma_semaphore, #tpu.memory_space<semaphore_mem>>)
    %dma_wait3A_31 = arith.constant 0 : i32
    %dma_wait3A_32 = arith.constant 0 : i32
    %dma_wait3A_33 = tpu.memref_slice %arg4[%dma_wait3A_31, %dma_wait3A_32] : memref<102400x128xf32, #tpu.memory_space<hbm>> -> memref<128x128xf32, #tpu.memory_space<hbm>>
    %dma_wait3A_34 = arith.constant 0 : i32
    %dma_wait3A_35 = arith.constant 0 : i32
    %dma_wait3A_36 = tpu.memref_slice %arg4[%dma_wait3A_34, %dma_wait3A_35] : memref<102400x128xf32, #tpu.memory_space<hbm>> -> memref<128x128xf32, #tpu.memory_space<hbm>>
    tpu.wait_dma2 semaphore(%arg10 : memref<!tpu.dma_semaphore, #tpu.memory_space<semaphore_mem>>) src(%arg6 : memref<128x128xf32, #tpu.memory_space<vmem>>) dst(%dma_wait3A_36 : memref<128x128xf32, #tpu.memory_space<hbm>>)
    %dma_wait3A_37 = arith.constant 128 : i32
    %dma_wait3A_38 = arith.constant 0 : i32
    %dma_wait3A_39 = tpu.memref_slice %arg4[%dma_wait3A_37, %dma_wait3A_38] : memref<102400x128xf32, #tpu.memory_space<hbm>> -> memref<128x128xf32, #tpu.memory_space<hbm>>
    %dma_wait3A_40 = arith.constant 128 : i32
    %dma_wait3A_41 = arith.constant 0 : i32
    %dma_wait3A_42 = tpu.memref_slice %arg4[%dma_wait3A_40, %dma_wait3A_41] : memref<102400x128xf32, #tpu.memory_space<hbm>> -> memref<128x128xf32, #tpu.memory_space<hbm>>
    tpu.wait_dma2 semaphore(%arg11 : memref<!tpu.dma_semaphore, #tpu.memory_space<semaphore_mem>>) src(%arg7 : memref<128x128xf32, #tpu.memory_space<vmem>>) dst(%dma_wait3A_42 : memref<128x128xf32, #tpu.memory_space<hbm>>)
    return
  }
}

#map = affine_map<(d0, d1) -> (0)>
#map1 = affine_map<(d0, d1) -> (0, 0)>
module attributes {stable_mosaic.version = 14 : i64} {
  func.func @emb(%arg0: i32, %arg1: i32, %arg2: memref<102400xi32, #tpu.memory_space<hbm>>, %arg3: memref<1000000x128xf32, #tpu.memory_space<hbm>>, %arg4: memref<102400x128xf32, #tpu.memory_space<hbm>>, %arg5: memref<3200xi32, #tpu.memory_space<vmem>>, %arg6: memref<128x128xf32, #tpu.memory_space<vmem>>, %arg7: memref<128x128xf32, #tpu.memory_space<vmem>>, %arg8: memref<!tpu.dma_semaphore, #tpu.memory_space<semaphore_mem>>, %arg9: memref<!tpu.dma_semaphore, #tpu.memory_space<semaphore_mem>>, %arg10: memref<!tpu.dma_semaphore, #tpu.memory_space<semaphore_mem>>, %arg11: memref<!tpu.dma_semaphore, #tpu.memory_space<semaphore_mem>>) attributes {dimension_semantics = [#tpu.dimension_semantics<core_parallel>, #tpu.dimension_semantics<subcore_parallel>], iteration_bounds = array<i64: 2, 16>, scalar_prefetch = 0 : i64, scratch_operands = 7 : i64, tpu.core_type = #tpu.core_type<sc_vector_subcore>, window_params = [{transform_indices = #map}, {transform_indices = #map1}, {transform_indices = #map1}]} {
    %mul3A = arith.constant 2 : i32
    %mul3A_0 = arith.muli %arg1, %mul3A : i32
    %add3A = arith.addi %mul3A_0, %arg0 : i32
    %mul3A_1 = arith.constant 3200 : i32
    %mul3A_2 = arith.muli %add3A, %mul3A_1 : i32
    "tpu.region"() ({
      %run_scoped3A = tpu.sem_alloc : memref<!tpu.dma_semaphore, #tpu.memory_space<semaphore_mem>>
      %dma_start3A_43 = tpu.memref_slice %arg2[%mul3A_2] : memref<102400xi32, #tpu.memory_space<hbm>> -> memref<3200xi32, #tpu.memory_space<hbm>>
      %dma_start3A_44 = tpu.memref_slice %arg2[%mul3A_2] : memref<102400xi32, #tpu.memory_space<hbm>> -> memref<3200xi32, #tpu.memory_space<hbm>>
      tpu.enqueue_dma source(%dma_start3A_44 : memref<3200xi32, #tpu.memory_space<hbm>>) target(%arg5 : memref<3200xi32, #tpu.memory_space<vmem>>) target_semaphore(%run_scoped3A : memref<!tpu.dma_semaphore, #tpu.memory_space<semaphore_mem>>)
      %dma_wait3A_45 = tpu.memref_slice %arg2[%mul3A_2] : memref<102400xi32, #tpu.memory_space<hbm>> -> memref<3200xi32, #tpu.memory_space<hbm>>
      %dma_wait3A_46 = tpu.memref_slice %arg2[%mul3A_2] : memref<102400xi32, #tpu.memory_space<hbm>> -> memref<3200xi32, #tpu.memory_space<hbm>>
      tpu.wait_dma2 semaphore(%run_scoped3A : memref<!tpu.dma_semaphore, #tpu.memory_space<semaphore_mem>>) src(%dma_wait3A_46 : memref<3200xi32, #tpu.memory_space<hbm>>) dst(%arg5 : memref<3200xi32, #tpu.memory_space<vmem>>)
      tpu.yield
    }) : () -> ()
    %scan3A = arith.constant 0 : i32
    %scan3A_3 = arith.constant 12 : i32
    %scan3A_4 = arith.addi %scan3A, %scan3A_3 : i32
    %scan3A_5 = arith.constant 1 : i32
    scf.for %scan3A_43 = %scan3A to %scan3A_4 step %scan3A_5  : i32 {
      %mul3A_44 = arith.constant 2 : i32
      %mul3A_45 = arith.muli %scan3A_43, %mul3A_44 : i32
      %add3A_46 = arith.constant 0 : i32
      %add3A_47 = arith.addi %add3A_46, %mul3A_45 : i32
      %add3A_48 = arith.constant 0 : i32
      %add3A_49 = arith.addi %add3A_47, %add3A_48 : i32
      %mul3A_50 = arith.constant 128 : i32
      %mul3A_51 = arith.muli %add3A_49, %mul3A_50 : i32
      %add3A_52 = arith.addi %mul3A_2, %mul3A_51 : i32
      %multiple_of3A_53 = tpu.assume_multiple %add3A_52, 128 : i32
      %ge3A = arith.constant 2 : i32
      %ge3A_54 = arith.cmpi sge, %add3A_49, %ge3A : i32
      %convert_element_type3A = arith.extui %ge3A_54 : i1 to i32
      %cond3A = arith.constant 0 : i32
      %cond3A_55 = arith.cmpi ne, %convert_element_type3A, %cond3A : i32
      scf.if %cond3A_55 {
        %dma_wait3A_111 = arith.constant 0 : i32
        %dma_wait3A_112 = tpu.memref_slice %arg4[%multiple_of3A_53, %dma_wait3A_111] : memref<102400x128xf32, #tpu.memory_space<hbm>> -> memref<128x128xf32, #tpu.memory_space<hbm>>
        %dma_wait3A_113 = arith.constant 0 : i32
        %dma_wait3A_114 = tpu.memref_slice %arg4[%multiple_of3A_53, %dma_wait3A_113] : memref<102400x128xf32, #tpu.memory_space<hbm>> -> memref<128x128xf32, #tpu.memory_space<hbm>>
        tpu.wait_dma2 semaphore(%arg10 : memref<!tpu.dma_semaphore, #tpu.memory_space<semaphore_mem>>) src(%arg6 : memref<128x128xf32, #tpu.memory_space<vmem>>) dst(%dma_wait3A_114 : memref<128x128xf32, #tpu.memory_space<hbm>>)
      } else {
      }
      %mul3A_56 = arith.constant 128 : i32
      %mul3A_57 = arith.muli %add3A_49, %mul3A_56 : i32
      %add3A_58 = arith.constant 0 : i32
      %add3A_59 = arith.addi %mul3A_57, %add3A_58 : i32
      %dma_start3A_60 = arith.constant 0 : i32
      %dma_start3A_61 = arith.constant 0 : i32
      %dma_start3A_62 = tpu.memref_slice %arg6[%dma_start3A_60, %dma_start3A_61] : memref<128x128xf32, #tpu.memory_space<vmem>> -> memref<128x128xf32, #tpu.memory_space<vmem>>
      %dma_start3A_63 = tpu.memref_slice %arg5[%add3A_59] : memref<3200xi32, #tpu.memory_space<vmem>> -> memref<128xi32, #tpu.memory_space<vmem>>
      %dma_start3A_64 = arith.constant 0 : i32
      %dma_start3A_65 = arith.constant 0 : i32
      %dma_start3A_66 = tpu.memref_slice %arg3[%dma_start3A_64, %dma_start3A_65] : memref<1000000x128xf32, #tpu.memory_space<hbm>> -> memref<1000000x128xf32, #tpu.memory_space<hbm>>
      tpu.enqueue_indirect_dma source(%dma_start3A_66 : memref<1000000x128xf32, #tpu.memory_space<hbm>>) target(%dma_start3A_62 : memref<128x128xf32, #tpu.memory_space<vmem>>) offsets(%dma_start3A_63 : memref<128xi32, #tpu.memory_space<vmem>>) semaphore(%arg8 : memref<!tpu.dma_semaphore, #tpu.memory_space<semaphore_mem>>)
      %dma_wait3A_67 = arith.constant 0 : i32
      %dma_wait3A_68 = arith.constant 0 : i32
      %dma_wait3A_69 = tpu.memref_slice %arg6[%dma_wait3A_67, %dma_wait3A_68] : memref<128x128xf32, #tpu.memory_space<vmem>> -> memref<128x128xf32, #tpu.memory_space<vmem>>
      %dma_wait3A_70 = tpu.memref_slice %arg5[%add3A_59] : memref<3200xi32, #tpu.memory_space<vmem>> -> memref<128xi32, #tpu.memory_space<vmem>>
      %dma_wait3A_71 = arith.constant 0 : i32
      %dma_wait3A_72 = arith.constant 0 : i32
      %dma_wait3A_73 = tpu.memref_slice %arg3[%dma_wait3A_71, %dma_wait3A_72] : memref<1000000x128xf32, #tpu.memory_space<hbm>> -> memref<1000000x128xf32, #tpu.memory_space<hbm>>
      tpu.wait_indirect_dma semaphore(%arg8 : memref<!tpu.dma_semaphore, #tpu.memory_space<semaphore_mem>>) src(%dma_wait3A_73 : memref<1000000x128xf32, #tpu.memory_space<hbm>>) dst(%dma_wait3A_69 : memref<128x128xf32, #tpu.memory_space<vmem>>)
      %dma_start3A_74 = arith.constant 0 : i32
      %dma_start3A_75 = tpu.memref_slice %arg4[%multiple_of3A_53, %dma_start3A_74] : memref<102400x128xf32, #tpu.memory_space<hbm>> -> memref<128x128xf32, #tpu.memory_space<hbm>>
      %dma_start3A_76 = arith.constant 0 : i32
      %dma_start3A_77 = tpu.memref_slice %arg4[%multiple_of3A_53, %dma_start3A_76] : memref<102400x128xf32, #tpu.memory_space<hbm>> -> memref<128x128xf32, #tpu.memory_space<hbm>>
      tpu.enqueue_dma source(%arg6 : memref<128x128xf32, #tpu.memory_space<vmem>>) target(%dma_start3A_77 : memref<128x128xf32, #tpu.memory_space<hbm>>) target_semaphore(%arg10 : memref<!tpu.dma_semaphore, #tpu.memory_space<semaphore_mem>>)
      %add3A_78 = arith.constant 1 : i32
      %add3A_79 = arith.addi %add3A_47, %add3A_78 : i32
      %mul3A_80 = arith.constant 128 : i32
      %mul3A_81 = arith.muli %add3A_79, %mul3A_80 : i32
      %add3A_82 = arith.addi %mul3A_2, %mul3A_81 : i32
      %multiple_of3A_83 = tpu.assume_multiple %add3A_82, 128 : i32
      %ge3A_84 = arith.constant 2 : i32
      %ge3A_85 = arith.cmpi sge, %add3A_79, %ge3A_84 : i32
      %convert_element_type3A_86 = arith.extui %ge3A_85 : i1 to i32
      %cond3A_87 = arith.constant 0 : i32
      %cond3A_88 = arith.cmpi ne, %convert_element_type3A_86, %cond3A_87 : i32
      scf.if %cond3A_88 {
        %dma_wait3A_111 = arith.constant 0 : i32
        %dma_wait3A_112 = tpu.memref_slice %arg4[%multiple_of3A_83, %dma_wait3A_111] : memref<102400x128xf32, #tpu.memory_space<hbm>> -> memref<128x128xf32, #tpu.memory_space<hbm>>
        %dma_wait3A_113 = arith.constant 0 : i32
        %dma_wait3A_114 = tpu.memref_slice %arg4[%multiple_of3A_83, %dma_wait3A_113] : memref<102400x128xf32, #tpu.memory_space<hbm>> -> memref<128x128xf32, #tpu.memory_space<hbm>>
        tpu.wait_dma2 semaphore(%arg11 : memref<!tpu.dma_semaphore, #tpu.memory_space<semaphore_mem>>) src(%arg7 : memref<128x128xf32, #tpu.memory_space<vmem>>) dst(%dma_wait3A_114 : memref<128x128xf32, #tpu.memory_space<hbm>>)
      } else {
      }
      %mul3A_89 = arith.constant 128 : i32
      %mul3A_90 = arith.muli %add3A_79, %mul3A_89 : i32
      %add3A_91 = arith.constant 0 : i32
      %add3A_92 = arith.addi %mul3A_90, %add3A_91 : i32
      %dma_start3A_93 = arith.constant 0 : i32
      %dma_start3A_94 = arith.constant 0 : i32
      %dma_start3A_95 = tpu.memref_slice %arg7[%dma_start3A_93, %dma_start3A_94] : memref<128x128xf32, #tpu.memory_space<vmem>> -> memref<128x128xf32, #tpu.memory_space<vmem>>
      %dma_start3A_96 = tpu.memref_slice %arg5[%add3A_92] : memref<3200xi32, #tpu.memory_space<vmem>> -> memref<128xi32, #tpu.memory_space<vmem>>
      %dma_start3A_97 = arith.constant 0 : i32
      %dma_start3A_98 = arith.constant 0 : i32
      %dma_start3A_99 = tpu.memref_slice %arg3[%dma_start3A_97, %dma_start3A_98] : memref<1000000x128xf32, #tpu.memory_space<hbm>> -> memref<1000000x128xf32, #tpu.memory_space<hbm>>
      tpu.enqueue_indirect_dma source(%dma_start3A_99 : memref<1000000x128xf32, #tpu.memory_space<hbm>>) target(%dma_start3A_95 : memref<128x128xf32, #tpu.memory_space<vmem>>) offsets(%dma_start3A_96 : memref<128xi32, #tpu.memory_space<vmem>>) semaphore(%arg9 : memref<!tpu.dma_semaphore, #tpu.memory_space<semaphore_mem>>)
      %dma_wait3A_100 = arith.constant 0 : i32
      %dma_wait3A_101 = arith.constant 0 : i32
      %dma_wait3A_102 = tpu.memref_slice %arg7[%dma_wait3A_100, %dma_wait3A_101] : memref<128x128xf32, #tpu.memory_space<vmem>> -> memref<128x128xf32, #tpu.memory_space<vmem>>
      %dma_wait3A_103 = tpu.memref_slice %arg5[%add3A_92] : memref<3200xi32, #tpu.memory_space<vmem>> -> memref<128xi32, #tpu.memory_space<vmem>>
      %dma_wait3A_104 = arith.constant 0 : i32
      %dma_wait3A_105 = arith.constant 0 : i32
      %dma_wait3A_106 = tpu.memref_slice %arg3[%dma_wait3A_104, %dma_wait3A_105] : memref<1000000x128xf32, #tpu.memory_space<hbm>> -> memref<1000000x128xf32, #tpu.memory_space<hbm>>
      tpu.wait_indirect_dma semaphore(%arg9 : memref<!tpu.dma_semaphore, #tpu.memory_space<semaphore_mem>>) src(%dma_wait3A_106 : memref<1000000x128xf32, #tpu.memory_space<hbm>>) dst(%dma_wait3A_102 : memref<128x128xf32, #tpu.memory_space<vmem>>)
      %dma_start3A_107 = arith.constant 0 : i32
      %dma_start3A_108 = tpu.memref_slice %arg4[%multiple_of3A_83, %dma_start3A_107] : memref<102400x128xf32, #tpu.memory_space<hbm>> -> memref<128x128xf32, #tpu.memory_space<hbm>>
      %dma_start3A_109 = arith.constant 0 : i32
      %dma_start3A_110 = tpu.memref_slice %arg4[%multiple_of3A_83, %dma_start3A_109] : memref<102400x128xf32, #tpu.memory_space<hbm>> -> memref<128x128xf32, #tpu.memory_space<hbm>>
      tpu.enqueue_dma source(%arg7 : memref<128x128xf32, #tpu.memory_space<vmem>>) target(%dma_start3A_110 : memref<128x128xf32, #tpu.memory_space<hbm>>) target_semaphore(%arg11 : memref<!tpu.dma_semaphore, #tpu.memory_space<semaphore_mem>>)
    }
    %scan3A_6 = arith.constant 12 : i32
    %add3A_7 = arith.constant 3072 : i32
    %add3A_8 = arith.addi %mul3A_2, %add3A_7 : i32
    %multiple_of3A = tpu.assume_multiple %add3A_8, 128 : i32
    %dma_wait3A = arith.constant 0 : i32
    %dma_wait3A_9 = tpu.memref_slice %arg4[%multiple_of3A, %dma_wait3A] : memref<102400x128xf32, #tpu.memory_space<hbm>> -> memref<128x128xf32, #tpu.memory_space<hbm>>
    %dma_wait3A_10 = arith.constant 0 : i32
    %dma_wait3A_11 = tpu.memref_slice %arg4[%multiple_of3A, %dma_wait3A_10] : memref<102400x128xf32, #tpu.memory_space<hbm>> -> memref<128x128xf32, #tpu.memory_space<hbm>>
    tpu.wait_dma2 semaphore(%arg10 : memref<!tpu.dma_semaphore, #tpu.memory_space<semaphore_mem>>) src(%arg6 : memref<128x128xf32, #tpu.memory_space<vmem>>) dst(%dma_wait3A_11 : memref<128x128xf32, #tpu.memory_space<hbm>>)
    %dma_start3A = arith.constant 0 : i32
    %dma_start3A_12 = arith.constant 0 : i32
    %dma_start3A_13 = tpu.memref_slice %arg6[%dma_start3A, %dma_start3A_12] : memref<128x128xf32, #tpu.memory_space<vmem>> -> memref<128x128xf32, #tpu.memory_space<vmem>>
    %dma_start3A_14 = arith.constant 3072 : i32
    %dma_start3A_15 = tpu.memref_slice %arg5[%dma_start3A_14] : memref<3200xi32, #tpu.memory_space<vmem>> -> memref<128xi32, #tpu.memory_space<vmem>>
    %dma_start3A_16 = arith.constant 0 : i32
    %dma_start3A_17 = arith.constant 0 : i32
    %dma_start3A_18 = tpu.memref_slice %arg3[%dma_start3A_16, %dma_start3A_17] : memref<1000000x128xf32, #tpu.memory_space<hbm>> -> memref<1000000x128xf32, #tpu.memory_space<hbm>>
    tpu.enqueue_indirect_dma source(%dma_start3A_18 : memref<1000000x128xf32, #tpu.memory_space<hbm>>) target(%dma_start3A_13 : memref<128x128xf32, #tpu.memory_space<vmem>>) offsets(%dma_start3A_15 : memref<128xi32, #tpu.memory_space<vmem>>) semaphore(%arg8 : memref<!tpu.dma_semaphore, #tpu.memory_space<semaphore_mem>>)
    %dma_wait3A_19 = arith.constant 0 : i32
    %dma_wait3A_20 = arith.constant 0 : i32
    %dma_wait3A_21 = tpu.memref_slice %arg6[%dma_wait3A_19, %dma_wait3A_20] : memref<128x128xf32, #tpu.memory_space<vmem>> -> memref<128x128xf32, #tpu.memory_space<vmem>>
    %dma_wait3A_22 = arith.constant 3072 : i32
    %dma_wait3A_23 = tpu.memref_slice %arg5[%dma_wait3A_22] : memref<3200xi32, #tpu.memory_space<vmem>> -> memref<128xi32, #tpu.memory_space<vmem>>
    %dma_wait3A_24 = arith.constant 0 : i32
    %dma_wait3A_25 = arith.constant 0 : i32
    %dma_wait3A_26 = tpu.memref_slice %arg3[%dma_wait3A_24, %dma_wait3A_25] : memref<1000000x128xf32, #tpu.memory_space<hbm>> -> memref<1000000x128xf32, #tpu.memory_space<hbm>>
    tpu.wait_indirect_dma semaphore(%arg8 : memref<!tpu.dma_semaphore, #tpu.memory_space<semaphore_mem>>) src(%dma_wait3A_26 : memref<1000000x128xf32, #tpu.memory_space<hbm>>) dst(%dma_wait3A_21 : memref<128x128xf32, #tpu.memory_space<vmem>>)
    %dma_start3A_27 = arith.constant 0 : i32
    %dma_start3A_28 = tpu.memref_slice %arg4[%multiple_of3A, %dma_start3A_27] : memref<102400x128xf32, #tpu.memory_space<hbm>> -> memref<128x128xf32, #tpu.memory_space<hbm>>
    %dma_start3A_29 = arith.constant 0 : i32
    %dma_start3A_30 = tpu.memref_slice %arg4[%multiple_of3A, %dma_start3A_29] : memref<102400x128xf32, #tpu.memory_space<hbm>> -> memref<128x128xf32, #tpu.memory_space<hbm>>
    tpu.enqueue_dma source(%arg6 : memref<128x128xf32, #tpu.memory_space<vmem>>) target(%dma_start3A_30 : memref<128x128xf32, #tpu.memory_space<hbm>>) target_semaphore(%arg10 : memref<!tpu.dma_semaphore, #tpu.memory_space<semaphore_mem>>)
    %dma_wait3A_31 = arith.constant 0 : i32
    %dma_wait3A_32 = arith.constant 0 : i32
    %dma_wait3A_33 = tpu.memref_slice %arg4[%dma_wait3A_31, %dma_wait3A_32] : memref<102400x128xf32, #tpu.memory_space<hbm>> -> memref<128x128xf32, #tpu.memory_space<hbm>>
    %dma_wait3A_34 = arith.constant 0 : i32
    %dma_wait3A_35 = arith.constant 0 : i32
    %dma_wait3A_36 = tpu.memref_slice %arg4[%dma_wait3A_34, %dma_wait3A_35] : memref<102400x128xf32, #tpu.memory_space<hbm>> -> memref<128x128xf32, #tpu.memory_space<hbm>>
    tpu.wait_dma2 semaphore(%arg10 : memref<!tpu.dma_semaphore, #tpu.memory_space<semaphore_mem>>) src(%arg6 : memref<128x128xf32, #tpu.memory_space<vmem>>) dst(%dma_wait3A_36 : memref<128x128xf32, #tpu.memory_space<hbm>>)
    %dma_wait3A_37 = arith.constant 128 : i32
    %dma_wait3A_38 = arith.constant 0 : i32
    %dma_wait3A_39 = tpu.memref_slice %arg4[%dma_wait3A_37, %dma_wait3A_38] : memref<102400x128xf32, #tpu.memory_space<hbm>> -> memref<128x128xf32, #tpu.memory_space<hbm>>
    %dma_wait3A_40 = arith.constant 128 : i32
    %dma_wait3A_41 = arith.constant 0 : i32
    %dma_wait3A_42 = tpu.memref_slice %arg4[%dma_wait3A_40, %dma_wait3A_41] : memref<102400x128xf32, #tpu.memory_space<hbm>> -> memref<128x128xf32, #tpu.memory_space<hbm>>
    tpu.wait_dma2 semaphore(%arg11 : memref<!tpu.dma_semaphore, #tpu.memory_space<semaphore_mem>>) src(%arg7 : memref<128x128xf32, #tpu.memory_space<vmem>>) dst(%dma_wait3A_42 : memref<128x128xf32, #tpu.memory_space<hbm>>)
    return
  }
}

#map = affine_map<(d0, d1) -> (0)>
#map1 = affine_map<(d0, d1) -> (0, 0)>
module attributes {stable_mosaic.version = 14 : i64} {
  func.func @emb(%arg0: i32, %arg1: i32, %arg2: memref<102400xi32, #tpu.memory_space<hbm>>, %arg3: memref<1000000x128xf32, #tpu.memory_space<hbm>>, %arg4: memref<102400x128xf32, #tpu.memory_space<hbm>>, %arg5: memref<3200xi32, #tpu.memory_space<vmem>>, %arg6: memref<128x128xf32, #tpu.memory_space<vmem>>, %arg7: memref<128x128xf32, #tpu.memory_space<vmem>>, %arg8: memref<!tpu.dma_semaphore, #tpu.memory_space<semaphore_mem>>, %arg9: memref<!tpu.dma_semaphore, #tpu.memory_space<semaphore_mem>>, %arg10: memref<!tpu.dma_semaphore, #tpu.memory_space<semaphore_mem>>, %arg11: memref<!tpu.dma_semaphore, #tpu.memory_space<semaphore_mem>>) attributes {dimension_semantics = [#tpu.dimension_semantics<core_parallel>, #tpu.dimension_semantics<subcore_parallel>], iteration_bounds = array<i64: 2, 16>, scalar_prefetch = 0 : i64, scratch_operands = 7 : i64, tpu.core_type = #tpu.core_type<sc_vector_subcore>, window_params = [{transform_indices = #map}, {transform_indices = #map1}, {transform_indices = #map1}]} {
    %mul3A = arith.constant 2 : i32
    %mul3A_0 = arith.muli %arg1, %mul3A : i32
    %add3A = arith.addi %mul3A_0, %arg0 : i32
    %mul3A_1 = arith.constant 3200 : i32
    %mul3A_2 = arith.muli %add3A, %mul3A_1 : i32
    "tpu.region"() ({
      %run_scoped3A = tpu.sem_alloc : memref<!tpu.dma_semaphore, #tpu.memory_space<semaphore_mem>>
      %dma_start3A_43 = tpu.memref_slice %arg2[%mul3A_2] : memref<102400xi32, #tpu.memory_space<hbm>> -> memref<3200xi32, #tpu.memory_space<hbm>>
      %dma_start3A_44 = tpu.memref_slice %arg2[%mul3A_2] : memref<102400xi32, #tpu.memory_space<hbm>> -> memref<3200xi32, #tpu.memory_space<hbm>>
      tpu.enqueue_dma source(%dma_start3A_44 : memref<3200xi32, #tpu.memory_space<hbm>>) target(%arg5 : memref<3200xi32, #tpu.memory_space<vmem>>) target_semaphore(%run_scoped3A : memref<!tpu.dma_semaphore, #tpu.memory_space<semaphore_mem>>)
      %dma_wait3A_45 = tpu.memref_slice %arg2[%mul3A_2] : memref<102400xi32, #tpu.memory_space<hbm>> -> memref<3200xi32, #tpu.memory_space<hbm>>
      %dma_wait3A_46 = tpu.memref_slice %arg2[%mul3A_2] : memref<102400xi32, #tpu.memory_space<hbm>> -> memref<3200xi32, #tpu.memory_space<hbm>>
      tpu.wait_dma2 semaphore(%run_scoped3A : memref<!tpu.dma_semaphore, #tpu.memory_space<semaphore_mem>>) src(%dma_wait3A_46 : memref<3200xi32, #tpu.memory_space<hbm>>) dst(%arg5 : memref<3200xi32, #tpu.memory_space<vmem>>)
      tpu.yield
    }) : () -> ()
    %scan3A = arith.constant 0 : i32
    %scan3A_3 = arith.constant 12 : i32
    %scan3A_4 = arith.addi %scan3A, %scan3A_3 : i32
    %scan3A_5 = arith.constant 1 : i32
    scf.for %scan3A_43 = %scan3A to %scan3A_4 step %scan3A_5  : i32 {
      %mul3A_44 = arith.constant 2 : i32
      %mul3A_45 = arith.muli %scan3A_43, %mul3A_44 : i32
      %add3A_46 = arith.constant 0 : i32
      %add3A_47 = arith.addi %add3A_46, %mul3A_45 : i32
      %add3A_48 = arith.constant 0 : i32
      %add3A_49 = arith.addi %add3A_47, %add3A_48 : i32
      %mul3A_50 = arith.constant 128 : i32
      %mul3A_51 = arith.muli %add3A_49, %mul3A_50 : i32
      %add3A_52 = arith.addi %mul3A_2, %mul3A_51 : i32
      %multiple_of3A_53 = tpu.assume_multiple %add3A_52, 128 : i32
      %ge3A = arith.constant 2 : i32
      %ge3A_54 = arith.cmpi sge, %add3A_49, %ge3A : i32
      %convert_element_type3A = arith.extui %ge3A_54 : i1 to i32
      %cond3A = arith.constant 0 : i32
      %cond3A_55 = arith.cmpi ne, %convert_element_type3A, %cond3A : i32
      scf.if %cond3A_55 {
        %dma_wait3A_111 = arith.constant 0 : i32
        %dma_wait3A_112 = tpu.memref_slice %arg4[%multiple_of3A_53, %dma_wait3A_111] : memref<102400x128xf32, #tpu.memory_space<hbm>> -> memref<128x128xf32, #tpu.memory_space<hbm>>
        %dma_wait3A_113 = arith.constant 0 : i32
        %dma_wait3A_114 = tpu.memref_slice %arg4[%multiple_of3A_53, %dma_wait3A_113] : memref<102400x128xf32, #tpu.memory_space<hbm>> -> memref<128x128xf32, #tpu.memory_space<hbm>>
        tpu.wait_dma2 semaphore(%arg10 : memref<!tpu.dma_semaphore, #tpu.memory_space<semaphore_mem>>) src(%arg6 : memref<128x128xf32, #tpu.memory_space<vmem>>) dst(%dma_wait3A_114 : memref<128x128xf32, #tpu.memory_space<hbm>>)
      } else {
      }
      %mul3A_56 = arith.constant 128 : i32
      %mul3A_57 = arith.muli %add3A_49, %mul3A_56 : i32
      %add3A_58 = arith.constant 0 : i32
      %add3A_59 = arith.addi %mul3A_57, %add3A_58 : i32
      %dma_start3A_60 = arith.constant 0 : i32
      %dma_start3A_61 = arith.constant 0 : i32
      %dma_start3A_62 = tpu.memref_slice %arg6[%dma_start3A_60, %dma_start3A_61] : memref<128x128xf32, #tpu.memory_space<vmem>> -> memref<128x128xf32, #tpu.memory_space<vmem>>
      %dma_start3A_63 = tpu.memref_slice %arg5[%add3A_59] : memref<3200xi32, #tpu.memory_space<vmem>> -> memref<128xi32, #tpu.memory_space<vmem>>
      %dma_start3A_64 = arith.constant 0 : i32
      %dma_start3A_65 = arith.constant 0 : i32
      %dma_start3A_66 = tpu.memref_slice %arg3[%dma_start3A_64, %dma_start3A_65] : memref<1000000x128xf32, #tpu.memory_space<hbm>> -> memref<1000000x128xf32, #tpu.memory_space<hbm>>
      tpu.enqueue_indirect_dma source(%dma_start3A_66 : memref<1000000x128xf32, #tpu.memory_space<hbm>>) target(%dma_start3A_62 : memref<128x128xf32, #tpu.memory_space<vmem>>) offsets(%dma_start3A_63 : memref<128xi32, #tpu.memory_space<vmem>>) semaphore(%arg8 : memref<!tpu.dma_semaphore, #tpu.memory_space<semaphore_mem>>)
      %dma_wait3A_67 = arith.constant 0 : i32
      %dma_wait3A_68 = arith.constant 0 : i32
      %dma_wait3A_69 = tpu.memref_slice %arg6[%dma_wait3A_67, %dma_wait3A_68] : memref<128x128xf32, #tpu.memory_space<vmem>> -> memref<128x128xf32, #tpu.memory_space<vmem>>
      %dma_wait3A_70 = tpu.memref_slice %arg5[%add3A_59] : memref<3200xi32, #tpu.memory_space<vmem>> -> memref<128xi32, #tpu.memory_space<vmem>>
      %dma_wait3A_71 = arith.constant 0 : i32
      %dma_wait3A_72 = arith.constant 0 : i32
      %dma_wait3A_73 = tpu.memref_slice %arg3[%dma_wait3A_71, %dma_wait3A_72] : memref<1000000x128xf32, #tpu.memory_space<hbm>> -> memref<1000000x128xf32, #tpu.memory_space<hbm>>
      tpu.wait_indirect_dma semaphore(%arg8 : memref<!tpu.dma_semaphore, #tpu.memory_space<semaphore_mem>>) src(%dma_wait3A_73 : memref<1000000x128xf32, #tpu.memory_space<hbm>>) dst(%dma_wait3A_69 : memref<128x128xf32, #tpu.memory_space<vmem>>)
      %dma_start3A_74 = arith.constant 0 : i32
      %dma_start3A_75 = tpu.memref_slice %arg4[%multiple_of3A_53, %dma_start3A_74] : memref<102400x128xf32, #tpu.memory_space<hbm>> -> memref<128x128xf32, #tpu.memory_space<hbm>>
      %dma_start3A_76 = arith.constant 0 : i32
      %dma_start3A_77 = tpu.memref_slice %arg4[%multiple_of3A_53, %dma_start3A_76] : memref<102400x128xf32, #tpu.memory_space<hbm>> -> memref<128x128xf32, #tpu.memory_space<hbm>>
      tpu.enqueue_dma source(%arg6 : memref<128x128xf32, #tpu.memory_space<vmem>>) target(%dma_start3A_77 : memref<128x128xf32, #tpu.memory_space<hbm>>) target_semaphore(%arg10 : memref<!tpu.dma_semaphore, #tpu.memory_space<semaphore_mem>>)
      %add3A_78 = arith.constant 1 : i32
      %add3A_79 = arith.addi %add3A_47, %add3A_78 : i32
      %mul3A_80 = arith.constant 128 : i32
      %mul3A_81 = arith.muli %add3A_79, %mul3A_80 : i32
      %add3A_82 = arith.addi %mul3A_2, %mul3A_81 : i32
      %multiple_of3A_83 = tpu.assume_multiple %add3A_82, 128 : i32
      %ge3A_84 = arith.constant 2 : i32
      %ge3A_85 = arith.cmpi sge, %add3A_79, %ge3A_84 : i32
      %convert_element_type3A_86 = arith.extui %ge3A_85 : i1 to i32
      %cond3A_87 = arith.constant 0 : i32
      %cond3A_88 = arith.cmpi ne, %convert_element_type3A_86, %cond3A_87 : i32
      scf.if %cond3A_88 {
        %dma_wait3A_111 = arith.constant 0 : i32
        %dma_wait3A_112 = tpu.memref_slice %arg4[%multiple_of3A_83, %dma_wait3A_111] : memref<102400x128xf32, #tpu.memory_space<hbm>> -> memref<128x128xf32, #tpu.memory_space<hbm>>
        %dma_wait3A_113 = arith.constant 0 : i32
        %dma_wait3A_114 = tpu.memref_slice %arg4[%multiple_of3A_83, %dma_wait3A_113] : memref<102400x128xf32, #tpu.memory_space<hbm>> -> memref<128x128xf32, #tpu.memory_space<hbm>>
        tpu.wait_dma2 semaphore(%arg11 : memref<!tpu.dma_semaphore, #tpu.memory_space<semaphore_mem>>) src(%arg7 : memref<128x128xf32, #tpu.memory_space<vmem>>) dst(%dma_wait3A_114 : memref<128x128xf32, #tpu.memory_space<hbm>>)
      } else {
      }
      %mul3A_89 = arith.constant 128 : i32
      %mul3A_90 = arith.muli %add3A_79, %mul3A_89 : i32
      %add3A_91 = arith.constant 0 : i32
      %add3A_92 = arith.addi %mul3A_90, %add3A_91 : i32
      %dma_start3A_93 = arith.constant 0 : i32
      %dma_start3A_94 = arith.constant 0 : i32
      %dma_start3A_95 = tpu.memref_slice %arg7[%dma_start3A_93, %dma_start3A_94] : memref<128x128xf32, #tpu.memory_space<vmem>> -> memref<128x128xf32, #tpu.memory_space<vmem>>
      %dma_start3A_96 = tpu.memref_slice %arg5[%add3A_92] : memref<3200xi32, #tpu.memory_space<vmem>> -> memref<128xi32, #tpu.memory_space<vmem>>
      %dma_start3A_97 = arith.constant 0 : i32
      %dma_start3A_98 = arith.constant 0 : i32
      %dma_start3A_99 = tpu.memref_slice %arg3[%dma_start3A_97, %dma_start3A_98] : memref<1000000x128xf32, #tpu.memory_space<hbm>> -> memref<1000000x128xf32, #tpu.memory_space<hbm>>
      tpu.enqueue_indirect_dma source(%dma_start3A_99 : memref<1000000x128xf32, #tpu.memory_space<hbm>>) target(%dma_start3A_95 : memref<128x128xf32, #tpu.memory_space<vmem>>) offsets(%dma_start3A_96 : memref<128xi32, #tpu.memory_space<vmem>>) semaphore(%arg9 : memref<!tpu.dma_semaphore, #tpu.memory_space<semaphore_mem>>)
      %dma_wait3A_100 = arith.constant 0 : i32
      %dma_wait3A_101 = arith.constant 0 : i32
      %dma_wait3A_102 = tpu.memref_slice %arg7[%dma_wait3A_100, %dma_wait3A_101] : memref<128x128xf32, #tpu.memory_space<vmem>> -> memref<128x128xf32, #tpu.memory_space<vmem>>
      %dma_wait3A_103 = tpu.memref_slice %arg5[%add3A_92] : memref<3200xi32, #tpu.memory_space<vmem>> -> memref<128xi32, #tpu.memory_space<vmem>>
      %dma_wait3A_104 = arith.constant 0 : i32
      %dma_wait3A_105 = arith.constant 0 : i32
      %dma_wait3A_106 = tpu.memref_slice %arg3[%dma_wait3A_104, %dma_wait3A_105] : memref<1000000x128xf32, #tpu.memory_space<hbm>> -> memref<1000000x128xf32, #tpu.memory_space<hbm>>
      tpu.wait_indirect_dma semaphore(%arg9 : memref<!tpu.dma_semaphore, #tpu.memory_space<semaphore_mem>>) src(%dma_wait3A_106 : memref<1000000x128xf32, #tpu.memory_space<hbm>>) dst(%dma_wait3A_102 : memref<128x128xf32, #tpu.memory_space<vmem>>)
      %dma_start3A_107 = arith.constant 0 : i32
      %dma_start3A_108 = tpu.memref_slice %arg4[%multiple_of3A_83, %dma_start3A_107] : memref<102400x128xf32, #tpu.memory_space<hbm>> -> memref<128x128xf32, #tpu.memory_space<hbm>>
      %dma_start3A_109 = arith.constant 0 : i32
      %dma_start3A_110 = tpu.memref_slice %arg4[%multiple_of3A_83, %dma_start3A_109] : memref<102400x128xf32, #tpu.memory_space<hbm>> -> memref<128x128xf32, #tpu.memory_space<hbm>>
      tpu.enqueue_dma source(%arg7 : memref<128x128xf32, #tpu.memory_space<vmem>>) target(%dma_start3A_110 : memref<128x128xf32, #tpu.memory_space<hbm>>) target_semaphore(%arg11 : memref<!tpu.dma_semaphore, #tpu.memory_space<semaphore_mem>>)
    }
    %scan3A_6 = arith.constant 12 : i32
    %add3A_7 = arith.constant 3072 : i32
    %add3A_8 = arith.addi %mul3A_2, %add3A_7 : i32
    %multiple_of3A = tpu.assume_multiple %add3A_8, 128 : i32
    %dma_wait3A = arith.constant 0 : i32
    %dma_wait3A_9 = tpu.memref_slice %arg4[%multiple_of3A, %dma_wait3A] : memref<102400x128xf32, #tpu.memory_space<hbm>> -> memref<128x128xf32, #tpu.memory_space<hbm>>
    %dma_wait3A_10 = arith.constant 0 : i32
    %dma_wait3A_11 = tpu.memref_slice %arg4[%multiple_of3A, %dma_wait3A_10] : memref<102400x128xf32, #tpu.memory_space<hbm>> -> memref<128x128xf32, #tpu.memory_space<hbm>>
    tpu.wait_dma2 semaphore(%arg10 : memref<!tpu.dma_semaphore, #tpu.memory_space<semaphore_mem>>) src(%arg6 : memref<128x128xf32, #tpu.memory_space<vmem>>) dst(%dma_wait3A_11 : memref<128x128xf32, #tpu.memory_space<hbm>>)
    %dma_start3A = arith.constant 0 : i32
    %dma_start3A_12 = arith.constant 0 : i32
    %dma_start3A_13 = tpu.memref_slice %arg6[%dma_start3A, %dma_start3A_12] : memref<128x128xf32, #tpu.memory_space<vmem>> -> memref<128x128xf32, #tpu.memory_space<vmem>>
    %dma_start3A_14 = arith.constant 3072 : i32
    %dma_start3A_15 = tpu.memref_slice %arg5[%dma_start3A_14] : memref<3200xi32, #tpu.memory_space<vmem>> -> memref<128xi32, #tpu.memory_space<vmem>>
    %dma_start3A_16 = arith.constant 0 : i32
    %dma_start3A_17 = arith.constant 0 : i32
    %dma_start3A_18 = tpu.memref_slice %arg3[%dma_start3A_16, %dma_start3A_17] : memref<1000000x128xf32, #tpu.memory_space<hbm>> -> memref<1000000x128xf32, #tpu.memory_space<hbm>>
    tpu.enqueue_indirect_dma source(%dma_start3A_18 : memref<1000000x128xf32, #tpu.memory_space<hbm>>) target(%dma_start3A_13 : memref<128x128xf32, #tpu.memory_space<vmem>>) offsets(%dma_start3A_15 : memref<128xi32, #tpu.memory_space<vmem>>) semaphore(%arg8 : memref<!tpu.dma_semaphore, #tpu.memory_space<semaphore_mem>>)
    %dma_wait3A_19 = arith.constant 0 : i32
    %dma_wait3A_20 = arith.constant 0 : i32
    %dma_wait3A_21 = tpu.memref_slice %arg6[%dma_wait3A_19, %dma_wait3A_20] : memref<128x128xf32, #tpu.memory_space<vmem>> -> memref<128x128xf32, #tpu.memory_space<vmem>>
    %dma_wait3A_22 = arith.constant 3072 : i32
    %dma_wait3A_23 = tpu.memref_slice %arg5[%dma_wait3A_22] : memref<3200xi32, #tpu.memory_space<vmem>> -> memref<128xi32, #tpu.memory_space<vmem>>
    %dma_wait3A_24 = arith.constant 0 : i32
    %dma_wait3A_25 = arith.constant 0 : i32
    %dma_wait3A_26 = tpu.memref_slice %arg3[%dma_wait3A_24, %dma_wait3A_25] : memref<1000000x128xf32, #tpu.memory_space<hbm>> -> memref<1000000x128xf32, #tpu.memory_space<hbm>>
    tpu.wait_indirect_dma semaphore(%arg8 : memref<!tpu.dma_semaphore, #tpu.memory_space<semaphore_mem>>) src(%dma_wait3A_26 : memref<1000000x128xf32, #tpu.memory_space<hbm>>) dst(%dma_wait3A_21 : memref<128x128xf32, #tpu.memory_space<vmem>>)
    %dma_start3A_27 = arith.constant 0 : i32
    %dma_start3A_28 = tpu.memref_slice %arg4[%multiple_of3A, %dma_start3A_27] : memref<102400x128xf32, #tpu.memory_space<hbm>> -> memref<128x128xf32, #tpu.memory_space<hbm>>
    %dma_start3A_29 = arith.constant 0 : i32
    %dma_start3A_30 = tpu.memref_slice %arg4[%multiple_of3A, %dma_start3A_29] : memref<102400x128xf32, #tpu.memory_space<hbm>> -> memref<128x128xf32, #tpu.memory_space<hbm>>
    tpu.enqueue_dma source(%arg6 : memref<128x128xf32, #tpu.memory_space<vmem>>) target(%dma_start3A_30 : memref<128x128xf32, #tpu.memory_space<hbm>>) target_semaphore(%arg10 : memref<!tpu.dma_semaphore, #tpu.memory_space<semaphore_mem>>)
    %dma_wait3A_31 = arith.constant 0 : i32
    %dma_wait3A_32 = arith.constant 0 : i32
    %dma_wait3A_33 = tpu.memref_slice %arg4[%dma_wait3A_31, %dma_wait3A_32] : memref<102400x128xf32, #tpu.memory_space<hbm>> -> memref<128x128xf32, #tpu.memory_space<hbm>>
    %dma_wait3A_34 = arith.constant 0 : i32
    %dma_wait3A_35 = arith.constant 0 : i32
    %dma_wait3A_36 = tpu.memref_slice %arg4[%dma_wait3A_34, %dma_wait3A_35] : memref<102400x128xf32, #tpu.memory_space<hbm>> -> memref<128x128xf32, #tpu.memory_space<hbm>>
    tpu.wait_dma2 semaphore(%arg10 : memref<!tpu.dma_semaphore, #tpu.memory_space<semaphore_mem>>) src(%arg6 : memref<128x128xf32, #tpu.memory_space<vmem>>) dst(%dma_wait3A_36 : memref<128x128xf32, #tpu.memory_space<hbm>>)
    %dma_wait3A_37 = arith.constant 128 : i32
    %dma_wait3A_38 = arith.constant 0 : i32
    %dma_wait3A_39 = tpu.memref_slice %arg4[%dma_wait3A_37, %dma_wait3A_38] : memref<102400x128xf32, #tpu.memory_space<hbm>> -> memref<128x128xf32, #tpu.memory_space<hbm>>
    %dma_wait3A_40 = arith.constant 128 : i32
    %dma_wait3A_41 = arith.constant 0 : i32
    %dma_wait3A_42 = tpu.memref_slice %arg4[%dma_wait3A_40, %dma_wait3A_41] : memref<102400x128xf32, #tpu.memory_space<hbm>> -> memref<128x128xf32, #tpu.memory_space<hbm>>
    tpu.wait_dma2 semaphore(%arg11 : memref<!tpu.dma_semaphore, #tpu.memory_space<semaphore_mem>>) src(%arg7 : memref<128x128xf32, #tpu.memory_space<vmem>>) dst(%dma_wait3A_42 : memref<128x128xf32, #tpu.memory_space<hbm>>)
    return
  }
}

#map = affine_map<(d0, d1) -> (0)>
#map1 = affine_map<(d0, d1) -> (0, 0)>
module attributes {stable_mosaic.version = 14 : i64} {
  func.func @emb(%arg0: i32, %arg1: i32, %arg2: memref<102400xi32, #tpu.memory_space<hbm>>, %arg3: memref<1000000x128xf32, #tpu.memory_space<hbm>>, %arg4: memref<102400x128xf32, #tpu.memory_space<hbm>>, %arg5: memref<3200xi32, #tpu.memory_space<vmem>>, %arg6: memref<128x128xf32, #tpu.memory_space<vmem>>, %arg7: memref<128x128xf32, #tpu.memory_space<vmem>>, %arg8: memref<!tpu.dma_semaphore, #tpu.memory_space<semaphore_mem>>, %arg9: memref<!tpu.dma_semaphore, #tpu.memory_space<semaphore_mem>>, %arg10: memref<!tpu.dma_semaphore, #tpu.memory_space<semaphore_mem>>, %arg11: memref<!tpu.dma_semaphore, #tpu.memory_space<semaphore_mem>>) attributes {dimension_semantics = [#tpu.dimension_semantics<core_parallel>, #tpu.dimension_semantics<subcore_parallel>], iteration_bounds = array<i64: 2, 16>, scalar_prefetch = 0 : i64, scratch_operands = 7 : i64, tpu.core_type = #tpu.core_type<sc_vector_subcore>, window_params = [{transform_indices = #map}, {transform_indices = #map1}, {transform_indices = #map1}]} {
    %mul3A = arith.constant 2 : i32
    %mul3A_0 = arith.muli %arg1, %mul3A : i32
    %add3A = arith.addi %mul3A_0, %arg0 : i32
    %mul3A_1 = arith.constant 3200 : i32
    %mul3A_2 = arith.muli %add3A, %mul3A_1 : i32
    "tpu.region"() ({
      %run_scoped3A = tpu.sem_alloc : memref<!tpu.dma_semaphore, #tpu.memory_space<semaphore_mem>>
      %dma_start3A_43 = tpu.memref_slice %arg2[%mul3A_2] : memref<102400xi32, #tpu.memory_space<hbm>> -> memref<3200xi32, #tpu.memory_space<hbm>>
      %dma_start3A_44 = tpu.memref_slice %arg2[%mul3A_2] : memref<102400xi32, #tpu.memory_space<hbm>> -> memref<3200xi32, #tpu.memory_space<hbm>>
      tpu.enqueue_dma source(%dma_start3A_44 : memref<3200xi32, #tpu.memory_space<hbm>>) target(%arg5 : memref<3200xi32, #tpu.memory_space<vmem>>) target_semaphore(%run_scoped3A : memref<!tpu.dma_semaphore, #tpu.memory_space<semaphore_mem>>)
      %dma_wait3A_45 = tpu.memref_slice %arg2[%mul3A_2] : memref<102400xi32, #tpu.memory_space<hbm>> -> memref<3200xi32, #tpu.memory_space<hbm>>
      %dma_wait3A_46 = tpu.memref_slice %arg2[%mul3A_2] : memref<102400xi32, #tpu.memory_space<hbm>> -> memref<3200xi32, #tpu.memory_space<hbm>>
      tpu.wait_dma2 semaphore(%run_scoped3A : memref<!tpu.dma_semaphore, #tpu.memory_space<semaphore_mem>>) src(%dma_wait3A_46 : memref<3200xi32, #tpu.memory_space<hbm>>) dst(%arg5 : memref<3200xi32, #tpu.memory_space<vmem>>)
      tpu.yield
    }) : () -> ()
    %scan3A = arith.constant 0 : i32
    %scan3A_3 = arith.constant 12 : i32
    %scan3A_4 = arith.addi %scan3A, %scan3A_3 : i32
    %scan3A_5 = arith.constant 1 : i32
    scf.for %scan3A_43 = %scan3A to %scan3A_4 step %scan3A_5  : i32 {
      %mul3A_44 = arith.constant 2 : i32
      %mul3A_45 = arith.muli %scan3A_43, %mul3A_44 : i32
      %add3A_46 = arith.constant 0 : i32
      %add3A_47 = arith.addi %add3A_46, %mul3A_45 : i32
      %add3A_48 = arith.constant 0 : i32
      %add3A_49 = arith.addi %add3A_47, %add3A_48 : i32
      %mul3A_50 = arith.constant 128 : i32
      %mul3A_51 = arith.muli %add3A_49, %mul3A_50 : i32
      %add3A_52 = arith.addi %mul3A_2, %mul3A_51 : i32
      %multiple_of3A_53 = tpu.assume_multiple %add3A_52, 128 : i32
      %ge3A = arith.constant 2 : i32
      %ge3A_54 = arith.cmpi sge, %add3A_49, %ge3A : i32
      %convert_element_type3A = arith.extui %ge3A_54 : i1 to i32
      %cond3A = arith.constant 0 : i32
      %cond3A_55 = arith.cmpi ne, %convert_element_type3A, %cond3A : i32
      scf.if %cond3A_55 {
        %dma_wait3A_111 = arith.constant 0 : i32
        %dma_wait3A_112 = tpu.memref_slice %arg4[%multiple_of3A_53, %dma_wait3A_111] : memref<102400x128xf32, #tpu.memory_space<hbm>> -> memref<128x128xf32, #tpu.memory_space<hbm>>
        %dma_wait3A_113 = arith.constant 0 : i32
        %dma_wait3A_114 = tpu.memref_slice %arg4[%multiple_of3A_53, %dma_wait3A_113] : memref<102400x128xf32, #tpu.memory_space<hbm>> -> memref<128x128xf32, #tpu.memory_space<hbm>>
        tpu.wait_dma2 semaphore(%arg10 : memref<!tpu.dma_semaphore, #tpu.memory_space<semaphore_mem>>) src(%arg6 : memref<128x128xf32, #tpu.memory_space<vmem>>) dst(%dma_wait3A_114 : memref<128x128xf32, #tpu.memory_space<hbm>>)
      } else {
      }
      %mul3A_56 = arith.constant 128 : i32
      %mul3A_57 = arith.muli %add3A_49, %mul3A_56 : i32
      %add3A_58 = arith.constant 0 : i32
      %add3A_59 = arith.addi %mul3A_57, %add3A_58 : i32
      %dma_start3A_60 = arith.constant 0 : i32
      %dma_start3A_61 = arith.constant 0 : i32
      %dma_start3A_62 = tpu.memref_slice %arg6[%dma_start3A_60, %dma_start3A_61] : memref<128x128xf32, #tpu.memory_space<vmem>> -> memref<128x128xf32, #tpu.memory_space<vmem>>
      %dma_start3A_63 = tpu.memref_slice %arg5[%add3A_59] : memref<3200xi32, #tpu.memory_space<vmem>> -> memref<128xi32, #tpu.memory_space<vmem>>
      %dma_start3A_64 = arith.constant 0 : i32
      %dma_start3A_65 = arith.constant 0 : i32
      %dma_start3A_66 = tpu.memref_slice %arg3[%dma_start3A_64, %dma_start3A_65] : memref<1000000x128xf32, #tpu.memory_space<hbm>> -> memref<1000000x128xf32, #tpu.memory_space<hbm>>
      tpu.enqueue_indirect_dma source(%dma_start3A_66 : memref<1000000x128xf32, #tpu.memory_space<hbm>>) target(%dma_start3A_62 : memref<128x128xf32, #tpu.memory_space<vmem>>) offsets(%dma_start3A_63 : memref<128xi32, #tpu.memory_space<vmem>>) semaphore(%arg8 : memref<!tpu.dma_semaphore, #tpu.memory_space<semaphore_mem>>)
      %dma_wait3A_67 = arith.constant 0 : i32
      %dma_wait3A_68 = arith.constant 0 : i32
      %dma_wait3A_69 = tpu.memref_slice %arg6[%dma_wait3A_67, %dma_wait3A_68] : memref<128x128xf32, #tpu.memory_space<vmem>> -> memref<128x128xf32, #tpu.memory_space<vmem>>
      %dma_wait3A_70 = tpu.memref_slice %arg5[%add3A_59] : memref<3200xi32, #tpu.memory_space<vmem>> -> memref<128xi32, #tpu.memory_space<vmem>>
      %dma_wait3A_71 = arith.constant 0 : i32
      %dma_wait3A_72 = arith.constant 0 : i32
      %dma_wait3A_73 = tpu.memref_slice %arg3[%dma_wait3A_71, %dma_wait3A_72] : memref<1000000x128xf32, #tpu.memory_space<hbm>> -> memref<1000000x128xf32, #tpu.memory_space<hbm>>
      tpu.wait_indirect_dma semaphore(%arg8 : memref<!tpu.dma_semaphore, #tpu.memory_space<semaphore_mem>>) src(%dma_wait3A_73 : memref<1000000x128xf32, #tpu.memory_space<hbm>>) dst(%dma_wait3A_69 : memref<128x128xf32, #tpu.memory_space<vmem>>)
      %dma_start3A_74 = arith.constant 0 : i32
      %dma_start3A_75 = tpu.memref_slice %arg4[%multiple_of3A_53, %dma_start3A_74] : memref<102400x128xf32, #tpu.memory_space<hbm>> -> memref<128x128xf32, #tpu.memory_space<hbm>>
      %dma_start3A_76 = arith.constant 0 : i32
      %dma_start3A_77 = tpu.memref_slice %arg4[%multiple_of3A_53, %dma_start3A_76] : memref<102400x128xf32, #tpu.memory_space<hbm>> -> memref<128x128xf32, #tpu.memory_space<hbm>>
      tpu.enqueue_dma source(%arg6 : memref<128x128xf32, #tpu.memory_space<vmem>>) target(%dma_start3A_77 : memref<128x128xf32, #tpu.memory_space<hbm>>) target_semaphore(%arg10 : memref<!tpu.dma_semaphore, #tpu.memory_space<semaphore_mem>>)
      %add3A_78 = arith.constant 1 : i32
      %add3A_79 = arith.addi %add3A_47, %add3A_78 : i32
      %mul3A_80 = arith.constant 128 : i32
      %mul3A_81 = arith.muli %add3A_79, %mul3A_80 : i32
      %add3A_82 = arith.addi %mul3A_2, %mul3A_81 : i32
      %multiple_of3A_83 = tpu.assume_multiple %add3A_82, 128 : i32
      %ge3A_84 = arith.constant 2 : i32
      %ge3A_85 = arith.cmpi sge, %add3A_79, %ge3A_84 : i32
      %convert_element_type3A_86 = arith.extui %ge3A_85 : i1 to i32
      %cond3A_87 = arith.constant 0 : i32
      %cond3A_88 = arith.cmpi ne, %convert_element_type3A_86, %cond3A_87 : i32
      scf.if %cond3A_88 {
        %dma_wait3A_111 = arith.constant 0 : i32
        %dma_wait3A_112 = tpu.memref_slice %arg4[%multiple_of3A_83, %dma_wait3A_111] : memref<102400x128xf32, #tpu.memory_space<hbm>> -> memref<128x128xf32, #tpu.memory_space<hbm>>
        %dma_wait3A_113 = arith.constant 0 : i32
        %dma_wait3A_114 = tpu.memref_slice %arg4[%multiple_of3A_83, %dma_wait3A_113] : memref<102400x128xf32, #tpu.memory_space<hbm>> -> memref<128x128xf32, #tpu.memory_space<hbm>>
        tpu.wait_dma2 semaphore(%arg11 : memref<!tpu.dma_semaphore, #tpu.memory_space<semaphore_mem>>) src(%arg7 : memref<128x128xf32, #tpu.memory_space<vmem>>) dst(%dma_wait3A_114 : memref<128x128xf32, #tpu.memory_space<hbm>>)
      } else {
      }
      %mul3A_89 = arith.constant 128 : i32
      %mul3A_90 = arith.muli %add3A_79, %mul3A_89 : i32
      %add3A_91 = arith.constant 0 : i32
      %add3A_92 = arith.addi %mul3A_90, %add3A_91 : i32
      %dma_start3A_93 = arith.constant 0 : i32
      %dma_start3A_94 = arith.constant 0 : i32
      %dma_start3A_95 = tpu.memref_slice %arg7[%dma_start3A_93, %dma_start3A_94] : memref<128x128xf32, #tpu.memory_space<vmem>> -> memref<128x128xf32, #tpu.memory_space<vmem>>
      %dma_start3A_96 = tpu.memref_slice %arg5[%add3A_92] : memref<3200xi32, #tpu.memory_space<vmem>> -> memref<128xi32, #tpu.memory_space<vmem>>
      %dma_start3A_97 = arith.constant 0 : i32
      %dma_start3A_98 = arith.constant 0 : i32
      %dma_start3A_99 = tpu.memref_slice %arg3[%dma_start3A_97, %dma_start3A_98] : memref<1000000x128xf32, #tpu.memory_space<hbm>> -> memref<1000000x128xf32, #tpu.memory_space<hbm>>
      tpu.enqueue_indirect_dma source(%dma_start3A_99 : memref<1000000x128xf32, #tpu.memory_space<hbm>>) target(%dma_start3A_95 : memref<128x128xf32, #tpu.memory_space<vmem>>) offsets(%dma_start3A_96 : memref<128xi32, #tpu.memory_space<vmem>>) semaphore(%arg9 : memref<!tpu.dma_semaphore, #tpu.memory_space<semaphore_mem>>)
      %dma_wait3A_100 = arith.constant 0 : i32
      %dma_wait3A_101 = arith.constant 0 : i32
      %dma_wait3A_102 = tpu.memref_slice %arg7[%dma_wait3A_100, %dma_wait3A_101] : memref<128x128xf32, #tpu.memory_space<vmem>> -> memref<128x128xf32, #tpu.memory_space<vmem>>
      %dma_wait3A_103 = tpu.memref_slice %arg5[%add3A_92] : memref<3200xi32, #tpu.memory_space<vmem>> -> memref<128xi32, #tpu.memory_space<vmem>>
      %dma_wait3A_104 = arith.constant 0 : i32
      %dma_wait3A_105 = arith.constant 0 : i32
      %dma_wait3A_106 = tpu.memref_slice %arg3[%dma_wait3A_104, %dma_wait3A_105] : memref<1000000x128xf32, #tpu.memory_space<hbm>> -> memref<1000000x128xf32, #tpu.memory_space<hbm>>
      tpu.wait_indirect_dma semaphore(%arg9 : memref<!tpu.dma_semaphore, #tpu.memory_space<semaphore_mem>>) src(%dma_wait3A_106 : memref<1000000x128xf32, #tpu.memory_space<hbm>>) dst(%dma_wait3A_102 : memref<128x128xf32, #tpu.memory_space<vmem>>)
      %dma_start3A_107 = arith.constant 0 : i32
      %dma_start3A_108 = tpu.memref_slice %arg4[%multiple_of3A_83, %dma_start3A_107] : memref<102400x128xf32, #tpu.memory_space<hbm>> -> memref<128x128xf32, #tpu.memory_space<hbm>>
      %dma_start3A_109 = arith.constant 0 : i32
      %dma_start3A_110 = tpu.memref_slice %arg4[%multiple_of3A_83, %dma_start3A_109] : memref<102400x128xf32, #tpu.memory_space<hbm>> -> memref<128x128xf32, #tpu.memory_space<hbm>>
      tpu.enqueue_dma source(%arg7 : memref<128x128xf32, #tpu.memory_space<vmem>>) target(%dma_start3A_110 : memref<128x128xf32, #tpu.memory_space<hbm>>) target_semaphore(%arg11 : memref<!tpu.dma_semaphore, #tpu.memory_space<semaphore_mem>>)
    }
    %scan3A_6 = arith.constant 12 : i32
    %add3A_7 = arith.constant 3072 : i32
    %add3A_8 = arith.addi %mul3A_2, %add3A_7 : i32
    %multiple_of3A = tpu.assume_multiple %add3A_8, 128 : i32
    %dma_wait3A = arith.constant 0 : i32
    %dma_wait3A_9 = tpu.memref_slice %arg4[%multiple_of3A, %dma_wait3A] : memref<102400x128xf32, #tpu.memory_space<hbm>> -> memref<128x128xf32, #tpu.memory_space<hbm>>
    %dma_wait3A_10 = arith.constant 0 : i32
    %dma_wait3A_11 = tpu.memref_slice %arg4[%multiple_of3A, %dma_wait3A_10] : memref<102400x128xf32, #tpu.memory_space<hbm>> -> memref<128x128xf32, #tpu.memory_space<hbm>>
    tpu.wait_dma2 semaphore(%arg10 : memref<!tpu.dma_semaphore, #tpu.memory_space<semaphore_mem>>) src(%arg6 : memref<128x128xf32, #tpu.memory_space<vmem>>) dst(%dma_wait3A_11 : memref<128x128xf32, #tpu.memory_space<hbm>>)
    %dma_start3A = arith.constant 0 : i32
    %dma_start3A_12 = arith.constant 0 : i32
    %dma_start3A_13 = tpu.memref_slice %arg6[%dma_start3A, %dma_start3A_12] : memref<128x128xf32, #tpu.memory_space<vmem>> -> memref<128x128xf32, #tpu.memory_space<vmem>>
    %dma_start3A_14 = arith.constant 3072 : i32
    %dma_start3A_15 = tpu.memref_slice %arg5[%dma_start3A_14] : memref<3200xi32, #tpu.memory_space<vmem>> -> memref<128xi32, #tpu.memory_space<vmem>>
    %dma_start3A_16 = arith.constant 0 : i32
    %dma_start3A_17 = arith.constant 0 : i32
    %dma_start3A_18 = tpu.memref_slice %arg3[%dma_start3A_16, %dma_start3A_17] : memref<1000000x128xf32, #tpu.memory_space<hbm>> -> memref<1000000x128xf32, #tpu.memory_space<hbm>>
    tpu.enqueue_indirect_dma source(%dma_start3A_18 : memref<1000000x128xf32, #tpu.memory_space<hbm>>) target(%dma_start3A_13 : memref<128x128xf32, #tpu.memory_space<vmem>>) offsets(%dma_start3A_15 : memref<128xi32, #tpu.memory_space<vmem>>) semaphore(%arg8 : memref<!tpu.dma_semaphore, #tpu.memory_space<semaphore_mem>>)
    %dma_wait3A_19 = arith.constant 0 : i32
    %dma_wait3A_20 = arith.constant 0 : i32
    %dma_wait3A_21 = tpu.memref_slice %arg6[%dma_wait3A_19, %dma_wait3A_20] : memref<128x128xf32, #tpu.memory_space<vmem>> -> memref<128x128xf32, #tpu.memory_space<vmem>>
    %dma_wait3A_22 = arith.constant 3072 : i32
    %dma_wait3A_23 = tpu.memref_slice %arg5[%dma_wait3A_22] : memref<3200xi32, #tpu.memory_space<vmem>> -> memref<128xi32, #tpu.memory_space<vmem>>
    %dma_wait3A_24 = arith.constant 0 : i32
    %dma_wait3A_25 = arith.constant 0 : i32
    %dma_wait3A_26 = tpu.memref_slice %arg3[%dma_wait3A_24, %dma_wait3A_25] : memref<1000000x128xf32, #tpu.memory_space<hbm>> -> memref<1000000x128xf32, #tpu.memory_space<hbm>>
    tpu.wait_indirect_dma semaphore(%arg8 : memref<!tpu.dma_semaphore, #tpu.memory_space<semaphore_mem>>) src(%dma_wait3A_26 : memref<1000000x128xf32, #tpu.memory_space<hbm>>) dst(%dma_wait3A_21 : memref<128x128xf32, #tpu.memory_space<vmem>>)
    %dma_start3A_27 = arith.constant 0 : i32
    %dma_start3A_28 = tpu.memref_slice %arg4[%multiple_of3A, %dma_start3A_27] : memref<102400x128xf32, #tpu.memory_space<hbm>> -> memref<128x128xf32, #tpu.memory_space<hbm>>
    %dma_start3A_29 = arith.constant 0 : i32
    %dma_start3A_30 = tpu.memref_slice %arg4[%multiple_of3A, %dma_start3A_29] : memref<102400x128xf32, #tpu.memory_space<hbm>> -> memref<128x128xf32, #tpu.memory_space<hbm>>
    tpu.enqueue_dma source(%arg6 : memref<128x128xf32, #tpu.memory_space<vmem>>) target(%dma_start3A_30 : memref<128x128xf32, #tpu.memory_space<hbm>>) target_semaphore(%arg10 : memref<!tpu.dma_semaphore, #tpu.memory_space<semaphore_mem>>)
    %dma_wait3A_31 = arith.constant 0 : i32
    %dma_wait3A_32 = arith.constant 0 : i32
    %dma_wait3A_33 = tpu.memref_slice %arg4[%dma_wait3A_31, %dma_wait3A_32] : memref<102400x128xf32, #tpu.memory_space<hbm>> -> memref<128x128xf32, #tpu.memory_space<hbm>>
    %dma_wait3A_34 = arith.constant 0 : i32
    %dma_wait3A_35 = arith.constant 0 : i32
    %dma_wait3A_36 = tpu.memref_slice %arg4[%dma_wait3A_34, %dma_wait3A_35] : memref<102400x128xf32, #tpu.memory_space<hbm>> -> memref<128x128xf32, #tpu.memory_space<hbm>>
    tpu.wait_dma2 semaphore(%arg10 : memref<!tpu.dma_semaphore, #tpu.memory_space<semaphore_mem>>) src(%arg6 : memref<128x128xf32, #tpu.memory_space<vmem>>) dst(%dma_wait3A_36 : memref<128x128xf32, #tpu.memory_space<hbm>>)
    %dma_wait3A_37 = arith.constant 128 : i32
    %dma_wait3A_38 = arith.constant 0 : i32
    %dma_wait3A_39 = tpu.memref_slice %arg4[%dma_wait3A_37, %dma_wait3A_38] : memref<102400x128xf32, #tpu.memory_space<hbm>> -> memref<128x128xf32, #tpu.memory_space<hbm>>
    %dma_wait3A_40 = arith.constant 128 : i32
    %dma_wait3A_41 = arith.constant 0 : i32
    %dma_wait3A_42 = tpu.memref_slice %arg4[%dma_wait3A_40, %dma_wait3A_41] : memref<102400x128xf32, #tpu.memory_space<hbm>> -> memref<128x128xf32, #tpu.memory_space<hbm>>
    tpu.wait_dma2 semaphore(%arg11 : memref<!tpu.dma_semaphore, #tpu.memory_space<semaphore_mem>>) src(%arg7 : memref<128x128xf32, #tpu.memory_space<vmem>>) dst(%dma_wait3A_42 : memref<128x128xf32, #tpu.memory_space<hbm>>)
    return
  }
}

#map = affine_map<(d0, d1) -> (0)>
#map1 = affine_map<(d0, d1) -> (0, 0)>
module attributes {stable_mosaic.version = 14 : i64} {
  func.func @emb(%arg0: i32, %arg1: i32, %arg2: memref<102400xi32, #tpu.memory_space<hbm>>, %arg3: memref<1000000x128xf32, #tpu.memory_space<hbm>>, %arg4: memref<102400x128xf32, #tpu.memory_space<hbm>>, %arg5: memref<3200xi32, #tpu.memory_space<vmem>>, %arg6: memref<128x128xf32, #tpu.memory_space<vmem>>, %arg7: memref<128x128xf32, #tpu.memory_space<vmem>>, %arg8: memref<!tpu.dma_semaphore, #tpu.memory_space<semaphore_mem>>, %arg9: memref<!tpu.dma_semaphore, #tpu.memory_space<semaphore_mem>>, %arg10: memref<!tpu.dma_semaphore, #tpu.memory_space<semaphore_mem>>, %arg11: memref<!tpu.dma_semaphore, #tpu.memory_space<semaphore_mem>>) attributes {dimension_semantics = [#tpu.dimension_semantics<core_parallel>, #tpu.dimension_semantics<subcore_parallel>], iteration_bounds = array<i64: 2, 16>, scalar_prefetch = 0 : i64, scratch_operands = 7 : i64, tpu.core_type = #tpu.core_type<sc_vector_subcore>, window_params = [{transform_indices = #map}, {transform_indices = #map1}, {transform_indices = #map1}]} {
    %mul3A = arith.constant 2 : i32
    %mul3A_0 = arith.muli %arg1, %mul3A : i32
    %add3A = arith.addi %mul3A_0, %arg0 : i32
    %mul3A_1 = arith.constant 3200 : i32
    %mul3A_2 = arith.muli %add3A, %mul3A_1 : i32
    "tpu.region"() ({
      %run_scoped3A = tpu.sem_alloc : memref<!tpu.dma_semaphore, #tpu.memory_space<semaphore_mem>>
      %dma_start3A_43 = tpu.memref_slice %arg2[%mul3A_2] : memref<102400xi32, #tpu.memory_space<hbm>> -> memref<3200xi32, #tpu.memory_space<hbm>>
      %dma_start3A_44 = tpu.memref_slice %arg2[%mul3A_2] : memref<102400xi32, #tpu.memory_space<hbm>> -> memref<3200xi32, #tpu.memory_space<hbm>>
      tpu.enqueue_dma source(%dma_start3A_44 : memref<3200xi32, #tpu.memory_space<hbm>>) target(%arg5 : memref<3200xi32, #tpu.memory_space<vmem>>) target_semaphore(%run_scoped3A : memref<!tpu.dma_semaphore, #tpu.memory_space<semaphore_mem>>)
      %dma_wait3A_45 = tpu.memref_slice %arg2[%mul3A_2] : memref<102400xi32, #tpu.memory_space<hbm>> -> memref<3200xi32, #tpu.memory_space<hbm>>
      %dma_wait3A_46 = tpu.memref_slice %arg2[%mul3A_2] : memref<102400xi32, #tpu.memory_space<hbm>> -> memref<3200xi32, #tpu.memory_space<hbm>>
      tpu.wait_dma2 semaphore(%run_scoped3A : memref<!tpu.dma_semaphore, #tpu.memory_space<semaphore_mem>>) src(%dma_wait3A_46 : memref<3200xi32, #tpu.memory_space<hbm>>) dst(%arg5 : memref<3200xi32, #tpu.memory_space<vmem>>)
      tpu.yield
    }) : () -> ()
    %scan3A = arith.constant 0 : i32
    %scan3A_3 = arith.constant 12 : i32
    %scan3A_4 = arith.addi %scan3A, %scan3A_3 : i32
    %scan3A_5 = arith.constant 1 : i32
    scf.for %scan3A_43 = %scan3A to %scan3A_4 step %scan3A_5  : i32 {
      %mul3A_44 = arith.constant 2 : i32
      %mul3A_45 = arith.muli %scan3A_43, %mul3A_44 : i32
      %add3A_46 = arith.constant 0 : i32
      %add3A_47 = arith.addi %add3A_46, %mul3A_45 : i32
      %add3A_48 = arith.constant 0 : i32
      %add3A_49 = arith.addi %add3A_47, %add3A_48 : i32
      %mul3A_50 = arith.constant 128 : i32
      %mul3A_51 = arith.muli %add3A_49, %mul3A_50 : i32
      %add3A_52 = arith.addi %mul3A_2, %mul3A_51 : i32
      %multiple_of3A_53 = tpu.assume_multiple %add3A_52, 128 : i32
      %ge3A = arith.constant 2 : i32
      %ge3A_54 = arith.cmpi sge, %add3A_49, %ge3A : i32
      %convert_element_type3A = arith.extui %ge3A_54 : i1 to i32
      %cond3A = arith.constant 0 : i32
      %cond3A_55 = arith.cmpi ne, %convert_element_type3A, %cond3A : i32
      scf.if %cond3A_55 {
        %dma_wait3A_111 = arith.constant 0 : i32
        %dma_wait3A_112 = tpu.memref_slice %arg4[%multiple_of3A_53, %dma_wait3A_111] : memref<102400x128xf32, #tpu.memory_space<hbm>> -> memref<128x128xf32, #tpu.memory_space<hbm>>
        %dma_wait3A_113 = arith.constant 0 : i32
        %dma_wait3A_114 = tpu.memref_slice %arg4[%multiple_of3A_53, %dma_wait3A_113] : memref<102400x128xf32, #tpu.memory_space<hbm>> -> memref<128x128xf32, #tpu.memory_space<hbm>>
        tpu.wait_dma2 semaphore(%arg10 : memref<!tpu.dma_semaphore, #tpu.memory_space<semaphore_mem>>) src(%arg6 : memref<128x128xf32, #tpu.memory_space<vmem>>) dst(%dma_wait3A_114 : memref<128x128xf32, #tpu.memory_space<hbm>>)
      } else {
      }
      %mul3A_56 = arith.constant 128 : i32
      %mul3A_57 = arith.muli %add3A_49, %mul3A_56 : i32
      %add3A_58 = arith.constant 0 : i32
      %add3A_59 = arith.addi %mul3A_57, %add3A_58 : i32
      %dma_start3A_60 = arith.constant 0 : i32
      %dma_start3A_61 = arith.constant 0 : i32
      %dma_start3A_62 = tpu.memref_slice %arg6[%dma_start3A_60, %dma_start3A_61] : memref<128x128xf32, #tpu.memory_space<vmem>> -> memref<128x128xf32, #tpu.memory_space<vmem>>
      %dma_start3A_63 = tpu.memref_slice %arg5[%add3A_59] : memref<3200xi32, #tpu.memory_space<vmem>> -> memref<128xi32, #tpu.memory_space<vmem>>
      %dma_start3A_64 = arith.constant 0 : i32
      %dma_start3A_65 = arith.constant 0 : i32
      %dma_start3A_66 = tpu.memref_slice %arg3[%dma_start3A_64, %dma_start3A_65] : memref<1000000x128xf32, #tpu.memory_space<hbm>> -> memref<1000000x128xf32, #tpu.memory_space<hbm>>
      tpu.enqueue_indirect_dma source(%dma_start3A_66 : memref<1000000x128xf32, #tpu.memory_space<hbm>>) target(%dma_start3A_62 : memref<128x128xf32, #tpu.memory_space<vmem>>) offsets(%dma_start3A_63 : memref<128xi32, #tpu.memory_space<vmem>>) semaphore(%arg8 : memref<!tpu.dma_semaphore, #tpu.memory_space<semaphore_mem>>)
      %dma_wait3A_67 = arith.constant 0 : i32
      %dma_wait3A_68 = arith.constant 0 : i32
      %dma_wait3A_69 = tpu.memref_slice %arg6[%dma_wait3A_67, %dma_wait3A_68] : memref<128x128xf32, #tpu.memory_space<vmem>> -> memref<128x128xf32, #tpu.memory_space<vmem>>
      %dma_wait3A_70 = tpu.memref_slice %arg5[%add3A_59] : memref<3200xi32, #tpu.memory_space<vmem>> -> memref<128xi32, #tpu.memory_space<vmem>>
      %dma_wait3A_71 = arith.constant 0 : i32
      %dma_wait3A_72 = arith.constant 0 : i32
      %dma_wait3A_73 = tpu.memref_slice %arg3[%dma_wait3A_71, %dma_wait3A_72] : memref<1000000x128xf32, #tpu.memory_space<hbm>> -> memref<1000000x128xf32, #tpu.memory_space<hbm>>
      tpu.wait_indirect_dma semaphore(%arg8 : memref<!tpu.dma_semaphore, #tpu.memory_space<semaphore_mem>>) src(%dma_wait3A_73 : memref<1000000x128xf32, #tpu.memory_space<hbm>>) dst(%dma_wait3A_69 : memref<128x128xf32, #tpu.memory_space<vmem>>)
      %dma_start3A_74 = arith.constant 0 : i32
      %dma_start3A_75 = tpu.memref_slice %arg4[%multiple_of3A_53, %dma_start3A_74] : memref<102400x128xf32, #tpu.memory_space<hbm>> -> memref<128x128xf32, #tpu.memory_space<hbm>>
      %dma_start3A_76 = arith.constant 0 : i32
      %dma_start3A_77 = tpu.memref_slice %arg4[%multiple_of3A_53, %dma_start3A_76] : memref<102400x128xf32, #tpu.memory_space<hbm>> -> memref<128x128xf32, #tpu.memory_space<hbm>>
      tpu.enqueue_dma source(%arg6 : memref<128x128xf32, #tpu.memory_space<vmem>>) target(%dma_start3A_77 : memref<128x128xf32, #tpu.memory_space<hbm>>) target_semaphore(%arg10 : memref<!tpu.dma_semaphore, #tpu.memory_space<semaphore_mem>>)
      %add3A_78 = arith.constant 1 : i32
      %add3A_79 = arith.addi %add3A_47, %add3A_78 : i32
      %mul3A_80 = arith.constant 128 : i32
      %mul3A_81 = arith.muli %add3A_79, %mul3A_80 : i32
      %add3A_82 = arith.addi %mul3A_2, %mul3A_81 : i32
      %multiple_of3A_83 = tpu.assume_multiple %add3A_82, 128 : i32
      %ge3A_84 = arith.constant 2 : i32
      %ge3A_85 = arith.cmpi sge, %add3A_79, %ge3A_84 : i32
      %convert_element_type3A_86 = arith.extui %ge3A_85 : i1 to i32
      %cond3A_87 = arith.constant 0 : i32
      %cond3A_88 = arith.cmpi ne, %convert_element_type3A_86, %cond3A_87 : i32
      scf.if %cond3A_88 {
        %dma_wait3A_111 = arith.constant 0 : i32
        %dma_wait3A_112 = tpu.memref_slice %arg4[%multiple_of3A_83, %dma_wait3A_111] : memref<102400x128xf32, #tpu.memory_space<hbm>> -> memref<128x128xf32, #tpu.memory_space<hbm>>
        %dma_wait3A_113 = arith.constant 0 : i32
        %dma_wait3A_114 = tpu.memref_slice %arg4[%multiple_of3A_83, %dma_wait3A_113] : memref<102400x128xf32, #tpu.memory_space<hbm>> -> memref<128x128xf32, #tpu.memory_space<hbm>>
        tpu.wait_dma2 semaphore(%arg11 : memref<!tpu.dma_semaphore, #tpu.memory_space<semaphore_mem>>) src(%arg7 : memref<128x128xf32, #tpu.memory_space<vmem>>) dst(%dma_wait3A_114 : memref<128x128xf32, #tpu.memory_space<hbm>>)
      } else {
      }
      %mul3A_89 = arith.constant 128 : i32
      %mul3A_90 = arith.muli %add3A_79, %mul3A_89 : i32
      %add3A_91 = arith.constant 0 : i32
      %add3A_92 = arith.addi %mul3A_90, %add3A_91 : i32
      %dma_start3A_93 = arith.constant 0 : i32
      %dma_start3A_94 = arith.constant 0 : i32
      %dma_start3A_95 = tpu.memref_slice %arg7[%dma_start3A_93, %dma_start3A_94] : memref<128x128xf32, #tpu.memory_space<vmem>> -> memref<128x128xf32, #tpu.memory_space<vmem>>
      %dma_start3A_96 = tpu.memref_slice %arg5[%add3A_92] : memref<3200xi32, #tpu.memory_space<vmem>> -> memref<128xi32, #tpu.memory_space<vmem>>
      %dma_start3A_97 = arith.constant 0 : i32
      %dma_start3A_98 = arith.constant 0 : i32
      %dma_start3A_99 = tpu.memref_slice %arg3[%dma_start3A_97, %dma_start3A_98] : memref<1000000x128xf32, #tpu.memory_space<hbm>> -> memref<1000000x128xf32, #tpu.memory_space<hbm>>
      tpu.enqueue_indirect_dma source(%dma_start3A_99 : memref<1000000x128xf32, #tpu.memory_space<hbm>>) target(%dma_start3A_95 : memref<128x128xf32, #tpu.memory_space<vmem>>) offsets(%dma_start3A_96 : memref<128xi32, #tpu.memory_space<vmem>>) semaphore(%arg9 : memref<!tpu.dma_semaphore, #tpu.memory_space<semaphore_mem>>)
      %dma_wait3A_100 = arith.constant 0 : i32
      %dma_wait3A_101 = arith.constant 0 : i32
      %dma_wait3A_102 = tpu.memref_slice %arg7[%dma_wait3A_100, %dma_wait3A_101] : memref<128x128xf32, #tpu.memory_space<vmem>> -> memref<128x128xf32, #tpu.memory_space<vmem>>
      %dma_wait3A_103 = tpu.memref_slice %arg5[%add3A_92] : memref<3200xi32, #tpu.memory_space<vmem>> -> memref<128xi32, #tpu.memory_space<vmem>>
      %dma_wait3A_104 = arith.constant 0 : i32
      %dma_wait3A_105 = arith.constant 0 : i32
      %dma_wait3A_106 = tpu.memref_slice %arg3[%dma_wait3A_104, %dma_wait3A_105] : memref<1000000x128xf32, #tpu.memory_space<hbm>> -> memref<1000000x128xf32, #tpu.memory_space<hbm>>
      tpu.wait_indirect_dma semaphore(%arg9 : memref<!tpu.dma_semaphore, #tpu.memory_space<semaphore_mem>>) src(%dma_wait3A_106 : memref<1000000x128xf32, #tpu.memory_space<hbm>>) dst(%dma_wait3A_102 : memref<128x128xf32, #tpu.memory_space<vmem>>)
      %dma_start3A_107 = arith.constant 0 : i32
      %dma_start3A_108 = tpu.memref_slice %arg4[%multiple_of3A_83, %dma_start3A_107] : memref<102400x128xf32, #tpu.memory_space<hbm>> -> memref<128x128xf32, #tpu.memory_space<hbm>>
      %dma_start3A_109 = arith.constant 0 : i32
      %dma_start3A_110 = tpu.memref_slice %arg4[%multiple_of3A_83, %dma_start3A_109] : memref<102400x128xf32, #tpu.memory_space<hbm>> -> memref<128x128xf32, #tpu.memory_space<hbm>>
      tpu.enqueue_dma source(%arg7 : memref<128x128xf32, #tpu.memory_space<vmem>>) target(%dma_start3A_110 : memref<128x128xf32, #tpu.memory_space<hbm>>) target_semaphore(%arg11 : memref<!tpu.dma_semaphore, #tpu.memory_space<semaphore_mem>>)
    }
    %scan3A_6 = arith.constant 12 : i32
    %add3A_7 = arith.constant 3072 : i32
    %add3A_8 = arith.addi %mul3A_2, %add3A_7 : i32
    %multiple_of3A = tpu.assume_multiple %add3A_8, 128 : i32
    %dma_wait3A = arith.constant 0 : i32
    %dma_wait3A_9 = tpu.memref_slice %arg4[%multiple_of3A, %dma_wait3A] : memref<102400x128xf32, #tpu.memory_space<hbm>> -> memref<128x128xf32, #tpu.memory_space<hbm>>
    %dma_wait3A_10 = arith.constant 0 : i32
    %dma_wait3A_11 = tpu.memref_slice %arg4[%multiple_of3A, %dma_wait3A_10] : memref<102400x128xf32, #tpu.memory_space<hbm>> -> memref<128x128xf32, #tpu.memory_space<hbm>>
    tpu.wait_dma2 semaphore(%arg10 : memref<!tpu.dma_semaphore, #tpu.memory_space<semaphore_mem>>) src(%arg6 : memref<128x128xf32, #tpu.memory_space<vmem>>) dst(%dma_wait3A_11 : memref<128x128xf32, #tpu.memory_space<hbm>>)
    %dma_start3A = arith.constant 0 : i32
    %dma_start3A_12 = arith.constant 0 : i32
    %dma_start3A_13 = tpu.memref_slice %arg6[%dma_start3A, %dma_start3A_12] : memref<128x128xf32, #tpu.memory_space<vmem>> -> memref<128x128xf32, #tpu.memory_space<vmem>>
    %dma_start3A_14 = arith.constant 3072 : i32
    %dma_start3A_15 = tpu.memref_slice %arg5[%dma_start3A_14] : memref<3200xi32, #tpu.memory_space<vmem>> -> memref<128xi32, #tpu.memory_space<vmem>>
    %dma_start3A_16 = arith.constant 0 : i32
    %dma_start3A_17 = arith.constant 0 : i32
    %dma_start3A_18 = tpu.memref_slice %arg3[%dma_start3A_16, %dma_start3A_17] : memref<1000000x128xf32, #tpu.memory_space<hbm>> -> memref<1000000x128xf32, #tpu.memory_space<hbm>>
    tpu.enqueue_indirect_dma source(%dma_start3A_18 : memref<1000000x128xf32, #tpu.memory_space<hbm>>) target(%dma_start3A_13 : memref<128x128xf32, #tpu.memory_space<vmem>>) offsets(%dma_start3A_15 : memref<128xi32, #tpu.memory_space<vmem>>) semaphore(%arg8 : memref<!tpu.dma_semaphore, #tpu.memory_space<semaphore_mem>>)
    %dma_wait3A_19 = arith.constant 0 : i32
    %dma_wait3A_20 = arith.constant 0 : i32
    %dma_wait3A_21 = tpu.memref_slice %arg6[%dma_wait3A_19, %dma_wait3A_20] : memref<128x128xf32, #tpu.memory_space<vmem>> -> memref<128x128xf32, #tpu.memory_space<vmem>>
    %dma_wait3A_22 = arith.constant 3072 : i32
    %dma_wait3A_23 = tpu.memref_slice %arg5[%dma_wait3A_22] : memref<3200xi32, #tpu.memory_space<vmem>> -> memref<128xi32, #tpu.memory_space<vmem>>
    %dma_wait3A_24 = arith.constant 0 : i32
    %dma_wait3A_25 = arith.constant 0 : i32
    %dma_wait3A_26 = tpu.memref_slice %arg3[%dma_wait3A_24, %dma_wait3A_25] : memref<1000000x128xf32, #tpu.memory_space<hbm>> -> memref<1000000x128xf32, #tpu.memory_space<hbm>>
    tpu.wait_indirect_dma semaphore(%arg8 : memref<!tpu.dma_semaphore, #tpu.memory_space<semaphore_mem>>) src(%dma_wait3A_26 : memref<1000000x128xf32, #tpu.memory_space<hbm>>) dst(%dma_wait3A_21 : memref<128x128xf32, #tpu.memory_space<vmem>>)
    %dma_start3A_27 = arith.constant 0 : i32
    %dma_start3A_28 = tpu.memref_slice %arg4[%multiple_of3A, %dma_start3A_27] : memref<102400x128xf32, #tpu.memory_space<hbm>> -> memref<128x128xf32, #tpu.memory_space<hbm>>
    %dma_start3A_29 = arith.constant 0 : i32
    %dma_start3A_30 = tpu.memref_slice %arg4[%multiple_of3A, %dma_start3A_29] : memref<102400x128xf32, #tpu.memory_space<hbm>> -> memref<128x128xf32, #tpu.memory_space<hbm>>
    tpu.enqueue_dma source(%arg6 : memref<128x128xf32, #tpu.memory_space<vmem>>) target(%dma_start3A_30 : memref<128x128xf32, #tpu.memory_space<hbm>>) target_semaphore(%arg10 : memref<!tpu.dma_semaphore, #tpu.memory_space<semaphore_mem>>)
    %dma_wait3A_31 = arith.constant 0 : i32
    %dma_wait3A_32 = arith.constant 0 : i32
    %dma_wait3A_33 = tpu.memref_slice %arg4[%dma_wait3A_31, %dma_wait3A_32] : memref<102400x128xf32, #tpu.memory_space<hbm>> -> memref<128x128xf32, #tpu.memory_space<hbm>>
    %dma_wait3A_34 = arith.constant 0 : i32
    %dma_wait3A_35 = arith.constant 0 : i32
    %dma_wait3A_36 = tpu.memref_slice %arg4[%dma_wait3A_34, %dma_wait3A_35] : memref<102400x128xf32, #tpu.memory_space<hbm>> -> memref<128x128xf32, #tpu.memory_space<hbm>>
    tpu.wait_dma2 semaphore(%arg10 : memref<!tpu.dma_semaphore, #tpu.memory_space<semaphore_mem>>) src(%arg6 : memref<128x128xf32, #tpu.memory_space<vmem>>) dst(%dma_wait3A_36 : memref<128x128xf32, #tpu.memory_space<hbm>>)
    %dma_wait3A_37 = arith.constant 128 : i32
    %dma_wait3A_38 = arith.constant 0 : i32
    %dma_wait3A_39 = tpu.memref_slice %arg4[%dma_wait3A_37, %dma_wait3A_38] : memref<102400x128xf32, #tpu.memory_space<hbm>> -> memref<128x128xf32, #tpu.memory_space<hbm>>
    %dma_wait3A_40 = arith.constant 128 : i32
    %dma_wait3A_41 = arith.constant 0 : i32
    %dma_wait3A_42 = tpu.memref_slice %arg4[%dma_wait3A_40, %dma_wait3A_41] : memref<102400x128xf32, #tpu.memory_space<hbm>> -> memref<128x128xf32, #tpu.memory_space<hbm>>
    tpu.wait_dma2 semaphore(%arg11 : memref<!tpu.dma_semaphore, #tpu.memory_space<semaphore_mem>>) src(%arg7 : memref<128x128xf32, #tpu.memory_space<vmem>>) dst(%dma_wait3A_42 : memref<128x128xf32, #tpu.memory_space<hbm>>)
    return
  }
}

#map = affine_map<(d0, d1) -> (0)>
#map1 = affine_map<(d0, d1) -> (0, 0)>
module attributes {stable_mosaic.version = 14 : i64} {
  func.func @emb(%arg0: i32, %arg1: i32, %arg2: memref<102400xi32, #tpu.memory_space<hbm>>, %arg3: memref<1000000x128xf32, #tpu.memory_space<hbm>>, %arg4: memref<102400x128xf32, #tpu.memory_space<hbm>>, %arg5: memref<3200xi32, #tpu.memory_space<vmem>>, %arg6: memref<128x128xf32, #tpu.memory_space<vmem>>, %arg7: memref<128x128xf32, #tpu.memory_space<vmem>>, %arg8: memref<!tpu.dma_semaphore, #tpu.memory_space<semaphore_mem>>, %arg9: memref<!tpu.dma_semaphore, #tpu.memory_space<semaphore_mem>>, %arg10: memref<!tpu.dma_semaphore, #tpu.memory_space<semaphore_mem>>, %arg11: memref<!tpu.dma_semaphore, #tpu.memory_space<semaphore_mem>>) attributes {dimension_semantics = [#tpu.dimension_semantics<core_parallel>, #tpu.dimension_semantics<subcore_parallel>], iteration_bounds = array<i64: 2, 16>, scalar_prefetch = 0 : i64, scratch_operands = 7 : i64, tpu.core_type = #tpu.core_type<sc_vector_subcore>, window_params = [{transform_indices = #map}, {transform_indices = #map1}, {transform_indices = #map1}]} {
    %mul3A = arith.constant 2 : i32
    %mul3A_0 = arith.muli %arg1, %mul3A : i32
    %add3A = arith.addi %mul3A_0, %arg0 : i32
    %mul3A_1 = arith.constant 3200 : i32
    %mul3A_2 = arith.muli %add3A, %mul3A_1 : i32
    "tpu.region"() ({
      %run_scoped3A = tpu.sem_alloc : memref<!tpu.dma_semaphore, #tpu.memory_space<semaphore_mem>>
      %dma_start3A_43 = tpu.memref_slice %arg2[%mul3A_2] : memref<102400xi32, #tpu.memory_space<hbm>> -> memref<3200xi32, #tpu.memory_space<hbm>>
      %dma_start3A_44 = tpu.memref_slice %arg2[%mul3A_2] : memref<102400xi32, #tpu.memory_space<hbm>> -> memref<3200xi32, #tpu.memory_space<hbm>>
      tpu.enqueue_dma source(%dma_start3A_44 : memref<3200xi32, #tpu.memory_space<hbm>>) target(%arg5 : memref<3200xi32, #tpu.memory_space<vmem>>) target_semaphore(%run_scoped3A : memref<!tpu.dma_semaphore, #tpu.memory_space<semaphore_mem>>)
      %dma_wait3A_45 = tpu.memref_slice %arg2[%mul3A_2] : memref<102400xi32, #tpu.memory_space<hbm>> -> memref<3200xi32, #tpu.memory_space<hbm>>
      %dma_wait3A_46 = tpu.memref_slice %arg2[%mul3A_2] : memref<102400xi32, #tpu.memory_space<hbm>> -> memref<3200xi32, #tpu.memory_space<hbm>>
      tpu.wait_dma2 semaphore(%run_scoped3A : memref<!tpu.dma_semaphore, #tpu.memory_space<semaphore_mem>>) src(%dma_wait3A_46 : memref<3200xi32, #tpu.memory_space<hbm>>) dst(%arg5 : memref<3200xi32, #tpu.memory_space<vmem>>)
      tpu.yield
    }) : () -> ()
    %scan3A = arith.constant 0 : i32
    %scan3A_3 = arith.constant 12 : i32
    %scan3A_4 = arith.addi %scan3A, %scan3A_3 : i32
    %scan3A_5 = arith.constant 1 : i32
    scf.for %scan3A_43 = %scan3A to %scan3A_4 step %scan3A_5  : i32 {
      %mul3A_44 = arith.constant 2 : i32
      %mul3A_45 = arith.muli %scan3A_43, %mul3A_44 : i32
      %add3A_46 = arith.constant 0 : i32
      %add3A_47 = arith.addi %add3A_46, %mul3A_45 : i32
      %add3A_48 = arith.constant 0 : i32
      %add3A_49 = arith.addi %add3A_47, %add3A_48 : i32
      %mul3A_50 = arith.constant 128 : i32
      %mul3A_51 = arith.muli %add3A_49, %mul3A_50 : i32
      %add3A_52 = arith.addi %mul3A_2, %mul3A_51 : i32
      %multiple_of3A_53 = tpu.assume_multiple %add3A_52, 128 : i32
      %ge3A = arith.constant 2 : i32
      %ge3A_54 = arith.cmpi sge, %add3A_49, %ge3A : i32
      %convert_element_type3A = arith.extui %ge3A_54 : i1 to i32
      %cond3A = arith.constant 0 : i32
      %cond3A_55 = arith.cmpi ne, %convert_element_type3A, %cond3A : i32
      scf.if %cond3A_55 {
        %dma_wait3A_111 = arith.constant 0 : i32
        %dma_wait3A_112 = tpu.memref_slice %arg4[%multiple_of3A_53, %dma_wait3A_111] : memref<102400x128xf32, #tpu.memory_space<hbm>> -> memref<128x128xf32, #tpu.memory_space<hbm>>
        %dma_wait3A_113 = arith.constant 0 : i32
        %dma_wait3A_114 = tpu.memref_slice %arg4[%multiple_of3A_53, %dma_wait3A_113] : memref<102400x128xf32, #tpu.memory_space<hbm>> -> memref<128x128xf32, #tpu.memory_space<hbm>>
        tpu.wait_dma2 semaphore(%arg10 : memref<!tpu.dma_semaphore, #tpu.memory_space<semaphore_mem>>) src(%arg6 : memref<128x128xf32, #tpu.memory_space<vmem>>) dst(%dma_wait3A_114 : memref<128x128xf32, #tpu.memory_space<hbm>>)
      } else {
      }
      %mul3A_56 = arith.constant 128 : i32
      %mul3A_57 = arith.muli %add3A_49, %mul3A_56 : i32
      %add3A_58 = arith.constant 0 : i32
      %add3A_59 = arith.addi %mul3A_57, %add3A_58 : i32
      %dma_start3A_60 = arith.constant 0 : i32
      %dma_start3A_61 = arith.constant 0 : i32
      %dma_start3A_62 = tpu.memref_slice %arg6[%dma_start3A_60, %dma_start3A_61] : memref<128x128xf32, #tpu.memory_space<vmem>> -> memref<128x128xf32, #tpu.memory_space<vmem>>
      %dma_start3A_63 = tpu.memref_slice %arg5[%add3A_59] : memref<3200xi32, #tpu.memory_space<vmem>> -> memref<128xi32, #tpu.memory_space<vmem>>
      %dma_start3A_64 = arith.constant 0 : i32
      %dma_start3A_65 = arith.constant 0 : i32
      %dma_start3A_66 = tpu.memref_slice %arg3[%dma_start3A_64, %dma_start3A_65] : memref<1000000x128xf32, #tpu.memory_space<hbm>> -> memref<1000000x128xf32, #tpu.memory_space<hbm>>
      tpu.enqueue_indirect_dma source(%dma_start3A_66 : memref<1000000x128xf32, #tpu.memory_space<hbm>>) target(%dma_start3A_62 : memref<128x128xf32, #tpu.memory_space<vmem>>) offsets(%dma_start3A_63 : memref<128xi32, #tpu.memory_space<vmem>>) semaphore(%arg8 : memref<!tpu.dma_semaphore, #tpu.memory_space<semaphore_mem>>)
      %dma_wait3A_67 = arith.constant 0 : i32
      %dma_wait3A_68 = arith.constant 0 : i32
      %dma_wait3A_69 = tpu.memref_slice %arg6[%dma_wait3A_67, %dma_wait3A_68] : memref<128x128xf32, #tpu.memory_space<vmem>> -> memref<128x128xf32, #tpu.memory_space<vmem>>
      %dma_wait3A_70 = tpu.memref_slice %arg5[%add3A_59] : memref<3200xi32, #tpu.memory_space<vmem>> -> memref<128xi32, #tpu.memory_space<vmem>>
      %dma_wait3A_71 = arith.constant 0 : i32
      %dma_wait3A_72 = arith.constant 0 : i32
      %dma_wait3A_73 = tpu.memref_slice %arg3[%dma_wait3A_71, %dma_wait3A_72] : memref<1000000x128xf32, #tpu.memory_space<hbm>> -> memref<1000000x128xf32, #tpu.memory_space<hbm>>
      tpu.wait_indirect_dma semaphore(%arg8 : memref<!tpu.dma_semaphore, #tpu.memory_space<semaphore_mem>>) src(%dma_wait3A_73 : memref<1000000x128xf32, #tpu.memory_space<hbm>>) dst(%dma_wait3A_69 : memref<128x128xf32, #tpu.memory_space<vmem>>)
      %dma_start3A_74 = arith.constant 0 : i32
      %dma_start3A_75 = tpu.memref_slice %arg4[%multiple_of3A_53, %dma_start3A_74] : memref<102400x128xf32, #tpu.memory_space<hbm>> -> memref<128x128xf32, #tpu.memory_space<hbm>>
      %dma_start3A_76 = arith.constant 0 : i32
      %dma_start3A_77 = tpu.memref_slice %arg4[%multiple_of3A_53, %dma_start3A_76] : memref<102400x128xf32, #tpu.memory_space<hbm>> -> memref<128x128xf32, #tpu.memory_space<hbm>>
      tpu.enqueue_dma source(%arg6 : memref<128x128xf32, #tpu.memory_space<vmem>>) target(%dma_start3A_77 : memref<128x128xf32, #tpu.memory_space<hbm>>) target_semaphore(%arg10 : memref<!tpu.dma_semaphore, #tpu.memory_space<semaphore_mem>>)
      %add3A_78 = arith.constant 1 : i32
      %add3A_79 = arith.addi %add3A_47, %add3A_78 : i32
      %mul3A_80 = arith.constant 128 : i32
      %mul3A_81 = arith.muli %add3A_79, %mul3A_80 : i32
      %add3A_82 = arith.addi %mul3A_2, %mul3A_81 : i32
      %multiple_of3A_83 = tpu.assume_multiple %add3A_82, 128 : i32
      %ge3A_84 = arith.constant 2 : i32
      %ge3A_85 = arith.cmpi sge, %add3A_79, %ge3A_84 : i32
      %convert_element_type3A_86 = arith.extui %ge3A_85 : i1 to i32
      %cond3A_87 = arith.constant 0 : i32
      %cond3A_88 = arith.cmpi ne, %convert_element_type3A_86, %cond3A_87 : i32
      scf.if %cond3A_88 {
        %dma_wait3A_111 = arith.constant 0 : i32
        %dma_wait3A_112 = tpu.memref_slice %arg4[%multiple_of3A_83, %dma_wait3A_111] : memref<102400x128xf32, #tpu.memory_space<hbm>> -> memref<128x128xf32, #tpu.memory_space<hbm>>
        %dma_wait3A_113 = arith.constant 0 : i32
        %dma_wait3A_114 = tpu.memref_slice %arg4[%multiple_of3A_83, %dma_wait3A_113] : memref<102400x128xf32, #tpu.memory_space<hbm>> -> memref<128x128xf32, #tpu.memory_space<hbm>>
        tpu.wait_dma2 semaphore(%arg11 : memref<!tpu.dma_semaphore, #tpu.memory_space<semaphore_mem>>) src(%arg7 : memref<128x128xf32, #tpu.memory_space<vmem>>) dst(%dma_wait3A_114 : memref<128x128xf32, #tpu.memory_space<hbm>>)
      } else {
      }
      %mul3A_89 = arith.constant 128 : i32
      %mul3A_90 = arith.muli %add3A_79, %mul3A_89 : i32
      %add3A_91 = arith.constant 0 : i32
      %add3A_92 = arith.addi %mul3A_90, %add3A_91 : i32
      %dma_start3A_93 = arith.constant 0 : i32
      %dma_start3A_94 = arith.constant 0 : i32
      %dma_start3A_95 = tpu.memref_slice %arg7[%dma_start3A_93, %dma_start3A_94] : memref<128x128xf32, #tpu.memory_space<vmem>> -> memref<128x128xf32, #tpu.memory_space<vmem>>
      %dma_start3A_96 = tpu.memref_slice %arg5[%add3A_92] : memref<3200xi32, #tpu.memory_space<vmem>> -> memref<128xi32, #tpu.memory_space<vmem>>
      %dma_start3A_97 = arith.constant 0 : i32
      %dma_start3A_98 = arith.constant 0 : i32
      %dma_start3A_99 = tpu.memref_slice %arg3[%dma_start3A_97, %dma_start3A_98] : memref<1000000x128xf32, #tpu.memory_space<hbm>> -> memref<1000000x128xf32, #tpu.memory_space<hbm>>
      tpu.enqueue_indirect_dma source(%dma_start3A_99 : memref<1000000x128xf32, #tpu.memory_space<hbm>>) target(%dma_start3A_95 : memref<128x128xf32, #tpu.memory_space<vmem>>) offsets(%dma_start3A_96 : memref<128xi32, #tpu.memory_space<vmem>>) semaphore(%arg9 : memref<!tpu.dma_semaphore, #tpu.memory_space<semaphore_mem>>)
      %dma_wait3A_100 = arith.constant 0 : i32
      %dma_wait3A_101 = arith.constant 0 : i32
      %dma_wait3A_102 = tpu.memref_slice %arg7[%dma_wait3A_100, %dma_wait3A_101] : memref<128x128xf32, #tpu.memory_space<vmem>> -> memref<128x128xf32, #tpu.memory_space<vmem>>
      %dma_wait3A_103 = tpu.memref_slice %arg5[%add3A_92] : memref<3200xi32, #tpu.memory_space<vmem>> -> memref<128xi32, #tpu.memory_space<vmem>>
      %dma_wait3A_104 = arith.constant 0 : i32
      %dma_wait3A_105 = arith.constant 0 : i32
      %dma_wait3A_106 = tpu.memref_slice %arg3[%dma_wait3A_104, %dma_wait3A_105] : memref<1000000x128xf32, #tpu.memory_space<hbm>> -> memref<1000000x128xf32, #tpu.memory_space<hbm>>
      tpu.wait_indirect_dma semaphore(%arg9 : memref<!tpu.dma_semaphore, #tpu.memory_space<semaphore_mem>>) src(%dma_wait3A_106 : memref<1000000x128xf32, #tpu.memory_space<hbm>>) dst(%dma_wait3A_102 : memref<128x128xf32, #tpu.memory_space<vmem>>)
      %dma_start3A_107 = arith.constant 0 : i32
      %dma_start3A_108 = tpu.memref_slice %arg4[%multiple_of3A_83, %dma_start3A_107] : memref<102400x128xf32, #tpu.memory_space<hbm>> -> memref<128x128xf32, #tpu.memory_space<hbm>>
      %dma_start3A_109 = arith.constant 0 : i32
      %dma_start3A_110 = tpu.memref_slice %arg4[%multiple_of3A_83, %dma_start3A_109] : memref<102400x128xf32, #tpu.memory_space<hbm>> -> memref<128x128xf32, #tpu.memory_space<hbm>>
      tpu.enqueue_dma source(%arg7 : memref<128x128xf32, #tpu.memory_space<vmem>>) target(%dma_start3A_110 : memref<128x128xf32, #tpu.memory_space<hbm>>) target_semaphore(%arg11 : memref<!tpu.dma_semaphore, #tpu.memory_space<semaphore_mem>>)
    }
    %scan3A_6 = arith.constant 12 : i32
    %add3A_7 = arith.constant 3072 : i32
    %add3A_8 = arith.addi %mul3A_2, %add3A_7 : i32
    %multiple_of3A = tpu.assume_multiple %add3A_8, 128 : i32
    %dma_wait3A = arith.constant 0 : i32
    %dma_wait3A_9 = tpu.memref_slice %arg4[%multiple_of3A, %dma_wait3A] : memref<102400x128xf32, #tpu.memory_space<hbm>> -> memref<128x128xf32, #tpu.memory_space<hbm>>
    %dma_wait3A_10 = arith.constant 0 : i32
    %dma_wait3A_11 = tpu.memref_slice %arg4[%multiple_of3A, %dma_wait3A_10] : memref<102400x128xf32, #tpu.memory_space<hbm>> -> memref<128x128xf32, #tpu.memory_space<hbm>>
    tpu.wait_dma2 semaphore(%arg10 : memref<!tpu.dma_semaphore, #tpu.memory_space<semaphore_mem>>) src(%arg6 : memref<128x128xf32, #tpu.memory_space<vmem>>) dst(%dma_wait3A_11 : memref<128x128xf32, #tpu.memory_space<hbm>>)
    %dma_start3A = arith.constant 0 : i32
    %dma_start3A_12 = arith.constant 0 : i32
    %dma_start3A_13 = tpu.memref_slice %arg6[%dma_start3A, %dma_start3A_12] : memref<128x128xf32, #tpu.memory_space<vmem>> -> memref<128x128xf32, #tpu.memory_space<vmem>>
    %dma_start3A_14 = arith.constant 3072 : i32
    %dma_start3A_15 = tpu.memref_slice %arg5[%dma_start3A_14] : memref<3200xi32, #tpu.memory_space<vmem>> -> memref<128xi32, #tpu.memory_space<vmem>>
    %dma_start3A_16 = arith.constant 0 : i32
    %dma_start3A_17 = arith.constant 0 : i32
    %dma_start3A_18 = tpu.memref_slice %arg3[%dma_start3A_16, %dma_start3A_17] : memref<1000000x128xf32, #tpu.memory_space<hbm>> -> memref<1000000x128xf32, #tpu.memory_space<hbm>>
    tpu.enqueue_indirect_dma source(%dma_start3A_18 : memref<1000000x128xf32, #tpu.memory_space<hbm>>) target(%dma_start3A_13 : memref<128x128xf32, #tpu.memory_space<vmem>>) offsets(%dma_start3A_15 : memref<128xi32, #tpu.memory_space<vmem>>) semaphore(%arg8 : memref<!tpu.dma_semaphore, #tpu.memory_space<semaphore_mem>>)
    %dma_wait3A_19 = arith.constant 0 : i32
    %dma_wait3A_20 = arith.constant 0 : i32
    %dma_wait3A_21 = tpu.memref_slice %arg6[%dma_wait3A_19, %dma_wait3A_20] : memref<128x128xf32, #tpu.memory_space<vmem>> -> memref<128x128xf32, #tpu.memory_space<vmem>>
    %dma_wait3A_22 = arith.constant 3072 : i32
    %dma_wait3A_23 = tpu.memref_slice %arg5[%dma_wait3A_22] : memref<3200xi32, #tpu.memory_space<vmem>> -> memref<128xi32, #tpu.memory_space<vmem>>
    %dma_wait3A_24 = arith.constant 0 : i32
    %dma_wait3A_25 = arith.constant 0 : i32
    %dma_wait3A_26 = tpu.memref_slice %arg3[%dma_wait3A_24, %dma_wait3A_25] : memref<1000000x128xf32, #tpu.memory_space<hbm>> -> memref<1000000x128xf32, #tpu.memory_space<hbm>>
    tpu.wait_indirect_dma semaphore(%arg8 : memref<!tpu.dma_semaphore, #tpu.memory_space<semaphore_mem>>) src(%dma_wait3A_26 : memref<1000000x128xf32, #tpu.memory_space<hbm>>) dst(%dma_wait3A_21 : memref<128x128xf32, #tpu.memory_space<vmem>>)
    %dma_start3A_27 = arith.constant 0 : i32
    %dma_start3A_28 = tpu.memref_slice %arg4[%multiple_of3A, %dma_start3A_27] : memref<102400x128xf32, #tpu.memory_space<hbm>> -> memref<128x128xf32, #tpu.memory_space<hbm>>
    %dma_start3A_29 = arith.constant 0 : i32
    %dma_start3A_30 = tpu.memref_slice %arg4[%multiple_of3A, %dma_start3A_29] : memref<102400x128xf32, #tpu.memory_space<hbm>> -> memref<128x128xf32, #tpu.memory_space<hbm>>
    tpu.enqueue_dma source(%arg6 : memref<128x128xf32, #tpu.memory_space<vmem>>) target(%dma_start3A_30 : memref<128x128xf32, #tpu.memory_space<hbm>>) target_semaphore(%arg10 : memref<!tpu.dma_semaphore, #tpu.memory_space<semaphore_mem>>)
    %dma_wait3A_31 = arith.constant 0 : i32
    %dma_wait3A_32 = arith.constant 0 : i32
    %dma_wait3A_33 = tpu.memref_slice %arg4[%dma_wait3A_31, %dma_wait3A_32] : memref<102400x128xf32, #tpu.memory_space<hbm>> -> memref<128x128xf32, #tpu.memory_space<hbm>>
    %dma_wait3A_34 = arith.constant 0 : i32
    %dma_wait3A_35 = arith.constant 0 : i32
    %dma_wait3A_36 = tpu.memref_slice %arg4[%dma_wait3A_34, %dma_wait3A_35] : memref<102400x128xf32, #tpu.memory_space<hbm>> -> memref<128x128xf32, #tpu.memory_space<hbm>>
    tpu.wait_dma2 semaphore(%arg10 : memref<!tpu.dma_semaphore, #tpu.memory_space<semaphore_mem>>) src(%arg6 : memref<128x128xf32, #tpu.memory_space<vmem>>) dst(%dma_wait3A_36 : memref<128x128xf32, #tpu.memory_space<hbm>>)
    %dma_wait3A_37 = arith.constant 128 : i32
    %dma_wait3A_38 = arith.constant 0 : i32
    %dma_wait3A_39 = tpu.memref_slice %arg4[%dma_wait3A_37, %dma_wait3A_38] : memref<102400x128xf32, #tpu.memory_space<hbm>> -> memref<128x128xf32, #tpu.memory_space<hbm>>
    %dma_wait3A_40 = arith.constant 128 : i32
    %dma_wait3A_41 = arith.constant 0 : i32
    %dma_wait3A_42 = tpu.memref_slice %arg4[%dma_wait3A_40, %dma_wait3A_41] : memref<102400x128xf32, #tpu.memory_space<hbm>> -> memref<128x128xf32, #tpu.memory_space<hbm>>
    tpu.wait_dma2 semaphore(%arg11 : memref<!tpu.dma_semaphore, #tpu.memory_space<semaphore_mem>>) src(%arg7 : memref<128x128xf32, #tpu.memory_space<vmem>>) dst(%dma_wait3A_42 : memref<128x128xf32, #tpu.memory_space<hbm>>)
    return
  }
}

module attributes {stable_mosaic.version = 14 : i64} {
  func.func @body(%arg0: i32, %arg1: memref<100x16384xf32, #tpu.memory_space<vmem>>, %arg2: memref<16384x128xf32, #tpu.memory_space<vmem>>) attributes {dimension_semantics = [#tpu.dimension_semantics<arbitrary>], iteration_bounds = array<i64: 62>, scalar_prefetch = 0 : i64, scratch_operands = 0 : i64, tpu.core_type = #tpu.core_type<tc>, window_params = [{transform_indices = @transform_0, window_bounds = array<i64: 100, 16384>}, {transform_indices = @transform_1, window_bounds = array<i64: 16384, 128>}]} {
    %get3A = arith.constant 0 : index
    %get3A_0 = arith.constant 0 : index
    %get3A_1 = vector.load %arg1[%get3A, %get3A_0] : memref<100x16384xf32, #tpu.memory_space<vmem>>, vector<100x16384xf32>
    %transpose3A = tpu.transpose %get3A_1, [1, 0] : vector<100x16384xf32> -> vector<16384x100xf32>
    %swap3A = arith.constant 0 : index
    %swap3A_2 = arith.constant 0 : index
    %swap3A_3 = vector.load %arg2[%swap3A, %swap3A_2] : memref<16384x128xf32, #tpu.memory_space<vmem>>, vector<16384x100xf32>
    tpu.vector_store %arg2[%swap3A, %swap3A_2], %transpose3A {strides = array<i32>} : memref<16384x128xf32, #tpu.memory_space<vmem>>, vector<16384x100xf32>,
    %broadcast_in_dim3A = arith.constant 0.000000e+00 : f32
    %broadcast_in_dim3A_4 = vector.broadcast %broadcast_in_dim3A : f32 to vector<16384x28xf32>
    %swap3A_5 = arith.constant 0 : index
    %swap3A_6 = arith.constant 100 : index
    %swap3A_7 = vector.load %arg2[%swap3A_5, %swap3A_6] : memref<16384x128xf32, #tpu.memory_space<vmem>>, vector<16384x28xf32>
    tpu.vector_store %arg2[%swap3A_5, %swap3A_6], %broadcast_in_dim3A_4 {strides = array<i32>} : memref<16384x128xf32, #tpu.memory_space<vmem>>, vector<16384x28xf32>,
    return
  }
  func.func @transform_0(%arg0: i32) -> (i32, i32) {
    %c0_i32 = arith.constant 0 : i32
    %c0_i32_0 = arith.constant 0 : i32
    return %c0_i32, %arg0 : i32, i32
  }
  func.func @transform_1(%arg0: i32) -> (i32, i32) {
    %c0_i32 = arith.constant 0 : i32
    %c0_i32_0 = arith.constant 0 : i32
    return %arg0, %c0_i32 : i32, i32
  }
}

module attributes {stable_mosaic.version = 14 : i64} {
  func.func @body(%arg0: i32, %arg1: memref<512x8x128xf32, #tpu.memory_space<vmem>>, %arg2: memref<100x8x512xf32, #tpu.memory_space<vmem>>) attributes {dimension_semantics = [#tpu.dimension_semantics<arbitrary>], iteration_bounds = array<i64: 25>, scalar_prefetch = 0 : i64, scratch_operands = 0 : i64, tpu.core_type = #tpu.core_type<tc>, window_params = [{transform_indices = @transform_0, window_bounds = array<i64: 512, 8, 128>}, {transform_indices = @transform_1, window_bounds = array<i64: 100, 8, 512>}]} {
    %get3A = arith.constant 0 : index
    %get3A_0 = arith.constant 0 : index
    %get3A_1 = arith.constant 0 : index
    %get3A_2 = vector.load %arg1[%get3A, %get3A_0, %get3A_1] : memref<512x8x128xf32, #tpu.memory_space<vmem>>, vector<512x1x100xf32>
    %get3A_3 = vector.shape_cast %get3A_2 : vector<512x1x100xf32> to vector<512x100xf32>
    %transpose3A = tpu.transpose %get3A_3, [1, 0] : vector<512x100xf32> -> vector<100x512xf32>
    %swap3A = arith.constant 0 : index
    %swap3A_4 = arith.constant 0 : index
    %swap3A_5 = arith.constant 0 : index
    %swap3A_6 = vector.load %arg2[%swap3A, %swap3A_4, %swap3A_5] : memref<100x8x512xf32, #tpu.memory_space<vmem>>, vector<100x1x512xf32>
    %swap3A_7 = vector.shape_cast %swap3A_6 : vector<100x1x512xf32> to vector<100x512xf32>
    %swap3A_8 = vector.shape_cast %transpose3A : vector<100x512xf32> to vector<100x1x512xf32>
    tpu.vector_store %arg2[%swap3A, %swap3A_4, %swap3A_5], %swap3A_8 {strides = array<i32>} : memref<100x8x512xf32, #tpu.memory_space<vmem>>, vector<100x1x512xf32>,
    %get3A_9 = arith.constant 0 : index
    %get3A_10 = arith.constant 1 : index
    %get3A_11 = arith.constant 0 : index
    %get3A_12 = vector.load %arg1[%get3A_9, %get3A_10, %get3A_11] : memref<512x8x128xf32, #tpu.memory_space<vmem>>, vector<512x1x100xf32>
    %get3A_13 = vector.shape_cast %get3A_12 : vector<512x1x100xf32> to vector<512x100xf32>
    %transpose3A_14 = tpu.transpose %get3A_13, [1, 0] : vector<512x100xf32> -> vector<100x512xf32>
    %swap3A_15 = arith.constant 0 : index
    %swap3A_16 = arith.constant 1 : index
    %swap3A_17 = arith.constant 0 : index
    %swap3A_18 = vector.load %arg2[%swap3A_15, %swap3A_16, %swap3A_17] : memref<100x8x512xf32, #tpu.memory_space<vmem>>, vector<100x1x512xf32>
    %swap3A_19 = vector.shape_cast %swap3A_18 : vector<100x1x512xf32> to vector<100x512xf32>
    %swap3A_20 = vector.shape_cast %transpose3A_14 : vector<100x512xf32> to vector<100x1x512xf32>
    tpu.vector_store %arg2[%swap3A_15, %swap3A_16, %swap3A_17], %swap3A_20 {strides = array<i32>} : memref<100x8x512xf32, #tpu.memory_space<vmem>>, vector<100x1x512xf32>,
    %get3A_21 = arith.constant 0 : index
    %get3A_22 = arith.constant 2 : index
    %get3A_23 = arith.constant 0 : index
    %get3A_24 = vector.load %arg1[%get3A_21, %get3A_22, %get3A_23] : memref<512x8x128xf32, #tpu.memory_space<vmem>>, vector<512x1x100xf32>
    %get3A_25 = vector.shape_cast %get3A_24 : vector<512x1x100xf32> to vector<512x100xf32>
    %transpose3A_26 = tpu.transpose %get3A_25, [1, 0] : vector<512x100xf32> -> vector<100x512xf32>
    %swap3A_27 = arith.constant 0 : index
    %swap3A_28 = arith.constant 2 : index
    %swap3A_29 = arith.constant 0 : index
    %swap3A_30 = vector.load %arg2[%swap3A_27, %swap3A_28, %swap3A_29] : memref<100x8x512xf32, #tpu.memory_space<vmem>>, vector<100x1x512xf32>
    %swap3A_31 = vector.shape_cast %swap3A_30 : vector<100x1x512xf32> to vector<100x512xf32>
    %swap3A_32 = vector.shape_cast %transpose3A_26 : vector<100x512xf32> to vector<100x1x512xf32>
    tpu.vector_store %arg2[%swap3A_27, %swap3A_28, %swap3A_29], %swap3A_32 {strides = array<i32>} : memref<100x8x512xf32, #tpu.memory_space<vmem>>, vector<100x1x512xf32>,
    %get3A_33 = arith.constant 0 : index
    %get3A_34 = arith.constant 3 : index
    %get3A_35 = arith.constant 0 : index
    %get3A_36 = vector.load %arg1[%get3A_33, %get3A_34, %get3A_35] : memref<512x8x128xf32, #tpu.memory_space<vmem>>, vector<512x1x100xf32>
    %get3A_37 = vector.shape_cast %get3A_36 : vector<512x1x100xf32> to vector<512x100xf32>
    %transpose3A_38 = tpu.transpose %get3A_37, [1, 0] : vector<512x100xf32> -> vector<100x512xf32>
    %swap3A_39 = arith.constant 0 : index
    %swap3A_40 = arith.constant 3 : index
    %swap3A_41 = arith.constant 0 : index
    %swap3A_42 = vector.load %arg2[%swap3A_39, %swap3A_40, %swap3A_41] : memref<100x8x512xf32, #tpu.memory_space<vmem>>, vector<100x1x512xf32>
    %swap3A_43 = vector.shape_cast %swap3A_42 : vector<100x1x512xf32> to vector<100x512xf32>
    %swap3A_44 = vector.shape_cast %transpose3A_38 : vector<100x512xf32> to vector<100x1x512xf32>
    tpu.vector_store %arg2[%swap3A_39, %swap3A_40, %swap3A_41], %swap3A_44 {strides = array<i32>} : memref<100x8x512xf32, #tpu.memory_space<vmem>>, vector<100x1x512xf32>,
    %get3A_45 = arith.constant 0 : index
    %get3A_46 = arith.constant 4 : index
    %get3A_47 = arith.constant 0 : index
    %get3A_48 = vector.load %arg1[%get3A_45, %get3A_46, %get3A_47] : memref<512x8x128xf32, #tpu.memory_space<vmem>>, vector<512x1x100xf32>
    %get3A_49 = vector.shape_cast %get3A_48 : vector<512x1x100xf32> to vector<512x100xf32>
    %transpose3A_50 = tpu.transpose %get3A_49, [1, 0] : vector<512x100xf32> -> vector<100x512xf32>
    %swap3A_51 = arith.constant 0 : index
    %swap3A_52 = arith.constant 4 : index
    %swap3A_53 = arith.constant 0 : index
    %swap3A_54 = vector.load %arg2[%swap3A_51, %swap3A_52, %swap3A_53] : memref<100x8x512xf32, #tpu.memory_space<vmem>>, vector<100x1x512xf32>
    %swap3A_55 = vector.shape_cast %swap3A_54 : vector<100x1x512xf32> to vector<100x512xf32>
    %swap3A_56 = vector.shape_cast %transpose3A_50 : vector<100x512xf32> to vector<100x1x512xf32>
    tpu.vector_store %arg2[%swap3A_51, %swap3A_52, %swap3A_53], %swap3A_56 {strides = array<i32>} : memref<100x8x512xf32, #tpu.memory_space<vmem>>, vector<100x1x512xf32>,
    %get3A_57 = arith.constant 0 : index
    %get3A_58 = arith.constant 5 : index
    %get3A_59 = arith.constant 0 : index
    %get3A_60 = vector.load %arg1[%get3A_57, %get3A_58, %get3A_59] : memref<512x8x128xf32, #tpu.memory_space<vmem>>, vector<512x1x100xf32>
    %get3A_61 = vector.shape_cast %get3A_60 : vector<512x1x100xf32> to vector<512x100xf32>
    %transpose3A_62 = tpu.transpose %get3A_61, [1, 0] : vector<512x100xf32> -> vector<100x512xf32>
    %swap3A_63 = arith.constant 0 : index
    %swap3A_64 = arith.constant 5 : index
    %swap3A_65 = arith.constant 0 : index
    %swap3A_66 = vector.load %arg2[%swap3A_63, %swap3A_64, %swap3A_65] : memref<100x8x512xf32, #tpu.memory_space<vmem>>, vector<100x1x512xf32>
    %swap3A_67 = vector.shape_cast %swap3A_66 : vector<100x1x512xf32> to vector<100x512xf32>
    %swap3A_68 = vector.shape_cast %transpose3A_62 : vector<100x512xf32> to vector<100x1x512xf32>
    tpu.vector_store %arg2[%swap3A_63, %swap3A_64, %swap3A_65], %swap3A_68 {strides = array<i32>} : memref<100x8x512xf32, #tpu.memory_space<vmem>>, vector<100x1x512xf32>,
    %get3A_69 = arith.constant 0 : index
    %get3A_70 = arith.constant 6 : index
    %get3A_71 = arith.constant 0 : index
    %get3A_72 = vector.load %arg1[%get3A_69, %get3A_70, %get3A_71] : memref<512x8x128xf32, #tpu.memory_space<vmem>>, vector<512x1x100xf32>
    %get3A_73 = vector.shape_cast %get3A_72 : vector<512x1x100xf32> to vector<512x100xf32>
    %transpose3A_74 = tpu.transpose %get3A_73, [1, 0] : vector<512x100xf32> -> vector<100x512xf32>
    %swap3A_75 = arith.constant 0 : index
    %swap3A_76 = arith.constant 6 : index
    %swap3A_77 = arith.constant 0 : index
    %swap3A_78 = vector.load %arg2[%swap3A_75, %swap3A_76, %swap3A_77] : memref<100x8x512xf32, #tpu.memory_space<vmem>>, vector<100x1x512xf32>
    %swap3A_79 = vector.shape_cast %swap3A_78 : vector<100x1x512xf32> to vector<100x512xf32>
    %swap3A_80 = vector.shape_cast %transpose3A_74 : vector<100x512xf32> to vector<100x1x512xf32>
    tpu.vector_store %arg2[%swap3A_75, %swap3A_76, %swap3A_77], %swap3A_80 {strides = array<i32>} : memref<100x8x512xf32, #tpu.memory_space<vmem>>, vector<100x1x512xf32>,
    %get3A_81 = arith.constant 0 : index
    %get3A_82 = arith.constant 7 : index
    %get3A_83 = arith.constant 0 : index
    %get3A_84 = vector.load %arg1[%get3A_81, %get3A_82, %get3A_83] : memref<512x8x128xf32, #tpu.memory_space<vmem>>, vector<512x1x100xf32>
    %get3A_85 = vector.shape_cast %get3A_84 : vector<512x1x100xf32> to vector<512x100xf32>
    %transpose3A_86 = tpu.transpose %get3A_85, [1, 0] : vector<512x100xf32> -> vector<100x512xf32>
    %swap3A_87 = arith.constant 0 : index
    %swap3A_88 = arith.constant 7 : index
    %swap3A_89 = arith.constant 0 : index
    %swap3A_90 = vector.load %arg2[%swap3A_87, %swap3A_88, %swap3A_89] : memref<100x8x512xf32, #tpu.memory_space<vmem>>, vector<100x1x512xf32>
    %swap3A_91 = vector.shape_cast %swap3A_90 : vector<100x1x512xf32> to vector<100x512xf32>
    %swap3A_92 = vector.shape_cast %transpose3A_86 : vector<100x512xf32> to vector<100x1x512xf32>
    tpu.vector_store %arg2[%swap3A_87, %swap3A_88, %swap3A_89], %swap3A_92 {strides = array<i32>} : memref<100x8x512xf32, #tpu.memory_space<vmem>>, vector<100x1x512xf32>,
    return
  }
  func.func @transform_0(%arg0: i32) -> (i32, i32, i32) {
    %c0_i32 = arith.constant 0 : i32
    %c0_i32_0 = arith.constant 0 : i32
    %c0_i32_1 = arith.constant 0 : i32
    return %c0_i32, %arg0, %c0_i32_0 : i32, i32, i32
  }
  func.func @transform_1(%arg0: i32) -> (i32, i32, i32) {
    %c0_i32 = arith.constant 0 : i32
    %c0_i32_0 = arith.constant 0 : i32
    %c0_i32_1 = arith.constant 0 : i32
    return %c0_i32, %arg0, %c0_i32_0 : i32, i32, i32
  }
}

module attributes {stable_mosaic.version = 14 : i64} {
  func.func @body(%arg0: i32, %arg1: memref<512x8x128xf32, #tpu.memory_space<vmem>>, %arg2: memref<100x200x4096xf32, #tpu.memory_space<any>>, %arg3: memref<100x8x512xf32, #tpu.memory_space<vmem>>) attributes {dimension_semantics = [#tpu.dimension_semantics<arbitrary>], iteration_bounds = array<i64: 25>, scalar_prefetch = 0 : i64, scratch_operands = 0 : i64, tpu.core_type = #tpu.core_type<tc>, window_params = [{transform_indices = @transform_0, window_bounds = array<i64: 512, 8, 128>}, {}, {transform_indices = @transform_2, window_bounds = array<i64: 100, 8, 512>}]} {
    %get3A = arith.constant 0 : index
    %get3A_0 = arith.constant 0 : index
    %get3A_1 = arith.constant 0 : index
    %get3A_2 = vector.load %arg1[%get3A, %get3A_0, %get3A_1] : memref<512x8x128xf32, #tpu.memory_space<vmem>>, vector<512x1x100xf32>
    %get3A_3 = vector.shape_cast %get3A_2 : vector<512x1x100xf32> to vector<512x100xf32>
    %transpose3A = tpu.transpose %get3A_3, [1, 0] : vector<512x100xf32> -> vector<100x512xf32>
    %swap3A = arith.constant 0 : index
    %swap3A_4 = arith.constant 0 : index
    %swap3A_5 = arith.constant 0 : index
    %swap3A_6 = vector.load %arg3[%swap3A, %swap3A_4, %swap3A_5] : memref<100x8x512xf32, #tpu.memory_space<vmem>>, vector<100x1x512xf32>
    %swap3A_7 = vector.shape_cast %swap3A_6 : vector<100x1x512xf32> to vector<100x512xf32>
    %swap3A_8 = vector.shape_cast %transpose3A : vector<100x512xf32> to vector<100x1x512xf32>
    tpu.vector_store %arg3[%swap3A, %swap3A_4, %swap3A_5], %swap3A_8 {strides = array<i32>} : memref<100x8x512xf32, #tpu.memory_space<vmem>>, vector<100x1x512xf32>,
    %get3A_9 = arith.constant 0 : index
    %get3A_10 = arith.constant 1 : index
    %get3A_11 = arith.constant 0 : index
    %get3A_12 = vector.load %arg1[%get3A_9, %get3A_10, %get3A_11] : memref<512x8x128xf32, #tpu.memory_space<vmem>>, vector<512x1x100xf32>
    %get3A_13 = vector.shape_cast %get3A_12 : vector<512x1x100xf32> to vector<512x100xf32>
    %transpose3A_14 = tpu.transpose %get3A_13, [1, 0] : vector<512x100xf32> -> vector<100x512xf32>
    %swap3A_15 = arith.constant 0 : index
    %swap3A_16 = arith.constant 1 : index
    %swap3A_17 = arith.constant 0 : index
    %swap3A_18 = vector.load %arg3[%swap3A_15, %swap3A_16, %swap3A_17] : memref<100x8x512xf32, #tpu.memory_space<vmem>>, vector<100x1x512xf32>
    %swap3A_19 = vector.shape_cast %swap3A_18 : vector<100x1x512xf32> to vector<100x512xf32>
    %swap3A_20 = vector.shape_cast %transpose3A_14 : vector<100x512xf32> to vector<100x1x512xf32>
    tpu.vector_store %arg3[%swap3A_15, %swap3A_16, %swap3A_17], %swap3A_20 {strides = array<i32>} : memref<100x8x512xf32, #tpu.memory_space<vmem>>, vector<100x1x512xf32>,
    %get3A_21 = arith.constant 0 : index
    %get3A_22 = arith.constant 2 : index
    %get3A_23 = arith.constant 0 : index
    %get3A_24 = vector.load %arg1[%get3A_21, %get3A_22, %get3A_23] : memref<512x8x128xf32, #tpu.memory_space<vmem>>, vector<512x1x100xf32>
    %get3A_25 = vector.shape_cast %get3A_24 : vector<512x1x100xf32> to vector<512x100xf32>
    %transpose3A_26 = tpu.transpose %get3A_25, [1, 0] : vector<512x100xf32> -> vector<100x512xf32>
    %swap3A_27 = arith.constant 0 : index
    %swap3A_28 = arith.constant 2 : index
    %swap3A_29 = arith.constant 0 : index
    %swap3A_30 = vector.load %arg3[%swap3A_27, %swap3A_28, %swap3A_29] : memref<100x8x512xf32, #tpu.memory_space<vmem>>, vector<100x1x512xf32>
    %swap3A_31 = vector.shape_cast %swap3A_30 : vector<100x1x512xf32> to vector<100x512xf32>
    %swap3A_32 = vector.shape_cast %transpose3A_26 : vector<100x512xf32> to vector<100x1x512xf32>
    tpu.vector_store %arg3[%swap3A_27, %swap3A_28, %swap3A_29], %swap3A_32 {strides = array<i32>} : memref<100x8x512xf32, #tpu.memory_space<vmem>>, vector<100x1x512xf32>,
    %get3A_33 = arith.constant 0 : index
    %get3A_34 = arith.constant 3 : index
    %get3A_35 = arith.constant 0 : index
    %get3A_36 = vector.load %arg1[%get3A_33, %get3A_34, %get3A_35] : memref<512x8x128xf32, #tpu.memory_space<vmem>>, vector<512x1x100xf32>
    %get3A_37 = vector.shape_cast %get3A_36 : vector<512x1x100xf32> to vector<512x100xf32>
    %transpose3A_38 = tpu.transpose %get3A_37, [1, 0] : vector<512x100xf32> -> vector<100x512xf32>
    %swap3A_39 = arith.constant 0 : index
    %swap3A_40 = arith.constant 3 : index
    %swap3A_41 = arith.constant 0 : index
    %swap3A_42 = vector.load %arg3[%swap3A_39, %swap3A_40, %swap3A_41] : memref<100x8x512xf32, #tpu.memory_space<vmem>>, vector<100x1x512xf32>
    %swap3A_43 = vector.shape_cast %swap3A_42 : vector<100x1x512xf32> to vector<100x512xf32>
    %swap3A_44 = vector.shape_cast %transpose3A_38 : vector<100x512xf32> to vector<100x1x512xf32>
    tpu.vector_store %arg3[%swap3A_39, %swap3A_40, %swap3A_41], %swap3A_44 {strides = array<i32>} : memref<100x8x512xf32, #tpu.memory_space<vmem>>, vector<100x1x512xf32>,
    %get3A_45 = arith.constant 0 : index
    %get3A_46 = arith.constant 4 : index
    %get3A_47 = arith.constant 0 : index
    %get3A_48 = vector.load %arg1[%get3A_45, %get3A_46, %get3A_47] : memref<512x8x128xf32, #tpu.memory_space<vmem>>, vector<512x1x100xf32>
    %get3A_49 = vector.shape_cast %get3A_48 : vector<512x1x100xf32> to vector<512x100xf32>
    %transpose3A_50 = tpu.transpose %get3A_49, [1, 0] : vector<512x100xf32> -> vector<100x512xf32>
    %swap3A_51 = arith.constant 0 : index
    %swap3A_52 = arith.constant 4 : index
    %swap3A_53 = arith.constant 0 : index
    %swap3A_54 = vector.load %arg3[%swap3A_51, %swap3A_52, %swap3A_53] : memref<100x8x512xf32, #tpu.memory_space<vmem>>, vector<100x1x512xf32>
    %swap3A_55 = vector.shape_cast %swap3A_54 : vector<100x1x512xf32> to vector<100x512xf32>
    %swap3A_56 = vector.shape_cast %transpose3A_50 : vector<100x512xf32> to vector<100x1x512xf32>
    tpu.vector_store %arg3[%swap3A_51, %swap3A_52, %swap3A_53], %swap3A_56 {strides = array<i32>} : memref<100x8x512xf32, #tpu.memory_space<vmem>>, vector<100x1x512xf32>,
    %get3A_57 = arith.constant 0 : index
    %get3A_58 = arith.constant 5 : index
    %get3A_59 = arith.constant 0 : index
    %get3A_60 = vector.load %arg1[%get3A_57, %get3A_58, %get3A_59] : memref<512x8x128xf32, #tpu.memory_space<vmem>>, vector<512x1x100xf32>
    %get3A_61 = vector.shape_cast %get3A_60 : vector<512x1x100xf32> to vector<512x100xf32>
    %transpose3A_62 = tpu.transpose %get3A_61, [1, 0] : vector<512x100xf32> -> vector<100x512xf32>
    %swap3A_63 = arith.constant 0 : index
    %swap3A_64 = arith.constant 5 : index
    %swap3A_65 = arith.constant 0 : index
    %swap3A_66 = vector.load %arg3[%swap3A_63, %swap3A_64, %swap3A_65] : memref<100x8x512xf32, #tpu.memory_space<vmem>>, vector<100x1x512xf32>
    %swap3A_67 = vector.shape_cast %swap3A_66 : vector<100x1x512xf32> to vector<100x512xf32>
    %swap3A_68 = vector.shape_cast %transpose3A_62 : vector<100x512xf32> to vector<100x1x512xf32>
    tpu.vector_store %arg3[%swap3A_63, %swap3A_64, %swap3A_65], %swap3A_68 {strides = array<i32>} : memref<100x8x512xf32, #tpu.memory_space<vmem>>, vector<100x1x512xf32>,
    %get3A_69 = arith.constant 0 : index
    %get3A_70 = arith.constant 6 : index
    %get3A_71 = arith.constant 0 : index
    %get3A_72 = vector.load %arg1[%get3A_69, %get3A_70, %get3A_71] : memref<512x8x128xf32, #tpu.memory_space<vmem>>, vector<512x1x100xf32>
    %get3A_73 = vector.shape_cast %get3A_72 : vector<512x1x100xf32> to vector<512x100xf32>
    %transpose3A_74 = tpu.transpose %get3A_73, [1, 0] : vector<512x100xf32> -> vector<100x512xf32>
    %swap3A_75 = arith.constant 0 : index
    %swap3A_76 = arith.constant 6 : index
    %swap3A_77 = arith.constant 0 : index
    %swap3A_78 = vector.load %arg3[%swap3A_75, %swap3A_76, %swap3A_77] : memref<100x8x512xf32, #tpu.memory_space<vmem>>, vector<100x1x512xf32>
    %swap3A_79 = vector.shape_cast %swap3A_78 : vector<100x1x512xf32> to vector<100x512xf32>
    %swap3A_80 = vector.shape_cast %transpose3A_74 : vector<100x512xf32> to vector<100x1x512xf32>
    tpu.vector_store %arg3[%swap3A_75, %swap3A_76, %swap3A_77], %swap3A_80 {strides = array<i32>} : memref<100x8x512xf32, #tpu.memory_space<vmem>>, vector<100x1x512xf32>,
    %get3A_81 = arith.constant 0 : index
    %get3A_82 = arith.constant 7 : index
    %get3A_83 = arith.constant 0 : index
    %get3A_84 = vector.load %arg1[%get3A_81, %get3A_82, %get3A_83] : memref<512x8x128xf32, #tpu.memory_space<vmem>>, vector<512x1x100xf32>
    %get3A_85 = vector.shape_cast %get3A_84 : vector<512x1x100xf32> to vector<512x100xf32>
    %transpose3A_86 = tpu.transpose %get3A_85, [1, 0] : vector<512x100xf32> -> vector<100x512xf32>
    %swap3A_87 = arith.constant 0 : index
    %swap3A_88 = arith.constant 7 : index
    %swap3A_89 = arith.constant 0 : index
    %swap3A_90 = vector.load %arg3[%swap3A_87, %swap3A_88, %swap3A_89] : memref<100x8x512xf32, #tpu.memory_space<vmem>>, vector<100x1x512xf32>
    %swap3A_91 = vector.shape_cast %swap3A_90 : vector<100x1x512xf32> to vector<100x512xf32>
    %swap3A_92 = vector.shape_cast %transpose3A_86 : vector<100x512xf32> to vector<100x1x512xf32>
    tpu.vector_store %arg3[%swap3A_87, %swap3A_88, %swap3A_89], %swap3A_92 {strides = array<i32>} : memref<100x8x512xf32, #tpu.memory_space<vmem>>, vector<100x1x512xf32>,
    return
  }
  func.func @transform_0(%arg0: i32) -> (i32, i32, i32) {
    %c0_i32 = arith.constant 0 : i32
    %c0_i32_0 = arith.constant 0 : i32
    %c0_i32_1 = arith.constant 0 : i32
    return %c0_i32, %arg0, %c0_i32_0 : i32, i32, i32
  }
  func.func @transform_2(%arg0: i32) -> (i32, i32, i32) {
    %c0_i32 = arith.constant 0 : i32
    %c1_i32 = arith.constant 1 : i32
    %c0_i32_0 = arith.constant 0 : i32
    return %c0_i32, %arg0, %c1_i32 : i32, i32, i32
  }
}

module attributes {stable_mosaic.version = 14 : i64} {
  func.func @body(%arg0: i32, %arg1: memref<512x8x128xf32, #tpu.memory_space<vmem>>, %arg2: memref<100x200x4096xf32, #tpu.memory_space<any>>, %arg3: memref<100x8x512xf32, #tpu.memory_space<vmem>>) attributes {dimension_semantics = [#tpu.dimension_semantics<arbitrary>], iteration_bounds = array<i64: 25>, scalar_prefetch = 0 : i64, scratch_operands = 0 : i64, tpu.core_type = #tpu.core_type<tc>, window_params = [{transform_indices = @transform_0, window_bounds = array<i64: 512, 8, 128>}, {}, {transform_indices = @transform_2, window_bounds = array<i64: 100, 8, 512>}]} {
    %get3A = arith.constant 0 : index
    %get3A_0 = arith.constant 0 : index
    %get3A_1 = arith.constant 0 : index
    %get3A_2 = vector.load %arg1[%get3A, %get3A_0, %get3A_1] : memref<512x8x128xf32, #tpu.memory_space<vmem>>, vector<512x1x100xf32>
    %get3A_3 = vector.shape_cast %get3A_2 : vector<512x1x100xf32> to vector<512x100xf32>
    %transpose3A = tpu.transpose %get3A_3, [1, 0] : vector<512x100xf32> -> vector<100x512xf32>
    %swap3A = arith.constant 0 : index
    %swap3A_4 = arith.constant 0 : index
    %swap3A_5 = arith.constant 0 : index
    %swap3A_6 = vector.load %arg3[%swap3A, %swap3A_4, %swap3A_5] : memref<100x8x512xf32, #tpu.memory_space<vmem>>, vector<100x1x512xf32>
    %swap3A_7 = vector.shape_cast %swap3A_6 : vector<100x1x512xf32> to vector<100x512xf32>
    %swap3A_8 = vector.shape_cast %transpose3A : vector<100x512xf32> to vector<100x1x512xf32>
    tpu.vector_store %arg3[%swap3A, %swap3A_4, %swap3A_5], %swap3A_8 {strides = array<i32>} : memref<100x8x512xf32, #tpu.memory_space<vmem>>, vector<100x1x512xf32>,
    %get3A_9 = arith.constant 0 : index
    %get3A_10 = arith.constant 1 : index
    %get3A_11 = arith.constant 0 : index
    %get3A_12 = vector.load %arg1[%get3A_9, %get3A_10, %get3A_11] : memref<512x8x128xf32, #tpu.memory_space<vmem>>, vector<512x1x100xf32>
    %get3A_13 = vector.shape_cast %get3A_12 : vector<512x1x100xf32> to vector<512x100xf32>
    %transpose3A_14 = tpu.transpose %get3A_13, [1, 0] : vector<512x100xf32> -> vector<100x512xf32>
    %swap3A_15 = arith.constant 0 : index
    %swap3A_16 = arith.constant 1 : index
    %swap3A_17 = arith.constant 0 : index
    %swap3A_18 = vector.load %arg3[%swap3A_15, %swap3A_16, %swap3A_17] : memref<100x8x512xf32, #tpu.memory_space<vmem>>, vector<100x1x512xf32>
    %swap3A_19 = vector.shape_cast %swap3A_18 : vector<100x1x512xf32> to vector<100x512xf32>
    %swap3A_20 = vector.shape_cast %transpose3A_14 : vector<100x512xf32> to vector<100x1x512xf32>
    tpu.vector_store %arg3[%swap3A_15, %swap3A_16, %swap3A_17], %swap3A_20 {strides = array<i32>} : memref<100x8x512xf32, #tpu.memory_space<vmem>>, vector<100x1x512xf32>,
    %get3A_21 = arith.constant 0 : index
    %get3A_22 = arith.constant 2 : index
    %get3A_23 = arith.constant 0 : index
    %get3A_24 = vector.load %arg1[%get3A_21, %get3A_22, %get3A_23] : memref<512x8x128xf32, #tpu.memory_space<vmem>>, vector<512x1x100xf32>
    %get3A_25 = vector.shape_cast %get3A_24 : vector<512x1x100xf32> to vector<512x100xf32>
    %transpose3A_26 = tpu.transpose %get3A_25, [1, 0] : vector<512x100xf32> -> vector<100x512xf32>
    %swap3A_27 = arith.constant 0 : index
    %swap3A_28 = arith.constant 2 : index
    %swap3A_29 = arith.constant 0 : index
    %swap3A_30 = vector.load %arg3[%swap3A_27, %swap3A_28, %swap3A_29] : memref<100x8x512xf32, #tpu.memory_space<vmem>>, vector<100x1x512xf32>
    %swap3A_31 = vector.shape_cast %swap3A_30 : vector<100x1x512xf32> to vector<100x512xf32>
    %swap3A_32 = vector.shape_cast %transpose3A_26 : vector<100x512xf32> to vector<100x1x512xf32>
    tpu.vector_store %arg3[%swap3A_27, %swap3A_28, %swap3A_29], %swap3A_32 {strides = array<i32>} : memref<100x8x512xf32, #tpu.memory_space<vmem>>, vector<100x1x512xf32>,
    %get3A_33 = arith.constant 0 : index
    %get3A_34 = arith.constant 3 : index
    %get3A_35 = arith.constant 0 : index
    %get3A_36 = vector.load %arg1[%get3A_33, %get3A_34, %get3A_35] : memref<512x8x128xf32, #tpu.memory_space<vmem>>, vector<512x1x100xf32>
    %get3A_37 = vector.shape_cast %get3A_36 : vector<512x1x100xf32> to vector<512x100xf32>
    %transpose3A_38 = tpu.transpose %get3A_37, [1, 0] : vector<512x100xf32> -> vector<100x512xf32>
    %swap3A_39 = arith.constant 0 : index
    %swap3A_40 = arith.constant 3 : index
    %swap3A_41 = arith.constant 0 : index
    %swap3A_42 = vector.load %arg3[%swap3A_39, %swap3A_40, %swap3A_41] : memref<100x8x512xf32, #tpu.memory_space<vmem>>, vector<100x1x512xf32>
    %swap3A_43 = vector.shape_cast %swap3A_42 : vector<100x1x512xf32> to vector<100x512xf32>
    %swap3A_44 = vector.shape_cast %transpose3A_38 : vector<100x512xf32> to vector<100x1x512xf32>
    tpu.vector_store %arg3[%swap3A_39, %swap3A_40, %swap3A_41], %swap3A_44 {strides = array<i32>} : memref<100x8x512xf32, #tpu.memory_space<vmem>>, vector<100x1x512xf32>,
    %get3A_45 = arith.constant 0 : index
    %get3A_46 = arith.constant 4 : index
    %get3A_47 = arith.constant 0 : index
    %get3A_48 = vector.load %arg1[%get3A_45, %get3A_46, %get3A_47] : memref<512x8x128xf32, #tpu.memory_space<vmem>>, vector<512x1x100xf32>
    %get3A_49 = vector.shape_cast %get3A_48 : vector<512x1x100xf32> to vector<512x100xf32>
    %transpose3A_50 = tpu.transpose %get3A_49, [1, 0] : vector<512x100xf32> -> vector<100x512xf32>
    %swap3A_51 = arith.constant 0 : index
    %swap3A_52 = arith.constant 4 : index
    %swap3A_53 = arith.constant 0 : index
    %swap3A_54 = vector.load %arg3[%swap3A_51, %swap3A_52, %swap3A_53] : memref<100x8x512xf32, #tpu.memory_space<vmem>>, vector<100x1x512xf32>
    %swap3A_55 = vector.shape_cast %swap3A_54 : vector<100x1x512xf32> to vector<100x512xf32>
    %swap3A_56 = vector.shape_cast %transpose3A_50 : vector<100x512xf32> to vector<100x1x512xf32>
    tpu.vector_store %arg3[%swap3A_51, %swap3A_52, %swap3A_53], %swap3A_56 {strides = array<i32>} : memref<100x8x512xf32, #tpu.memory_space<vmem>>, vector<100x1x512xf32>,
    %get3A_57 = arith.constant 0 : index
    %get3A_58 = arith.constant 5 : index
    %get3A_59 = arith.constant 0 : index
    %get3A_60 = vector.load %arg1[%get3A_57, %get3A_58, %get3A_59] : memref<512x8x128xf32, #tpu.memory_space<vmem>>, vector<512x1x100xf32>
    %get3A_61 = vector.shape_cast %get3A_60 : vector<512x1x100xf32> to vector<512x100xf32>
    %transpose3A_62 = tpu.transpose %get3A_61, [1, 0] : vector<512x100xf32> -> vector<100x512xf32>
    %swap3A_63 = arith.constant 0 : index
    %swap3A_64 = arith.constant 5 : index
    %swap3A_65 = arith.constant 0 : index
    %swap3A_66 = vector.load %arg3[%swap3A_63, %swap3A_64, %swap3A_65] : memref<100x8x512xf32, #tpu.memory_space<vmem>>, vector<100x1x512xf32>
    %swap3A_67 = vector.shape_cast %swap3A_66 : vector<100x1x512xf32> to vector<100x512xf32>
    %swap3A_68 = vector.shape_cast %transpose3A_62 : vector<100x512xf32> to vector<100x1x512xf32>
    tpu.vector_store %arg3[%swap3A_63, %swap3A_64, %swap3A_65], %swap3A_68 {strides = array<i32>} : memref<100x8x512xf32, #tpu.memory_space<vmem>>, vector<100x1x512xf32>,
    %get3A_69 = arith.constant 0 : index
    %get3A_70 = arith.constant 6 : index
    %get3A_71 = arith.constant 0 : index
    %get3A_72 = vector.load %arg1[%get3A_69, %get3A_70, %get3A_71] : memref<512x8x128xf32, #tpu.memory_space<vmem>>, vector<512x1x100xf32>
    %get3A_73 = vector.shape_cast %get3A_72 : vector<512x1x100xf32> to vector<512x100xf32>
    %transpose3A_74 = tpu.transpose %get3A_73, [1, 0] : vector<512x100xf32> -> vector<100x512xf32>
    %swap3A_75 = arith.constant 0 : index
    %swap3A_76 = arith.constant 6 : index
    %swap3A_77 = arith.constant 0 : index
    %swap3A_78 = vector.load %arg3[%swap3A_75, %swap3A_76, %swap3A_77] : memref<100x8x512xf32, #tpu.memory_space<vmem>>, vector<100x1x512xf32>
    %swap3A_79 = vector.shape_cast %swap3A_78 : vector<100x1x512xf32> to vector<100x512xf32>
    %swap3A_80 = vector.shape_cast %transpose3A_74 : vector<100x512xf32> to vector<100x1x512xf32>
    tpu.vector_store %arg3[%swap3A_75, %swap3A_76, %swap3A_77], %swap3A_80 {strides = array<i32>} : memref<100x8x512xf32, #tpu.memory_space<vmem>>, vector<100x1x512xf32>,
    %get3A_81 = arith.constant 0 : index
    %get3A_82 = arith.constant 7 : index
    %get3A_83 = arith.constant 0 : index
    %get3A_84 = vector.load %arg1[%get3A_81, %get3A_82, %get3A_83] : memref<512x8x128xf32, #tpu.memory_space<vmem>>, vector<512x1x100xf32>
    %get3A_85 = vector.shape_cast %get3A_84 : vector<512x1x100xf32> to vector<512x100xf32>
    %transpose3A_86 = tpu.transpose %get3A_85, [1, 0] : vector<512x100xf32> -> vector<100x512xf32>
    %swap3A_87 = arith.constant 0 : index
    %swap3A_88 = arith.constant 7 : index
    %swap3A_89 = arith.constant 0 : index
    %swap3A_90 = vector.load %arg3[%swap3A_87, %swap3A_88, %swap3A_89] : memref<100x8x512xf32, #tpu.memory_space<vmem>>, vector<100x1x512xf32>
    %swap3A_91 = vector.shape_cast %swap3A_90 : vector<100x1x512xf32> to vector<100x512xf32>
    %swap3A_92 = vector.shape_cast %transpose3A_86 : vector<100x512xf32> to vector<100x1x512xf32>
    tpu.vector_store %arg3[%swap3A_87, %swap3A_88, %swap3A_89], %swap3A_92 {strides = array<i32>} : memref<100x8x512xf32, #tpu.memory_space<vmem>>, vector<100x1x512xf32>,
    return
  }
  func.func @transform_0(%arg0: i32) -> (i32, i32, i32) {
    %c0_i32 = arith.constant 0 : i32
    %c0_i32_0 = arith.constant 0 : i32
    %c0_i32_1 = arith.constant 0 : i32
    return %c0_i32, %arg0, %c0_i32_0 : i32, i32, i32
  }
  func.func @transform_2(%arg0: i32) -> (i32, i32, i32) {
    %c0_i32 = arith.constant 0 : i32
    %c2_i32 = arith.constant 2 : i32
    %c0_i32_0 = arith.constant 0 : i32
    return %c0_i32, %arg0, %c2_i32 : i32, i32, i32
  }
}

module attributes {stable_mosaic.version = 14 : i64} {
  func.func @body(%arg0: i32, %arg1: memref<512x8x128xf32, #tpu.memory_space<vmem>>, %arg2: memref<100x200x4096xf32, #tpu.memory_space<any>>, %arg3: memref<100x8x512xf32, #tpu.memory_space<vmem>>) attributes {dimension_semantics = [#tpu.dimension_semantics<arbitrary>], iteration_bounds = array<i64: 25>, scalar_prefetch = 0 : i64, scratch_operands = 0 : i64, tpu.core_type = #tpu.core_type<tc>, window_params = [{transform_indices = @transform_0, window_bounds = array<i64: 512, 8, 128>}, {}, {transform_indices = @transform_2, window_bounds = array<i64: 100, 8, 512>}]} {
    %get3A = arith.constant 0 : index
    %get3A_0 = arith.constant 0 : index
    %get3A_1 = arith.constant 0 : index
    %get3A_2 = vector.load %arg1[%get3A, %get3A_0, %get3A_1] : memref<512x8x128xf32, #tpu.memory_space<vmem>>, vector<512x1x100xf32>
    %get3A_3 = vector.shape_cast %get3A_2 : vector<512x1x100xf32> to vector<512x100xf32>
    %transpose3A = tpu.transpose %get3A_3, [1, 0] : vector<512x100xf32> -> vector<100x512xf32>
    %swap3A = arith.constant 0 : index
    %swap3A_4 = arith.constant 0 : index
    %swap3A_5 = arith.constant 0 : index
    %swap3A_6 = vector.load %arg3[%swap3A, %swap3A_4, %swap3A_5] : memref<100x8x512xf32, #tpu.memory_space<vmem>>, vector<100x1x512xf32>
    %swap3A_7 = vector.shape_cast %swap3A_6 : vector<100x1x512xf32> to vector<100x512xf32>
    %swap3A_8 = vector.shape_cast %transpose3A : vector<100x512xf32> to vector<100x1x512xf32>
    tpu.vector_store %arg3[%swap3A, %swap3A_4, %swap3A_5], %swap3A_8 {strides = array<i32>} : memref<100x8x512xf32, #tpu.memory_space<vmem>>, vector<100x1x512xf32>,
    %get3A_9 = arith.constant 0 : index
    %get3A_10 = arith.constant 1 : index
    %get3A_11 = arith.constant 0 : index
    %get3A_12 = vector.load %arg1[%get3A_9, %get3A_10, %get3A_11] : memref<512x8x128xf32, #tpu.memory_space<vmem>>, vector<512x1x100xf32>
    %get3A_13 = vector.shape_cast %get3A_12 : vector<512x1x100xf32> to vector<512x100xf32>
    %transpose3A_14 = tpu.transpose %get3A_13, [1, 0] : vector<512x100xf32> -> vector<100x512xf32>
    %swap3A_15 = arith.constant 0 : index
    %swap3A_16 = arith.constant 1 : index
    %swap3A_17 = arith.constant 0 : index
    %swap3A_18 = vector.load %arg3[%swap3A_15, %swap3A_16, %swap3A_17] : memref<100x8x512xf32, #tpu.memory_space<vmem>>, vector<100x1x512xf32>
    %swap3A_19 = vector.shape_cast %swap3A_18 : vector<100x1x512xf32> to vector<100x512xf32>
    %swap3A_20 = vector.shape_cast %transpose3A_14 : vector<100x512xf32> to vector<100x1x512xf32>
    tpu.vector_store %arg3[%swap3A_15, %swap3A_16, %swap3A_17], %swap3A_20 {strides = array<i32>} : memref<100x8x512xf32, #tpu.memory_space<vmem>>, vector<100x1x512xf32>,
    %get3A_21 = arith.constant 0 : index
    %get3A_22 = arith.constant 2 : index
    %get3A_23 = arith.constant 0 : index
    %get3A_24 = vector.load %arg1[%get3A_21, %get3A_22, %get3A_23] : memref<512x8x128xf32, #tpu.memory_space<vmem>>, vector<512x1x100xf32>
    %get3A_25 = vector.shape_cast %get3A_24 : vector<512x1x100xf32> to vector<512x100xf32>
    %transpose3A_26 = tpu.transpose %get3A_25, [1, 0] : vector<512x100xf32> -> vector<100x512xf32>
    %swap3A_27 = arith.constant 0 : index
    %swap3A_28 = arith.constant 2 : index
    %swap3A_29 = arith.constant 0 : index
    %swap3A_30 = vector.load %arg3[%swap3A_27, %swap3A_28, %swap3A_29] : memref<100x8x512xf32, #tpu.memory_space<vmem>>, vector<100x1x512xf32>
    %swap3A_31 = vector.shape_cast %swap3A_30 : vector<100x1x512xf32> to vector<100x512xf32>
    %swap3A_32 = vector.shape_cast %transpose3A_26 : vector<100x512xf32> to vector<100x1x512xf32>
    tpu.vector_store %arg3[%swap3A_27, %swap3A_28, %swap3A_29], %swap3A_32 {strides = array<i32>} : memref<100x8x512xf32, #tpu.memory_space<vmem>>, vector<100x1x512xf32>,
    %get3A_33 = arith.constant 0 : index
    %get3A_34 = arith.constant 3 : index
    %get3A_35 = arith.constant 0 : index
    %get3A_36 = vector.load %arg1[%get3A_33, %get3A_34, %get3A_35] : memref<512x8x128xf32, #tpu.memory_space<vmem>>, vector<512x1x100xf32>
    %get3A_37 = vector.shape_cast %get3A_36 : vector<512x1x100xf32> to vector<512x100xf32>
    %transpose3A_38 = tpu.transpose %get3A_37, [1, 0] : vector<512x100xf32> -> vector<100x512xf32>
    %swap3A_39 = arith.constant 0 : index
    %swap3A_40 = arith.constant 3 : index
    %swap3A_41 = arith.constant 0 : index
    %swap3A_42 = vector.load %arg3[%swap3A_39, %swap3A_40, %swap3A_41] : memref<100x8x512xf32, #tpu.memory_space<vmem>>, vector<100x1x512xf32>
    %swap3A_43 = vector.shape_cast %swap3A_42 : vector<100x1x512xf32> to vector<100x512xf32>
    %swap3A_44 = vector.shape_cast %transpose3A_38 : vector<100x512xf32> to vector<100x1x512xf32>
    tpu.vector_store %arg3[%swap3A_39, %swap3A_40, %swap3A_41], %swap3A_44 {strides = array<i32>} : memref<100x8x512xf32, #tpu.memory_space<vmem>>, vector<100x1x512xf32>,
    %get3A_45 = arith.constant 0 : index
    %get3A_46 = arith.constant 4 : index
    %get3A_47 = arith.constant 0 : index
    %get3A_48 = vector.load %arg1[%get3A_45, %get3A_46, %get3A_47] : memref<512x8x128xf32, #tpu.memory_space<vmem>>, vector<512x1x100xf32>
    %get3A_49 = vector.shape_cast %get3A_48 : vector<512x1x100xf32> to vector<512x100xf32>
    %transpose3A_50 = tpu.transpose %get3A_49, [1, 0] : vector<512x100xf32> -> vector<100x512xf32>
    %swap3A_51 = arith.constant 0 : index
    %swap3A_52 = arith.constant 4 : index
    %swap3A_53 = arith.constant 0 : index
    %swap3A_54 = vector.load %arg3[%swap3A_51, %swap3A_52, %swap3A_53] : memref<100x8x512xf32, #tpu.memory_space<vmem>>, vector<100x1x512xf32>
    %swap3A_55 = vector.shape_cast %swap3A_54 : vector<100x1x512xf32> to vector<100x512xf32>
    %swap3A_56 = vector.shape_cast %transpose3A_50 : vector<100x512xf32> to vector<100x1x512xf32>
    tpu.vector_store %arg3[%swap3A_51, %swap3A_52, %swap3A_53], %swap3A_56 {strides = array<i32>} : memref<100x8x512xf32, #tpu.memory_space<vmem>>, vector<100x1x512xf32>,
    %get3A_57 = arith.constant 0 : index
    %get3A_58 = arith.constant 5 : index
    %get3A_59 = arith.constant 0 : index
    %get3A_60 = vector.load %arg1[%get3A_57, %get3A_58, %get3A_59] : memref<512x8x128xf32, #tpu.memory_space<vmem>>, vector<512x1x100xf32>
    %get3A_61 = vector.shape_cast %get3A_60 : vector<512x1x100xf32> to vector<512x100xf32>
    %transpose3A_62 = tpu.transpose %get3A_61, [1, 0] : vector<512x100xf32> -> vector<100x512xf32>
    %swap3A_63 = arith.constant 0 : index
    %swap3A_64 = arith.constant 5 : index
    %swap3A_65 = arith.constant 0 : index
    %swap3A_66 = vector.load %arg3[%swap3A_63, %swap3A_64, %swap3A_65] : memref<100x8x512xf32, #tpu.memory_space<vmem>>, vector<100x1x512xf32>
    %swap3A_67 = vector.shape_cast %swap3A_66 : vector<100x1x512xf32> to vector<100x512xf32>
    %swap3A_68 = vector.shape_cast %transpose3A_62 : vector<100x512xf32> to vector<100x1x512xf32>
    tpu.vector_store %arg3[%swap3A_63, %swap3A_64, %swap3A_65], %swap3A_68 {strides = array<i32>} : memref<100x8x512xf32, #tpu.memory_space<vmem>>, vector<100x1x512xf32>,
    %get3A_69 = arith.constant 0 : index
    %get3A_70 = arith.constant 6 : index
    %get3A_71 = arith.constant 0 : index
    %get3A_72 = vector.load %arg1[%get3A_69, %get3A_70, %get3A_71] : memref<512x8x128xf32, #tpu.memory_space<vmem>>, vector<512x1x100xf32>
    %get3A_73 = vector.shape_cast %get3A_72 : vector<512x1x100xf32> to vector<512x100xf32>
    %transpose3A_74 = tpu.transpose %get3A_73, [1, 0] : vector<512x100xf32> -> vector<100x512xf32>
    %swap3A_75 = arith.constant 0 : index
    %swap3A_76 = arith.constant 6 : index
    %swap3A_77 = arith.constant 0 : index
    %swap3A_78 = vector.load %arg3[%swap3A_75, %swap3A_76, %swap3A_77] : memref<100x8x512xf32, #tpu.memory_space<vmem>>, vector<100x1x512xf32>
    %swap3A_79 = vector.shape_cast %swap3A_78 : vector<100x1x512xf32> to vector<100x512xf32>
    %swap3A_80 = vector.shape_cast %transpose3A_74 : vector<100x512xf32> to vector<100x1x512xf32>
    tpu.vector_store %arg3[%swap3A_75, %swap3A_76, %swap3A_77], %swap3A_80 {strides = array<i32>} : memref<100x8x512xf32, #tpu.memory_space<vmem>>, vector<100x1x512xf32>,
    %get3A_81 = arith.constant 0 : index
    %get3A_82 = arith.constant 7 : index
    %get3A_83 = arith.constant 0 : index
    %get3A_84 = vector.load %arg1[%get3A_81, %get3A_82, %get3A_83] : memref<512x8x128xf32, #tpu.memory_space<vmem>>, vector<512x1x100xf32>
    %get3A_85 = vector.shape_cast %get3A_84 : vector<512x1x100xf32> to vector<512x100xf32>
    %transpose3A_86 = tpu.transpose %get3A_85, [1, 0] : vector<512x100xf32> -> vector<100x512xf32>
    %swap3A_87 = arith.constant 0 : index
    %swap3A_88 = arith.constant 7 : index
    %swap3A_89 = arith.constant 0 : index
    %swap3A_90 = vector.load %arg3[%swap3A_87, %swap3A_88, %swap3A_89] : memref<100x8x512xf32, #tpu.memory_space<vmem>>, vector<100x1x512xf32>
    %swap3A_91 = vector.shape_cast %swap3A_90 : vector<100x1x512xf32> to vector<100x512xf32>
    %swap3A_92 = vector.shape_cast %transpose3A_86 : vector<100x512xf32> to vector<100x1x512xf32>
    tpu.vector_store %arg3[%swap3A_87, %swap3A_88, %swap3A_89], %swap3A_92 {strides = array<i32>} : memref<100x8x512xf32, #tpu.memory_space<vmem>>, vector<100x1x512xf32>,
    return
  }
  func.func @transform_0(%arg0: i32) -> (i32, i32, i32) {
    %c0_i32 = arith.constant 0 : i32
    %c0_i32_0 = arith.constant 0 : i32
    %c0_i32_1 = arith.constant 0 : i32
    return %c0_i32, %arg0, %c0_i32_0 : i32, i32, i32
  }
  func.func @transform_2(%arg0: i32) -> (i32, i32, i32) {
    %c0_i32 = arith.constant 0 : i32
    %c3_i32 = arith.constant 3 : i32
    %c0_i32_0 = arith.constant 0 : i32
    return %c0_i32, %arg0, %c3_i32 : i32, i32, i32
  }
}

module attributes {stable_mosaic.version = 14 : i64} {
  func.func @body(%arg0: i32, %arg1: memref<512x8x128xf32, #tpu.memory_space<vmem>>, %arg2: memref<100x200x4096xf32, #tpu.memory_space<any>>, %arg3: memref<100x8x512xf32, #tpu.memory_space<vmem>>) attributes {dimension_semantics = [#tpu.dimension_semantics<arbitrary>], iteration_bounds = array<i64: 25>, scalar_prefetch = 0 : i64, scratch_operands = 0 : i64, tpu.core_type = #tpu.core_type<tc>, window_params = [{transform_indices = @transform_0, window_bounds = array<i64: 512, 8, 128>}, {}, {transform_indices = @transform_2, window_bounds = array<i64: 100, 8, 512>}]} {
    %get3A = arith.constant 0 : index
    %get3A_0 = arith.constant 0 : index
    %get3A_1 = arith.constant 0 : index
    %get3A_2 = vector.load %arg1[%get3A, %get3A_0, %get3A_1] : memref<512x8x128xf32, #tpu.memory_space<vmem>>, vector<512x1x100xf32>
    %get3A_3 = vector.shape_cast %get3A_2 : vector<512x1x100xf32> to vector<512x100xf32>
    %transpose3A = tpu.transpose %get3A_3, [1, 0] : vector<512x100xf32> -> vector<100x512xf32>
    %swap3A = arith.constant 0 : index
    %swap3A_4 = arith.constant 0 : index
    %swap3A_5 = arith.constant 0 : index
    %swap3A_6 = vector.load %arg3[%swap3A, %swap3A_4, %swap3A_5] : memref<100x8x512xf32, #tpu.memory_space<vmem>>, vector<100x1x512xf32>
    %swap3A_7 = vector.shape_cast %swap3A_6 : vector<100x1x512xf32> to vector<100x512xf32>
    %swap3A_8 = vector.shape_cast %transpose3A : vector<100x512xf32> to vector<100x1x512xf32>
    tpu.vector_store %arg3[%swap3A, %swap3A_4, %swap3A_5], %swap3A_8 {strides = array<i32>} : memref<100x8x512xf32, #tpu.memory_space<vmem>>, vector<100x1x512xf32>,
    %get3A_9 = arith.constant 0 : index
    %get3A_10 = arith.constant 1 : index
    %get3A_11 = arith.constant 0 : index
    %get3A_12 = vector.load %arg1[%get3A_9, %get3A_10, %get3A_11] : memref<512x8x128xf32, #tpu.memory_space<vmem>>, vector<512x1x100xf32>
    %get3A_13 = vector.shape_cast %get3A_12 : vector<512x1x100xf32> to vector<512x100xf32>
    %transpose3A_14 = tpu.transpose %get3A_13, [1, 0] : vector<512x100xf32> -> vector<100x512xf32>
    %swap3A_15 = arith.constant 0 : index
    %swap3A_16 = arith.constant 1 : index
    %swap3A_17 = arith.constant 0 : index
    %swap3A_18 = vector.load %arg3[%swap3A_15, %swap3A_16, %swap3A_17] : memref<100x8x512xf32, #tpu.memory_space<vmem>>, vector<100x1x512xf32>
    %swap3A_19 = vector.shape_cast %swap3A_18 : vector<100x1x512xf32> to vector<100x512xf32>
    %swap3A_20 = vector.shape_cast %transpose3A_14 : vector<100x512xf32> to vector<100x1x512xf32>
    tpu.vector_store %arg3[%swap3A_15, %swap3A_16, %swap3A_17], %swap3A_20 {strides = array<i32>} : memref<100x8x512xf32, #tpu.memory_space<vmem>>, vector<100x1x512xf32>,
    %get3A_21 = arith.constant 0 : index
    %get3A_22 = arith.constant 2 : index
    %get3A_23 = arith.constant 0 : index
    %get3A_24 = vector.load %arg1[%get3A_21, %get3A_22, %get3A_23] : memref<512x8x128xf32, #tpu.memory_space<vmem>>, vector<512x1x100xf32>
    %get3A_25 = vector.shape_cast %get3A_24 : vector<512x1x100xf32> to vector<512x100xf32>
    %transpose3A_26 = tpu.transpose %get3A_25, [1, 0] : vector<512x100xf32> -> vector<100x512xf32>
    %swap3A_27 = arith.constant 0 : index
    %swap3A_28 = arith.constant 2 : index
    %swap3A_29 = arith.constant 0 : index
    %swap3A_30 = vector.load %arg3[%swap3A_27, %swap3A_28, %swap3A_29] : memref<100x8x512xf32, #tpu.memory_space<vmem>>, vector<100x1x512xf32>
    %swap3A_31 = vector.shape_cast %swap3A_30 : vector<100x1x512xf32> to vector<100x512xf32>
    %swap3A_32 = vector.shape_cast %transpose3A_26 : vector<100x512xf32> to vector<100x1x512xf32>
    tpu.vector_store %arg3[%swap3A_27, %swap3A_28, %swap3A_29], %swap3A_32 {strides = array<i32>} : memref<100x8x512xf32, #tpu.memory_space<vmem>>, vector<100x1x512xf32>,
    %get3A_33 = arith.constant 0 : index
    %get3A_34 = arith.constant 3 : index
    %get3A_35 = arith.constant 0 : index
    %get3A_36 = vector.load %arg1[%get3A_33, %get3A_34, %get3A_35] : memref<512x8x128xf32, #tpu.memory_space<vmem>>, vector<512x1x100xf32>
    %get3A_37 = vector.shape_cast %get3A_36 : vector<512x1x100xf32> to vector<512x100xf32>
    %transpose3A_38 = tpu.transpose %get3A_37, [1, 0] : vector<512x100xf32> -> vector<100x512xf32>
    %swap3A_39 = arith.constant 0 : index
    %swap3A_40 = arith.constant 3 : index
    %swap3A_41 = arith.constant 0 : index
    %swap3A_42 = vector.load %arg3[%swap3A_39, %swap3A_40, %swap3A_41] : memref<100x8x512xf32, #tpu.memory_space<vmem>>, vector<100x1x512xf32>
    %swap3A_43 = vector.shape_cast %swap3A_42 : vector<100x1x512xf32> to vector<100x512xf32>
    %swap3A_44 = vector.shape_cast %transpose3A_38 : vector<100x512xf32> to vector<100x1x512xf32>
    tpu.vector_store %arg3[%swap3A_39, %swap3A_40, %swap3A_41], %swap3A_44 {strides = array<i32>} : memref<100x8x512xf32, #tpu.memory_space<vmem>>, vector<100x1x512xf32>,
    %get3A_45 = arith.constant 0 : index
    %get3A_46 = arith.constant 4 : index
    %get3A_47 = arith.constant 0 : index
    %get3A_48 = vector.load %arg1[%get3A_45, %get3A_46, %get3A_47] : memref<512x8x128xf32, #tpu.memory_space<vmem>>, vector<512x1x100xf32>
    %get3A_49 = vector.shape_cast %get3A_48 : vector<512x1x100xf32> to vector<512x100xf32>
    %transpose3A_50 = tpu.transpose %get3A_49, [1, 0] : vector<512x100xf32> -> vector<100x512xf32>
    %swap3A_51 = arith.constant 0 : index
    %swap3A_52 = arith.constant 4 : index
    %swap3A_53 = arith.constant 0 : index
    %swap3A_54 = vector.load %arg3[%swap3A_51, %swap3A_52, %swap3A_53] : memref<100x8x512xf32, #tpu.memory_space<vmem>>, vector<100x1x512xf32>
    %swap3A_55 = vector.shape_cast %swap3A_54 : vector<100x1x512xf32> to vector<100x512xf32>
    %swap3A_56 = vector.shape_cast %transpose3A_50 : vector<100x512xf32> to vector<100x1x512xf32>
    tpu.vector_store %arg3[%swap3A_51, %swap3A_52, %swap3A_53], %swap3A_56 {strides = array<i32>} : memref<100x8x512xf32, #tpu.memory_space<vmem>>, vector<100x1x512xf32>,
    %get3A_57 = arith.constant 0 : index
    %get3A_58 = arith.constant 5 : index
    %get3A_59 = arith.constant 0 : index
    %get3A_60 = vector.load %arg1[%get3A_57, %get3A_58, %get3A_59] : memref<512x8x128xf32, #tpu.memory_space<vmem>>, vector<512x1x100xf32>
    %get3A_61 = vector.shape_cast %get3A_60 : vector<512x1x100xf32> to vector<512x100xf32>
    %transpose3A_62 = tpu.transpose %get3A_61, [1, 0] : vector<512x100xf32> -> vector<100x512xf32>
    %swap3A_63 = arith.constant 0 : index
    %swap3A_64 = arith.constant 5 : index
    %swap3A_65 = arith.constant 0 : index
    %swap3A_66 = vector.load %arg3[%swap3A_63, %swap3A_64, %swap3A_65] : memref<100x8x512xf32, #tpu.memory_space<vmem>>, vector<100x1x512xf32>
    %swap3A_67 = vector.shape_cast %swap3A_66 : vector<100x1x512xf32> to vector<100x512xf32>
    %swap3A_68 = vector.shape_cast %transpose3A_62 : vector<100x512xf32> to vector<100x1x512xf32>
    tpu.vector_store %arg3[%swap3A_63, %swap3A_64, %swap3A_65], %swap3A_68 {strides = array<i32>} : memref<100x8x512xf32, #tpu.memory_space<vmem>>, vector<100x1x512xf32>,
    %get3A_69 = arith.constant 0 : index
    %get3A_70 = arith.constant 6 : index
    %get3A_71 = arith.constant 0 : index
    %get3A_72 = vector.load %arg1[%get3A_69, %get3A_70, %get3A_71] : memref<512x8x128xf32, #tpu.memory_space<vmem>>, vector<512x1x100xf32>
    %get3A_73 = vector.shape_cast %get3A_72 : vector<512x1x100xf32> to vector<512x100xf32>
    %transpose3A_74 = tpu.transpose %get3A_73, [1, 0] : vector<512x100xf32> -> vector<100x512xf32>
    %swap3A_75 = arith.constant 0 : index
    %swap3A_76 = arith.constant 6 : index
    %swap3A_77 = arith.constant 0 : index
    %swap3A_78 = vector.load %arg3[%swap3A_75, %swap3A_76, %swap3A_77] : memref<100x8x512xf32, #tpu.memory_space<vmem>>, vector<100x1x512xf32>
    %swap3A_79 = vector.shape_cast %swap3A_78 : vector<100x1x512xf32> to vector<100x512xf32>
    %swap3A_80 = vector.shape_cast %transpose3A_74 : vector<100x512xf32> to vector<100x1x512xf32>
    tpu.vector_store %arg3[%swap3A_75, %swap3A_76, %swap3A_77], %swap3A_80 {strides = array<i32>} : memref<100x8x512xf32, #tpu.memory_space<vmem>>, vector<100x1x512xf32>,
    %get3A_81 = arith.constant 0 : index
    %get3A_82 = arith.constant 7 : index
    %get3A_83 = arith.constant 0 : index
    %get3A_84 = vector.load %arg1[%get3A_81, %get3A_82, %get3A_83] : memref<512x8x128xf32, #tpu.memory_space<vmem>>, vector<512x1x100xf32>
    %get3A_85 = vector.shape_cast %get3A_84 : vector<512x1x100xf32> to vector<512x100xf32>
    %transpose3A_86 = tpu.transpose %get3A_85, [1, 0] : vector<512x100xf32> -> vector<100x512xf32>
    %swap3A_87 = arith.constant 0 : index
    %swap3A_88 = arith.constant 7 : index
    %swap3A_89 = arith.constant 0 : index
    %swap3A_90 = vector.load %arg3[%swap3A_87, %swap3A_88, %swap3A_89] : memref<100x8x512xf32, #tpu.memory_space<vmem>>, vector<100x1x512xf32>
    %swap3A_91 = vector.shape_cast %swap3A_90 : vector<100x1x512xf32> to vector<100x512xf32>
    %swap3A_92 = vector.shape_cast %transpose3A_86 : vector<100x512xf32> to vector<100x1x512xf32>
    tpu.vector_store %arg3[%swap3A_87, %swap3A_88, %swap3A_89], %swap3A_92 {strides = array<i32>} : memref<100x8x512xf32, #tpu.memory_space<vmem>>, vector<100x1x512xf32>,
    return
  }
  func.func @transform_0(%arg0: i32) -> (i32, i32, i32) {
    %c0_i32 = arith.constant 0 : i32
    %c0_i32_0 = arith.constant 0 : i32
    %c0_i32_1 = arith.constant 0 : i32
    return %c0_i32, %arg0, %c0_i32_0 : i32, i32, i32
  }
  func.func @transform_2(%arg0: i32) -> (i32, i32, i32) {
    %c0_i32 = arith.constant 0 : i32
    %c4_i32 = arith.constant 4 : i32
    %c0_i32_0 = arith.constant 0 : i32
    return %c0_i32, %arg0, %c4_i32 : i32, i32, i32
  }
}

module attributes {stable_mosaic.version = 14 : i64} {
  func.func @body(%arg0: i32, %arg1: memref<512x8x128xf32, #tpu.memory_space<vmem>>, %arg2: memref<100x200x4096xf32, #tpu.memory_space<any>>, %arg3: memref<100x8x512xf32, #tpu.memory_space<vmem>>) attributes {dimension_semantics = [#tpu.dimension_semantics<arbitrary>], iteration_bounds = array<i64: 25>, scalar_prefetch = 0 : i64, scratch_operands = 0 : i64, tpu.core_type = #tpu.core_type<tc>, window_params = [{transform_indices = @transform_0, window_bounds = array<i64: 512, 8, 128>}, {}, {transform_indices = @transform_2, window_bounds = array<i64: 100, 8, 512>}]} {
    %get3A = arith.constant 0 : index
    %get3A_0 = arith.constant 0 : index
    %get3A_1 = arith.constant 0 : index
    %get3A_2 = vector.load %arg1[%get3A, %get3A_0, %get3A_1] : memref<512x8x128xf32, #tpu.memory_space<vmem>>, vector<512x1x100xf32>
    %get3A_3 = vector.shape_cast %get3A_2 : vector<512x1x100xf32> to vector<512x100xf32>
    %transpose3A = tpu.transpose %get3A_3, [1, 0] : vector<512x100xf32> -> vector<100x512xf32>
    %swap3A = arith.constant 0 : index
    %swap3A_4 = arith.constant 0 : index
    %swap3A_5 = arith.constant 0 : index
    %swap3A_6 = vector.load %arg3[%swap3A, %swap3A_4, %swap3A_5] : memref<100x8x512xf32, #tpu.memory_space<vmem>>, vector<100x1x512xf32>
    %swap3A_7 = vector.shape_cast %swap3A_6 : vector<100x1x512xf32> to vector<100x512xf32>
    %swap3A_8 = vector.shape_cast %transpose3A : vector<100x512xf32> to vector<100x1x512xf32>
    tpu.vector_store %arg3[%swap3A, %swap3A_4, %swap3A_5], %swap3A_8 {strides = array<i32>} : memref<100x8x512xf32, #tpu.memory_space<vmem>>, vector<100x1x512xf32>,
    %get3A_9 = arith.constant 0 : index
    %get3A_10 = arith.constant 1 : index
    %get3A_11 = arith.constant 0 : index
    %get3A_12 = vector.load %arg1[%get3A_9, %get3A_10, %get3A_11] : memref<512x8x128xf32, #tpu.memory_space<vmem>>, vector<512x1x100xf32>
    %get3A_13 = vector.shape_cast %get3A_12 : vector<512x1x100xf32> to vector<512x100xf32>
    %transpose3A_14 = tpu.transpose %get3A_13, [1, 0] : vector<512x100xf32> -> vector<100x512xf32>
    %swap3A_15 = arith.constant 0 : index
    %swap3A_16 = arith.constant 1 : index
    %swap3A_17 = arith.constant 0 : index
    %swap3A_18 = vector.load %arg3[%swap3A_15, %swap3A_16, %swap3A_17] : memref<100x8x512xf32, #tpu.memory_space<vmem>>, vector<100x1x512xf32>
    %swap3A_19 = vector.shape_cast %swap3A_18 : vector<100x1x512xf32> to vector<100x512xf32>
    %swap3A_20 = vector.shape_cast %transpose3A_14 : vector<100x512xf32> to vector<100x1x512xf32>
    tpu.vector_store %arg3[%swap3A_15, %swap3A_16, %swap3A_17], %swap3A_20 {strides = array<i32>} : memref<100x8x512xf32, #tpu.memory_space<vmem>>, vector<100x1x512xf32>,
    %get3A_21 = arith.constant 0 : index
    %get3A_22 = arith.constant 2 : index
    %get3A_23 = arith.constant 0 : index
    %get3A_24 = vector.load %arg1[%get3A_21, %get3A_22, %get3A_23] : memref<512x8x128xf32, #tpu.memory_space<vmem>>, vector<512x1x100xf32>
    %get3A_25 = vector.shape_cast %get3A_24 : vector<512x1x100xf32> to vector<512x100xf32>
    %transpose3A_26 = tpu.transpose %get3A_25, [1, 0] : vector<512x100xf32> -> vector<100x512xf32>
    %swap3A_27 = arith.constant 0 : index
    %swap3A_28 = arith.constant 2 : index
    %swap3A_29 = arith.constant 0 : index
    %swap3A_30 = vector.load %arg3[%swap3A_27, %swap3A_28, %swap3A_29] : memref<100x8x512xf32, #tpu.memory_space<vmem>>, vector<100x1x512xf32>
    %swap3A_31 = vector.shape_cast %swap3A_30 : vector<100x1x512xf32> to vector<100x512xf32>
    %swap3A_32 = vector.shape_cast %transpose3A_26 : vector<100x512xf32> to vector<100x1x512xf32>
    tpu.vector_store %arg3[%swap3A_27, %swap3A_28, %swap3A_29], %swap3A_32 {strides = array<i32>} : memref<100x8x512xf32, #tpu.memory_space<vmem>>, vector<100x1x512xf32>,
    %get3A_33 = arith.constant 0 : index
    %get3A_34 = arith.constant 3 : index
    %get3A_35 = arith.constant 0 : index
    %get3A_36 = vector.load %arg1[%get3A_33, %get3A_34, %get3A_35] : memref<512x8x128xf32, #tpu.memory_space<vmem>>, vector<512x1x100xf32>
    %get3A_37 = vector.shape_cast %get3A_36 : vector<512x1x100xf32> to vector<512x100xf32>
    %transpose3A_38 = tpu.transpose %get3A_37, [1, 0] : vector<512x100xf32> -> vector<100x512xf32>
    %swap3A_39 = arith.constant 0 : index
    %swap3A_40 = arith.constant 3 : index
    %swap3A_41 = arith.constant 0 : index
    %swap3A_42 = vector.load %arg3[%swap3A_39, %swap3A_40, %swap3A_41] : memref<100x8x512xf32, #tpu.memory_space<vmem>>, vector<100x1x512xf32>
    %swap3A_43 = vector.shape_cast %swap3A_42 : vector<100x1x512xf32> to vector<100x512xf32>
    %swap3A_44 = vector.shape_cast %transpose3A_38 : vector<100x512xf32> to vector<100x1x512xf32>
    tpu.vector_store %arg3[%swap3A_39, %swap3A_40, %swap3A_41], %swap3A_44 {strides = array<i32>} : memref<100x8x512xf32, #tpu.memory_space<vmem>>, vector<100x1x512xf32>,
    %get3A_45 = arith.constant 0 : index
    %get3A_46 = arith.constant 4 : index
    %get3A_47 = arith.constant 0 : index
    %get3A_48 = vector.load %arg1[%get3A_45, %get3A_46, %get3A_47] : memref<512x8x128xf32, #tpu.memory_space<vmem>>, vector<512x1x100xf32>
    %get3A_49 = vector.shape_cast %get3A_48 : vector<512x1x100xf32> to vector<512x100xf32>
    %transpose3A_50 = tpu.transpose %get3A_49, [1, 0] : vector<512x100xf32> -> vector<100x512xf32>
    %swap3A_51 = arith.constant 0 : index
    %swap3A_52 = arith.constant 4 : index
    %swap3A_53 = arith.constant 0 : index
    %swap3A_54 = vector.load %arg3[%swap3A_51, %swap3A_52, %swap3A_53] : memref<100x8x512xf32, #tpu.memory_space<vmem>>, vector<100x1x512xf32>
    %swap3A_55 = vector.shape_cast %swap3A_54 : vector<100x1x512xf32> to vector<100x512xf32>
    %swap3A_56 = vector.shape_cast %transpose3A_50 : vector<100x512xf32> to vector<100x1x512xf32>
    tpu.vector_store %arg3[%swap3A_51, %swap3A_52, %swap3A_53], %swap3A_56 {strides = array<i32>} : memref<100x8x512xf32, #tpu.memory_space<vmem>>, vector<100x1x512xf32>,
    %get3A_57 = arith.constant 0 : index
    %get3A_58 = arith.constant 5 : index
    %get3A_59 = arith.constant 0 : index
    %get3A_60 = vector.load %arg1[%get3A_57, %get3A_58, %get3A_59] : memref<512x8x128xf32, #tpu.memory_space<vmem>>, vector<512x1x100xf32>
    %get3A_61 = vector.shape_cast %get3A_60 : vector<512x1x100xf32> to vector<512x100xf32>
    %transpose3A_62 = tpu.transpose %get3A_61, [1, 0] : vector<512x100xf32> -> vector<100x512xf32>
    %swap3A_63 = arith.constant 0 : index
    %swap3A_64 = arith.constant 5 : index
    %swap3A_65 = arith.constant 0 : index
    %swap3A_66 = vector.load %arg3[%swap3A_63, %swap3A_64, %swap3A_65] : memref<100x8x512xf32, #tpu.memory_space<vmem>>, vector<100x1x512xf32>
    %swap3A_67 = vector.shape_cast %swap3A_66 : vector<100x1x512xf32> to vector<100x512xf32>
    %swap3A_68 = vector.shape_cast %transpose3A_62 : vector<100x512xf32> to vector<100x1x512xf32>
    tpu.vector_store %arg3[%swap3A_63, %swap3A_64, %swap3A_65], %swap3A_68 {strides = array<i32>} : memref<100x8x512xf32, #tpu.memory_space<vmem>>, vector<100x1x512xf32>,
    %get3A_69 = arith.constant 0 : index
    %get3A_70 = arith.constant 6 : index
    %get3A_71 = arith.constant 0 : index
    %get3A_72 = vector.load %arg1[%get3A_69, %get3A_70, %get3A_71] : memref<512x8x128xf32, #tpu.memory_space<vmem>>, vector<512x1x100xf32>
    %get3A_73 = vector.shape_cast %get3A_72 : vector<512x1x100xf32> to vector<512x100xf32>
    %transpose3A_74 = tpu.transpose %get3A_73, [1, 0] : vector<512x100xf32> -> vector<100x512xf32>
    %swap3A_75 = arith.constant 0 : index
    %swap3A_76 = arith.constant 6 : index
    %swap3A_77 = arith.constant 0 : index
    %swap3A_78 = vector.load %arg3[%swap3A_75, %swap3A_76, %swap3A_77] : memref<100x8x512xf32, #tpu.memory_space<vmem>>, vector<100x1x512xf32>
    %swap3A_79 = vector.shape_cast %swap3A_78 : vector<100x1x512xf32> to vector<100x512xf32>
    %swap3A_80 = vector.shape_cast %transpose3A_74 : vector<100x512xf32> to vector<100x1x512xf32>
    tpu.vector_store %arg3[%swap3A_75, %swap3A_76, %swap3A_77], %swap3A_80 {strides = array<i32>} : memref<100x8x512xf32, #tpu.memory_space<vmem>>, vector<100x1x512xf32>,
    %get3A_81 = arith.constant 0 : index
    %get3A_82 = arith.constant 7 : index
    %get3A_83 = arith.constant 0 : index
    %get3A_84 = vector.load %arg1[%get3A_81, %get3A_82, %get3A_83] : memref<512x8x128xf32, #tpu.memory_space<vmem>>, vector<512x1x100xf32>
    %get3A_85 = vector.shape_cast %get3A_84 : vector<512x1x100xf32> to vector<512x100xf32>
    %transpose3A_86 = tpu.transpose %get3A_85, [1, 0] : vector<512x100xf32> -> vector<100x512xf32>
    %swap3A_87 = arith.constant 0 : index
    %swap3A_88 = arith.constant 7 : index
    %swap3A_89 = arith.constant 0 : index
    %swap3A_90 = vector.load %arg3[%swap3A_87, %swap3A_88, %swap3A_89] : memref<100x8x512xf32, #tpu.memory_space<vmem>>, vector<100x1x512xf32>
    %swap3A_91 = vector.shape_cast %swap3A_90 : vector<100x1x512xf32> to vector<100x512xf32>
    %swap3A_92 = vector.shape_cast %transpose3A_86 : vector<100x512xf32> to vector<100x1x512xf32>
    tpu.vector_store %arg3[%swap3A_87, %swap3A_88, %swap3A_89], %swap3A_92 {strides = array<i32>} : memref<100x8x512xf32, #tpu.memory_space<vmem>>, vector<100x1x512xf32>,
    return
  }
  func.func @transform_0(%arg0: i32) -> (i32, i32, i32) {
    %c0_i32 = arith.constant 0 : i32
    %c0_i32_0 = arith.constant 0 : i32
    %c0_i32_1 = arith.constant 0 : i32
    return %c0_i32, %arg0, %c0_i32_0 : i32, i32, i32
  }
  func.func @transform_2(%arg0: i32) -> (i32, i32, i32) {
    %c0_i32 = arith.constant 0 : i32
    %c5_i32 = arith.constant 5 : i32
    %c0_i32_0 = arith.constant 0 : i32
    return %c0_i32, %arg0, %c5_i32 : i32, i32, i32
  }
}

module attributes {stable_mosaic.version = 14 : i64} {
  func.func @body(%arg0: i32, %arg1: memref<512x8x128xf32, #tpu.memory_space<vmem>>, %arg2: memref<100x200x4096xf32, #tpu.memory_space<any>>, %arg3: memref<100x8x512xf32, #tpu.memory_space<vmem>>) attributes {dimension_semantics = [#tpu.dimension_semantics<arbitrary>], iteration_bounds = array<i64: 25>, scalar_prefetch = 0 : i64, scratch_operands = 0 : i64, tpu.core_type = #tpu.core_type<tc>, window_params = [{transform_indices = @transform_0, window_bounds = array<i64: 512, 8, 128>}, {}, {transform_indices = @transform_2, window_bounds = array<i64: 100, 8, 512>}]} {
    %get3A = arith.constant 0 : index
    %get3A_0 = arith.constant 0 : index
    %get3A_1 = arith.constant 0 : index
    %get3A_2 = vector.load %arg1[%get3A, %get3A_0, %get3A_1] : memref<512x8x128xf32, #tpu.memory_space<vmem>>, vector<512x1x100xf32>
    %get3A_3 = vector.shape_cast %get3A_2 : vector<512x1x100xf32> to vector<512x100xf32>
    %transpose3A = tpu.transpose %get3A_3, [1, 0] : vector<512x100xf32> -> vector<100x512xf32>
    %swap3A = arith.constant 0 : index
    %swap3A_4 = arith.constant 0 : index
    %swap3A_5 = arith.constant 0 : index
    %swap3A_6 = vector.load %arg3[%swap3A, %swap3A_4, %swap3A_5] : memref<100x8x512xf32, #tpu.memory_space<vmem>>, vector<100x1x512xf32>
    %swap3A_7 = vector.shape_cast %swap3A_6 : vector<100x1x512xf32> to vector<100x512xf32>
    %swap3A_8 = vector.shape_cast %transpose3A : vector<100x512xf32> to vector<100x1x512xf32>
    tpu.vector_store %arg3[%swap3A, %swap3A_4, %swap3A_5], %swap3A_8 {strides = array<i32>} : memref<100x8x512xf32, #tpu.memory_space<vmem>>, vector<100x1x512xf32>,
    %get3A_9 = arith.constant 0 : index
    %get3A_10 = arith.constant 1 : index
    %get3A_11 = arith.constant 0 : index
    %get3A_12 = vector.load %arg1[%get3A_9, %get3A_10, %get3A_11] : memref<512x8x128xf32, #tpu.memory_space<vmem>>, vector<512x1x100xf32>
    %get3A_13 = vector.shape_cast %get3A_12 : vector<512x1x100xf32> to vector<512x100xf32>
    %transpose3A_14 = tpu.transpose %get3A_13, [1, 0] : vector<512x100xf32> -> vector<100x512xf32>
    %swap3A_15 = arith.constant 0 : index
    %swap3A_16 = arith.constant 1 : index
    %swap3A_17 = arith.constant 0 : index
    %swap3A_18 = vector.load %arg3[%swap3A_15, %swap3A_16, %swap3A_17] : memref<100x8x512xf32, #tpu.memory_space<vmem>>, vector<100x1x512xf32>
    %swap3A_19 = vector.shape_cast %swap3A_18 : vector<100x1x512xf32> to vector<100x512xf32>
    %swap3A_20 = vector.shape_cast %transpose3A_14 : vector<100x512xf32> to vector<100x1x512xf32>
    tpu.vector_store %arg3[%swap3A_15, %swap3A_16, %swap3A_17], %swap3A_20 {strides = array<i32>} : memref<100x8x512xf32, #tpu.memory_space<vmem>>, vector<100x1x512xf32>,
    %get3A_21 = arith.constant 0 : index
    %get3A_22 = arith.constant 2 : index
    %get3A_23 = arith.constant 0 : index
    %get3A_24 = vector.load %arg1[%get3A_21, %get3A_22, %get3A_23] : memref<512x8x128xf32, #tpu.memory_space<vmem>>, vector<512x1x100xf32>
    %get3A_25 = vector.shape_cast %get3A_24 : vector<512x1x100xf32> to vector<512x100xf32>
    %transpose3A_26 = tpu.transpose %get3A_25, [1, 0] : vector<512x100xf32> -> vector<100x512xf32>
    %swap3A_27 = arith.constant 0 : index
    %swap3A_28 = arith.constant 2 : index
    %swap3A_29 = arith.constant 0 : index
    %swap3A_30 = vector.load %arg3[%swap3A_27, %swap3A_28, %swap3A_29] : memref<100x8x512xf32, #tpu.memory_space<vmem>>, vector<100x1x512xf32>
    %swap3A_31 = vector.shape_cast %swap3A_30 : vector<100x1x512xf32> to vector<100x512xf32>
    %swap3A_32 = vector.shape_cast %transpose3A_26 : vector<100x512xf32> to vector<100x1x512xf32>
    tpu.vector_store %arg3[%swap3A_27, %swap3A_28, %swap3A_29], %swap3A_32 {strides = array<i32>} : memref<100x8x512xf32, #tpu.memory_space<vmem>>, vector<100x1x512xf32>,
    %get3A_33 = arith.constant 0 : index
    %get3A_34 = arith.constant 3 : index
    %get3A_35 = arith.constant 0 : index
    %get3A_36 = vector.load %arg1[%get3A_33, %get3A_34, %get3A_35] : memref<512x8x128xf32, #tpu.memory_space<vmem>>, vector<512x1x100xf32>
    %get3A_37 = vector.shape_cast %get3A_36 : vector<512x1x100xf32> to vector<512x100xf32>
    %transpose3A_38 = tpu.transpose %get3A_37, [1, 0] : vector<512x100xf32> -> vector<100x512xf32>
    %swap3A_39 = arith.constant 0 : index
    %swap3A_40 = arith.constant 3 : index
    %swap3A_41 = arith.constant 0 : index
    %swap3A_42 = vector.load %arg3[%swap3A_39, %swap3A_40, %swap3A_41] : memref<100x8x512xf32, #tpu.memory_space<vmem>>, vector<100x1x512xf32>
    %swap3A_43 = vector.shape_cast %swap3A_42 : vector<100x1x512xf32> to vector<100x512xf32>
    %swap3A_44 = vector.shape_cast %transpose3A_38 : vector<100x512xf32> to vector<100x1x512xf32>
    tpu.vector_store %arg3[%swap3A_39, %swap3A_40, %swap3A_41], %swap3A_44 {strides = array<i32>} : memref<100x8x512xf32, #tpu.memory_space<vmem>>, vector<100x1x512xf32>,
    %get3A_45 = arith.constant 0 : index
    %get3A_46 = arith.constant 4 : index
    %get3A_47 = arith.constant 0 : index
    %get3A_48 = vector.load %arg1[%get3A_45, %get3A_46, %get3A_47] : memref<512x8x128xf32, #tpu.memory_space<vmem>>, vector<512x1x100xf32>
    %get3A_49 = vector.shape_cast %get3A_48 : vector<512x1x100xf32> to vector<512x100xf32>
    %transpose3A_50 = tpu.transpose %get3A_49, [1, 0] : vector<512x100xf32> -> vector<100x512xf32>
    %swap3A_51 = arith.constant 0 : index
    %swap3A_52 = arith.constant 4 : index
    %swap3A_53 = arith.constant 0 : index
    %swap3A_54 = vector.load %arg3[%swap3A_51, %swap3A_52, %swap3A_53] : memref<100x8x512xf32, #tpu.memory_space<vmem>>, vector<100x1x512xf32>
    %swap3A_55 = vector.shape_cast %swap3A_54 : vector<100x1x512xf32> to vector<100x512xf32>
    %swap3A_56 = vector.shape_cast %transpose3A_50 : vector<100x512xf32> to vector<100x1x512xf32>
    tpu.vector_store %arg3[%swap3A_51, %swap3A_52, %swap3A_53], %swap3A_56 {strides = array<i32>} : memref<100x8x512xf32, #tpu.memory_space<vmem>>, vector<100x1x512xf32>,
    %get3A_57 = arith.constant 0 : index
    %get3A_58 = arith.constant 5 : index
    %get3A_59 = arith.constant 0 : index
    %get3A_60 = vector.load %arg1[%get3A_57, %get3A_58, %get3A_59] : memref<512x8x128xf32, #tpu.memory_space<vmem>>, vector<512x1x100xf32>
    %get3A_61 = vector.shape_cast %get3A_60 : vector<512x1x100xf32> to vector<512x100xf32>
    %transpose3A_62 = tpu.transpose %get3A_61, [1, 0] : vector<512x100xf32> -> vector<100x512xf32>
    %swap3A_63 = arith.constant 0 : index
    %swap3A_64 = arith.constant 5 : index
    %swap3A_65 = arith.constant 0 : index
    %swap3A_66 = vector.load %arg3[%swap3A_63, %swap3A_64, %swap3A_65] : memref<100x8x512xf32, #tpu.memory_space<vmem>>, vector<100x1x512xf32>
    %swap3A_67 = vector.shape_cast %swap3A_66 : vector<100x1x512xf32> to vector<100x512xf32>
    %swap3A_68 = vector.shape_cast %transpose3A_62 : vector<100x512xf32> to vector<100x1x512xf32>
    tpu.vector_store %arg3[%swap3A_63, %swap3A_64, %swap3A_65], %swap3A_68 {strides = array<i32>} : memref<100x8x512xf32, #tpu.memory_space<vmem>>, vector<100x1x512xf32>,
    %get3A_69 = arith.constant 0 : index
    %get3A_70 = arith.constant 6 : index
    %get3A_71 = arith.constant 0 : index
    %get3A_72 = vector.load %arg1[%get3A_69, %get3A_70, %get3A_71] : memref<512x8x128xf32, #tpu.memory_space<vmem>>, vector<512x1x100xf32>
    %get3A_73 = vector.shape_cast %get3A_72 : vector<512x1x100xf32> to vector<512x100xf32>
    %transpose3A_74 = tpu.transpose %get3A_73, [1, 0] : vector<512x100xf32> -> vector<100x512xf32>
    %swap3A_75 = arith.constant 0 : index
    %swap3A_76 = arith.constant 6 : index
    %swap3A_77 = arith.constant 0 : index
    %swap3A_78 = vector.load %arg3[%swap3A_75, %swap3A_76, %swap3A_77] : memref<100x8x512xf32, #tpu.memory_space<vmem>>, vector<100x1x512xf32>
    %swap3A_79 = vector.shape_cast %swap3A_78 : vector<100x1x512xf32> to vector<100x512xf32>
    %swap3A_80 = vector.shape_cast %transpose3A_74 : vector<100x512xf32> to vector<100x1x512xf32>
    tpu.vector_store %arg3[%swap3A_75, %swap3A_76, %swap3A_77], %swap3A_80 {strides = array<i32>} : memref<100x8x512xf32, #tpu.memory_space<vmem>>, vector<100x1x512xf32>,
    %get3A_81 = arith.constant 0 : index
    %get3A_82 = arith.constant 7 : index
    %get3A_83 = arith.constant 0 : index
    %get3A_84 = vector.load %arg1[%get3A_81, %get3A_82, %get3A_83] : memref<512x8x128xf32, #tpu.memory_space<vmem>>, vector<512x1x100xf32>
    %get3A_85 = vector.shape_cast %get3A_84 : vector<512x1x100xf32> to vector<512x100xf32>
    %transpose3A_86 = tpu.transpose %get3A_85, [1, 0] : vector<512x100xf32> -> vector<100x512xf32>
    %swap3A_87 = arith.constant 0 : index
    %swap3A_88 = arith.constant 7 : index
    %swap3A_89 = arith.constant 0 : index
    %swap3A_90 = vector.load %arg3[%swap3A_87, %swap3A_88, %swap3A_89] : memref<100x8x512xf32, #tpu.memory_space<vmem>>, vector<100x1x512xf32>
    %swap3A_91 = vector.shape_cast %swap3A_90 : vector<100x1x512xf32> to vector<100x512xf32>
    %swap3A_92 = vector.shape_cast %transpose3A_86 : vector<100x512xf32> to vector<100x1x512xf32>
    tpu.vector_store %arg3[%swap3A_87, %swap3A_88, %swap3A_89], %swap3A_92 {strides = array<i32>} : memref<100x8x512xf32, #tpu.memory_space<vmem>>, vector<100x1x512xf32>,
    return
  }
  func.func @transform_0(%arg0: i32) -> (i32, i32, i32) {
    %c0_i32 = arith.constant 0 : i32
    %c0_i32_0 = arith.constant 0 : i32
    %c0_i32_1 = arith.constant 0 : i32
    return %c0_i32, %arg0, %c0_i32_0 : i32, i32, i32
  }
  func.func @transform_2(%arg0: i32) -> (i32, i32, i32) {
    %c0_i32 = arith.constant 0 : i32
    %c6_i32 = arith.constant 6 : i32
    %c0_i32_0 = arith.constant 0 : i32
    return %c0_i32, %arg0, %c6_i32 : i32, i32, i32
  }
}

module attributes {stable_mosaic.version = 14 : i64} {
  func.func @body(%arg0: i32, %arg1: memref<512x8x128xf32, #tpu.memory_space<vmem>>, %arg2: memref<100x200x4096xf32, #tpu.memory_space<any>>, %arg3: memref<100x8x512xf32, #tpu.memory_space<vmem>>) attributes {dimension_semantics = [#tpu.dimension_semantics<arbitrary>], iteration_bounds = array<i64: 25>, scalar_prefetch = 0 : i64, scratch_operands = 0 : i64, tpu.core_type = #tpu.core_type<tc>, window_params = [{transform_indices = @transform_0, window_bounds = array<i64: 512, 8, 128>}, {}, {transform_indices = @transform_2, window_bounds = array<i64: 100, 8, 512>}]} {
    %get3A = arith.constant 0 : index
    %get3A_0 = arith.constant 0 : index
    %get3A_1 = arith.constant 0 : index
    %get3A_2 = vector.load %arg1[%get3A, %get3A_0, %get3A_1] : memref<512x8x128xf32, #tpu.memory_space<vmem>>, vector<512x1x100xf32>
    %get3A_3 = vector.shape_cast %get3A_2 : vector<512x1x100xf32> to vector<512x100xf32>
    %transpose3A = tpu.transpose %get3A_3, [1, 0] : vector<512x100xf32> -> vector<100x512xf32>
    %swap3A = arith.constant 0 : index
    %swap3A_4 = arith.constant 0 : index
    %swap3A_5 = arith.constant 0 : index
    %swap3A_6 = vector.load %arg3[%swap3A, %swap3A_4, %swap3A_5] : memref<100x8x512xf32, #tpu.memory_space<vmem>>, vector<100x1x512xf32>
    %swap3A_7 = vector.shape_cast %swap3A_6 : vector<100x1x512xf32> to vector<100x512xf32>
    %swap3A_8 = vector.shape_cast %transpose3A : vector<100x512xf32> to vector<100x1x512xf32>
    tpu.vector_store %arg3[%swap3A, %swap3A_4, %swap3A_5], %swap3A_8 {strides = array<i32>} : memref<100x8x512xf32, #tpu.memory_space<vmem>>, vector<100x1x512xf32>,
    %get3A_9 = arith.constant 0 : index
    %get3A_10 = arith.constant 1 : index
    %get3A_11 = arith.constant 0 : index
    %get3A_12 = vector.load %arg1[%get3A_9, %get3A_10, %get3A_11] : memref<512x8x128xf32, #tpu.memory_space<vmem>>, vector<512x1x100xf32>
    %get3A_13 = vector.shape_cast %get3A_12 : vector<512x1x100xf32> to vector<512x100xf32>
    %transpose3A_14 = tpu.transpose %get3A_13, [1, 0] : vector<512x100xf32> -> vector<100x512xf32>
    %swap3A_15 = arith.constant 0 : index
    %swap3A_16 = arith.constant 1 : index
    %swap3A_17 = arith.constant 0 : index
    %swap3A_18 = vector.load %arg3[%swap3A_15, %swap3A_16, %swap3A_17] : memref<100x8x512xf32, #tpu.memory_space<vmem>>, vector<100x1x512xf32>
    %swap3A_19 = vector.shape_cast %swap3A_18 : vector<100x1x512xf32> to vector<100x512xf32>
    %swap3A_20 = vector.shape_cast %transpose3A_14 : vector<100x512xf32> to vector<100x1x512xf32>
    tpu.vector_store %arg3[%swap3A_15, %swap3A_16, %swap3A_17], %swap3A_20 {strides = array<i32>} : memref<100x8x512xf32, #tpu.memory_space<vmem>>, vector<100x1x512xf32>,
    %get3A_21 = arith.constant 0 : index
    %get3A_22 = arith.constant 2 : index
    %get3A_23 = arith.constant 0 : index
    %get3A_24 = vector.load %arg1[%get3A_21, %get3A_22, %get3A_23] : memref<512x8x128xf32, #tpu.memory_space<vmem>>, vector<512x1x100xf32>
    %get3A_25 = vector.shape_cast %get3A_24 : vector<512x1x100xf32> to vector<512x100xf32>
    %transpose3A_26 = tpu.transpose %get3A_25, [1, 0] : vector<512x100xf32> -> vector<100x512xf32>
    %swap3A_27 = arith.constant 0 : index
    %swap3A_28 = arith.constant 2 : index
    %swap3A_29 = arith.constant 0 : index
    %swap3A_30 = vector.load %arg3[%swap3A_27, %swap3A_28, %swap3A_29] : memref<100x8x512xf32, #tpu.memory_space<vmem>>, vector<100x1x512xf32>
    %swap3A_31 = vector.shape_cast %swap3A_30 : vector<100x1x512xf32> to vector<100x512xf32>
    %swap3A_32 = vector.shape_cast %transpose3A_26 : vector<100x512xf32> to vector<100x1x512xf32>
    tpu.vector_store %arg3[%swap3A_27, %swap3A_28, %swap3A_29], %swap3A_32 {strides = array<i32>} : memref<100x8x512xf32, #tpu.memory_space<vmem>>, vector<100x1x512xf32>,
    %get3A_33 = arith.constant 0 : index
    %get3A_34 = arith.constant 3 : index
    %get3A_35 = arith.constant 0 : index
    %get3A_36 = vector.load %arg1[%get3A_33, %get3A_34, %get3A_35] : memref<512x8x128xf32, #tpu.memory_space<vmem>>, vector<512x1x100xf32>
    %get3A_37 = vector.shape_cast %get3A_36 : vector<512x1x100xf32> to vector<512x100xf32>
    %transpose3A_38 = tpu.transpose %get3A_37, [1, 0] : vector<512x100xf32> -> vector<100x512xf32>
    %swap3A_39 = arith.constant 0 : index
    %swap3A_40 = arith.constant 3 : index
    %swap3A_41 = arith.constant 0 : index
    %swap3A_42 = vector.load %arg3[%swap3A_39, %swap3A_40, %swap3A_41] : memref<100x8x512xf32, #tpu.memory_space<vmem>>, vector<100x1x512xf32>
    %swap3A_43 = vector.shape_cast %swap3A_42 : vector<100x1x512xf32> to vector<100x512xf32>
    %swap3A_44 = vector.shape_cast %transpose3A_38 : vector<100x512xf32> to vector<100x1x512xf32>
    tpu.vector_store %arg3[%swap3A_39, %swap3A_40, %swap3A_41], %swap3A_44 {strides = array<i32>} : memref<100x8x512xf32, #tpu.memory_space<vmem>>, vector<100x1x512xf32>,
    %get3A_45 = arith.constant 0 : index
    %get3A_46 = arith.constant 4 : index
    %get3A_47 = arith.constant 0 : index
    %get3A_48 = vector.load %arg1[%get3A_45, %get3A_46, %get3A_47] : memref<512x8x128xf32, #tpu.memory_space<vmem>>, vector<512x1x100xf32>
    %get3A_49 = vector.shape_cast %get3A_48 : vector<512x1x100xf32> to vector<512x100xf32>
    %transpose3A_50 = tpu.transpose %get3A_49, [1, 0] : vector<512x100xf32> -> vector<100x512xf32>
    %swap3A_51 = arith.constant 0 : index
    %swap3A_52 = arith.constant 4 : index
    %swap3A_53 = arith.constant 0 : index
    %swap3A_54 = vector.load %arg3[%swap3A_51, %swap3A_52, %swap3A_53] : memref<100x8x512xf32, #tpu.memory_space<vmem>>, vector<100x1x512xf32>
    %swap3A_55 = vector.shape_cast %swap3A_54 : vector<100x1x512xf32> to vector<100x512xf32>
    %swap3A_56 = vector.shape_cast %transpose3A_50 : vector<100x512xf32> to vector<100x1x512xf32>
    tpu.vector_store %arg3[%swap3A_51, %swap3A_52, %swap3A_53], %swap3A_56 {strides = array<i32>} : memref<100x8x512xf32, #tpu.memory_space<vmem>>, vector<100x1x512xf32>,
    %get3A_57 = arith.constant 0 : index
    %get3A_58 = arith.constant 5 : index
    %get3A_59 = arith.constant 0 : index
    %get3A_60 = vector.load %arg1[%get3A_57, %get3A_58, %get3A_59] : memref<512x8x128xf32, #tpu.memory_space<vmem>>, vector<512x1x100xf32>
    %get3A_61 = vector.shape_cast %get3A_60 : vector<512x1x100xf32> to vector<512x100xf32>
    %transpose3A_62 = tpu.transpose %get3A_61, [1, 0] : vector<512x100xf32> -> vector<100x512xf32>
    %swap3A_63 = arith.constant 0 : index
    %swap3A_64 = arith.constant 5 : index
    %swap3A_65 = arith.constant 0 : index
    %swap3A_66 = vector.load %arg3[%swap3A_63, %swap3A_64, %swap3A_65] : memref<100x8x512xf32, #tpu.memory_space<vmem>>, vector<100x1x512xf32>
    %swap3A_67 = vector.shape_cast %swap3A_66 : vector<100x1x512xf32> to vector<100x512xf32>
    %swap3A_68 = vector.shape_cast %transpose3A_62 : vector<100x512xf32> to vector<100x1x512xf32>
    tpu.vector_store %arg3[%swap3A_63, %swap3A_64, %swap3A_65], %swap3A_68 {strides = array<i32>} : memref<100x8x512xf32, #tpu.memory_space<vmem>>, vector<100x1x512xf32>,
    %get3A_69 = arith.constant 0 : index
    %get3A_70 = arith.constant 6 : index
    %get3A_71 = arith.constant 0 : index
    %get3A_72 = vector.load %arg1[%get3A_69, %get3A_70, %get3A_71] : memref<512x8x128xf32, #tpu.memory_space<vmem>>, vector<512x1x100xf32>
    %get3A_73 = vector.shape_cast %get3A_72 : vector<512x1x100xf32> to vector<512x100xf32>
    %transpose3A_74 = tpu.transpose %get3A_73, [1, 0] : vector<512x100xf32> -> vector<100x512xf32>
    %swap3A_75 = arith.constant 0 : index
    %swap3A_76 = arith.constant 6 : index
    %swap3A_77 = arith.constant 0 : index
    %swap3A_78 = vector.load %arg3[%swap3A_75, %swap3A_76, %swap3A_77] : memref<100x8x512xf32, #tpu.memory_space<vmem>>, vector<100x1x512xf32>
    %swap3A_79 = vector.shape_cast %swap3A_78 : vector<100x1x512xf32> to vector<100x512xf32>
    %swap3A_80 = vector.shape_cast %transpose3A_74 : vector<100x512xf32> to vector<100x1x512xf32>
    tpu.vector_store %arg3[%swap3A_75, %swap3A_76, %swap3A_77], %swap3A_80 {strides = array<i32>} : memref<100x8x512xf32, #tpu.memory_space<vmem>>, vector<100x1x512xf32>,
    %get3A_81 = arith.constant 0 : index
    %get3A_82 = arith.constant 7 : index
    %get3A_83 = arith.constant 0 : index
    %get3A_84 = vector.load %arg1[%get3A_81, %get3A_82, %get3A_83] : memref<512x8x128xf32, #tpu.memory_space<vmem>>, vector<512x1x100xf32>
    %get3A_85 = vector.shape_cast %get3A_84 : vector<512x1x100xf32> to vector<512x100xf32>
    %transpose3A_86 = tpu.transpose %get3A_85, [1, 0] : vector<512x100xf32> -> vector<100x512xf32>
    %swap3A_87 = arith.constant 0 : index
    %swap3A_88 = arith.constant 7 : index
    %swap3A_89 = arith.constant 0 : index
    %swap3A_90 = vector.load %arg3[%swap3A_87, %swap3A_88, %swap3A_89] : memref<100x8x512xf32, #tpu.memory_space<vmem>>, vector<100x1x512xf32>
    %swap3A_91 = vector.shape_cast %swap3A_90 : vector<100x1x512xf32> to vector<100x512xf32>
    %swap3A_92 = vector.shape_cast %transpose3A_86 : vector<100x512xf32> to vector<100x1x512xf32>
    tpu.vector_store %arg3[%swap3A_87, %swap3A_88, %swap3A_89], %swap3A_92 {strides = array<i32>} : memref<100x8x512xf32, #tpu.memory_space<vmem>>, vector<100x1x512xf32>,
    return
  }
  func.func @transform_0(%arg0: i32) -> (i32, i32, i32) {
    %c0_i32 = arith.constant 0 : i32
    %c0_i32_0 = arith.constant 0 : i32
    %c0_i32_1 = arith.constant 0 : i32
    return %c0_i32, %arg0, %c0_i32_0 : i32, i32, i32
  }
  func.func @transform_2(%arg0: i32) -> (i32, i32, i32) {
    %c0_i32 = arith.constant 0 : i32
    %c7_i32 = arith.constant 7 : i32
    %c0_i32_0 = arith.constant 0 : i32
    return %c0_i32, %arg0, %c7_i32 : i32, i32, i32
  }
}

</mosaic_0001>

<sc_bundles>
// kernel: kernel.19.cloned.1.call-start
scs
__scs_entry_jumppad:
0x0: {  	(pc) =	sbr.rel $0x88, $3  }
0x1: {  	(tag) =	ssettag $0x0;
	lr =	simm.s32 $0x1  }
0x2: {  	[smem:$0x3F9F] =	sst lr;
	_ =	strace $0xD0000000  }
0x3: {  	_ = 	snop  }
0x4: {  	_ = 	snop  }
0x5: {  	_ = 	snop  }
0x6: {  	_ = 	snop  }
0x7: {  	_ = 	snop  }
__scs_overlays_trampoline_lowered:
0x8: {  	[smem:$0x3FAE] =	sst s0  }
0x9: {  	[smem:$0x3FAF] =	sst s1  }
0xa: {  	[smem:$0x3FB0] =	sst s2  }
0xb: {  	[smem:$0x3FB1] =	sst s3  }
0xc: {  	[smem:$0x3FB2] =	sst s4  }
0xd: {  	[smem:$0x3FB3] =	sst s5  }
0xe: {  	[smem:$0x3FB4] =	sst s6  }
0xf: {  	[smem:$0x3FB5] =	sst s7  }
0x10: {  	[smem:$0x3FB6] =	sst s8  }
0x11: {  	[smem:$0x3FB7] =	sst s9;
	s0 =	simm.s32 @!p0 $0x0  }
0x12: {  	s1 =	sld [smem:$0x3F9D];
	s0 =	simm.s32 @p0 $0x1  }
0x13: {  	[smem:$0x3FB8] =	sst s0;
	s0 =	simm.s32 @!p1 $0x0  }
0x14: {  	s2 =	sld [smem:$0x3F9C];
	s0 =	simm.s32 @p1 $0x1  }
0x15: {  	[smem:$0x3FB9] =	sst s0;
	s0 =	simm.s32 @!p2 $0x0  }
0x16: {  	s3 =	sld [smem:$0x3FDB];
	s0 =	simm.s32 @p2 $0x1  }
0x17: {  	s4 =	simm.s32 $0x1BF5;
	[smem:$0x3FBB] =	sst s0  }
0x18: {  	s0 =	sld [smem:$0x3F9E];
	_ =	swait.ge [sflag:s4], $0x0  }
0x19: {  	s7 =	sld [smem:$0x3F9F]  }
0x1a: {  	s8 =	sadd.s32 $0xFFFFE003, lr  }
0x1b: {  	s9 =	sadd.s32 $0xFFFFFEF7, lr;
	s5 =	simm.s32 $0xFFFFFFFF;
	p2 =	slt.u32 s8, $0xFFFFF086  }
0x1c: {  	p1 =	slt.u32 s9, $0xF7A;
	s5 =	simm.s32 @!p2 $0x0  }
0x1d: {  	s5 =	simm.s32 @p1 $0x1;
	p0 =	seq.s32 s7, s2  }
0x1e: {  	s7 =	smul.u32 @!p0 $0xF7A, s2;
	p2 =	seq.s32 @!p0 s5, $0x0  }
0x1f: {  	s9 =	smul.u32 $0xF7A, s1;
	s8 =	simm.s32 @!p0 $0x1BF5;
	p2 =	por !p2, p0  }
0x20: {  	[sflag:s8] =	ssyncset.s32 @!p0 $0xFFFFF086;
	s6 =	sadd.s32 @!p0 s3, s7;
	s7 =	simm.s32 @!p0 $0x108  }
0x21: {  	s3 =	sadd.s32 s3, s9;
	s6 =	sadd.s32 @!p0 $0x88, s6;
	s7 =	simm.s32 @p2 $0x1082  }
0x22: {  	[simem:s7], [sflag:s8] =	dma.local @!p0 [hbm:s6], $0xF7A  }
0x23: {  	s9 =	sor.u32 $0xD0000000, s2;
	s6 =	simm.s32 $0x108;
	_ =	swait.ge @!p0 [sflag:s8], $0x0  }
0x24: {  	s3 =	sadd.s32 $0x88, s3;
	s6 =	simm.s32 @!p1 $0x1082;
	[sflag:s4] =	ssyncset.s32 $0xFFFFF086  }
0x25: {  	[simem:s6], [sflag:s4] =	dma.local [hbm:s3], $0xF7A  }
0x26: {  	[smem:$0x3F9F] =	sst s1;
	(tag) =	ssettag s2;
	_ =	strace s9  }
0x27: {  	s1 =	sld [smem:$0x3FAF]  }
0x28: {  	s2 =	sld [smem:$0x3FB0]  }
0x29: {  	s4 =	sld [smem:$0x3FB2]  }
0x2a: {  	p0 =	seq.s32 s5, $0x0;
	s5 =	sld [smem:$0x3FB3]  }
0x2b: {  	s6 =	sld [smem:$0x3FB4]  }
0x2c: {  	s7 =	sld [smem:$0x3FB5]  }
0x2d: {  	s3 =	simm.s32 $0x108;
	s8 =	sld [smem:$0x3FB6]  }
0x2e: {  	s3 =	simm.s32 @!p0 $0x1082;
	s9 =	sld [smem:$0x3FB7]  }
0x2f: {  	lr =	sadd.s32 s0, s3;
	s0 =	sld [smem:$0x3FAE]  }
0x30: {  	s3 =	sld [smem:$0x3FB1]  }
0x31: {  	[smem:$0x3FBA] =	sst s10  }
0x32: {  	s10 =	sld [smem:$0x3FB8];
	_ =	sdelay $0x3  }
0x33: {  	p0 =	seq.s32 s10, $0x1;
	s10 =	sld [smem:$0x3FBA];
	_ =	sdelay $0x3  }
0x34: {  	[smem:$0x3FBA] =	sst s10  }
0x35: {  	s10 =	sld [smem:$0x3FB9];
	_ =	sdelay $0x3  }
0x36: {  	p1 =	seq.s32 s10, $0x1;
	s10 =	sld [smem:$0x3FBA];
	_ =	sdelay $0x3  }
0x37: {  	[smem:$0x3FBA] =	sst s10  }
0x38: {  	s10 =	sld [smem:$0x3FBB]  }
0x39: {  	_ = 	snop;
	(pc) =	sbr.ind lr, $3  }
0x3a: {  	_ = 	snop  }
0x3b: {  	_ = 	snop  }
0x3c: {  	p2 =	seq.s32 s10, $0x1;
	s10 =	sld [smem:$0x3FBA]  }
0x3d: {  	_ =	shalt  }
0x3e: {  	_ =	shalt  }
0x3f: {  	_ =	shalt  }
0x40: {  	_ =	shalt  }
0x41: {  	_ =	shalt  }
0x42: {  	_ =	shalt  }
0x43: {  	_ =	shalt  }
0x44: {  	_ =	shalt  }
0x45: {  	_ =	shalt  }
0x46: {  	_ =	shalt  }
0x47: {  	_ =	shalt  }
0x48: {  	_ =	shalt  }
0x49: {  	_ =	shalt  }
0x4a: {  	_ =	shalt  }
0x4b: {  	_ =	shalt  }
0x4c: {  	_ =	shalt  }
0x4d: {  	_ =	shalt  }
0x4e: {  	_ =	shalt  }
0x4f: {  	_ =	shalt  }
0x50: {  	_ =	shalt  }
0x51: {  	_ =	shalt  }
0x52: {  	_ =	shalt  }
0x53: {  	_ =	shalt  }
0x54: {  	_ =	shalt  }
0x55: {  	_ =	shalt  }
0x56: {  	_ =	shalt  }
0x57: {  	_ =	shalt  }
0x58: {  	_ =	shalt  }
0x59: {  	_ =	shalt  }
0x5a: {  	_ =	shalt  }
0x5b: {  	_ =	shalt  }
0x5c: {  	_ =	shalt  }
0x5d: {  	_ =	shalt  }
0x5e: {  	_ =	shalt  }
0x5f: {  	_ =	shalt  }
0x60: {  	_ =	shalt  }
0x61: {  	_ =	shalt  }
0x62: {  	_ =	shalt  }
0x63: {  	_ =	shalt  }
0x64: {  	_ =	shalt  }
0x65: {  	_ =	shalt  }
0x66: {  	_ =	shalt  }
0x67: {  	_ =	shalt  }
0x68: {  	_ =	shalt  }
0x69: {  	_ =	shalt  }
0x6a: {  	_ =	shalt  }
0x6b: {  	_ =	shalt  }
0x6c: {  	_ =	shalt  }
0x6d: {  	_ =	shalt  }
0x6e: {  	_ =	shalt  }
0x6f: {  	_ =	shalt  }
0x70: {  	_ =	shalt  }
0x71: {  	_ =	shalt  }
0x72: {  	_ =	shalt  }
0x73: {  	_ =	shalt  }
0x74: {  	_ =	shalt  }
0x75: {  	_ =	shalt  }
0x76: {  	_ =	shalt  }
0x77: {  	_ =	shalt  }
0x78: {  	_ =	shalt  }
0x79: {  	_ =	shalt  }
0x7a: {  	_ =	shalt  }
0x7b: {  	_ =	shalt  }
0x7c: {  	_ =	shalt  }
0x7d: {  	_ =	shalt  }
0x7e: {  	_ =	shalt  }
0x7f: {  	_ =	shalt  }
0x80: {  	_ =	shalt  }
0x81: {  	_ =	shalt  }
0x82: {  	_ =	shalt  }
0x83: {  	_ =	shalt  }
0x84: {  	_ =	shalt  }
0x85: {  	_ =	shalt  }
0x86: {  	_ =	shalt  }
0x87: {  	_ =	shalt  }
.Lfunc_end0:
.L_simem_size_0:
called_computation_lowered:
.L_overlay_start_0:
0x88: {  	s2 =	sld [smem:$0x3FD9]  }
0x89: {  	s3 =	sld [smem:$0x3FFE];
	_ =	sdelay $0x1  }
0x8a: {  	s1 =	srdreg.scid  }
0x8b: {  	s0 =	sand.u32 $0x1, s1  }
0x8c: {  	s17 =	sshll.u32 s0, $0xA;
	s2 =	sadd.s32 s3, s2  }
0x8d: {  	s2 =	sadd.s32 s2, s17  }
0x8e: {  	[smem:$0x3FC6] =	sst s2  }
0x8f: {  	_ = 	snop  }
0x90: {  	s2 =	sld [smem:$0x3FD0];
	(tm) =	ssettm $0x1  }
0x91: {  	s18 =	sld [smem:$0x3FFB];
	_ =	sdelay $0x3  }
0x92: {  	_ =	strace s18  }
0x93: {  	s3 =	sld [smem:$0x3FFC];
	_ =	sdelay $0x3  }
0x94: {  	_ =	strace s3  }
0x95: {  	s3 =	sld [smem:$0x3FFD];
	_ =	sdelay $0x3  }
0x96: {  	_ =	strace s3  }
0x97: {  	_ =	strace $0x8FFFFFFF  }
0x98: {  	s19 =	sld [smem:$0x3FDB];
	_ =	sdelay $0x1  }
0x99: {  	s4 =	simm.s32 $_scs_section_size  }
0x9a: {  	s5 =	simm.s32 $_size__tile_overlayer_lowered;
	s6 =	simm.s32 $_tile_overlayer_lowered  }
0x9b: {  	s22 =	simm.s32 $0x1BFF;
	s21 =	sshll.u32 s6, $0x1;
	s3 =	sadd.s32 s4, s19  }
0x9c: {  	s7 =	simm.s32 $0x0;
	s20 =	sshll.u32 s5, $0x1;
	s5 =	sadd.s32 s21, s3  }
0x9d: {  	[timem:s7], [sflag:s22] =	dma.local [hbm:s5], s20  }
0x9e: {  	_ =	swait.ge [sflag:s22], s20  }
0x9f: {  	s4 =	ssub.s32 $0x0, s20;
	[sflag:s22] =	ssyncset.done $0x0  }
0xa0: {  	[sflag:s22] =	ssyncadd.s32 s4;
	_ =	sdelay $0x1  }
0xa1: {  	s23 =	simm.s32 $0x1B8B  }
0xa2: {  	_ =	swait.ge [sflag:s23], $0x1  }
0xa3: {  	[sflag:s23] =	ssyncset.done $0x0  }
0xa4: {  	s25 =	simm.s32 $0x1B8E;
	s24 =	sld [smem:$0x3FFE];
	[sflag:s23] =	ssyncadd.s32 $0xFFFFFFFF  }
0xa5: {  	s26 =	simm.s32 $execute0_lowered;
	[smem:$0x3FD2] =	sst s25  }
0xa6: {  	s5 =	sshll.u32 s26, $0x1;
	_ =	strace $0x80000046;
	[dreg:$0x1] =	wrdreg $0xFFFFFFFF  }
0xa7: {  	s28 =	simm.s32 $_size_execute0_lowered;
	s3 =	sadd.s32 s3, s5;
	[dreg:$0x0] =	wrdreg $0x0  }
0xa8: {  	s5 =	sshll.u32 s28, $0x1;
	[dreg:$0x2] =	wrdreg s3  }
0xa9: {  	[dreg:$0x3] =	wrdreg s5  }
0xaa: {  	[dreg:$0x4] =	wrdreg $0xC0  }
0xab: {  	_ =	task [dreg:s7], $0x5FFFF  }
0xac: {  	[dreg:$0x1] =	wrdreg $0xFFFFFFFF  }
0xad: {  	[dreg:$0x0] =	wrdreg $0x60  }
0xae: {  	[dreg:$0x2] =	wrdreg s2  }
0xaf: {  	[dreg:$0x3] =	wrdreg s24  }
0xb0: {  	[dreg:$0x4] =	wrdreg $0x9  }
0xb1: {  	_ =	task.clear_ibuf [dreg:s7], $0x5FFFF;
	_ =	strace $0x90000046  }
0xb2: {  	s29 =	simm.s32 $0x9;
	_ =	strace $0x80000048  }
0xb3: {  	_ =	swait.ge [sflag:s29], $0x1  }
0xb4: {  	[sflag:s29] =	ssyncadd.s32 $0xFFFFFFFF  }
0xb5: {  	_ =	strace $0x90000048  }
0xb6: {  	_ =	sfence  }
0xb7: {  	s30 =	sld [smem:$0x0];
	_ =	sdelay $0x2  }
0xb8: {  	s31 =	sshll.u32 s1, $0xD;
	s1 =	sshrl.u32 s1, $0x2  }
0xb9: {  	s3 =	sand.u32 $0x4000, s31;
	s1 =	sadd.s32 s1, s30  }
0xba: {  	s0 =	sor.u32 s3, s0;
	s1 =	sshll.u32 s1, $0x11  }
0xbb: {  	s0 =	sor.u32 s1, s0  }
0xbc: {  	s0 =	sadd.s32 $0x8F2B, s0  }
0xbd: {  	[sflag:s0] =	ssyncadd.remote.s32 $0x1  }
0xbe: {  	_ =	sfence.sel $0xFFFF  }
0xbf: {  	[dreg:$0x0] =	wrdreg $0xFFFFFFFF;
	(pc) =	sbr.abs _section_cstart, $3  }
0xc0: {  	[dreg:$0x1] =	wrdreg $0xFFFFFFFF  }
0xc1: {  	_ =	task.clear_ibuf [dreg:s7], $0x2FFFF;
	_ =	strace $0x9FFFFFFF  }
0xc2: {  	(tm) =	ssettm $0x7FFFFFFF  }
0xc3: {  	_ =	shalt  }
tec
execute0_lowered:
.L_overlay_start_1:
0x0: {  	(tag) =	ssettag $0x1  }
0x1: {  	s4 =	rddreg [dreg:$0x0]  }
0x2: {  	s5 =	rddreg [dreg:$0x1]  }
0x3: {  	s0 =	rddreg [dreg:$0x2]  }
0x4: {  	s3 =	srdreg.scid;
	s1 =	stileid.u32;
	s2 =	simm.s32 $0x0  }
0x5: {  	s13 =	simm.s32 $0x1;
	s14 =	simm.s32 $0x4C80;
	s15 =	simm.s32 $0x2  }
0x6: {  	s16 =	simm.s32 $0x3;
	s17 =	simm.s32 $0x4;
	s18 =	simm.s32 $0xC00  }
0x7: {  	s19 =	simm.s32 $0x0;
	s6 =	sand.u32 $0x1, s3;
	s25 =	sshll.u32 s1, $0x1  }
0x8: {  	[smem:$0x7FF] =	sst s2;
	s3 =	sadd.s32 $0x2400, s5;
	s29 =	smul.u32 $0x19000, s1  }
0x9: {  	s11 =	sadd.s32 $0xF44800, s5;
	s7 =	sor.u32 s6, s25;
	s12 =	smul.u32 $0xC800, s6  }
0xa: {  	_ =	strace $0x80000047;
	s9 =	ssub.s32 $0x2, s6;
	s8 =	smul.u32 $0xC80, s7  }
0xb: {  	s10 =	smul.u32 $0x64000, s7;
	s26 =	sshrl.u32 s9, $0x1;
	s30 =	sadd.s32 s29, s11  }
0xc: {  	s7 =	smul.u32 $0xC800, s7;
	s9 =	ssub.s32 s9, s26;
	s31 =	sadd.s32 s12, s30  }
0xd: {  	s12 =	simm.s32 $0xC80;
	s28 =	sshrl.u32 s10, $0x3;
	s8 =	sshrl.u32 s8, $0x3  }
0xe: {  	s6 =	smax.u32 s9, $0x1;
	s7 =	sadd.s32 s11, s7;
	s9 =	sadd.s32 $0x1800, s31  }
0xf: {  	s10 =	simm.s32 $0x5;
	s5 =	sadd.s32 s11, s28;
	s4 =	sadd.s32 s4, s8  }
0x10: {  	s8 =	sadd.s32 $0x800, s7;
	s11 =	simm.s32 $0x80;
	s5 =	sadd.s32 $0xC000, s5  }
.LBB2_1:
0x11: {  	[tilespmem:s2], [sflag:$0x5] =	stream.linear.gather [hbm4b:s4+s2], $0xC80, $0x38;
	[tilespmem:$0x8C80] =	vst v63  }
0x12: {  	_ =	swait.ge [sflag:s10], $0xC80  }
0x13: {  	[sflag:s10] =	ssyncset.done $0x0  }
0x14: {  	[sflag:s10] =	ssyncadd.s32 $0xFFFFF380  }
0x15: {  	[tilespmem:s12], [sflag:$0x1] =	stream.indirect.gather [hbm4b:s3+s11], $0x80, s2, s11, $0xb8;
	[tilespmem:$0x8C80] =	vst v63  }
0x16: {  	_ =	swait.ge [sflag:s13], $0x4000  }
0x17: {  	[sflag:s13] =	ssyncset.done $0x0  }
0x18: {  	[sflag:s13] =	ssyncadd.s32 $0xFFFFC000  }
0x19: {  	[hbm4b:s7+s2] =	stream.linear.scatter [tilespmem:s12], [sflag:$0x3], $0x4000, $0x38;
	[tilespmem:$0x8C80] =	vst v63  }
0x1a: {  	_ = 	snop  }
0x1b: {  	[tilespmem:s14], [sflag:$0x2] =	stream.indirect.gather [hbm4b:s3+s11], $0x80, s11, s11, $0xb8;
	[tilespmem:$0x8C80] =	vst v63  }
0x1c: {  	_ =	swait.ge [sflag:s15], $0x4000  }
0x1d: {  	[sflag:s15] =	ssyncset.done $0x0  }
0x1e: {  	[sflag:s15] =	ssyncadd.s32 $0xFFFFC000  }
0x1f: {  	[hbm4b:s8+s2] =	stream.linear.scatter [tilespmem:s14], [sflag:$0x4], $0x4000, $0x38;
	[tilespmem:$0x8C80] =	vst v63  }
0x20: {  	_ =	swait.ge [sflag:s16], $0x4000  }
0x21: {  	[sflag:s16] =	ssyncset.done $0x0  }
0x22: {  	s20 =	simm.s32 $0x100;
	[sflag:s16] =	ssyncadd.s32 $0xFFFFC000  }
0x23: {  	[tilespmem:s12], [sflag:$0x1] =	stream.indirect.gather [hbm4b:s3+s11], $0x80, s20, s11, $0xb8;
	[tilespmem:$0x8C80] =	vst v63  }
0x24: {  	_ =	swait.ge [sflag:s13], $0x4000  }
0x25: {  	[sflag:s13] =	ssyncset.done $0x0  }
0x26: {  	s30 =	sadd.s32 $0xFFFFF800, s9;
	[sflag:s13] =	ssyncadd.s32 $0xFFFFC000  }
0x27: {  	[hbm4b:s30+s2] =	stream.linear.scatter [tilespmem:s12], [sflag:$0x3], $0x4000, $0x38;
	[tilespmem:$0x8C80] =	vst v63  }
0x28: {  	_ =	swait.ge [sflag:s17], $0x4000  }
0x29: {  	[sflag:s17] =	ssyncset.done $0x0  }
0x2a: {  	s31 =	simm.s32 $0x180;
	[sflag:s17] =	ssyncadd.s32 $0xFFFFC000  }
0x2b: {  	[tilespmem:s14], [sflag:$0x2] =	stream.indirect.gather [hbm4b:s3+s11], $0x80, s31, s11, $0xb8;
	[tilespmem:$0x8C80] =	vst v63  }
0x2c: {  	_ =	swait.ge [sflag:s15], $0x4000  }
0x2d: {  	s21 =	sadd.s32 $0x1000, s9;
	[sflag:s15] =	ssyncset.done $0x0  }
0x2e: {  	s22 =	smov.u32 s9;
	s20 =	simm.s32 $0x400;
	[sflag:s15] =	ssyncadd.s32 $0xFFFFC000  }
.LBB2_2:
0x2f: {  	[hbm4b:s22+s2] =	stream.linear.scatter [tilespmem:s14], [sflag:$0x4], $0x4000, $0x38;
	[tilespmem:$0x8C80] =	vst v63  }
0x30: {  	s23 =	smov.u32 s20;
	s22 =	smov.u32 s21  }
0x31: {  	p0 =	sne.s32 s20, $0x2800;
	s20 =	sadd.s32 $0x400, s20;
	_ =	swait.ge [sflag:s16], $0x4000  }
0x32: {  	s23 =	sshra.s32 s23, $0x2;
	[sflag:s16] =	ssyncset.done $0x0  }
0x33: {  	s24 =	sadd.s32 $0x100, s23;
	[sflag:s16] =	ssyncadd.s32 $0xFFFFC000  }
0x34: {  	[tilespmem:s12], [sflag:$0x1] =	stream.indirect.gather [hbm4b:s3+s11], $0x80, s24, s11, $0xb8;
	[tilespmem:$0x8C80] =	vst v63  }
0x35: {  	_ =	swait.ge [sflag:s13], $0x4000  }
0x36: {  	[sflag:s13] =	ssyncset.done $0x0  }
0x37: {  	s24 =	sadd.s32 $0xFFFFF800, s21;
	[sflag:s13] =	ssyncadd.s32 $0xFFFFC000  }
0x38: {  	[hbm4b:s24+s2] =	stream.linear.scatter [tilespmem:s12], [sflag:$0x3], $0x4000, $0x38;
	[tilespmem:$0x8C80] =	vst v63  }
0x39: {  	_ =	swait.ge [sflag:s17], $0x4000  }
0x3a: {  	[sflag:s17] =	ssyncset.done $0x0  }
.Ltmp0:
0x3b: {  	s23 =	sadd.s32 $0x180, s23;
	[sflag:s17] =	ssyncadd.s32 $0xFFFFC000;
	(pc) =	sbr.rel @p0 .LBB2_2-.Ltmp0, $4  }
0x3c: {  	[tilespmem:s14], [sflag:$0x2] =	stream.indirect.gather [hbm4b:s3+s11], $0x80, s23, s11, $0xb8;
	[tilespmem:$0x8C80] =	vst v63  }
0x3d: {  	_ =	swait.ge [sflag:s15], $0x4000  }
0x3e: {  	[sflag:s15] =	ssyncset.done $0x0  }
0x3f: {  	s21 =	sadd.s32 $0x1000, s21;
	[sflag:s15] =	ssyncadd.s32 $0xFFFFC000  }
0x40: {  	[hbm4b:s22+s2] =	stream.linear.scatter [tilespmem:s14], [sflag:$0x4], $0x4000, $0x38;
	[tilespmem:$0x8C80] =	vst v63  }
0x41: {  	_ =	swait.ge [sflag:s16], $0x4000  }
0x42: {  	[sflag:s16] =	ssyncset.done $0x0  }
0x43: {  	[sflag:s16] =	ssyncadd.s32 $0xFFFFC000  }
0x44: {  	[tilespmem:s12], [sflag:$0x1] =	stream.indirect.gather [hbm4b:s3+s11], $0x80, s18, s11, $0xb8;
	[tilespmem:$0x8C80] =	vst v63  }
0x45: {  	_ =	swait.ge [sflag:s13], $0x4000  }
0x46: {  	[sflag:s13] =	ssyncset.done $0x0  }
0x47: {  	s19 =	sadd.s32 $0x1, s19;
	[sflag:s13] =	ssyncadd.s32 $0xFFFFC000  }
0x48: {  	[hbm4b:s5+s2] =	stream.linear.scatter [tilespmem:s12], [sflag:$0x3], $0x4000, $0x38;
	[tilespmem:$0x8C80] =	vst v63  }
0x49: {  	p0 =	sne.s32 s19, s6;
	_ =	swait.ge [sflag:s16], $0x4000  }
.Ltmp1:
0x4a: {  	[sflag:s16] =	ssyncset.done $0x0;
	(pc) =	sbr.rel @p0 .LBB2_1-.Ltmp1, $4  }
0x4b: {  	[sflag:s16] =	ssyncadd.s32 $0xFFFFC000  }
0x4c: {  	_ =	swait.ge [sflag:s17], $0x4000  }
0x4d: {  	[sflag:s17] =	ssyncset.done $0x0  }
0x4e: {  	[sflag:s17] =	ssyncadd.s32 $0xFFFFC000  }
0x4f: {  	_ =	sfence.sel $0x180000  }
0x50: {  	[bflag:$0x0] =	sbarrier.arrive $0xFFFF  }
0x51: {  	p0 =	sne.s32 s1, $0x0;
	_ =	strace $0x90000047  }
0x52: {  	s0 =	sadd.s32 @!p0 $0x100000, s0;
	[bflag:$0x2] =	sbarrier.arrive $0xFFFF  }
0x53: {  	[sflag:s0] =	ssyncadd.tile.s32 @!p0 $0x1;
	_ =	shalt  }
.Lfunc_end2:
_tile_overlayer_lowered:
.L_overlay_start_2:
0x54: {  	(tag) =	ssettag $0x2  }
0x55: {  	s0 =	rddreg [dreg:$0x0];
	s2 =	stileid.u32  }
0x56: {  	s1 =	rddreg [dreg:$0x1];
	p0 =	sne.s32 s2, $0x0  }
0x57: {  	s3 =	rddreg [dreg:$0x2];
	[bflag:$0x3] =	sbarrier.arrive $0xFFFF;
	s2 =	simm.s32 @!p0 $0x1C05  }
0x58: {  	[timem:s3], [sflag:s2] =	dma.local @!p0 [hbm:s0], s1  }
0x59: {  	s0 =	simm.s32 @!p0 $0x5  }
0x5a: {  	_ =	swait.ge @!p0 [sflag:s0], s1  }
0x5b: {  	s1 =	ssub.s32 @!p0 $0x0, s1;
	[sflag:s0] =	ssyncset.done @!p0 $0x0  }
0x5c: {  	[sflag:s0] =	ssyncadd.s32 @!p0 s1  }
0x5d: {  	[bflag:$0x3] =	sbarrier.arrive $0xFFFF  }
0x5e: {  	_ =	shalt  }

// kernel: kernel.22.cloned.1.call-start
scs
__scs_entry_jumppad:
0x0: {  	(pc) =	sbr.rel $0x88, $3  }
0x1: {  	(tag) =	ssettag $0x0;
	lr =	simm.s32 $0x1  }
0x2: {  	[smem:$0x3F9F] =	sst lr;
	_ =	strace $0xD0000000  }
0x3: {  	_ = 	snop  }
0x4: {  	_ = 	snop  }
0x5: {  	_ = 	snop  }
0x6: {  	_ = 	snop  }
0x7: {  	_ = 	snop  }
__scs_overlays_trampoline_lowered:
0x8: {  	[smem:$0x3FAE] =	sst s0  }
0x9: {  	[smem:$0x3FAF] =	sst s1  }
0xa: {  	[smem:$0x3FB0] =	sst s2  }
0xb: {  	[smem:$0x3FB1] =	sst s3  }
0xc: {  	[smem:$0x3FB2] =	sst s4  }
0xd: {  	[smem:$0x3FB3] =	sst s5  }
0xe: {  	[smem:$0x3FB4] =	sst s6  }
0xf: {  	[smem:$0x3FB5] =	sst s7  }
0x10: {  	[smem:$0x3FB6] =	sst s8  }
0x11: {  	[smem:$0x3FB7] =	sst s9;
	s0 =	simm.s32 @!p0 $0x0  }
0x12: {  	s1 =	sld [smem:$0x3F9D];
	s0 =	simm.s32 @p0 $0x1  }
0x13: {  	[smem:$0x3FB8] =	sst s0;
	s0 =	simm.s32 @!p1 $0x0  }
0x14: {  	s2 =	sld [smem:$0x3F9C];
	s0 =	simm.s32 @p1 $0x1  }
0x15: {  	[smem:$0x3FB9] =	sst s0;
	s0 =	simm.s32 @!p2 $0x0  }
0x16: {  	s3 =	sld [smem:$0x3FDB];
	s0 =	simm.s32 @p2 $0x1  }
0x17: {  	s4 =	simm.s32 $0x1BF5;
	[smem:$0x3FBB] =	sst s0  }
0x18: {  	s0 =	sld [smem:$0x3F9E];
	_ =	swait.ge [sflag:s4], $0x0  }
0x19: {  	s7 =	sld [smem:$0x3F9F]  }
0x1a: {  	s8 =	sadd.s32 $0xFFFFE003, lr  }
0x1b: {  	s9 =	sadd.s32 $0xFFFFFEF7, lr;
	s5 =	simm.s32 $0xFFFFFFFF;
	p2 =	slt.u32 s8, $0xFFFFF086  }
0x1c: {  	p1 =	slt.u32 s9, $0xF7A;
	s5 =	simm.s32 @!p2 $0x0  }
0x1d: {  	s5 =	simm.s32 @p1 $0x1;
	p0 =	seq.s32 s7, s2  }
0x1e: {  	s7 =	smul.u32 @!p0 $0xF7A, s2;
	p2 =	seq.s32 @!p0 s5, $0x0  }
0x1f: {  	s9 =	smul.u32 $0xF7A, s1;
	s8 =	simm.s32 @!p0 $0x1BF5;
	p2 =	por !p2, p0  }
0x20: {  	[sflag:s8] =	ssyncset.s32 @!p0 $0xFFFFF086;
	s6 =	sadd.s32 @!p0 s3, s7;
	s7 =	simm.s32 @!p0 $0x108  }
0x21: {  	s3 =	sadd.s32 s3, s9;
	s6 =	sadd.s32 @!p0 $0x88, s6;
	s7 =	simm.s32 @p2 $0x1082  }
0x22: {  	[simem:s7], [sflag:s8] =	dma.local @!p0 [hbm:s6], $0xF7A  }
0x23: {  	s9 =	sor.u32 $0xD0000000, s2;
	s6 =	simm.s32 $0x108;
	_ =	swait.ge @!p0 [sflag:s8], $0x0  }
0x24: {  	s3 =	sadd.s32 $0x88, s3;
	s6 =	simm.s32 @!p1 $0x1082;
	[sflag:s4] =	ssyncset.s32 $0xFFFFF086  }
0x25: {  	[simem:s6], [sflag:s4] =	dma.local [hbm:s3], $0xF7A  }
0x26: {  	[smem:$0x3F9F] =	sst s1;
	(tag) =	ssettag s2;
	_ =	strace s9  }
0x27: {  	s1 =	sld [smem:$0x3FAF]  }
0x28: {  	s2 =	sld [smem:$0x3FB0]  }
0x29: {  	s4 =	sld [smem:$0x3FB2]  }
0x2a: {  	p0 =	seq.s32 s5, $0x0;
	s5 =	sld [smem:$0x3FB3]  }
0x2b: {  	s6 =	sld [smem:$0x3FB4]  }
0x2c: {  	s7 =	sld [smem:$0x3FB5]  }
0x2d: {  	s3 =	simm.s32 $0x108;
	s8 =	sld [smem:$0x3FB6]  }
0x2e: {  	s3 =	simm.s32 @!p0 $0x1082;
	s9 =	sld [smem:$0x3FB7]  }
0x2f: {  	lr =	sadd.s32 s0, s3;
	s0 =	sld [smem:$0x3FAE]  }
0x30: {  	s3 =	sld [smem:$0x3FB1]  }
0x31: {  	[smem:$0x3FBA] =	sst s10  }
0x32: {  	s10 =	sld [smem:$0x3FB8];
	_ =	sdelay $0x3  }
0x33: {  	p0 =	seq.s32 s10, $0x1;
	s10 =	sld [smem:$0x3FBA];
	_ =	sdelay $0x3  }
0x34: {  	[smem:$0x3FBA] =	sst s10  }
0x35: {  	s10 =	sld [smem:$0x3FB9];
	_ =	sdelay $0x3  }
0x36: {  	p1 =	seq.s32 s10, $0x1;
	s10 =	sld [smem:$0x3FBA];
	_ =	sdelay $0x3  }
0x37: {  	[smem:$0x3FBA] =	sst s10  }
0x38: {  	s10 =	sld [smem:$0x3FBB]  }
0x39: {  	_ = 	snop;
	(pc) =	sbr.ind lr, $3  }
0x3a: {  	_ = 	snop  }
0x3b: {  	_ = 	snop  }
0x3c: {  	p2 =	seq.s32 s10, $0x1;
	s10 =	sld [smem:$0x3FBA]  }
0x3d: {  	_ =	shalt  }
0x3e: {  	_ =	shalt  }
0x3f: {  	_ =	shalt  }
0x40: {  	_ =	shalt  }
0x41: {  	_ =	shalt  }
0x42: {  	_ =	shalt  }
0x43: {  	_ =	shalt  }
0x44: {  	_ =	shalt  }
0x45: {  	_ =	shalt  }
0x46: {  	_ =	shalt  }
0x47: {  	_ =	shalt  }
0x48: {  	_ =	shalt  }
0x49: {  	_ =	shalt  }
0x4a: {  	_ =	shalt  }
0x4b: {  	_ =	shalt  }
0x4c: {  	_ =	shalt  }
0x4d: {  	_ =	shalt  }
0x4e: {  	_ =	shalt  }
0x4f: {  	_ =	shalt  }
0x50: {  	_ =	shalt  }
0x51: {  	_ =	shalt  }
0x52: {  	_ =	shalt  }
0x53: {  	_ =	shalt  }
0x54: {  	_ =	shalt  }
0x55: {  	_ =	shalt  }
0x56: {  	_ =	shalt  }
0x57: {  	_ =	shalt  }
0x58: {  	_ =	shalt  }
0x59: {  	_ =	shalt  }
0x5a: {  	_ =	shalt  }
0x5b: {  	_ =	shalt  }
0x5c: {  	_ =	shalt  }
0x5d: {  	_ =	shalt  }
0x5e: {  	_ =	shalt  }
0x5f: {  	_ =	shalt  }
0x60: {  	_ =	shalt  }
0x61: {  	_ =	shalt  }
0x62: {  	_ =	shalt  }
0x63: {  	_ =	shalt  }
0x64: {  	_ =	shalt  }
0x65: {  	_ =	shalt  }
0x66: {  	_ =	shalt  }
0x67: {  	_ =	shalt  }
0x68: {  	_ =	shalt  }
0x69: {  	_ =	shalt  }
0x6a: {  	_ =	shalt  }
0x6b: {  	_ =	shalt  }
0x6c: {  	_ =	shalt  }
0x6d: {  	_ =	shalt  }
0x6e: {  	_ =	shalt  }
0x6f: {  	_ =	shalt  }
0x70: {  	_ =	shalt  }
0x71: {  	_ =	shalt  }
0x72: {  	_ =	shalt  }
0x73: {  	_ =	shalt  }
0x74: {  	_ =	shalt  }
0x75: {  	_ =	shalt  }
0x76: {  	_ =	shalt  }
0x77: {  	_ =	shalt  }
0x78: {  	_ =	shalt  }
0x79: {  	_ =	shalt  }
0x7a: {  	_ =	shalt  }
0x7b: {  	_ =	shalt  }
0x7c: {  	_ =	shalt  }
0x7d: {  	_ =	shalt  }
0x7e: {  	_ =	shalt  }
0x7f: {  	_ =	shalt  }
0x80: {  	_ =	shalt  }
0x81: {  	_ =	shalt  }
0x82: {  	_ =	shalt  }
0x83: {  	_ =	shalt  }
0x84: {  	_ =	shalt  }
0x85: {  	_ =	shalt  }
0x86: {  	_ =	shalt  }
0x87: {  	_ =	shalt  }
.Lfunc_end0:
.L_simem_size_0:
called_computation.1_lowered:
.L_overlay_start_0:
0x88: {  	s2 =	sld [smem:$0x3FD9]  }
0x89: {  	s3 =	sld [smem:$0x3FFE];
	_ =	sdelay $0x1  }
0x8a: {  	s1 =	srdreg.scid  }
0x8b: {  	s0 =	sand.u32 $0x1, s1  }
0x8c: {  	s17 =	sshll.u32 s0, $0xA;
	s2 =	sadd.s32 s3, s2  }
0x8d: {  	s2 =	sadd.s32 s2, s17  }
0x8e: {  	[smem:$0x3FC6] =	sst s2  }
0x8f: {  	_ = 	snop  }
0x90: {  	(tm) =	ssettm $0x1  }
0x91: {  	s18 =	sld [smem:$0x3FFB];
	_ =	sdelay $0x3  }
0x92: {  	_ =	strace s18  }
0x93: {  	s2 =	sld [smem:$0x3FFC];
	_ =	sdelay $0x3  }
0x94: {  	_ =	strace s2  }
0x95: {  	s2 =	sld [smem:$0x3FFD];
	_ =	sdelay $0x3  }
0x96: {  	_ =	strace s2  }
0x97: {  	_ =	strace $0x8FFFFFFF  }
0x98: {  	s19 =	sld [smem:$0x3FDB];
	_ =	sdelay $0x1  }
0x99: {  	s20 =	simm.s32 $_scs_section_size  }
0x9a: {  	s4 =	simm.s32 $_size__tile_overlayer_lowered;
	s5 =	simm.s32 $_tile_overlayer_lowered  }
0x9b: {  	s6 =	simm.s32 $0x1BFF;
	s21 =	sshll.u32 s5, $0x1;
	s3 =	sadd.s32 s20, s19  }
0x9c: {  	s22 =	simm.s32 $0x0;
	s4 =	sshll.u32 s4, $0x1;
	s5 =	sadd.s32 s21, s3  }
0x9d: {  	[timem:s22], [sflag:s6] =	dma.local [hbm:s5], s4  }
0x9e: {  	_ =	swait.ge [sflag:s6], s4  }
0x9f: {  	s4 =	ssub.s32 $0x0, s4;
	[sflag:s6] =	ssyncset.done $0x0  }
0xa0: {  	[sflag:s6] =	ssyncadd.s32 s4;
	_ =	sdelay $0x1  }
0xa1: {  	s23 =	simm.s32 $0x1B8B  }
0xa2: {  	_ =	swait.ge [sflag:s23], $0x1  }
0xa3: {  	[sflag:s23] =	ssyncset.done $0x0  }
0xa4: {  	[sflag:s23] =	ssyncadd.s32 $0xFFFFFFFF  }
0xa5: {  	s4 =	sld [smem:$0x0]  }
0xa6: {  	s5 =	sand.u32 $0xFFFFFFFE, s1  }
0xa7: {  	p0 =	sne.s32 s1, s5  }
0xa8: {  	s5 =	sshll.u32 @p0 s5, $0xE  }
0xa9: {  	s5 =	sadd.s32 @p0 $0x11B8D, s5;
	s6 =	sshll.u32 @p0 s4, $0x11  }
0xaa: {  	s5 =	sor.u32 @p0 s6, s5  }
0xab: {  	[sflag:s5] =	ssyncadd.remote.s32 @p0 $0x1;
	_ =	sdelay $0x1  }
0xac: {  	s5 =	simm.s32 @p0 $0x1B8D  }
0xad: {  	_ =	swait.eq @p0 [sflag:s5], $0x1  }
0xae: {  	[sflag:s5] =	ssyncadd.s32 @p0 $0xFFFFFFFF  }
0xaf: {  	s6 =	sshll.u32 @!p0 s1, $0xE  }
0xb0: {  	s6 =	sor.u32 @!p0 $0x4000, s6;
	s5 =	simm.s32 @!p0 $0x1B8D  }
0xb1: {  	s4 =	sshll.u32 @!p0 s4, $0x11;
	s6 =	sadd.s32 @!p0 $0x11B8D, s6;
	_ =	swait.eq @!p0 [sflag:s5], $0x1  }
0xb2: {  	s4 =	sor.u32 @!p0 s4, s6;
	[sflag:s5] =	ssyncadd.s32 @!p0 $0xFFFFFFFF  }
0xb3: {  	s25 =	simm.s32 $0x1B8E;
	s24 =	sld [smem:$0x3FFE];
	[sflag:s4] =	ssyncadd.remote.s32 @!p0 $0x1  }
0xb4: {  	s26 =	simm.s32 $execute0_lowered;
	[smem:$0x3FD2] =	sst s25  }
0xb5: {  	s5 =	sshll.u32 s26, $0x1;
	_ =	strace $0x80000049;
	[dreg:$0x1] =	wrdreg $0xFFFFFFFF  }
0xb6: {  	s28 =	simm.s32 $_size_execute0_lowered;
	s3 =	sadd.s32 s3, s5;
	[dreg:$0x0] =	wrdreg $0x0  }
0xb7: {  	s5 =	sshll.u32 s28, $0x1;
	[dreg:$0x2] =	wrdreg s3  }
0xb8: {  	[dreg:$0x3] =	wrdreg s5  }
0xb9: {  	[dreg:$0x4] =	wrdreg $0xC0  }
0xba: {  	_ =	task [dreg:s22], $0x5FFFF  }
0xbb: {  	[dreg:$0x1] =	wrdreg $0xFFFFFFFF  }
0xbc: {  	[dreg:$0x0] =	wrdreg $0x60  }
0xbd: {  	[dreg:$0x2] =	wrdreg s24  }
0xbe: {  	[dreg:$0x3] =	wrdreg $0xA  }
0xbf: {  	_ =	task.clear_ibuf [dreg:s22], $0x4FFFF;
	_ =	strace $0x90000049  }
0xc0: {  	s29 =	simm.s32 $0xA;
	_ =	strace $0x8000004B  }
0xc1: {  	_ =	swait.ge [sflag:s29], $0x1  }
0xc2: {  	[sflag:s29] =	ssyncadd.s32 $0xFFFFFFFF  }
0xc3: {  	_ =	strace $0x9000004B  }
0xc4: {  	_ =	sfence  }
0xc5: {  	s30 =	sld [smem:$0x0];
	_ =	sdelay $0x2  }
0xc6: {  	s31 =	sshll.u32 s1, $0xD;
	s1 =	sshrl.u32 s1, $0x2  }
0xc7: {  	s4 =	sand.u32 $0x4000, s31;
	s1 =	sadd.s32 s1, s30  }
0xc8: {  	s0 =	sor.u32 s4, s0;
	s1 =	sshll.u32 s1, $0x11  }
0xc9: {  	s0 =	sor.u32 s1, s0  }
0xca: {  	s0 =	sadd.s32 $0x8F2B, s0  }
0xcb: {  	[sflag:s0] =	ssyncadd.remote.s32 $0x1  }
0xcc: {  	_ =	sfence.sel $0xFFFF  }
0xcd: {  	[dreg:$0x0] =	wrdreg $0xFFFFFFFF;
	(pc) =	sbr.abs _section_cstart, $3  }
0xce: {  	[dreg:$0x1] =	wrdreg $0xFFFFFFFF  }
0xcf: {  	_ =	task.clear_ibuf [dreg:s22], $0x2FFFF;
	_ =	strace $0x9FFFFFFF  }
0xd0: {  	(tm) =	ssettm $0x7FFFFFFF  }
0xd1: {  	_ =	shalt  }
tec
execute0_lowered:
.L_overlay_start_1:
0x0: {  	(tag) =	ssettag $0x1  }
0x1: {  	s1 =	srdreg.scid  }
0x2: {  	s0 =	stileid.u32;
	s5 =	rddreg [dreg:$0x0]  }
0x3: {  	s2 =	simm.s32 $0x0;
	s12 =	simm.s32 $0xC80;
	s13 =	simm.s32 $0x1  }
0x4: {  	s14 =	simm.s32 $0x4C80;
	s15 =	simm.s32 $0x2;
	s16 =	simm.s32 $0x3  }
0x5: {  	s17 =	simm.s32 $0x4;
	s18 =	simm.s32 $0xC00;
	s19 =	simm.s32 $0x0  }
0x6: {  	s4 =	sand.u32 $0x1, s1;
	s25 =	sshll.u32 s0, $0x1;
	s11 =	smul.u32 $0x19000, s0  }
0x7: {  	s1 =	rddreg [dreg:$0x1];
	s6 =	sor.u32 s4, s25;
	s30 =	smul.u32 $0xC800, s4  }
0x8: {  	[smem:$0x7FF] =	sst s2;
	s9 =	sadd.s32 $0x10EA600, s5;
	s3 =	smul.u32 $0xC80, s6  }
0x9: {  	_ =	strace $0x8000004A;
	s26 =	ssub.s32 $0x2, s4;
	s8 =	smul.u32 $0x64000, s6  }
0xa: {  	s10 =	smul.u32 $0xC800, s6;
	s28 =	sshrl.u32 s26, $0x1;
	s11 =	sadd.s32 s11, s9  }
0xb: {  	s6 =	ssub.s32 s26, s28;
	s31 =	sadd.s32 s30, s11;
	s11 =	simm.s32 $0x80  }
0xc: {  	s3 =	sshrl.u32 s3, $0x3;
	s8 =	sshrl.u32 s8, $0x3;
	s6 =	smax.u32 s6, $0x1  }
0xd: {  	s7 =	sadd.s32 s3, s5;
	s3 =	sadd.s32 $0x2400, s5;
	s29 =	sadd.s32 s9, s8  }
0xe: {  	s4 =	sadd.s32 $0x10D4800, s7;
	s5 =	sadd.s32 $0xC000, s29;
	s7 =	sadd.s32 s9, s10  }
0xf: {  	s9 =	sadd.s32 $0x1800, s31;
	s10 =	simm.s32 $0x5;
	s8 =	sadd.s32 $0x800, s7  }
.LBB2_1:
0x10: {  	[tilespmem:s2], [sflag:$0x5] =	stream.linear.gather [hbm4b:s4+s2], $0xC80, $0x38;
	[tilespmem:$0x8C80] =	vst v63  }
0x11: {  	_ =	swait.ge [sflag:s10], $0xC80  }
0x12: {  	[sflag:s10] =	ssyncset.done $0x0  }
0x13: {  	[sflag:s10] =	ssyncadd.s32 $0xFFFFF380  }
0x14: {  	[tilespmem:s12], [sflag:$0x1] =	stream.indirect.gather [hbm4b:s3+s11], $0x80, s2, s11, $0xb8;
	[tilespmem:$0x8C80] =	vst v63  }
0x15: {  	_ =	swait.ge [sflag:s13], $0x4000  }
0x16: {  	[sflag:s13] =	ssyncset.done $0x0  }
0x17: {  	[sflag:s13] =	ssyncadd.s32 $0xFFFFC000  }
0x18: {  	[hbm4b:s7+s2] =	stream.linear.scatter [tilespmem:s12], [sflag:$0x3], $0x4000, $0x38;
	[tilespmem:$0x8C80] =	vst v63  }
0x19: {  	_ = 	snop  }
0x1a: {  	[tilespmem:s14], [sflag:$0x2] =	stream.indirect.gather [hbm4b:s3+s11], $0x80, s11, s11, $0xb8;
	[tilespmem:$0x8C80] =	vst v63  }
0x1b: {  	_ =	swait.ge [sflag:s15], $0x4000  }
0x1c: {  	[sflag:s15] =	ssyncset.done $0x0  }
0x1d: {  	[sflag:s15] =	ssyncadd.s32 $0xFFFFC000  }
0x1e: {  	[hbm4b:s8+s2] =	stream.linear.scatter [tilespmem:s14], [sflag:$0x4], $0x4000, $0x38;
	[tilespmem:$0x8C80] =	vst v63  }
0x1f: {  	_ =	swait.ge [sflag:s16], $0x4000  }
0x20: {  	[sflag:s16] =	ssyncset.done $0x0  }
0x21: {  	s20 =	simm.s32 $0x100;
	[sflag:s16] =	ssyncadd.s32 $0xFFFFC000  }
0x22: {  	[tilespmem:s12], [sflag:$0x1] =	stream.indirect.gather [hbm4b:s3+s11], $0x80, s20, s11, $0xb8;
	[tilespmem:$0x8C80] =	vst v63  }
0x23: {  	_ =	swait.ge [sflag:s13], $0x4000  }
0x24: {  	[sflag:s13] =	ssyncset.done $0x0  }
0x25: {  	s30 =	sadd.s32 $0xFFFFF800, s9;
	[sflag:s13] =	ssyncadd.s32 $0xFFFFC000  }
0x26: {  	[hbm4b:s30+s2] =	stream.linear.scatter [tilespmem:s12], [sflag:$0x3], $0x4000, $0x38;
	[tilespmem:$0x8C80] =	vst v63  }
0x27: {  	_ =	swait.ge [sflag:s17], $0x4000  }
0x28: {  	[sflag:s17] =	ssyncset.done $0x0  }
0x29: {  	s31 =	simm.s32 $0x180;
	[sflag:s17] =	ssyncadd.s32 $0xFFFFC000  }
0x2a: {  	[tilespmem:s14], [sflag:$0x2] =	stream.indirect.gather [hbm4b:s3+s11], $0x80, s31, s11, $0xb8;
	[tilespmem:$0x8C80] =	vst v63  }
0x2b: {  	_ =	swait.ge [sflag:s15], $0x4000  }
0x2c: {  	s21 =	sadd.s32 $0x1000, s9;
	[sflag:s15] =	ssyncset.done $0x0  }
0x2d: {  	s22 =	smov.u32 s9;
	s20 =	simm.s32 $0x400;
	[sflag:s15] =	ssyncadd.s32 $0xFFFFC000  }
.LBB2_2:
0x2e: {  	[hbm4b:s22+s2] =	stream.linear.scatter [tilespmem:s14], [sflag:$0x4], $0x4000, $0x38;
	[tilespmem:$0x8C80] =	vst v63  }
0x2f: {  	s23 =	smov.u32 s20;
	s22 =	smov.u32 s21  }
0x30: {  	p0 =	sne.s32 s20, $0x2800;
	s20 =	sadd.s32 $0x400, s20;
	_ =	swait.ge [sflag:s16], $0x4000  }
0x31: {  	s23 =	sshra.s32 s23, $0x2;
	[sflag:s16] =	ssyncset.done $0x0  }
0x32: {  	s24 =	sadd.s32 $0x100, s23;
	[sflag:s16] =	ssyncadd.s32 $0xFFFFC000  }
0x33: {  	[tilespmem:s12], [sflag:$0x1] =	stream.indirect.gather [hbm4b:s3+s11], $0x80, s24, s11, $0xb8;
	[tilespmem:$0x8C80] =	vst v63  }
0x34: {  	_ =	swait.ge [sflag:s13], $0x4000  }
0x35: {  	[sflag:s13] =	ssyncset.done $0x0  }
0x36: {  	s24 =	sadd.s32 $0xFFFFF800, s21;
	[sflag:s13] =	ssyncadd.s32 $0xFFFFC000  }
0x37: {  	[hbm4b:s24+s2] =	stream.linear.scatter [tilespmem:s12], [sflag:$0x3], $0x4000, $0x38;
	[tilespmem:$0x8C80] =	vst v63  }
0x38: {  	_ =	swait.ge [sflag:s17], $0x4000  }
0x39: {  	[sflag:s17] =	ssyncset.done $0x0  }
.Ltmp0:
0x3a: {  	s23 =	sadd.s32 $0x180, s23;
	[sflag:s17] =	ssyncadd.s32 $0xFFFFC000;
	(pc) =	sbr.rel @p0 .LBB2_2-.Ltmp0, $4  }
0x3b: {  	[tilespmem:s14], [sflag:$0x2] =	stream.indirect.gather [hbm4b:s3+s11], $0x80, s23, s11, $0xb8;
	[tilespmem:$0x8C80] =	vst v63  }
0x3c: {  	_ =	swait.ge [sflag:s15], $0x4000  }
0x3d: {  	[sflag:s15] =	ssyncset.done $0x0  }
0x3e: {  	s21 =	sadd.s32 $0x1000, s21;
	[sflag:s15] =	ssyncadd.s32 $0xFFFFC000  }
0x3f: {  	[hbm4b:s22+s2] =	stream.linear.scatter [tilespmem:s14], [sflag:$0x4], $0x4000, $0x38;
	[tilespmem:$0x8C80] =	vst v63  }
0x40: {  	_ =	swait.ge [sflag:s16], $0x4000  }
0x41: {  	[sflag:s16] =	ssyncset.done $0x0  }
0x42: {  	[sflag:s16] =	ssyncadd.s32 $0xFFFFC000  }
0x43: {  	[tilespmem:s12], [sflag:$0x1] =	stream.indirect.gather [hbm4b:s3+s11], $0x80, s18, s11, $0xb8;
	[tilespmem:$0x8C80] =	vst v63  }
0x44: {  	_ =	swait.ge [sflag:s13], $0x4000  }
0x45: {  	[sflag:s13] =	ssyncset.done $0x0  }
0x46: {  	s19 =	sadd.s32 $0x1, s19;
	[sflag:s13] =	ssyncadd.s32 $0xFFFFC000  }
0x47: {  	[hbm4b:s5+s2] =	stream.linear.scatter [tilespmem:s12], [sflag:$0x3], $0x4000, $0x38;
	[tilespmem:$0x8C80] =	vst v63  }
0x48: {  	p0 =	sne.s32 s19, s6;
	_ =	swait.ge [sflag:s16], $0x4000  }
.Ltmp1:
0x49: {  	[sflag:s16] =	ssyncset.done $0x0;
	(pc) =	sbr.rel @p0 .LBB2_1-.Ltmp1, $4  }
0x4a: {  	[sflag:s16] =	ssyncadd.s32 $0xFFFFC000  }
0x4b: {  	_ =	swait.ge [sflag:s17], $0x4000  }
0x4c: {  	[sflag:s17] =	ssyncset.done $0x0  }
0x4d: {  	[sflag:s17] =	ssyncadd.s32 $0xFFFFC000  }
0x4e: {  	_ =	sfence.sel $0x180000  }
0x4f: {  	[bflag:$0x0] =	sbarrier.arrive $0xFFFF  }
0x50: {  	p0 =	sne.s32 s0, $0x0;
	_ =	strace $0x9000004A  }
0x51: {  	s0 =	sadd.s32 @!p0 $0x100000, s1;
	[bflag:$0x2] =	sbarrier.arrive $0xFFFF  }
0x52: {  	[sflag:s0] =	ssyncadd.tile.s32 @!p0 $0x1;
	_ =	shalt  }
.Lfunc_end2:
_tile_overlayer_lowered:
.L_overlay_start_2:
0x53: {  	(tag) =	ssettag $0x2  }
0x54: {  	s0 =	rddreg [dreg:$0x0];
	s2 =	stileid.u32  }
0x55: {  	s1 =	rddreg [dreg:$0x1];
	p0 =	sne.s32 s2, $0x0  }
0x56: {  	s3 =	rddreg [dreg:$0x2];
	[bflag:$0x3] =	sbarrier.arrive $0xFFFF;
	s2 =	simm.s32 @!p0 $0x1C05  }
0x57: {  	[timem:s3], [sflag:s2] =	dma.local @!p0 [hbm:s0], s1  }
0x58: {  	s0 =	simm.s32 @!p0 $0x5  }
0x59: {  	_ =	swait.ge @!p0 [sflag:s0], s1  }
0x5a: {  	s1 =	ssub.s32 @!p0 $0x0, s1;
	[sflag:s0] =	ssyncset.done @!p0 $0x0  }
0x5b: {  	[sflag:s0] =	ssyncadd.s32 @!p0 s1  }
0x5c: {  	[bflag:$0x3] =	sbarrier.arrive $0xFFFF  }
0x5d: {  	_ =	shalt  }

// kernel: kernel.25.cloned.1.call-start
scs
__scs_entry_jumppad:
0x0: {  	(pc) =	sbr.rel $0x88, $3  }
0x1: {  	(tag) =	ssettag $0x0;
	lr =	simm.s32 $0x1  }
0x2: {  	[smem:$0x3F9F] =	sst lr;
	_ =	strace $0xD0000000  }
0x3: {  	_ = 	snop  }
0x4: {  	_ = 	snop  }
0x5: {  	_ = 	snop  }
0x6: {  	_ = 	snop  }
0x7: {  	_ = 	snop  }
__scs_overlays_trampoline_lowered:
0x8: {  	[smem:$0x3FAE] =	sst s0  }
0x9: {  	[smem:$0x3FAF] =	sst s1  }
0xa: {  	[smem:$0x3FB0] =	sst s2  }
0xb: {  	[smem:$0x3FB1] =	sst s3  }
0xc: {  	[smem:$0x3FB2] =	sst s4  }
0xd: {  	[smem:$0x3FB3] =	sst s5  }
0xe: {  	[smem:$0x3FB4] =	sst s6  }
0xf: {  	[smem:$0x3FB5] =	sst s7  }
0x10: {  	[smem:$0x3FB6] =	sst s8  }
0x11: {  	[smem:$0x3FB7] =	sst s9;
	s0 =	simm.s32 @!p0 $0x0  }
0x12: {  	s1 =	sld [smem:$0x3F9D];
	s0 =	simm.s32 @p0 $0x1  }
0x13: {  	[smem:$0x3FB8] =	sst s0;
	s0 =	simm.s32 @!p1 $0x0  }
0x14: {  	s2 =	sld [smem:$0x3F9C];
	s0 =	simm.s32 @p1 $0x1  }
0x15: {  	[smem:$0x3FB9] =	sst s0;
	s0 =	simm.s32 @!p2 $0x0  }
0x16: {  	s3 =	sld [smem:$0x3FDB];
	s0 =	simm.s32 @p2 $0x1  }
0x17: {  	s4 =	simm.s32 $0x1BF5;
	[smem:$0x3FBB] =	sst s0  }
0x18: {  	s0 =	sld [smem:$0x3F9E];
	_ =	swait.ge [sflag:s4], $0x0  }
0x19: {  	s7 =	sld [smem:$0x3F9F]  }
0x1a: {  	s8 =	sadd.s32 $0xFFFFE003, lr  }
0x1b: {  	s9 =	sadd.s32 $0xFFFFFEF7, lr;
	s5 =	simm.s32 $0xFFFFFFFF;
	p2 =	slt.u32 s8, $0xFFFFF086  }
0x1c: {  	p1 =	slt.u32 s9, $0xF7A;
	s5 =	simm.s32 @!p2 $0x0  }
0x1d: {  	s5 =	simm.s32 @p1 $0x1;
	p0 =	seq.s32 s7, s2  }
0x1e: {  	s7 =	smul.u32 @!p0 $0xF7A, s2;
	p2 =	seq.s32 @!p0 s5, $0x0  }
0x1f: {  	s9 =	smul.u32 $0xF7A, s1;
	s8 =	simm.s32 @!p0 $0x1BF5;
	p2 =	por !p2, p0  }
0x20: {  	[sflag:s8] =	ssyncset.s32 @!p0 $0xFFFFF086;
	s6 =	sadd.s32 @!p0 s3, s7;
	s7 =	simm.s32 @!p0 $0x108  }
0x21: {  	s3 =	sadd.s32 s3, s9;
	s6 =	sadd.s32 @!p0 $0x88, s6;
	s7 =	simm.s32 @p2 $0x1082  }
0x22: {  	[simem:s7], [sflag:s8] =	dma.local @!p0 [hbm:s6], $0xF7A  }
0x23: {  	s9 =	sor.u32 $0xD0000000, s2;
	s6 =	simm.s32 $0x108;
	_ =	swait.ge @!p0 [sflag:s8], $0x0  }
0x24: {  	s3 =	sadd.s32 $0x88, s3;
	s6 =	simm.s32 @!p1 $0x1082;
	[sflag:s4] =	ssyncset.s32 $0xFFFFF086  }
0x25: {  	[simem:s6], [sflag:s4] =	dma.local [hbm:s3], $0xF7A  }
0x26: {  	[smem:$0x3F9F] =	sst s1;
	(tag) =	ssettag s2;
	_ =	strace s9  }
0x27: {  	s1 =	sld [smem:$0x3FAF]  }
0x28: {  	s2 =	sld [smem:$0x3FB0]  }
0x29: {  	s4 =	sld [smem:$0x3FB2]  }
0x2a: {  	p0 =	seq.s32 s5, $0x0;
	s5 =	sld [smem:$0x3FB3]  }
0x2b: {  	s6 =	sld [smem:$0x3FB4]  }
0x2c: {  	s7 =	sld [smem:$0x3FB5]  }
0x2d: {  	s3 =	simm.s32 $0x108;
	s8 =	sld [smem:$0x3FB6]  }
0x2e: {  	s3 =	simm.s32 @!p0 $0x1082;
	s9 =	sld [smem:$0x3FB7]  }
0x2f: {  	lr =	sadd.s32 s0, s3;
	s0 =	sld [smem:$0x3FAE]  }
0x30: {  	s3 =	sld [smem:$0x3FB1]  }
0x31: {  	[smem:$0x3FBA] =	sst s10  }
0x32: {  	s10 =	sld [smem:$0x3FB8];
	_ =	sdelay $0x3  }
0x33: {  	p0 =	seq.s32 s10, $0x1;
	s10 =	sld [smem:$0x3FBA];
	_ =	sdelay $0x3  }
0x34: {  	[smem:$0x3FBA] =	sst s10  }
0x35: {  	s10 =	sld [smem:$0x3FB9];
	_ =	sdelay $0x3  }
0x36: {  	p1 =	seq.s32 s10, $0x1;
	s10 =	sld [smem:$0x3FBA];
	_ =	sdelay $0x3  }
0x37: {  	[smem:$0x3FBA] =	sst s10  }
0x38: {  	s10 =	sld [smem:$0x3FBB]  }
0x39: {  	_ = 	snop;
	(pc) =	sbr.ind lr, $3  }
0x3a: {  	_ = 	snop  }
0x3b: {  	_ = 	snop  }
0x3c: {  	p2 =	seq.s32 s10, $0x1;
	s10 =	sld [smem:$0x3FBA]  }
0x3d: {  	_ =	shalt  }
0x3e: {  	_ =	shalt  }
0x3f: {  	_ =	shalt  }
0x40: {  	_ =	shalt  }
0x41: {  	_ =	shalt  }
0x42: {  	_ =	shalt  }
0x43: {  	_ =	shalt  }
0x44: {  	_ =	shalt  }
0x45: {  	_ =	shalt  }
0x46: {  	_ =	shalt  }
0x47: {  	_ =	shalt  }
0x48: {  	_ =	shalt  }
0x49: {  	_ =	shalt  }
0x4a: {  	_ =	shalt  }
0x4b: {  	_ =	shalt  }
0x4c: {  	_ =	shalt  }
0x4d: {  	_ =	shalt  }
0x4e: {  	_ =	shalt  }
0x4f: {  	_ =	shalt  }
0x50: {  	_ =	shalt  }
0x51: {  	_ =	shalt  }
0x52: {  	_ =	shalt  }
0x53: {  	_ =	shalt  }
0x54: {  	_ =	shalt  }
0x55: {  	_ =	shalt  }
0x56: {  	_ =	shalt  }
0x57: {  	_ =	shalt  }
0x58: {  	_ =	shalt  }
0x59: {  	_ =	shalt  }
0x5a: {  	_ =	shalt  }
0x5b: {  	_ =	shalt  }
0x5c: {  	_ =	shalt  }
0x5d: {  	_ =	shalt  }
0x5e: {  	_ =	shalt  }
0x5f: {  	_ =	shalt  }
0x60: {  	_ =	shalt  }
0x61: {  	_ =	shalt  }
0x62: {  	_ =	shalt  }
0x63: {  	_ =	shalt  }
0x64: {  	_ =	shalt  }
0x65: {  	_ =	shalt  }
0x66: {  	_ =	shalt  }
0x67: {  	_ =	shalt  }
0x68: {  	_ =	shalt  }
0x69: {  	_ =	shalt  }
0x6a: {  	_ =	shalt  }
0x6b: {  	_ =	shalt  }
0x6c: {  	_ =	shalt  }
0x6d: {  	_ =	shalt  }
0x6e: {  	_ =	shalt  }
0x6f: {  	_ =	shalt  }
0x70: {  	_ =	shalt  }
0x71: {  	_ =	shalt  }
0x72: {  	_ =	shalt  }
0x73: {  	_ =	shalt  }
0x74: {  	_ =	shalt  }
0x75: {  	_ =	shalt  }
0x76: {  	_ =	shalt  }
0x77: {  	_ =	shalt  }
0x78: {  	_ =	shalt  }
0x79: {  	_ =	shalt  }
0x7a: {  	_ =	shalt  }
0x7b: {  	_ =	shalt  }
0x7c: {  	_ =	shalt  }
0x7d: {  	_ =	shalt  }
0x7e: {  	_ =	shalt  }
0x7f: {  	_ =	shalt  }
0x80: {  	_ =	shalt  }
0x81: {  	_ =	shalt  }
0x82: {  	_ =	shalt  }
0x83: {  	_ =	shalt  }
0x84: {  	_ =	shalt  }
0x85: {  	_ =	shalt  }
0x86: {  	_ =	shalt  }
0x87: {  	_ =	shalt  }
.Lfunc_end0:
.L_simem_size_0:
called_computation.2_lowered:
.L_overlay_start_0:
0x88: {  	s2 =	sld [smem:$0x3FD9]  }
0x89: {  	s3 =	sld [smem:$0x3FFE];
	_ =	sdelay $0x1  }
0x8a: {  	s1 =	srdreg.scid  }
0x8b: {  	s0 =	sand.u32 $0x1, s1  }
0x8c: {  	s17 =	sshll.u32 s0, $0xA;
	s2 =	sadd.s32 s3, s2  }
0x8d: {  	s2 =	sadd.s32 s2, s17  }
0x8e: {  	[smem:$0x3FC6] =	sst s2  }
0x8f: {  	_ = 	snop  }
0x90: {  	(tm) =	ssettm $0x1  }
0x91: {  	s18 =	sld [smem:$0x3FFB];
	_ =	sdelay $0x3  }
0x92: {  	_ =	strace s18  }
0x93: {  	s2 =	sld [smem:$0x3FFC];
	_ =	sdelay $0x3  }
0x94: {  	_ =	strace s2  }
0x95: {  	s2 =	sld [smem:$0x3FFD];
	_ =	sdelay $0x3  }
0x96: {  	_ =	strace s2  }
0x97: {  	_ =	strace $0x8FFFFFFF  }
0x98: {  	s19 =	sld [smem:$0x3FDB];
	_ =	sdelay $0x1  }
0x99: {  	s20 =	simm.s32 $_scs_section_size  }
0x9a: {  	s4 =	simm.s32 $_size__tile_overlayer_lowered;
	s5 =	simm.s32 $_tile_overlayer_lowered  }
0x9b: {  	s6 =	simm.s32 $0x1BFF;
	s21 =	sshll.u32 s5, $0x1;
	s3 =	sadd.s32 s20, s19  }
0x9c: {  	s22 =	simm.s32 $0x0;
	s4 =	sshll.u32 s4, $0x1;
	s5 =	sadd.s32 s21, s3  }
0x9d: {  	[timem:s22], [sflag:s6] =	dma.local [hbm:s5], s4  }
0x9e: {  	_ =	swait.ge [sflag:s6], s4  }
0x9f: {  	s4 =	ssub.s32 $0x0, s4;
	[sflag:s6] =	ssyncset.done $0x0  }
0xa0: {  	[sflag:s6] =	ssyncadd.s32 s4;
	_ =	sdelay $0x1  }
0xa1: {  	s23 =	simm.s32 $0x1B8B  }
0xa2: {  	_ =	swait.ge [sflag:s23], $0x1  }
0xa3: {  	[sflag:s23] =	ssyncset.done $0x0  }
0xa4: {  	[sflag:s23] =	ssyncadd.s32 $0xFFFFFFFF  }
0xa5: {  	s4 =	sld [smem:$0x0]  }
0xa6: {  	s5 =	sand.u32 $0xFFFFFFFE, s1  }
0xa7: {  	p0 =	sne.s32 s1, s5  }
0xa8: {  	s5 =	sshll.u32 @p0 s5, $0xE  }
0xa9: {  	s5 =	sadd.s32 @p0 $0x11B8D, s5;
	s6 =	sshll.u32 @p0 s4, $0x11  }
0xaa: {  	s5 =	sor.u32 @p0 s6, s5  }
0xab: {  	[sflag:s5] =	ssyncadd.remote.s32 @p0 $0x1;
	_ =	sdelay $0x1  }
0xac: {  	s5 =	simm.s32 @p0 $0x1B8D  }
0xad: {  	_ =	swait.eq @p0 [sflag:s5], $0x1  }
0xae: {  	[sflag:s5] =	ssyncadd.s32 @p0 $0xFFFFFFFF  }
0xaf: {  	s6 =	sshll.u32 @!p0 s1, $0xE  }
0xb0: {  	s6 =	sor.u32 @!p0 $0x4000, s6;
	s5 =	simm.s32 @!p0 $0x1B8D  }
0xb1: {  	s4 =	sshll.u32 @!p0 s4, $0x11;
	s6 =	sadd.s32 @!p0 $0x11B8D, s6;
	_ =	swait.eq @!p0 [sflag:s5], $0x1  }
0xb2: {  	s4 =	sor.u32 @!p0 s4, s6;
	[sflag:s5] =	ssyncadd.s32 @!p0 $0xFFFFFFFF  }
0xb3: {  	s25 =	simm.s32 $0x1B8E;
	s24 =	sld [smem:$0x3FFE];
	[sflag:s4] =	ssyncadd.remote.s32 @!p0 $0x1  }
0xb4: {  	s26 =	simm.s32 $execute0_lowered;
	[smem:$0x3FD2] =	sst s25  }
0xb5: {  	s5 =	sshll.u32 s26, $0x1;
	_ =	strace $0x8000004C;
	[dreg:$0x1] =	wrdreg $0xFFFFFFFF  }
0xb6: {  	s28 =	simm.s32 $_size_execute0_lowered;
	s3 =	sadd.s32 s3, s5;
	[dreg:$0x0] =	wrdreg $0x0  }
0xb7: {  	s5 =	sshll.u32 s28, $0x1;
	[dreg:$0x2] =	wrdreg s3  }
0xb8: {  	[dreg:$0x3] =	wrdreg s5  }
0xb9: {  	[dreg:$0x4] =	wrdreg $0xC0  }
0xba: {  	_ =	task [dreg:s22], $0x5FFFF  }
0xbb: {  	[dreg:$0x1] =	wrdreg $0xFFFFFFFF  }
0xbc: {  	[dreg:$0x0] =	wrdreg $0x60  }
0xbd: {  	[dreg:$0x2] =	wrdreg s24  }
0xbe: {  	[dreg:$0x3] =	wrdreg $0xB  }
0xbf: {  	_ =	task.clear_ibuf [dreg:s22], $0x4FFFF;
	_ =	strace $0x9000004C  }
0xc0: {  	s29 =	simm.s32 $0xB;
	_ =	strace $0x8000004E  }
0xc1: {  	_ =	swait.ge [sflag:s29], $0x1  }
0xc2: {  	[sflag:s29] =	ssyncadd.s32 $0xFFFFFFFF  }
0xc3: {  	_ =	strace $0x9000004E  }
0xc4: {  	_ =	sfence  }
0xc5: {  	s30 =	sld [smem:$0x0];
	_ =	sdelay $0x2  }
0xc6: {  	s31 =	sshll.u32 s1, $0xD;
	s1 =	sshrl.u32 s1, $0x2  }
0xc7: {  	s4 =	sand.u32 $0x4000, s31;
	s1 =	sadd.s32 s1, s30  }
0xc8: {  	s0 =	sor.u32 s4, s0;
	s1 =	sshll.u32 s1, $0x11  }
0xc9: {  	s0 =	sor.u32 s1, s0  }
0xca: {  	s0 =	sadd.s32 $0x8F2B, s0  }
0xcb: {  	[sflag:s0] =	ssyncadd.remote.s32 $0x1  }
0xcc: {  	_ =	sfence.sel $0xFFFF  }
0xcd: {  	[dreg:$0x0] =	wrdreg $0xFFFFFFFF;
	(pc) =	sbr.abs _section_cstart, $3  }
0xce: {  	[dreg:$0x1] =	wrdreg $0xFFFFFFFF  }
0xcf: {  	_ =	task.clear_ibuf [dreg:s22], $0x2FFFF;
	_ =	strace $0x9FFFFFFF  }
0xd0: {  	(tm) =	ssettm $0x7FFFFFFF  }
0xd1: {  	_ =	shalt  }
tec
execute0_lowered:
.L_overlay_start_1:
0x0: {  	(tag) =	ssettag $0x1  }
0x1: {  	s1 =	srdreg.scid  }
0x2: {  	s0 =	stileid.u32;
	s5 =	rddreg [dreg:$0x0]  }
0x3: {  	s2 =	simm.s32 $0x0;
	s12 =	simm.s32 $0xC80;
	s13 =	simm.s32 $0x1  }
0x4: {  	s14 =	simm.s32 $0x4C80;
	s15 =	simm.s32 $0x2;
	s16 =	simm.s32 $0x3  }
0x5: {  	s17 =	simm.s32 $0x4;
	s18 =	simm.s32 $0xC00;
	s19 =	simm.s32 $0x0  }
0x6: {  	s4 =	sand.u32 $0x1, s1;
	s25 =	sshll.u32 s0, $0x1;
	s11 =	smul.u32 $0x19000, s0  }
0x7: {  	s1 =	rddreg [dreg:$0x1];
	s6 =	sor.u32 s4, s25;
	s30 =	smul.u32 $0xC800, s4  }
0x8: {  	[smem:$0x7FF] =	sst s2;
	s9 =	sadd.s32 $0x127A600, s5;
	s3 =	smul.u32 $0xC80, s6  }
0x9: {  	_ =	strace $0x8000004D;
	s26 =	ssub.s32 $0x2, s4;
	s8 =	smul.u32 $0x64000, s6  }
0xa: {  	s10 =	smul.u32 $0xC800, s6;
	s28 =	sshrl.u32 s26, $0x1;
	s11 =	sadd.s32 s11, s9  }
0xb: {  	s6 =	ssub.s32 s26, s28;
	s31 =	sadd.s32 s30, s11;
	s11 =	simm.s32 $0x80  }
0xc: {  	s3 =	sshrl.u32 s3, $0x3;
	s8 =	sshrl.u32 s8, $0x3;
	s6 =	smax.u32 s6, $0x1  }
0xd: {  	s7 =	sadd.s32 s3, s5;
	s3 =	sadd.s32 $0x2400, s5;
	s29 =	sadd.s32 s9, s8  }
0xe: {  	s4 =	sadd.s32 $0x10D7A00, s7;
	s5 =	sadd.s32 $0xC000, s29;
	s7 =	sadd.s32 s9, s10  }
0xf: {  	s9 =	sadd.s32 $0x1800, s31;
	s10 =	simm.s32 $0x5;
	s8 =	sadd.s32 $0x800, s7  }
.LBB2_1:
0x10: {  	[tilespmem:s2], [sflag:$0x5] =	stream.linear.gather [hbm4b:s4+s2], $0xC80, $0x38;
	[tilespmem:$0x8C80] =	vst v63  }
0x11: {  	_ =	swait.ge [sflag:s10], $0xC80  }
0x12: {  	[sflag:s10] =	ssyncset.done $0x0  }
0x13: {  	[sflag:s10] =	ssyncadd.s32 $0xFFFFF380  }
0x14: {  	[tilespmem:s12], [sflag:$0x1] =	stream.indirect.gather [hbm4b:s3+s11], $0x80, s2, s11, $0xb8;
	[tilespmem:$0x8C80] =	vst v63  }
0x15: {  	_ =	swait.ge [sflag:s13], $0x4000  }
0x16: {  	[sflag:s13] =	ssyncset.done $0x0  }
0x17: {  	[sflag:s13] =	ssyncadd.s32 $0xFFFFC000  }
0x18: {  	[hbm4b:s7+s2] =	stream.linear.scatter [tilespmem:s12], [sflag:$0x3], $0x4000, $0x38;
	[tilespmem:$0x8C80] =	vst v63  }
0x19: {  	_ = 	snop  }
0x1a: {  	[tilespmem:s14], [sflag:$0x2] =	stream.indirect.gather [hbm4b:s3+s11], $0x80, s11, s11, $0xb8;
	[tilespmem:$0x8C80] =	vst v63  }
0x1b: {  	_ =	swait.ge [sflag:s15], $0x4000  }
0x1c: {  	[sflag:s15] =	ssyncset.done $0x0  }
0x1d: {  	[sflag:s15] =	ssyncadd.s32 $0xFFFFC000  }
0x1e: {  	[hbm4b:s8+s2] =	stream.linear.scatter [tilespmem:s14], [sflag:$0x4], $0x4000, $0x38;
	[tilespmem:$0x8C80] =	vst v63  }
0x1f: {  	_ =	swait.ge [sflag:s16], $0x4000  }
0x20: {  	[sflag:s16] =	ssyncset.done $0x0  }
0x21: {  	s20 =	simm.s32 $0x100;
	[sflag:s16] =	ssyncadd.s32 $0xFFFFC000  }
0x22: {  	[tilespmem:s12], [sflag:$0x1] =	stream.indirect.gather [hbm4b:s3+s11], $0x80, s20, s11, $0xb8;
	[tilespmem:$0x8C80] =	vst v63  }
0x23: {  	_ =	swait.ge [sflag:s13], $0x4000  }
0x24: {  	[sflag:s13] =	ssyncset.done $0x0  }
0x25: {  	s30 =	sadd.s32 $0xFFFFF800, s9;
	[sflag:s13] =	ssyncadd.s32 $0xFFFFC000  }
0x26: {  	[hbm4b:s30+s2] =	stream.linear.scatter [tilespmem:s12], [sflag:$0x3], $0x4000, $0x38;
	[tilespmem:$0x8C80] =	vst v63  }
0x27: {  	_ =	swait.ge [sflag:s17], $0x4000  }
0x28: {  	[sflag:s17] =	ssyncset.done $0x0  }
0x29: {  	s31 =	simm.s32 $0x180;
	[sflag:s17] =	ssyncadd.s32 $0xFFFFC000  }
0x2a: {  	[tilespmem:s14], [sflag:$0x2] =	stream.indirect.gather [hbm4b:s3+s11], $0x80, s31, s11, $0xb8;
	[tilespmem:$0x8C80] =	vst v63  }
0x2b: {  	_ =	swait.ge [sflag:s15], $0x4000  }
0x2c: {  	s21 =	sadd.s32 $0x1000, s9;
	[sflag:s15] =	ssyncset.done $0x0  }
0x2d: {  	s22 =	smov.u32 s9;
	s20 =	simm.s32 $0x400;
	[sflag:s15] =	ssyncadd.s32 $0xFFFFC000  }
.LBB2_2:
0x2e: {  	[hbm4b:s22+s2] =	stream.linear.scatter [tilespmem:s14], [sflag:$0x4], $0x4000, $0x38;
	[tilespmem:$0x8C80] =	vst v63  }
0x2f: {  	s23 =	smov.u32 s20;
	s22 =	smov.u32 s21  }
0x30: {  	p0 =	sne.s32 s20, $0x2800;
	s20 =	sadd.s32 $0x400, s20;
	_ =	swait.ge [sflag:s16], $0x4000  }
0x31: {  	s23 =	sshra.s32 s23, $0x2;
	[sflag:s16] =	ssyncset.done $0x0  }
0x32: {  	s24 =	sadd.s32 $0x100, s23;
	[sflag:s16] =	ssyncadd.s32 $0xFFFFC000  }
0x33: {  	[tilespmem:s12], [sflag:$0x1] =	stream.indirect.gather [hbm4b:s3+s11], $0x80, s24, s11, $0xb8;
	[tilespmem:$0x8C80] =	vst v63  }
0x34: {  	_ =	swait.ge [sflag:s13], $0x4000  }
0x35: {  	[sflag:s13] =	ssyncset.done $0x0  }
0x36: {  	s24 =	sadd.s32 $0xFFFFF800, s21;
	[sflag:s13] =	ssyncadd.s32 $0xFFFFC000  }
0x37: {  	[hbm4b:s24+s2] =	stream.linear.scatter [tilespmem:s12], [sflag:$0x3], $0x4000, $0x38;
	[tilespmem:$0x8C80] =	vst v63  }
0x38: {  	_ =	swait.ge [sflag:s17], $0x4000  }
0x39: {  	[sflag:s17] =	ssyncset.done $0x0  }
.Ltmp0:
0x3a: {  	s23 =	sadd.s32 $0x180, s23;
	[sflag:s17] =	ssyncadd.s32 $0xFFFFC000;
	(pc) =	sbr.rel @p0 .LBB2_2-.Ltmp0, $4  }
0x3b: {  	[tilespmem:s14], [sflag:$0x2] =	stream.indirect.gather [hbm4b:s3+s11], $0x80, s23, s11, $0xb8;
	[tilespmem:$0x8C80] =	vst v63  }
0x3c: {  	_ =	swait.ge [sflag:s15], $0x4000  }
0x3d: {  	[sflag:s15] =	ssyncset.done $0x0  }
0x3e: {  	s21 =	sadd.s32 $0x1000, s21;
	[sflag:s15] =	ssyncadd.s32 $0xFFFFC000  }
0x3f: {  	[hbm4b:s22+s2] =	stream.linear.scatter [tilespmem:s14], [sflag:$0x4], $0x4000, $0x38;
	[tilespmem:$0x8C80] =	vst v63  }
0x40: {  	_ =	swait.ge [sflag:s16], $0x4000  }
0x41: {  	[sflag:s16] =	ssyncset.done $0x0  }
0x42: {  	[sflag:s16] =	ssyncadd.s32 $0xFFFFC000  }
0x43: {  	[tilespmem:s12], [sflag:$0x1] =	stream.indirect.gather [hbm4b:s3+s11], $0x80, s18, s11, $0xb8;
	[tilespmem:$0x8C80] =	vst v63  }
0x44: {  	_ =	swait.ge [sflag:s13], $0x4000  }
0x45: {  	[sflag:s13] =	ssyncset.done $0x0  }
0x46: {  	s19 =	sadd.s32 $0x1, s19;
	[sflag:s13] =	ssyncadd.s32 $0xFFFFC000  }
0x47: {  	[hbm4b:s5+s2] =	stream.linear.scatter [tilespmem:s12], [sflag:$0x3], $0x4000, $0x38;
	[tilespmem:$0x8C80] =	vst v63  }
0x48: {  	p0 =	sne.s32 s19, s6;
	_ =	swait.ge [sflag:s16], $0x4000  }
.Ltmp1:
0x49: {  	[sflag:s16] =	ssyncset.done $0x0;
	(pc) =	sbr.rel @p0 .LBB2_1-.Ltmp1, $4  }
0x4a: {  	[sflag:s16] =	ssyncadd.s32 $0xFFFFC000  }
0x4b: {  	_ =	swait.ge [sflag:s17], $0x4000  }
0x4c: {  	[sflag:s17] =	ssyncset.done $0x0  }
0x4d: {  	[sflag:s17] =	ssyncadd.s32 $0xFFFFC000  }
0x4e: {  	_ =	sfence.sel $0x180000  }
0x4f: {  	[bflag:$0x0] =	sbarrier.arrive $0xFFFF  }
0x50: {  	p0 =	sne.s32 s0, $0x0;
	_ =	strace $0x9000004D  }
0x51: {  	s0 =	sadd.s32 @!p0 $0x100000, s1;
	[bflag:$0x2] =	sbarrier.arrive $0xFFFF  }
0x52: {  	[sflag:s0] =	ssyncadd.tile.s32 @!p0 $0x1;
	_ =	shalt  }
.Lfunc_end2:
_tile_overlayer_lowered:
.L_overlay_start_2:
0x53: {  	(tag) =	ssettag $0x2  }
0x54: {  	s0 =	rddreg [dreg:$0x0];
	s2 =	stileid.u32  }
0x55: {  	s1 =	rddreg [dreg:$0x1];
	p0 =	sne.s32 s2, $0x0  }
0x56: {  	s3 =	rddreg [dreg:$0x2];
	[bflag:$0x3] =	sbarrier.arrive $0xFFFF;
	s2 =	simm.s32 @!p0 $0x1C05  }
0x57: {  	[timem:s3], [sflag:s2] =	dma.local @!p0 [hbm:s0], s1  }
0x58: {  	s0 =	simm.s32 @!p0 $0x5  }
0x59: {  	_ =	swait.ge @!p0 [sflag:s0], s1  }
0x5a: {  	s1 =	ssub.s32 @!p0 $0x0, s1;
	[sflag:s0] =	ssyncset.done @!p0 $0x0  }
0x5b: {  	[sflag:s0] =	ssyncadd.s32 @!p0 s1  }
0x5c: {  	[bflag:$0x3] =	sbarrier.arrive $0xFFFF  }
0x5d: {  	_ =	shalt  }

// kernel: kernel.28.cloned.1.call-start
scs
__scs_entry_jumppad:
0x0: {  	(pc) =	sbr.rel $0x88, $3  }
0x1: {  	(tag) =	ssettag $0x0;
	lr =	simm.s32 $0x1  }
0x2: {  	[smem:$0x3F9F] =	sst lr;
	_ =	strace $0xD0000000  }
0x3: {  	_ = 	snop  }
0x4: {  	_ = 	snop  }
0x5: {  	_ = 	snop  }
0x6: {  	_ = 	snop  }
0x7: {  	_ = 	snop  }
__scs_overlays_trampoline_lowered:
0x8: {  	[smem:$0x3FAE] =	sst s0  }
0x9: {  	[smem:$0x3FAF] =	sst s1  }
0xa: {  	[smem:$0x3FB0] =	sst s2  }
0xb: {  	[smem:$0x3FB1] =	sst s3  }
0xc: {  	[smem:$0x3FB2] =	sst s4  }
0xd: {  	[smem:$0x3FB3] =	sst s5  }
0xe: {  	[smem:$0x3FB4] =	sst s6  }
0xf: {  	[smem:$0x3FB5] =	sst s7  }
0x10: {  	[smem:$0x3FB6] =	sst s8  }
0x11: {  	[smem:$0x3FB7] =	sst s9;
	s0 =	simm.s32 @!p0 $0x0  }
0x12: {  	s1 =	sld [smem:$0x3F9D];
	s0 =	simm.s32 @p0 $0x1  }
0x13: {  	[smem:$0x3FB8] =	sst s0;
	s0 =	simm.s32 @!p1 $0x0  }
0x14: {  	s2 =	sld [smem:$0x3F9C];
	s0 =	simm.s32 @p1 $0x1  }
0x15: {  	[smem:$0x3FB9] =	sst s0;
	s0 =	simm.s32 @!p2 $0x0  }
0x16: {  	s3 =	sld [smem:$0x3FDB];
	s0 =	simm.s32 @p2 $0x1  }
0x17: {  	s4 =	simm.s32 $0x1BF5;
	[smem:$0x3FBB] =	sst s0  }
0x18: {  	s0 =	sld [smem:$0x3F9E];
	_ =	swait.ge [sflag:s4], $0x0  }
0x19: {  	s7 =	sld [smem:$0x3F9F]  }
0x1a: {  	s8 =	sadd.s32 $0xFFFFE003, lr  }
0x1b: {  	s9 =	sadd.s32 $0xFFFFFEF7, lr;
	s5 =	simm.s32 $0xFFFFFFFF;
	p2 =	slt.u32 s8, $0xFFFFF086  }
0x1c: {  	p1 =	slt.u32 s9, $0xF7A;
	s5 =	simm.s32 @!p2 $0x0  }
0x1d: {  	s5 =	simm.s32 @p1 $0x1;
	p0 =	seq.s32 s7, s2  }
0x1e: {  	s7 =	smul.u32 @!p0 $0xF7A, s2;
	p2 =	seq.s32 @!p0 s5, $0x0  }
0x1f: {  	s9 =	smul.u32 $0xF7A, s1;
	s8 =	simm.s32 @!p0 $0x1BF5;
	p2 =	por !p2, p0  }
0x20: {  	[sflag:s8] =	ssyncset.s32 @!p0 $0xFFFFF086;
	s6 =	sadd.s32 @!p0 s3, s7;
	s7 =	simm.s32 @!p0 $0x108  }
0x21: {  	s3 =	sadd.s32 s3, s9;
	s6 =	sadd.s32 @!p0 $0x88, s6;
	s7 =	simm.s32 @p2 $0x1082  }
0x22: {  	[simem:s7], [sflag:s8] =	dma.local @!p0 [hbm:s6], $0xF7A  }
0x23: {  	s9 =	sor.u32 $0xD0000000, s2;
	s6 =	simm.s32 $0x108;
	_ =	swait.ge @!p0 [sflag:s8], $0x0  }
0x24: {  	s3 =	sadd.s32 $0x88, s3;
	s6 =	simm.s32 @!p1 $0x1082;
	[sflag:s4] =	ssyncset.s32 $0xFFFFF086  }
0x25: {  	[simem:s6], [sflag:s4] =	dma.local [hbm:s3], $0xF7A  }
0x26: {  	[smem:$0x3F9F] =	sst s1;
	(tag) =	ssettag s2;
	_ =	strace s9  }
0x27: {  	s1 =	sld [smem:$0x3FAF]  }
0x28: {  	s2 =	sld [smem:$0x3FB0]  }
0x29: {  	s4 =	sld [smem:$0x3FB2]  }
0x2a: {  	p0 =	seq.s32 s5, $0x0;
	s5 =	sld [smem:$0x3FB3]  }
0x2b: {  	s6 =	sld [smem:$0x3FB4]  }
0x2c: {  	s7 =	sld [smem:$0x3FB5]  }
0x2d: {  	s3 =	simm.s32 $0x108;
	s8 =	sld [smem:$0x3FB6]  }
0x2e: {  	s3 =	simm.s32 @!p0 $0x1082;
	s9 =	sld [smem:$0x3FB7]  }
0x2f: {  	lr =	sadd.s32 s0, s3;
	s0 =	sld [smem:$0x3FAE]  }
0x30: {  	s3 =	sld [smem:$0x3FB1]  }
0x31: {  	[smem:$0x3FBA] =	sst s10  }
0x32: {  	s10 =	sld [smem:$0x3FB8];
	_ =	sdelay $0x3  }
0x33: {  	p0 =	seq.s32 s10, $0x1;
	s10 =	sld [smem:$0x3FBA];
	_ =	sdelay $0x3  }
0x34: {  	[smem:$0x3FBA] =	sst s10  }
0x35: {  	s10 =	sld [smem:$0x3FB9];
	_ =	sdelay $0x3  }
0x36: {  	p1 =	seq.s32 s10, $0x1;
	s10 =	sld [smem:$0x3FBA];
	_ =	sdelay $0x3  }
0x37: {  	[smem:$0x3FBA] =	sst s10  }
0x38: {  	s10 =	sld [smem:$0x3FBB]  }
0x39: {  	_ = 	snop;
	(pc) =	sbr.ind lr, $3  }
0x3a: {  	_ = 	snop  }
0x3b: {  	_ = 	snop  }
0x3c: {  	p2 =	seq.s32 s10, $0x1;
	s10 =	sld [smem:$0x3FBA]  }
0x3d: {  	_ =	shalt  }
0x3e: {  	_ =	shalt  }
0x3f: {  	_ =	shalt  }
0x40: {  	_ =	shalt  }
0x41: {  	_ =	shalt  }
0x42: {  	_ =	shalt  }
0x43: {  	_ =	shalt  }
0x44: {  	_ =	shalt  }
0x45: {  	_ =	shalt  }
0x46: {  	_ =	shalt  }
0x47: {  	_ =	shalt  }
0x48: {  	_ =	shalt  }
0x49: {  	_ =	shalt  }
0x4a: {  	_ =	shalt  }
0x4b: {  	_ =	shalt  }
0x4c: {  	_ =	shalt  }
0x4d: {  	_ =	shalt  }
0x4e: {  	_ =	shalt  }
0x4f: {  	_ =	shalt  }
0x50: {  	_ =	shalt  }
0x51: {  	_ =	shalt  }
0x52: {  	_ =	shalt  }
0x53: {  	_ =	shalt  }
0x54: {  	_ =	shalt  }
0x55: {  	_ =	shalt  }
0x56: {  	_ =	shalt  }
0x57: {  	_ =	shalt  }
0x58: {  	_ =	shalt  }
0x59: {  	_ =	shalt  }
0x5a: {  	_ =	shalt  }
0x5b: {  	_ =	shalt  }
0x5c: {  	_ =	shalt  }
0x5d: {  	_ =	shalt  }
0x5e: {  	_ =	shalt  }
0x5f: {  	_ =	shalt  }
0x60: {  	_ =	shalt  }
0x61: {  	_ =	shalt  }
0x62: {  	_ =	shalt  }
0x63: {  	_ =	shalt  }
0x64: {  	_ =	shalt  }
0x65: {  	_ =	shalt  }
0x66: {  	_ =	shalt  }
0x67: {  	_ =	shalt  }
0x68: {  	_ =	shalt  }
0x69: {  	_ =	shalt  }
0x6a: {  	_ =	shalt  }
0x6b: {  	_ =	shalt  }
0x6c: {  	_ =	shalt  }
0x6d: {  	_ =	shalt  }
0x6e: {  	_ =	shalt  }
0x6f: {  	_ =	shalt  }
0x70: {  	_ =	shalt  }
0x71: {  	_ =	shalt  }
0x72: {  	_ =	shalt  }
0x73: {  	_ =	shalt  }
0x74: {  	_ =	shalt  }
0x75: {  	_ =	shalt  }
0x76: {  	_ =	shalt  }
0x77: {  	_ =	shalt  }
0x78: {  	_ =	shalt  }
0x79: {  	_ =	shalt  }
0x7a: {  	_ =	shalt  }
0x7b: {  	_ =	shalt  }
0x7c: {  	_ =	shalt  }
0x7d: {  	_ =	shalt  }
0x7e: {  	_ =	shalt  }
0x7f: {  	_ =	shalt  }
0x80: {  	_ =	shalt  }
0x81: {  	_ =	shalt  }
0x82: {  	_ =	shalt  }
0x83: {  	_ =	shalt  }
0x84: {  	_ =	shalt  }
0x85: {  	_ =	shalt  }
0x86: {  	_ =	shalt  }
0x87: {  	_ =	shalt  }
.Lfunc_end0:
.L_simem_size_0:
called_computation.3_lowered:
.L_overlay_start_0:
0x88: {  	s2 =	sld [smem:$0x3FD9]  }
0x89: {  	s3 =	sld [smem:$0x3FFE];
	_ =	sdelay $0x1  }
0x8a: {  	s1 =	srdreg.scid  }
0x8b: {  	s0 =	sand.u32 $0x1, s1  }
0x8c: {  	s17 =	sshll.u32 s0, $0xA;
	s2 =	sadd.s32 s3, s2  }
0x8d: {  	s2 =	sadd.s32 s2, s17  }
0x8e: {  	[smem:$0x3FC6] =	sst s2  }
0x8f: {  	_ = 	snop  }
0x90: {  	(tm) =	ssettm $0x1  }
0x91: {  	s18 =	sld [smem:$0x3FFB];
	_ =	sdelay $0x3  }
0x92: {  	_ =	strace s18  }
0x93: {  	s2 =	sld [smem:$0x3FFC];
	_ =	sdelay $0x3  }
0x94: {  	_ =	strace s2  }
0x95: {  	s2 =	sld [smem:$0x3FFD];
	_ =	sdelay $0x3  }
0x96: {  	_ =	strace s2  }
0x97: {  	_ =	strace $0x8FFFFFFF  }
0x98: {  	s19 =	sld [smem:$0x3FDB];
	_ =	sdelay $0x1  }
0x99: {  	s20 =	simm.s32 $_scs_section_size  }
0x9a: {  	s4 =	simm.s32 $_size__tile_overlayer_lowered;
	s5 =	simm.s32 $_tile_overlayer_lowered  }
0x9b: {  	s6 =	simm.s32 $0x1BFF;
	s21 =	sshll.u32 s5, $0x1;
	s3 =	sadd.s32 s20, s19  }
0x9c: {  	s22 =	simm.s32 $0x0;
	s4 =	sshll.u32 s4, $0x1;
	s5 =	sadd.s32 s21, s3  }
0x9d: {  	[timem:s22], [sflag:s6] =	dma.local [hbm:s5], s4  }
0x9e: {  	_ =	swait.ge [sflag:s6], s4  }
0x9f: {  	s4 =	ssub.s32 $0x0, s4;
	[sflag:s6] =	ssyncset.done $0x0  }
0xa0: {  	[sflag:s6] =	ssyncadd.s32 s4;
	_ =	sdelay $0x1  }
0xa1: {  	s23 =	simm.s32 $0x1B8B  }
0xa2: {  	_ =	swait.ge [sflag:s23], $0x1  }
0xa3: {  	[sflag:s23] =	ssyncset.done $0x0  }
0xa4: {  	[sflag:s23] =	ssyncadd.s32 $0xFFFFFFFF  }
0xa5: {  	s4 =	sld [smem:$0x0]  }
0xa6: {  	s5 =	sand.u32 $0xFFFFFFFE, s1  }
0xa7: {  	p0 =	sne.s32 s1, s5  }
0xa8: {  	s5 =	sshll.u32 @p0 s5, $0xE  }
0xa9: {  	s5 =	sadd.s32 @p0 $0x11B8D, s5;
	s6 =	sshll.u32 @p0 s4, $0x11  }
0xaa: {  	s5 =	sor.u32 @p0 s6, s5  }
0xab: {  	[sflag:s5] =	ssyncadd.remote.s32 @p0 $0x1;
	_ =	sdelay $0x1  }
0xac: {  	s5 =	simm.s32 @p0 $0x1B8D  }
0xad: {  	_ =	swait.eq @p0 [sflag:s5], $0x1  }
0xae: {  	[sflag:s5] =	ssyncadd.s32 @p0 $0xFFFFFFFF  }
0xaf: {  	s6 =	sshll.u32 @!p0 s1, $0xE  }
0xb0: {  	s6 =	sor.u32 @!p0 $0x4000, s6;
	s5 =	simm.s32 @!p0 $0x1B8D  }
0xb1: {  	s4 =	sshll.u32 @!p0 s4, $0x11;
	s6 =	sadd.s32 @!p0 $0x11B8D, s6;
	_ =	swait.eq @!p0 [sflag:s5], $0x1  }
0xb2: {  	s4 =	sor.u32 @!p0 s4, s6;
	[sflag:s5] =	ssyncadd.s32 @!p0 $0xFFFFFFFF  }
0xb3: {  	s25 =	simm.s32 $0x1B8E;
	s24 =	sld [smem:$0x3FFE];
	[sflag:s4] =	ssyncadd.remote.s32 @!p0 $0x1  }
0xb4: {  	s26 =	simm.s32 $execute0_lowered;
	[smem:$0x3FD2] =	sst s25  }
0xb5: {  	s5 =	sshll.u32 s26, $0x1;
	_ =	strace $0x8000004F;
	[dreg:$0x1] =	wrdreg $0xFFFFFFFF  }
0xb6: {  	s28 =	simm.s32 $_size_execute0_lowered;
	s3 =	sadd.s32 s3, s5;
	[dreg:$0x0] =	wrdreg $0x0  }
0xb7: {  	s5 =	sshll.u32 s28, $0x1;
	[dreg:$0x2] =	wrdreg s3  }
0xb8: {  	[dreg:$0x3] =	wrdreg s5  }
0xb9: {  	[dreg:$0x4] =	wrdreg $0xC0  }
0xba: {  	_ =	task [dreg:s22], $0x5FFFF  }
0xbb: {  	[dreg:$0x1] =	wrdreg $0xFFFFFFFF  }
0xbc: {  	[dreg:$0x0] =	wrdreg $0x60  }
0xbd: {  	[dreg:$0x2] =	wrdreg s24  }
0xbe: {  	[dreg:$0x3] =	wrdreg $0xC  }
0xbf: {  	_ =	task.clear_ibuf [dreg:s22], $0x4FFFF;
	_ =	strace $0x9000004F  }
0xc0: {  	s29 =	simm.s32 $0xC;
	_ =	strace $0x80000051  }
0xc1: {  	_ =	swait.ge [sflag:s29], $0x1  }
0xc2: {  	[sflag:s29] =	ssyncadd.s32 $0xFFFFFFFF  }
0xc3: {  	_ =	strace $0x90000051  }
0xc4: {  	_ =	sfence  }
0xc5: {  	s30 =	sld [smem:$0x0];
	_ =	sdelay $0x2  }
0xc6: {  	s31 =	sshll.u32 s1, $0xD;
	s1 =	sshrl.u32 s1, $0x2  }
0xc7: {  	s4 =	sand.u32 $0x4000, s31;
	s1 =	sadd.s32 s1, s30  }
0xc8: {  	s0 =	sor.u32 s4, s0;
	s1 =	sshll.u32 s1, $0x11  }
0xc9: {  	s0 =	sor.u32 s1, s0  }
0xca: {  	s0 =	sadd.s32 $0x8F2B, s0  }
0xcb: {  	[sflag:s0] =	ssyncadd.remote.s32 $0x1  }
0xcc: {  	_ =	sfence.sel $0xFFFF  }
0xcd: {  	[dreg:$0x0] =	wrdreg $0xFFFFFFFF;
	(pc) =	sbr.abs _section_cstart, $3  }
0xce: {  	[dreg:$0x1] =	wrdreg $0xFFFFFFFF  }
0xcf: {  	_ =	task.clear_ibuf [dreg:s22], $0x2FFFF;
	_ =	strace $0x9FFFFFFF  }
0xd0: {  	(tm) =	ssettm $0x7FFFFFFF  }
0xd1: {  	_ =	shalt  }
tec
execute0_lowered:
.L_overlay_start_1:
0x0: {  	(tag) =	ssettag $0x1  }
0x1: {  	s1 =	srdreg.scid  }
0x2: {  	s0 =	stileid.u32;
	s5 =	rddreg [dreg:$0x0]  }
0x3: {  	s2 =	simm.s32 $0x0;
	s12 =	simm.s32 $0xC80;
	s13 =	simm.s32 $0x1  }
0x4: {  	s14 =	simm.s32 $0x4C80;
	s15 =	simm.s32 $0x2;
	s16 =	simm.s32 $0x3  }
0x5: {  	s17 =	simm.s32 $0x4;
	s18 =	simm.s32 $0xC00;
	s19 =	simm.s32 $0x0  }
0x6: {  	s4 =	sand.u32 $0x1, s1;
	s25 =	sshll.u32 s0, $0x1;
	s11 =	smul.u32 $0x19000, s0  }
0x7: {  	s1 =	rddreg [dreg:$0x1];
	s6 =	sor.u32 s4, s25;
	s30 =	smul.u32 $0xC800, s4  }
0x8: {  	[smem:$0x7FF] =	sst s2;
	s9 =	sadd.s32 $0x140A600, s5;
	s3 =	smul.u32 $0xC80, s6  }
0x9: {  	_ =	strace $0x80000050;
	s26 =	ssub.s32 $0x2, s4;
	s8 =	smul.u32 $0x64000, s6  }
0xa: {  	s10 =	smul.u32 $0xC800, s6;
	s28 =	sshrl.u32 s26, $0x1;
	s11 =	sadd.s32 s11, s9  }
0xb: {  	s6 =	ssub.s32 s26, s28;
	s31 =	sadd.s32 s30, s11;
	s11 =	simm.s32 $0x80  }
0xc: {  	s3 =	sshrl.u32 s3, $0x3;
	s8 =	sshrl.u32 s8, $0x3;
	s6 =	smax.u32 s6, $0x1  }
0xd: {  	s7 =	sadd.s32 s3, s5;
	s3 =	sadd.s32 $0x2400, s5;
	s29 =	sadd.s32 s9, s8  }
0xe: {  	s4 =	sadd.s32 $0x10DAC00, s7;
	s5 =	sadd.s32 $0xC000, s29;
	s7 =	sadd.s32 s9, s10  }
0xf: {  	s9 =	sadd.s32 $0x1800, s31;
	s10 =	simm.s32 $0x5;
	s8 =	sadd.s32 $0x800, s7  }
.LBB2_1:
0x10: {  	[tilespmem:s2], [sflag:$0x5] =	stream.linear.gather [hbm4b:s4+s2], $0xC80, $0x38;
	[tilespmem:$0x8C80] =	vst v63  }
0x11: {  	_ =	swait.ge [sflag:s10], $0xC80  }
0x12: {  	[sflag:s10] =	ssyncset.done $0x0  }
0x13: {  	[sflag:s10] =	ssyncadd.s32 $0xFFFFF380  }
0x14: {  	[tilespmem:s12], [sflag:$0x1] =	stream.indirect.gather [hbm4b:s3+s11], $0x80, s2, s11, $0xb8;
	[tilespmem:$0x8C80] =	vst v63  }
0x15: {  	_ =	swait.ge [sflag:s13], $0x4000  }
0x16: {  	[sflag:s13] =	ssyncset.done $0x0  }
0x17: {  	[sflag:s13] =	ssyncadd.s32 $0xFFFFC000  }
0x18: {  	[hbm4b:s7+s2] =	stream.linear.scatter [tilespmem:s12], [sflag:$0x3], $0x4000, $0x38;
	[tilespmem:$0x8C80] =	vst v63  }
0x19: {  	_ = 	snop  }
0x1a: {  	[tilespmem:s14], [sflag:$0x2] =	stream.indirect.gather [hbm4b:s3+s11], $0x80, s11, s11, $0xb8;
	[tilespmem:$0x8C80] =	vst v63  }
0x1b: {  	_ =	swait.ge [sflag:s15], $0x4000  }
0x1c: {  	[sflag:s15] =	ssyncset.done $0x0  }
0x1d: {  	[sflag:s15] =	ssyncadd.s32 $0xFFFFC000  }
0x1e: {  	[hbm4b:s8+s2] =	stream.linear.scatter [tilespmem:s14], [sflag:$0x4], $0x4000, $0x38;
	[tilespmem:$0x8C80] =	vst v63  }
0x1f: {  	_ =	swait.ge [sflag:s16], $0x4000  }
0x20: {  	[sflag:s16] =	ssyncset.done $0x0  }
0x21: {  	s20 =	simm.s32 $0x100;
	[sflag:s16] =	ssyncadd.s32 $0xFFFFC000  }
0x22: {  	[tilespmem:s12], [sflag:$0x1] =	stream.indirect.gather [hbm4b:s3+s11], $0x80, s20, s11, $0xb8;
	[tilespmem:$0x8C80] =	vst v63  }
0x23: {  	_ =	swait.ge [sflag:s13], $0x4000  }
0x24: {  	[sflag:s13] =	ssyncset.done $0x0  }
0x25: {  	s30 =	sadd.s32 $0xFFFFF800, s9;
	[sflag:s13] =	ssyncadd.s32 $0xFFFFC000  }
0x26: {  	[hbm4b:s30+s2] =	stream.linear.scatter [tilespmem:s12], [sflag:$0x3], $0x4000, $0x38;
	[tilespmem:$0x8C80] =	vst v63  }
0x27: {  	_ =	swait.ge [sflag:s17], $0x4000  }
0x28: {  	[sflag:s17] =	ssyncset.done $0x0  }
0x29: {  	s31 =	simm.s32 $0x180;
	[sflag:s17] =	ssyncadd.s32 $0xFFFFC000  }
0x2a: {  	[tilespmem:s14], [sflag:$0x2] =	stream.indirect.gather [hbm4b:s3+s11], $0x80, s31, s11, $0xb8;
	[tilespmem:$0x8C80] =	vst v63  }
0x2b: {  	_ =	swait.ge [sflag:s15], $0x4000  }
0x2c: {  	s21 =	sadd.s32 $0x1000, s9;
	[sflag:s15] =	ssyncset.done $0x0  }
0x2d: {  	s22 =	smov.u32 s9;
	s20 =	simm.s32 $0x400;
	[sflag:s15] =	ssyncadd.s32 $0xFFFFC000  }
.LBB2_2:
0x2e: {  	[hbm4b:s22+s2] =	stream.linear.scatter [tilespmem:s14], [sflag:$0x4], $0x4000, $0x38;
	[tilespmem:$0x8C80] =	vst v63  }
0x2f: {  	s23 =	smov.u32 s20;
	s22 =	smov.u32 s21  }
0x30: {  	p0 =	sne.s32 s20, $0x2800;
	s20 =	sadd.s32 $0x400, s20;
	_ =	swait.ge [sflag:s16], $0x4000  }
0x31: {  	s23 =	sshra.s32 s23, $0x2;
	[sflag:s16] =	ssyncset.done $0x0  }
0x32: {  	s24 =	sadd.s32 $0x100, s23;
	[sflag:s16] =	ssyncadd.s32 $0xFFFFC000  }
0x33: {  	[tilespmem:s12], [sflag:$0x1] =	stream.indirect.gather [hbm4b:s3+s11], $0x80, s24, s11, $0xb8;
	[tilespmem:$0x8C80] =	vst v63  }
0x34: {  	_ =	swait.ge [sflag:s13], $0x4000  }
0x35: {  	[sflag:s13] =	ssyncset.done $0x0  }
0x36: {  	s24 =	sadd.s32 $0xFFFFF800, s21;
	[sflag:s13] =	ssyncadd.s32 $0xFFFFC000  }
0x37: {  	[hbm4b:s24+s2] =	stream.linear.scatter [tilespmem:s12], [sflag:$0x3], $0x4000, $0x38;
	[tilespmem:$0x8C80] =	vst v63  }
0x38: {  	_ =	swait.ge [sflag:s17], $0x4000  }
0x39: {  	[sflag:s17] =	ssyncset.done $0x0  }
.Ltmp0:
0x3a: {  	s23 =	sadd.s32 $0x180, s23;
	[sflag:s17] =	ssyncadd.s32 $0xFFFFC000;
	(pc) =	sbr.rel @p0 .LBB2_2-.Ltmp0, $4  }
0x3b: {  	[tilespmem:s14], [sflag:$0x2] =	stream.indirect.gather [hbm4b:s3+s11], $0x80, s23, s11, $0xb8;
	[tilespmem:$0x8C80] =	vst v63  }
0x3c: {  	_ =	swait.ge [sflag:s15], $0x4000  }
0x3d: {  	[sflag:s15] =	ssyncset.done $0x0  }
0x3e: {  	s21 =	sadd.s32 $0x1000, s21;
	[sflag:s15] =	ssyncadd.s32 $0xFFFFC000  }
0x3f: {  	[hbm4b:s22+s2] =	stream.linear.scatter [tilespmem:s14], [sflag:$0x4], $0x4000, $0x38;
	[tilespmem:$0x8C80] =	vst v63  }
0x40: {  	_ =	swait.ge [sflag:s16], $0x4000  }
0x41: {  	[sflag:s16] =	ssyncset.done $0x0  }
0x42: {  	[sflag:s16] =	ssyncadd.s32 $0xFFFFC000  }
0x43: {  	[tilespmem:s12], [sflag:$0x1] =	stream.indirect.gather [hbm4b:s3+s11], $0x80, s18, s11, $0xb8;
	[tilespmem:$0x8C80] =	vst v63  }
0x44: {  	_ =	swait.ge [sflag:s13], $0x4000  }
0x45: {  	[sflag:s13] =	ssyncset.done $0x0  }
0x46: {  	s19 =	sadd.s32 $0x1, s19;
	[sflag:s13] =	ssyncadd.s32 $0xFFFFC000  }
0x47: {  	[hbm4b:s5+s2] =	stream.linear.scatter [tilespmem:s12], [sflag:$0x3], $0x4000, $0x38;
	[tilespmem:$0x8C80] =	vst v63  }
0x48: {  	p0 =	sne.s32 s19, s6;
	_ =	swait.ge [sflag:s16], $0x4000  }
.Ltmp1:
0x49: {  	[sflag:s16] =	ssyncset.done $0x0;
	(pc) =	sbr.rel @p0 .LBB2_1-.Ltmp1, $4  }
0x4a: {  	[sflag:s16] =	ssyncadd.s32 $0xFFFFC000  }
0x4b: {  	_ =	swait.ge [sflag:s17], $0x4000  }
0x4c: {  	[sflag:s17] =	ssyncset.done $0x0  }
0x4d: {  	[sflag:s17] =	ssyncadd.s32 $0xFFFFC000  }
0x4e: {  	_ =	sfence.sel $0x180000  }
0x4f: {  	[bflag:$0x0] =	sbarrier.arrive $0xFFFF  }
0x50: {  	p0 =	sne.s32 s0, $0x0;
	_ =	strace $0x90000050  }
0x51: {  	s0 =	sadd.s32 @!p0 $0x100000, s1;
	[bflag:$0x2] =	sbarrier.arrive $0xFFFF  }
0x52: {  	[sflag:s0] =	ssyncadd.tile.s32 @!p0 $0x1;
	_ =	shalt  }
.Lfunc_end2:
_tile_overlayer_lowered:
.L_overlay_start_2:
0x53: {  	(tag) =	ssettag $0x2  }
0x54: {  	s0 =	rddreg [dreg:$0x0];
	s2 =	stileid.u32  }
0x55: {  	s1 =	rddreg [dreg:$0x1];
	p0 =	sne.s32 s2, $0x0  }
0x56: {  	s3 =	rddreg [dreg:$0x2];
	[bflag:$0x3] =	sbarrier.arrive $0xFFFF;
	s2 =	simm.s32 @!p0 $0x1C05  }
0x57: {  	[timem:s3], [sflag:s2] =	dma.local @!p0 [hbm:s0], s1  }
0x58: {  	s0 =	simm.s32 @!p0 $0x5  }
0x59: {  	_ =	swait.ge @!p0 [sflag:s0], s1  }
0x5a: {  	s1 =	ssub.s32 @!p0 $0x0, s1;
	[sflag:s0] =	ssyncset.done @!p0 $0x0  }
0x5b: {  	[sflag:s0] =	ssyncadd.s32 @!p0 s1  }
0x5c: {  	[bflag:$0x3] =	sbarrier.arrive $0xFFFF  }
0x5d: {  	_ =	shalt  }

// kernel: kernel.31.cloned.1.call-start
scs
__scs_entry_jumppad:
0x0: {  	(pc) =	sbr.rel $0x88, $3  }
0x1: {  	(tag) =	ssettag $0x0;
	lr =	simm.s32 $0x1  }
0x2: {  	[smem:$0x3F9F] =	sst lr;
	_ =	strace $0xD0000000  }
0x3: {  	_ = 	snop  }
0x4: {  	_ = 	snop  }
0x5: {  	_ = 	snop  }
0x6: {  	_ = 	snop  }
0x7: {  	_ = 	snop  }
__scs_overlays_trampoline_lowered:
0x8: {  	[smem:$0x3FAE] =	sst s0  }
0x9: {  	[smem:$0x3FAF] =	sst s1  }
0xa: {  	[smem:$0x3FB0] =	sst s2  }
0xb: {  	[smem:$0x3FB1] =	sst s3  }
0xc: {  	[smem:$0x3FB2] =	sst s4  }
0xd: {  	[smem:$0x3FB3] =	sst s5  }
0xe: {  	[smem:$0x3FB4] =	sst s6  }
0xf: {  	[smem:$0x3FB5] =	sst s7  }
0x10: {  	[smem:$0x3FB6] =	sst s8  }
0x11: {  	[smem:$0x3FB7] =	sst s9;
	s0 =	simm.s32 @!p0 $0x0  }
0x12: {  	s1 =	sld [smem:$0x3F9D];
	s0 =	simm.s32 @p0 $0x1  }
0x13: {  	[smem:$0x3FB8] =	sst s0;
	s0 =	simm.s32 @!p1 $0x0  }
0x14: {  	s2 =	sld [smem:$0x3F9C];
	s0 =	simm.s32 @p1 $0x1  }
0x15: {  	[smem:$0x3FB9] =	sst s0;
	s0 =	simm.s32 @!p2 $0x0  }
0x16: {  	s3 =	sld [smem:$0x3FDB];
	s0 =	simm.s32 @p2 $0x1  }
0x17: {  	s4 =	simm.s32 $0x1BF5;
	[smem:$0x3FBB] =	sst s0  }
0x18: {  	s0 =	sld [smem:$0x3F9E];
	_ =	swait.ge [sflag:s4], $0x0  }
0x19: {  	s7 =	sld [smem:$0x3F9F]  }
0x1a: {  	s8 =	sadd.s32 $0xFFFFE003, lr  }
0x1b: {  	s9 =	sadd.s32 $0xFFFFFEF7, lr;
	s5 =	simm.s32 $0xFFFFFFFF;
	p2 =	slt.u32 s8, $0xFFFFF086  }
0x1c: {  	p1 =	slt.u32 s9, $0xF7A;
	s5 =	simm.s32 @!p2 $0x0  }
0x1d: {  	s5 =	simm.s32 @p1 $0x1;
	p0 =	seq.s32 s7, s2  }
0x1e: {  	s7 =	smul.u32 @!p0 $0xF7A, s2;
	p2 =	seq.s32 @!p0 s5, $0x0  }
0x1f: {  	s9 =	smul.u32 $0xF7A, s1;
	s8 =	simm.s32 @!p0 $0x1BF5;
	p2 =	por !p2, p0  }
0x20: {  	[sflag:s8] =	ssyncset.s32 @!p0 $0xFFFFF086;
	s6 =	sadd.s32 @!p0 s3, s7;
	s7 =	simm.s32 @!p0 $0x108  }
0x21: {  	s3 =	sadd.s32 s3, s9;
	s6 =	sadd.s32 @!p0 $0x88, s6;
	s7 =	simm.s32 @p2 $0x1082  }
0x22: {  	[simem:s7], [sflag:s8] =	dma.local @!p0 [hbm:s6], $0xF7A  }
0x23: {  	s9 =	sor.u32 $0xD0000000, s2;
	s6 =	simm.s32 $0x108;
	_ =	swait.ge @!p0 [sflag:s8], $0x0  }
0x24: {  	s3 =	sadd.s32 $0x88, s3;
	s6 =	simm.s32 @!p1 $0x1082;
	[sflag:s4] =	ssyncset.s32 $0xFFFFF086  }
0x25: {  	[simem:s6], [sflag:s4] =	dma.local [hbm:s3], $0xF7A  }
0x26: {  	[smem:$0x3F9F] =	sst s1;
	(tag) =	ssettag s2;
	_ =	strace s9  }
0x27: {  	s1 =	sld [smem:$0x3FAF]  }
0x28: {  	s2 =	sld [smem:$0x3FB0]  }
0x29: {  	s4 =	sld [smem:$0x3FB2]  }
0x2a: {  	p0 =	seq.s32 s5, $0x0;
	s5 =	sld [smem:$0x3FB3]  }
0x2b: {  	s6 =	sld [smem:$0x3FB4]  }
0x2c: {  	s7 =	sld [smem:$0x3FB5]  }
0x2d: {  	s3 =	simm.s32 $0x108;
	s8 =	sld [smem:$0x3FB6]  }
0x2e: {  	s3 =	simm.s32 @!p0 $0x1082;
	s9 =	sld [smem:$0x3FB7]  }
0x2f: {  	lr =	sadd.s32 s0, s3;
	s0 =	sld [smem:$0x3FAE]  }
0x30: {  	s3 =	sld [smem:$0x3FB1]  }
0x31: {  	[smem:$0x3FBA] =	sst s10  }
0x32: {  	s10 =	sld [smem:$0x3FB8];
	_ =	sdelay $0x3  }
0x33: {  	p0 =	seq.s32 s10, $0x1;
	s10 =	sld [smem:$0x3FBA];
	_ =	sdelay $0x3  }
0x34: {  	[smem:$0x3FBA] =	sst s10  }
0x35: {  	s10 =	sld [smem:$0x3FB9];
	_ =	sdelay $0x3  }
0x36: {  	p1 =	seq.s32 s10, $0x1;
	s10 =	sld [smem:$0x3FBA];
	_ =	sdelay $0x3  }
0x37: {  	[smem:$0x3FBA] =	sst s10  }
0x38: {  	s10 =	sld [smem:$0x3FBB]  }
0x39: {  	_ = 	snop;
	(pc) =	sbr.ind lr, $3  }
0x3a: {  	_ = 	snop  }
0x3b: {  	_ = 	snop  }
0x3c: {  	p2 =	seq.s32 s10, $0x1;
	s10 =	sld [smem:$0x3FBA]  }
0x3d: {  	_ =	shalt  }
0x3e: {  	_ =	shalt  }
0x3f: {  	_ =	shalt  }
0x40: {  	_ =	shalt  }
0x41: {  	_ =	shalt  }
0x42: {  	_ =	shalt  }
0x43: {  	_ =	shalt  }
0x44: {  	_ =	shalt  }
0x45: {  	_ =	shalt  }
0x46: {  	_ =	shalt  }
0x47: {  	_ =	shalt  }
0x48: {  	_ =	shalt  }
0x49: {  	_ =	shalt  }
0x4a: {  	_ =	shalt  }
0x4b: {  	_ =	shalt  }
0x4c: {  	_ =	shalt  }
0x4d: {  	_ =	shalt  }
0x4e: {  	_ =	shalt  }
0x4f: {  	_ =	shalt  }
0x50: {  	_ =	shalt  }
0x51: {  	_ =	shalt  }
0x52: {  	_ =	shalt  }
0x53: {  	_ =	shalt  }
0x54: {  	_ =	shalt  }
0x55: {  	_ =	shalt  }
0x56: {  	_ =	shalt  }
0x57: {  	_ =	shalt  }
0x58: {  	_ =	shalt  }
0x59: {  	_ =	shalt  }
0x5a: {  	_ =	shalt  }
0x5b: {  	_ =	shalt  }
0x5c: {  	_ =	shalt  }
0x5d: {  	_ =	shalt  }
0x5e: {  	_ =	shalt  }
0x5f: {  	_ =	shalt  }
0x60: {  	_ =	shalt  }
0x61: {  	_ =	shalt  }
0x62: {  	_ =	shalt  }
0x63: {  	_ =	shalt  }
0x64: {  	_ =	shalt  }
0x65: {  	_ =	shalt  }
0x66: {  	_ =	shalt  }
0x67: {  	_ =	shalt  }
0x68: {  	_ =	shalt  }
0x69: {  	_ =	shalt  }
0x6a: {  	_ =	shalt  }
0x6b: {  	_ =	shalt  }
0x6c: {  	_ =	shalt  }
0x6d: {  	_ =	shalt  }
0x6e: {  	_ =	shalt  }
0x6f: {  	_ =	shalt  }
0x70: {  	_ =	shalt  }
0x71: {  	_ =	shalt  }
0x72: {  	_ =	shalt  }
0x73: {  	_ =	shalt  }
0x74: {  	_ =	shalt  }
0x75: {  	_ =	shalt  }
0x76: {  	_ =	shalt  }
0x77: {  	_ =	shalt  }
0x78: {  	_ =	shalt  }
0x79: {  	_ =	shalt  }
0x7a: {  	_ =	shalt  }
0x7b: {  	_ =	shalt  }
0x7c: {  	_ =	shalt  }
0x7d: {  	_ =	shalt  }
0x7e: {  	_ =	shalt  }
0x7f: {  	_ =	shalt  }
0x80: {  	_ =	shalt  }
0x81: {  	_ =	shalt  }
0x82: {  	_ =	shalt  }
0x83: {  	_ =	shalt  }
0x84: {  	_ =	shalt  }
0x85: {  	_ =	shalt  }
0x86: {  	_ =	shalt  }
0x87: {  	_ =	shalt  }
.Lfunc_end0:
.L_simem_size_0:
called_computation.4_lowered:
.L_overlay_start_0:
0x88: {  	s2 =	sld [smem:$0x3FD9]  }
0x89: {  	s3 =	sld [smem:$0x3FFE];
	_ =	sdelay $0x1  }
0x8a: {  	s1 =	srdreg.scid  }
0x8b: {  	s0 =	sand.u32 $0x1, s1  }
0x8c: {  	s17 =	sshll.u32 s0, $0xA;
	s2 =	sadd.s32 s3, s2  }
0x8d: {  	s2 =	sadd.s32 s2, s17  }
0x8e: {  	[smem:$0x3FC6] =	sst s2  }
0x8f: {  	_ = 	snop  }
0x90: {  	(tm) =	ssettm $0x1  }
0x91: {  	s18 =	sld [smem:$0x3FFB];
	_ =	sdelay $0x3  }
0x92: {  	_ =	strace s18  }
0x93: {  	s2 =	sld [smem:$0x3FFC];
	_ =	sdelay $0x3  }
0x94: {  	_ =	strace s2  }
0x95: {  	s2 =	sld [smem:$0x3FFD];
	_ =	sdelay $0x3  }
0x96: {  	_ =	strace s2  }
0x97: {  	_ =	strace $0x8FFFFFFF  }
0x98: {  	s19 =	sld [smem:$0x3FDB];
	_ =	sdelay $0x1  }
0x99: {  	s20 =	simm.s32 $_scs_section_size  }
0x9a: {  	s4 =	simm.s32 $_size__tile_overlayer_lowered;
	s5 =	simm.s32 $_tile_overlayer_lowered  }
0x9b: {  	s6 =	simm.s32 $0x1BFF;
	s21 =	sshll.u32 s5, $0x1;
	s3 =	sadd.s32 s20, s19  }
0x9c: {  	s22 =	simm.s32 $0x0;
	s4 =	sshll.u32 s4, $0x1;
	s5 =	sadd.s32 s21, s3  }
0x9d: {  	[timem:s22], [sflag:s6] =	dma.local [hbm:s5], s4  }
0x9e: {  	_ =	swait.ge [sflag:s6], s4  }
0x9f: {  	s4 =	ssub.s32 $0x0, s4;
	[sflag:s6] =	ssyncset.done $0x0  }
0xa0: {  	[sflag:s6] =	ssyncadd.s32 s4;
	_ =	sdelay $0x1  }
0xa1: {  	s23 =	simm.s32 $0x1B8B  }
0xa2: {  	_ =	swait.ge [sflag:s23], $0x1  }
0xa3: {  	[sflag:s23] =	ssyncset.done $0x0  }
0xa4: {  	[sflag:s23] =	ssyncadd.s32 $0xFFFFFFFF  }
0xa5: {  	s4 =	sld [smem:$0x0]  }
0xa6: {  	s5 =	sand.u32 $0xFFFFFFFE, s1  }
0xa7: {  	p0 =	sne.s32 s1, s5  }
0xa8: {  	s5 =	sshll.u32 @p0 s5, $0xE  }
0xa9: {  	s5 =	sadd.s32 @p0 $0x11B8D, s5;
	s6 =	sshll.u32 @p0 s4, $0x11  }
0xaa: {  	s5 =	sor.u32 @p0 s6, s5  }
0xab: {  	[sflag:s5] =	ssyncadd.remote.s32 @p0 $0x1;
	_ =	sdelay $0x1  }
0xac: {  	s5 =	simm.s32 @p0 $0x1B8D  }
0xad: {  	_ =	swait.eq @p0 [sflag:s5], $0x1  }
0xae: {  	[sflag:s5] =	ssyncadd.s32 @p0 $0xFFFFFFFF  }
0xaf: {  	s6 =	sshll.u32 @!p0 s1, $0xE  }
0xb0: {  	s6 =	sor.u32 @!p0 $0x4000, s6;
	s5 =	simm.s32 @!p0 $0x1B8D  }
0xb1: {  	s4 =	sshll.u32 @!p0 s4, $0x11;
	s6 =	sadd.s32 @!p0 $0x11B8D, s6;
	_ =	swait.eq @!p0 [sflag:s5], $0x1  }
0xb2: {  	s4 =	sor.u32 @!p0 s4, s6;
	[sflag:s5] =	ssyncadd.s32 @!p0 $0xFFFFFFFF  }
0xb3: {  	s25 =	simm.s32 $0x1B8E;
	s24 =	sld [smem:$0x3FFE];
	[sflag:s4] =	ssyncadd.remote.s32 @!p0 $0x1  }
0xb4: {  	s26 =	simm.s32 $execute0_lowered;
	[smem:$0x3FD2] =	sst s25  }
0xb5: {  	s5 =	sshll.u32 s26, $0x1;
	_ =	strace $0x80000052;
	[dreg:$0x1] =	wrdreg $0xFFFFFFFF  }
0xb6: {  	s28 =	simm.s32 $_size_execute0_lowered;
	s3 =	sadd.s32 s3, s5;
	[dreg:$0x0] =	wrdreg $0x0  }
0xb7: {  	s5 =	sshll.u32 s28, $0x1;
	[dreg:$0x2] =	wrdreg s3  }
0xb8: {  	[dreg:$0x3] =	wrdreg s5  }
0xb9: {  	[dreg:$0x4] =	wrdreg $0xC0  }
0xba: {  	_ =	task [dreg:s22], $0x5FFFF  }
0xbb: {  	[dreg:$0x1] =	wrdreg $0xFFFFFFFF  }
0xbc: {  	[dreg:$0x0] =	wrdreg $0x60  }
0xbd: {  	[dreg:$0x2] =	wrdreg s24  }
0xbe: {  	[dreg:$0x3] =	wrdreg $0xD  }
0xbf: {  	_ =	task.clear_ibuf [dreg:s22], $0x4FFFF;
	_ =	strace $0x90000052  }
0xc0: {  	s29 =	simm.s32 $0xD;
	_ =	strace $0x80000054  }
0xc1: {  	_ =	swait.ge [sflag:s29], $0x1  }
0xc2: {  	[sflag:s29] =	ssyncadd.s32 $0xFFFFFFFF  }
0xc3: {  	_ =	strace $0x90000054  }
0xc4: {  	_ =	sfence  }
0xc5: {  	s30 =	sld [smem:$0x0];
	_ =	sdelay $0x2  }
0xc6: {  	s31 =	sshll.u32 s1, $0xD;
	s1 =	sshrl.u32 s1, $0x2  }
0xc7: {  	s4 =	sand.u32 $0x4000, s31;
	s1 =	sadd.s32 s1, s30  }
0xc8: {  	s0 =	sor.u32 s4, s0;
	s1 =	sshll.u32 s1, $0x11  }
0xc9: {  	s0 =	sor.u32 s1, s0  }
0xca: {  	s0 =	sadd.s32 $0x8F2B, s0  }
0xcb: {  	[sflag:s0] =	ssyncadd.remote.s32 $0x1  }
0xcc: {  	_ =	sfence.sel $0xFFFF  }
0xcd: {  	[dreg:$0x0] =	wrdreg $0xFFFFFFFF;
	(pc) =	sbr.abs _section_cstart, $3  }
0xce: {  	[dreg:$0x1] =	wrdreg $0xFFFFFFFF  }
0xcf: {  	_ =	task.clear_ibuf [dreg:s22], $0x2FFFF;
	_ =	strace $0x9FFFFFFF  }
0xd0: {  	(tm) =	ssettm $0x7FFFFFFF  }
0xd1: {  	_ =	shalt  }
tec
execute0_lowered:
.L_overlay_start_1:
0x0: {  	(tag) =	ssettag $0x1  }
0x1: {  	s1 =	srdreg.scid  }
0x2: {  	s0 =	stileid.u32;
	s5 =	rddreg [dreg:$0x0]  }
0x3: {  	s2 =	simm.s32 $0x0;
	s12 =	simm.s32 $0xC80;
	s13 =	simm.s32 $0x1  }
0x4: {  	s14 =	simm.s32 $0x4C80;
	s15 =	simm.s32 $0x2;
	s16 =	simm.s32 $0x3  }
0x5: {  	s17 =	simm.s32 $0x4;
	s18 =	simm.s32 $0xC00;
	s19 =	simm.s32 $0x0  }
0x6: {  	s4 =	sand.u32 $0x1, s1;
	s25 =	sshll.u32 s0, $0x1;
	s11 =	smul.u32 $0x19000, s0  }
0x7: {  	s1 =	rddreg [dreg:$0x1];
	s6 =	sor.u32 s4, s25;
	s30 =	smul.u32 $0xC800, s4  }
0x8: {  	[smem:$0x7FF] =	sst s2;
	s9 =	sadd.s32 $0x159A600, s5;
	s3 =	smul.u32 $0xC80, s6  }
0x9: {  	_ =	strace $0x80000053;
	s26 =	ssub.s32 $0x2, s4;
	s8 =	smul.u32 $0x64000, s6  }
0xa: {  	s10 =	smul.u32 $0xC800, s6;
	s28 =	sshrl.u32 s26, $0x1;
	s11 =	sadd.s32 s11, s9  }
0xb: {  	s6 =	ssub.s32 s26, s28;
	s31 =	sadd.s32 s30, s11;
	s11 =	simm.s32 $0x80  }
0xc: {  	s3 =	sshrl.u32 s3, $0x3;
	s8 =	sshrl.u32 s8, $0x3;
	s6 =	smax.u32 s6, $0x1  }
0xd: {  	s7 =	sadd.s32 s3, s5;
	s3 =	sadd.s32 $0x2400, s5;
	s29 =	sadd.s32 s9, s8  }
0xe: {  	s4 =	sadd.s32 $0x10DDE00, s7;
	s5 =	sadd.s32 $0xC000, s29;
	s7 =	sadd.s32 s9, s10  }
0xf: {  	s9 =	sadd.s32 $0x1800, s31;
	s10 =	simm.s32 $0x5;
	s8 =	sadd.s32 $0x800, s7  }
.LBB2_1:
0x10: {  	[tilespmem:s2], [sflag:$0x5] =	stream.linear.gather [hbm4b:s4+s2], $0xC80, $0x38;
	[tilespmem:$0x8C80] =	vst v63  }
0x11: {  	_ =	swait.ge [sflag:s10], $0xC80  }
0x12: {  	[sflag:s10] =	ssyncset.done $0x0  }
0x13: {  	[sflag:s10] =	ssyncadd.s32 $0xFFFFF380  }
0x14: {  	[tilespmem:s12], [sflag:$0x1] =	stream.indirect.gather [hbm4b:s3+s11], $0x80, s2, s11, $0xb8;
	[tilespmem:$0x8C80] =	vst v63  }
0x15: {  	_ =	swait.ge [sflag:s13], $0x4000  }
0x16: {  	[sflag:s13] =	ssyncset.done $0x0  }
0x17: {  	[sflag:s13] =	ssyncadd.s32 $0xFFFFC000  }
0x18: {  	[hbm4b:s7+s2] =	stream.linear.scatter [tilespmem:s12], [sflag:$0x3], $0x4000, $0x38;
	[tilespmem:$0x8C80] =	vst v63  }
0x19: {  	_ = 	snop  }
0x1a: {  	[tilespmem:s14], [sflag:$0x2] =	stream.indirect.gather [hbm4b:s3+s11], $0x80, s11, s11, $0xb8;
	[tilespmem:$0x8C80] =	vst v63  }
0x1b: {  	_ =	swait.ge [sflag:s15], $0x4000  }
0x1c: {  	[sflag:s15] =	ssyncset.done $0x0  }
0x1d: {  	[sflag:s15] =	ssyncadd.s32 $0xFFFFC000  }
0x1e: {  	[hbm4b:s8+s2] =	stream.linear.scatter [tilespmem:s14], [sflag:$0x4], $0x4000, $0x38;
	[tilespmem:$0x8C80] =	vst v63  }
0x1f: {  	_ =	swait.ge [sflag:s16], $0x4000  }
0x20: {  	[sflag:s16] =	ssyncset.done $0x0  }
0x21: {  	s20 =	simm.s32 $0x100;
	[sflag:s16] =	ssyncadd.s32 $0xFFFFC000  }
0x22: {  	[tilespmem:s12], [sflag:$0x1] =	stream.indirect.gather [hbm4b:s3+s11], $0x80, s20, s11, $0xb8;
	[tilespmem:$0x8C80] =	vst v63  }
0x23: {  	_ =	swait.ge [sflag:s13], $0x4000  }
0x24: {  	[sflag:s13] =	ssyncset.done $0x0  }
0x25: {  	s30 =	sadd.s32 $0xFFFFF800, s9;
	[sflag:s13] =	ssyncadd.s32 $0xFFFFC000  }
0x26: {  	[hbm4b:s30+s2] =	stream.linear.scatter [tilespmem:s12], [sflag:$0x3], $0x4000, $0x38;
	[tilespmem:$0x8C80] =	vst v63  }
0x27: {  	_ =	swait.ge [sflag:s17], $0x4000  }
0x28: {  	[sflag:s17] =	ssyncset.done $0x0  }
0x29: {  	s31 =	simm.s32 $0x180;
	[sflag:s17] =	ssyncadd.s32 $0xFFFFC000  }
0x2a: {  	[tilespmem:s14], [sflag:$0x2] =	stream.indirect.gather [hbm4b:s3+s11], $0x80, s31, s11, $0xb8;
	[tilespmem:$0x8C80] =	vst v63  }
0x2b: {  	_ =	swait.ge [sflag:s15], $0x4000  }
0x2c: {  	s21 =	sadd.s32 $0x1000, s9;
	[sflag:s15] =	ssyncset.done $0x0  }
0x2d: {  	s22 =	smov.u32 s9;
	s20 =	simm.s32 $0x400;
	[sflag:s15] =	ssyncadd.s32 $0xFFFFC000  }
.LBB2_2:
0x2e: {  	[hbm4b:s22+s2] =	stream.linear.scatter [tilespmem:s14], [sflag:$0x4], $0x4000, $0x38;
	[tilespmem:$0x8C80] =	vst v63  }
0x2f: {  	s23 =	smov.u32 s20;
	s22 =	smov.u32 s21  }
0x30: {  	p0 =	sne.s32 s20, $0x2800;
	s20 =	sadd.s32 $0x400, s20;
	_ =	swait.ge [sflag:s16], $0x4000  }
0x31: {  	s23 =	sshra.s32 s23, $0x2;
	[sflag:s16] =	ssyncset.done $0x0  }
0x32: {  	s24 =	sadd.s32 $0x100, s23;
	[sflag:s16] =	ssyncadd.s32 $0xFFFFC000  }
0x33: {  	[tilespmem:s12], [sflag:$0x1] =	stream.indirect.gather [hbm4b:s3+s11], $0x80, s24, s11, $0xb8;
	[tilespmem:$0x8C80] =	vst v63  }
0x34: {  	_ =	swait.ge [sflag:s13], $0x4000  }
0x35: {  	[sflag:s13] =	ssyncset.done $0x0  }
0x36: {  	s24 =	sadd.s32 $0xFFFFF800, s21;
	[sflag:s13] =	ssyncadd.s32 $0xFFFFC000  }
0x37: {  	[hbm4b:s24+s2] =	stream.linear.scatter [tilespmem:s12], [sflag:$0x3], $0x4000, $0x38;
	[tilespmem:$0x8C80] =	vst v63  }
0x38: {  	_ =	swait.ge [sflag:s17], $0x4000  }
0x39: {  	[sflag:s17] =	ssyncset.done $0x0  }
.Ltmp0:
0x3a: {  	s23 =	sadd.s32 $0x180, s23;
	[sflag:s17] =	ssyncadd.s32 $0xFFFFC000;
	(pc) =	sbr.rel @p0 .LBB2_2-.Ltmp0, $4  }
0x3b: {  	[tilespmem:s14], [sflag:$0x2] =	stream.indirect.gather [hbm4b:s3+s11], $0x80, s23, s11, $0xb8;
	[tilespmem:$0x8C80] =	vst v63  }
0x3c: {  	_ =	swait.ge [sflag:s15], $0x4000  }
0x3d: {  	[sflag:s15] =	ssyncset.done $0x0  }
0x3e: {  	s21 =	sadd.s32 $0x1000, s21;
	[sflag:s15] =	ssyncadd.s32 $0xFFFFC000  }
0x3f: {  	[hbm4b:s22+s2] =	stream.linear.scatter [tilespmem:s14], [sflag:$0x4], $0x4000, $0x38;
	[tilespmem:$0x8C80] =	vst v63  }
0x40: {  	_ =	swait.ge [sflag:s16], $0x4000  }
0x41: {  	[sflag:s16] =	ssyncset.done $0x0  }
0x42: {  	[sflag:s16] =	ssyncadd.s32 $0xFFFFC000  }
0x43: {  	[tilespmem:s12], [sflag:$0x1] =	stream.indirect.gather [hbm4b:s3+s11], $0x80, s18, s11, $0xb8;
	[tilespmem:$0x8C80] =	vst v63  }
0x44: {  	_ =	swait.ge [sflag:s13], $0x4000  }
0x45: {  	[sflag:s13] =	ssyncset.done $0x0  }
0x46: {  	s19 =	sadd.s32 $0x1, s19;
	[sflag:s13] =	ssyncadd.s32 $0xFFFFC000  }
0x47: {  	[hbm4b:s5+s2] =	stream.linear.scatter [tilespmem:s12], [sflag:$0x3], $0x4000, $0x38;
	[tilespmem:$0x8C80] =	vst v63  }
0x48: {  	p0 =	sne.s32 s19, s6;
	_ =	swait.ge [sflag:s16], $0x4000  }
.Ltmp1:
0x49: {  	[sflag:s16] =	ssyncset.done $0x0;
	(pc) =	sbr.rel @p0 .LBB2_1-.Ltmp1, $4  }
0x4a: {  	[sflag:s16] =	ssyncadd.s32 $0xFFFFC000  }
0x4b: {  	_ =	swait.ge [sflag:s17], $0x4000  }
0x4c: {  	[sflag:s17] =	ssyncset.done $0x0  }
0x4d: {  	[sflag:s17] =	ssyncadd.s32 $0xFFFFC000  }
0x4e: {  	_ =	sfence.sel $0x180000  }
0x4f: {  	[bflag:$0x0] =	sbarrier.arrive $0xFFFF  }
0x50: {  	p0 =	sne.s32 s0, $0x0;
	_ =	strace $0x90000053  }
0x51: {  	s0 =	sadd.s32 @!p0 $0x100000, s1;
	[bflag:$0x2] =	sbarrier.arrive $0xFFFF  }
0x52: {  	[sflag:s0] =	ssyncadd.tile.s32 @!p0 $0x1;
	_ =	shalt  }
.Lfunc_end2:
_tile_overlayer_lowered:
.L_overlay_start_2:
0x53: {  	(tag) =	ssettag $0x2  }
0x54: {  	s0 =	rddreg [dreg:$0x0];
	s2 =	stileid.u32  }
0x55: {  	s1 =	rddreg [dreg:$0x1];
	p0 =	sne.s32 s2, $0x0  }
0x56: {  	s3 =	rddreg [dreg:$0x2];
	[bflag:$0x3] =	sbarrier.arrive $0xFFFF;
	s2 =	simm.s32 @!p0 $0x1C05  }
0x57: {  	[timem:s3], [sflag:s2] =	dma.local @!p0 [hbm:s0], s1  }
0x58: {  	s0 =	simm.s32 @!p0 $0x5  }
0x59: {  	_ =	swait.ge @!p0 [sflag:s0], s1  }
0x5a: {  	s1 =	ssub.s32 @!p0 $0x0, s1;
	[sflag:s0] =	ssyncset.done @!p0 $0x0  }
0x5b: {  	[sflag:s0] =	ssyncadd.s32 @!p0 s1  }
0x5c: {  	[bflag:$0x3] =	sbarrier.arrive $0xFFFF  }
0x5d: {  	_ =	shalt  }

// kernel: kernel.34.cloned.1.call-start
scs
__scs_entry_jumppad:
0x0: {  	(pc) =	sbr.rel $0x88, $3  }
0x1: {  	(tag) =	ssettag $0x0;
	lr =	simm.s32 $0x1  }
0x2: {  	[smem:$0x3F9F] =	sst lr;
	_ =	strace $0xD0000000  }
0x3: {  	_ = 	snop  }
0x4: {  	_ = 	snop  }
0x5: {  	_ = 	snop  }
0x6: {  	_ = 	snop  }
0x7: {  	_ = 	snop  }
__scs_overlays_trampoline_lowered:
0x8: {  	[smem:$0x3FAE] =	sst s0  }
0x9: {  	[smem:$0x3FAF] =	sst s1  }
0xa: {  	[smem:$0x3FB0] =	sst s2  }
0xb: {  	[smem:$0x3FB1] =	sst s3  }
0xc: {  	[smem:$0x3FB2] =	sst s4  }
0xd: {  	[smem:$0x3FB3] =	sst s5  }
0xe: {  	[smem:$0x3FB4] =	sst s6  }
0xf: {  	[smem:$0x3FB5] =	sst s7  }
0x10: {  	[smem:$0x3FB6] =	sst s8  }
0x11: {  	[smem:$0x3FB7] =	sst s9;
	s0 =	simm.s32 @!p0 $0x0  }
0x12: {  	s1 =	sld [smem:$0x3F9D];
	s0 =	simm.s32 @p0 $0x1  }
0x13: {  	[smem:$0x3FB8] =	sst s0;
	s0 =	simm.s32 @!p1 $0x0  }
0x14: {  	s2 =	sld [smem:$0x3F9C];
	s0 =	simm.s32 @p1 $0x1  }
0x15: {  	[smem:$0x3FB9] =	sst s0;
	s0 =	simm.s32 @!p2 $0x0  }
0x16: {  	s3 =	sld [smem:$0x3FDB];
	s0 =	simm.s32 @p2 $0x1  }
0x17: {  	s4 =	simm.s32 $0x1BF5;
	[smem:$0x3FBB] =	sst s0  }
0x18: {  	s0 =	sld [smem:$0x3F9E];
	_ =	swait.ge [sflag:s4], $0x0  }
0x19: {  	s7 =	sld [smem:$0x3F9F]  }
0x1a: {  	s8 =	sadd.s32 $0xFFFFE003, lr  }
0x1b: {  	s9 =	sadd.s32 $0xFFFFFEF7, lr;
	s5 =	simm.s32 $0xFFFFFFFF;
	p2 =	slt.u32 s8, $0xFFFFF086  }
0x1c: {  	p1 =	slt.u32 s9, $0xF7A;
	s5 =	simm.s32 @!p2 $0x0  }
0x1d: {  	s5 =	simm.s32 @p1 $0x1;
	p0 =	seq.s32 s7, s2  }
0x1e: {  	s7 =	smul.u32 @!p0 $0xF7A, s2;
	p2 =	seq.s32 @!p0 s5, $0x0  }
0x1f: {  	s9 =	smul.u32 $0xF7A, s1;
	s8 =	simm.s32 @!p0 $0x1BF5;
	p2 =	por !p2, p0  }
0x20: {  	[sflag:s8] =	ssyncset.s32 @!p0 $0xFFFFF086;
	s6 =	sadd.s32 @!p0 s3, s7;
	s7 =	simm.s32 @!p0 $0x108  }
0x21: {  	s3 =	sadd.s32 s3, s9;
	s6 =	sadd.s32 @!p0 $0x88, s6;
	s7 =	simm.s32 @p2 $0x1082  }
0x22: {  	[simem:s7], [sflag:s8] =	dma.local @!p0 [hbm:s6], $0xF7A  }
0x23: {  	s9 =	sor.u32 $0xD0000000, s2;
	s6 =	simm.s32 $0x108;
	_ =	swait.ge @!p0 [sflag:s8], $0x0  }
0x24: {  	s3 =	sadd.s32 $0x88, s3;
	s6 =	simm.s32 @!p1 $0x1082;
	[sflag:s4] =	ssyncset.s32 $0xFFFFF086  }
0x25: {  	[simem:s6], [sflag:s4] =	dma.local [hbm:s3], $0xF7A  }
0x26: {  	[smem:$0x3F9F] =	sst s1;
	(tag) =	ssettag s2;
	_ =	strace s9  }
0x27: {  	s1 =	sld [smem:$0x3FAF]  }
0x28: {  	s2 =	sld [smem:$0x3FB0]  }
0x29: {  	s4 =	sld [smem:$0x3FB2]  }
0x2a: {  	p0 =	seq.s32 s5, $0x0;
	s5 =	sld [smem:$0x3FB3]  }
0x2b: {  	s6 =	sld [smem:$0x3FB4]  }
0x2c: {  	s7 =	sld [smem:$0x3FB5]  }
0x2d: {  	s3 =	simm.s32 $0x108;
	s8 =	sld [smem:$0x3FB6]  }
0x2e: {  	s3 =	simm.s32 @!p0 $0x1082;
	s9 =	sld [smem:$0x3FB7]  }
0x2f: {  	lr =	sadd.s32 s0, s3;
	s0 =	sld [smem:$0x3FAE]  }
0x30: {  	s3 =	sld [smem:$0x3FB1]  }
0x31: {  	[smem:$0x3FBA] =	sst s10  }
0x32: {  	s10 =	sld [smem:$0x3FB8];
	_ =	sdelay $0x3  }
0x33: {  	p0 =	seq.s32 s10, $0x1;
	s10 =	sld [smem:$0x3FBA];
	_ =	sdelay $0x3  }
0x34: {  	[smem:$0x3FBA] =	sst s10  }
0x35: {  	s10 =	sld [smem:$0x3FB9];
	_ =	sdelay $0x3  }
0x36: {  	p1 =	seq.s32 s10, $0x1;
	s10 =	sld [smem:$0x3FBA];
	_ =	sdelay $0x3  }
0x37: {  	[smem:$0x3FBA] =	sst s10  }
0x38: {  	s10 =	sld [smem:$0x3FBB]  }
0x39: {  	_ = 	snop;
	(pc) =	sbr.ind lr, $3  }
0x3a: {  	_ = 	snop  }
0x3b: {  	_ = 	snop  }
0x3c: {  	p2 =	seq.s32 s10, $0x1;
	s10 =	sld [smem:$0x3FBA]  }
0x3d: {  	_ =	shalt  }
0x3e: {  	_ =	shalt  }
0x3f: {  	_ =	shalt  }
0x40: {  	_ =	shalt  }
0x41: {  	_ =	shalt  }
0x42: {  	_ =	shalt  }
0x43: {  	_ =	shalt  }
0x44: {  	_ =	shalt  }
0x45: {  	_ =	shalt  }
0x46: {  	_ =	shalt  }
0x47: {  	_ =	shalt  }
0x48: {  	_ =	shalt  }
0x49: {  	_ =	shalt  }
0x4a: {  	_ =	shalt  }
0x4b: {  	_ =	shalt  }
0x4c: {  	_ =	shalt  }
0x4d: {  	_ =	shalt  }
0x4e: {  	_ =	shalt  }
0x4f: {  	_ =	shalt  }
0x50: {  	_ =	shalt  }
0x51: {  	_ =	shalt  }
0x52: {  	_ =	shalt  }
0x53: {  	_ =	shalt  }
0x54: {  	_ =	shalt  }
0x55: {  	_ =	shalt  }
0x56: {  	_ =	shalt  }
0x57: {  	_ =	shalt  }
0x58: {  	_ =	shalt  }
0x59: {  	_ =	shalt  }
0x5a: {  	_ =	shalt  }
0x5b: {  	_ =	shalt  }
0x5c: {  	_ =	shalt  }
0x5d: {  	_ =	shalt  }
0x5e: {  	_ =	shalt  }
0x5f: {  	_ =	shalt  }
0x60: {  	_ =	shalt  }
0x61: {  	_ =	shalt  }
0x62: {  	_ =	shalt  }
0x63: {  	_ =	shalt  }
0x64: {  	_ =	shalt  }
0x65: {  	_ =	shalt  }
0x66: {  	_ =	shalt  }
0x67: {  	_ =	shalt  }
0x68: {  	_ =	shalt  }
0x69: {  	_ =	shalt  }
0x6a: {  	_ =	shalt  }
0x6b: {  	_ =	shalt  }
0x6c: {  	_ =	shalt  }
0x6d: {  	_ =	shalt  }
0x6e: {  	_ =	shalt  }
0x6f: {  	_ =	shalt  }
0x70: {  	_ =	shalt  }
0x71: {  	_ =	shalt  }
0x72: {  	_ =	shalt  }
0x73: {  	_ =	shalt  }
0x74: {  	_ =	shalt  }
0x75: {  	_ =	shalt  }
0x76: {  	_ =	shalt  }
0x77: {  	_ =	shalt  }
0x78: {  	_ =	shalt  }
0x79: {  	_ =	shalt  }
0x7a: {  	_ =	shalt  }
0x7b: {  	_ =	shalt  }
0x7c: {  	_ =	shalt  }
0x7d: {  	_ =	shalt  }
0x7e: {  	_ =	shalt  }
0x7f: {  	_ =	shalt  }
0x80: {  	_ =	shalt  }
0x81: {  	_ =	shalt  }
0x82: {  	_ =	shalt  }
0x83: {  	_ =	shalt  }
0x84: {  	_ =	shalt  }
0x85: {  	_ =	shalt  }
0x86: {  	_ =	shalt  }
0x87: {  	_ =	shalt  }
.Lfunc_end0:
.L_simem_size_0:
called_computation.5_lowered:
.L_overlay_start_0:
0x88: {  	s2 =	sld [smem:$0x3FD9]  }
0x89: {  	s3 =	sld [smem:$0x3FFE];
	_ =	sdelay $0x1  }
0x8a: {  	s1 =	srdreg.scid  }
0x8b: {  	s0 =	sand.u32 $0x1, s1  }
0x8c: {  	s17 =	sshll.u32 s0, $0xA;
	s2 =	sadd.s32 s3, s2  }
0x8d: {  	s2 =	sadd.s32 s2, s17  }
0x8e: {  	[smem:$0x3FC6] =	sst s2  }
0x8f: {  	_ = 	snop  }
0x90: {  	(tm) =	ssettm $0x1  }
0x91: {  	s18 =	sld [smem:$0x3FFB];
	_ =	sdelay $0x3  }
0x92: {  	_ =	strace s18  }
0x93: {  	s2 =	sld [smem:$0x3FFC];
	_ =	sdelay $0x3  }
0x94: {  	_ =	strace s2  }
0x95: {  	s2 =	sld [smem:$0x3FFD];
	_ =	sdelay $0x3  }
0x96: {  	_ =	strace s2  }
0x97: {  	_ =	strace $0x8FFFFFFF  }
0x98: {  	s19 =	sld [smem:$0x3FDB];
	_ =	sdelay $0x1  }
0x99: {  	s20 =	simm.s32 $_scs_section_size  }
0x9a: {  	s4 =	simm.s32 $_size__tile_overlayer_lowered;
	s5 =	simm.s32 $_tile_overlayer_lowered  }
0x9b: {  	s6 =	simm.s32 $0x1BFF;
	s21 =	sshll.u32 s5, $0x1;
	s3 =	sadd.s32 s20, s19  }
0x9c: {  	s22 =	simm.s32 $0x0;
	s4 =	sshll.u32 s4, $0x1;
	s5 =	sadd.s32 s21, s3  }
0x9d: {  	[timem:s22], [sflag:s6] =	dma.local [hbm:s5], s4  }
0x9e: {  	_ =	swait.ge [sflag:s6], s4  }
0x9f: {  	s4 =	ssub.s32 $0x0, s4;
	[sflag:s6] =	ssyncset.done $0x0  }
0xa0: {  	[sflag:s6] =	ssyncadd.s32 s4;
	_ =	sdelay $0x1  }
0xa1: {  	s23 =	simm.s32 $0x1B8B  }
0xa2: {  	_ =	swait.ge [sflag:s23], $0x1  }
0xa3: {  	[sflag:s23] =	ssyncset.done $0x0  }
0xa4: {  	[sflag:s23] =	ssyncadd.s32 $0xFFFFFFFF  }
0xa5: {  	s4 =	sld [smem:$0x0]  }
0xa6: {  	s5 =	sand.u32 $0xFFFFFFFE, s1  }
0xa7: {  	p0 =	sne.s32 s1, s5  }
0xa8: {  	s5 =	sshll.u32 @p0 s5, $0xE  }
0xa9: {  	s5 =	sadd.s32 @p0 $0x11B8D, s5;
	s6 =	sshll.u32 @p0 s4, $0x11  }
0xaa: {  	s5 =	sor.u32 @p0 s6, s5  }
0xab: {  	[sflag:s5] =	ssyncadd.remote.s32 @p0 $0x1;
	_ =	sdelay $0x1  }
0xac: {  	s5 =	simm.s32 @p0 $0x1B8D  }
0xad: {  	_ =	swait.eq @p0 [sflag:s5], $0x1  }
0xae: {  	[sflag:s5] =	ssyncadd.s32 @p0 $0xFFFFFFFF  }
0xaf: {  	s6 =	sshll.u32 @!p0 s1, $0xE  }
0xb0: {  	s6 =	sor.u32 @!p0 $0x4000, s6;
	s5 =	simm.s32 @!p0 $0x1B8D  }
0xb1: {  	s4 =	sshll.u32 @!p0 s4, $0x11;
	s6 =	sadd.s32 @!p0 $0x11B8D, s6;
	_ =	swait.eq @!p0 [sflag:s5], $0x1  }
0xb2: {  	s4 =	sor.u32 @!p0 s4, s6;
	[sflag:s5] =	ssyncadd.s32 @!p0 $0xFFFFFFFF  }
0xb3: {  	s25 =	simm.s32 $0x1B8E;
	s24 =	sld [smem:$0x3FFE];
	[sflag:s4] =	ssyncadd.remote.s32 @!p0 $0x1  }
0xb4: {  	s26 =	simm.s32 $execute0_lowered;
	[smem:$0x3FD2] =	sst s25  }
0xb5: {  	s5 =	sshll.u32 s26, $0x1;
	_ =	strace $0x80000055;
	[dreg:$0x1] =	wrdreg $0xFFFFFFFF  }
0xb6: {  	s28 =	simm.s32 $_size_execute0_lowered;
	s3 =	sadd.s32 s3, s5;
	[dreg:$0x0] =	wrdreg $0x0  }
0xb7: {  	s5 =	sshll.u32 s28, $0x1;
	[dreg:$0x2] =	wrdreg s3  }
0xb8: {  	[dreg:$0x3] =	wrdreg s5  }
0xb9: {  	[dreg:$0x4] =	wrdreg $0xC0  }
0xba: {  	_ =	task [dreg:s22], $0x5FFFF  }
0xbb: {  	[dreg:$0x1] =	wrdreg $0xFFFFFFFF  }
0xbc: {  	[dreg:$0x0] =	wrdreg $0x60  }
0xbd: {  	[dreg:$0x2] =	wrdreg s24  }
0xbe: {  	[dreg:$0x3] =	wrdreg $0xE  }
0xbf: {  	_ =	task.clear_ibuf [dreg:s22], $0x4FFFF;
	_ =	strace $0x90000055  }
0xc0: {  	s29 =	simm.s32 $0xE;
	_ =	strace $0x80000057  }
0xc1: {  	_ =	swait.ge [sflag:s29], $0x1  }
0xc2: {  	[sflag:s29] =	ssyncadd.s32 $0xFFFFFFFF  }
0xc3: {  	_ =	strace $0x90000057  }
0xc4: {  	_ =	sfence  }
0xc5: {  	s30 =	sld [smem:$0x0];
	_ =	sdelay $0x2  }
0xc6: {  	s31 =	sshll.u32 s1, $0xD;
	s1 =	sshrl.u32 s1, $0x2  }
0xc7: {  	s4 =	sand.u32 $0x4000, s31;
	s1 =	sadd.s32 s1, s30  }
0xc8: {  	s0 =	sor.u32 s4, s0;
	s1 =	sshll.u32 s1, $0x11  }
0xc9: {  	s0 =	sor.u32 s1, s0  }
0xca: {  	s0 =	sadd.s32 $0x8F2B, s0  }
0xcb: {  	[sflag:s0] =	ssyncadd.remote.s32 $0x1  }
0xcc: {  	_ =	sfence.sel $0xFFFF  }
0xcd: {  	[dreg:$0x0] =	wrdreg $0xFFFFFFFF;
	(pc) =	sbr.abs _section_cstart, $3  }
0xce: {  	[dreg:$0x1] =	wrdreg $0xFFFFFFFF  }
0xcf: {  	_ =	task.clear_ibuf [dreg:s22], $0x2FFFF;
	_ =	strace $0x9FFFFFFF  }
0xd0: {  	(tm) =	ssettm $0x7FFFFFFF  }
0xd1: {  	_ =	shalt  }
tec
execute0_lowered:
.L_overlay_start_1:
0x0: {  	(tag) =	ssettag $0x1  }
0x1: {  	s1 =	srdreg.scid  }
0x2: {  	s0 =	stileid.u32;
	s5 =	rddreg [dreg:$0x0]  }
0x3: {  	s2 =	simm.s32 $0x0;
	s12 =	simm.s32 $0xC80;
	s13 =	simm.s32 $0x1  }
0x4: {  	s14 =	simm.s32 $0x4C80;
	s15 =	simm.s32 $0x2;
	s16 =	simm.s32 $0x3  }
0x5: {  	s17 =	simm.s32 $0x4;
	s18 =	simm.s32 $0xC00;
	s19 =	simm.s32 $0x0  }
0x6: {  	s4 =	sand.u32 $0x1, s1;
	s25 =	sshll.u32 s0, $0x1;
	s11 =	smul.u32 $0x19000, s0  }
0x7: {  	s1 =	rddreg [dreg:$0x1];
	s6 =	sor.u32 s4, s25;
	s30 =	smul.u32 $0xC800, s4  }
0x8: {  	[smem:$0x7FF] =	sst s2;
	s9 =	sadd.s32 $0x172A600, s5;
	s3 =	smul.u32 $0xC80, s6  }
0x9: {  	_ =	strace $0x80000056;
	s26 =	ssub.s32 $0x2, s4;
	s8 =	smul.u32 $0x64000, s6  }
0xa: {  	s10 =	smul.u32 $0xC800, s6;
	s28 =	sshrl.u32 s26, $0x1;
	s11 =	sadd.s32 s11, s9  }
0xb: {  	s6 =	ssub.s32 s26, s28;
	s31 =	sadd.s32 s30, s11;
	s11 =	simm.s32 $0x80  }
0xc: {  	s3 =	sshrl.u32 s3, $0x3;
	s8 =	sshrl.u32 s8, $0x3;
	s6 =	smax.u32 s6, $0x1  }
0xd: {  	s7 =	sadd.s32 s3, s5;
	s3 =	sadd.s32 $0x2400, s5;
	s29 =	sadd.s32 s9, s8  }
0xe: {  	s4 =	sadd.s32 $0x10E1000, s7;
	s5 =	sadd.s32 $0xC000, s29;
	s7 =	sadd.s32 s9, s10  }
0xf: {  	s9 =	sadd.s32 $0x1800, s31;
	s10 =	simm.s32 $0x5;
	s8 =	sadd.s32 $0x800, s7  }
.LBB2_1:
0x10: {  	[tilespmem:s2], [sflag:$0x5] =	stream.linear.gather [hbm4b:s4+s2], $0xC80, $0x38;
	[tilespmem:$0x8C80] =	vst v63  }
0x11: {  	_ =	swait.ge [sflag:s10], $0xC80  }
0x12: {  	[sflag:s10] =	ssyncset.done $0x0  }
0x13: {  	[sflag:s10] =	ssyncadd.s32 $0xFFFFF380  }
0x14: {  	[tilespmem:s12], [sflag:$0x1] =	stream.indirect.gather [hbm4b:s3+s11], $0x80, s2, s11, $0xb8;
	[tilespmem:$0x8C80] =	vst v63  }
0x15: {  	_ =	swait.ge [sflag:s13], $0x4000  }
0x16: {  	[sflag:s13] =	ssyncset.done $0x0  }
0x17: {  	[sflag:s13] =	ssyncadd.s32 $0xFFFFC000  }
0x18: {  	[hbm4b:s7+s2] =	stream.linear.scatter [tilespmem:s12], [sflag:$0x3], $0x4000, $0x38;
	[tilespmem:$0x8C80] =	vst v63  }
0x19: {  	_ = 	snop  }
0x1a: {  	[tilespmem:s14], [sflag:$0x2] =	stream.indirect.gather [hbm4b:s3+s11], $0x80, s11, s11, $0xb8;
	[tilespmem:$0x8C80] =	vst v63  }
0x1b: {  	_ =	swait.ge [sflag:s15], $0x4000  }
0x1c: {  	[sflag:s15] =	ssyncset.done $0x0  }
0x1d: {  	[sflag:s15] =	ssyncadd.s32 $0xFFFFC000  }
0x1e: {  	[hbm4b:s8+s2] =	stream.linear.scatter [tilespmem:s14], [sflag:$0x4], $0x4000, $0x38;
	[tilespmem:$0x8C80] =	vst v63  }
0x1f: {  	_ =	swait.ge [sflag:s16], $0x4000  }
0x20: {  	[sflag:s16] =	ssyncset.done $0x0  }
0x21: {  	s20 =	simm.s32 $0x100;
	[sflag:s16] =	ssyncadd.s32 $0xFFFFC000  }
0x22: {  	[tilespmem:s12], [sflag:$0x1] =	stream.indirect.gather [hbm4b:s3+s11], $0x80, s20, s11, $0xb8;
	[tilespmem:$0x8C80] =	vst v63  }
0x23: {  	_ =	swait.ge [sflag:s13], $0x4000  }
0x24: {  	[sflag:s13] =	ssyncset.done $0x0  }
0x25: {  	s30 =	sadd.s32 $0xFFFFF800, s9;
	[sflag:s13] =	ssyncadd.s32 $0xFFFFC000  }
0x26: {  	[hbm4b:s30+s2] =	stream.linear.scatter [tilespmem:s12], [sflag:$0x3], $0x4000, $0x38;
	[tilespmem:$0x8C80] =	vst v63  }
0x27: {  	_ =	swait.ge [sflag:s17], $0x4000  }
0x28: {  	[sflag:s17] =	ssyncset.done $0x0  }
0x29: {  	s31 =	simm.s32 $0x180;
	[sflag:s17] =	ssyncadd.s32 $0xFFFFC000  }
0x2a: {  	[tilespmem:s14], [sflag:$0x2] =	stream.indirect.gather [hbm4b:s3+s11], $0x80, s31, s11, $0xb8;
	[tilespmem:$0x8C80] =	vst v63  }
0x2b: {  	_ =	swait.ge [sflag:s15], $0x4000  }
0x2c: {  	s21 =	sadd.s32 $0x1000, s9;
	[sflag:s15] =	ssyncset.done $0x0  }
0x2d: {  	s22 =	smov.u32 s9;
	s20 =	simm.s32 $0x400;
	[sflag:s15] =	ssyncadd.s32 $0xFFFFC000  }
.LBB2_2:
0x2e: {  	[hbm4b:s22+s2] =	stream.linear.scatter [tilespmem:s14], [sflag:$0x4], $0x4000, $0x38;
	[tilespmem:$0x8C80] =	vst v63  }
0x2f: {  	s23 =	smov.u32 s20;
	s22 =	smov.u32 s21  }
0x30: {  	p0 =	sne.s32 s20, $0x2800;
	s20 =	sadd.s32 $0x400, s20;
	_ =	swait.ge [sflag:s16], $0x4000  }
0x31: {  	s23 =	sshra.s32 s23, $0x2;
	[sflag:s16] =	ssyncset.done $0x0  }
0x32: {  	s24 =	sadd.s32 $0x100, s23;
	[sflag:s16] =	ssyncadd.s32 $0xFFFFC000  }
0x33: {  	[tilespmem:s12], [sflag:$0x1] =	stream.indirect.gather [hbm4b:s3+s11], $0x80, s24, s11, $0xb8;
	[tilespmem:$0x8C80] =	vst v63  }
0x34: {  	_ =	swait.ge [sflag:s13], $0x4000  }
0x35: {  	[sflag:s13] =	ssyncset.done $0x0  }
0x36: {  	s24 =	sadd.s32 $0xFFFFF800, s21;
	[sflag:s13] =	ssyncadd.s32 $0xFFFFC000  }
0x37: {  	[hbm4b:s24+s2] =	stream.linear.scatter [tilespmem:s12], [sflag:$0x3], $0x4000, $0x38;
	[tilespmem:$0x8C80] =	vst v63  }
0x38: {  	_ =	swait.ge [sflag:s17], $0x4000  }
0x39: {  	[sflag:s17] =	ssyncset.done $0x0  }
.Ltmp0:
0x3a: {  	s23 =	sadd.s32 $0x180, s23;
	[sflag:s17] =	ssyncadd.s32 $0xFFFFC000;
	(pc) =	sbr.rel @p0 .LBB2_2-.Ltmp0, $4  }
0x3b: {  	[tilespmem:s14], [sflag:$0x2] =	stream.indirect.gather [hbm4b:s3+s11], $0x80, s23, s11, $0xb8;
	[tilespmem:$0x8C80] =	vst v63  }
0x3c: {  	_ =	swait.ge [sflag:s15], $0x4000  }
0x3d: {  	[sflag:s15] =	ssyncset.done $0x0  }
0x3e: {  	s21 =	sadd.s32 $0x1000, s21;
	[sflag:s15] =	ssyncadd.s32 $0xFFFFC000  }
0x3f: {  	[hbm4b:s22+s2] =	stream.linear.scatter [tilespmem:s14], [sflag:$0x4], $0x4000, $0x38;
	[tilespmem:$0x8C80] =	vst v63  }
0x40: {  	_ =	swait.ge [sflag:s16], $0x4000  }
0x41: {  	[sflag:s16] =	ssyncset.done $0x0  }
0x42: {  	[sflag:s16] =	ssyncadd.s32 $0xFFFFC000  }
0x43: {  	[tilespmem:s12], [sflag:$0x1] =	stream.indirect.gather [hbm4b:s3+s11], $0x80, s18, s11, $0xb8;
	[tilespmem:$0x8C80] =	vst v63  }
0x44: {  	_ =	swait.ge [sflag:s13], $0x4000  }
0x45: {  	[sflag:s13] =	ssyncset.done $0x0  }
0x46: {  	s19 =	sadd.s32 $0x1, s19;
	[sflag:s13] =	ssyncadd.s32 $0xFFFFC000  }
0x47: {  	[hbm4b:s5+s2] =	stream.linear.scatter [tilespmem:s12], [sflag:$0x3], $0x4000, $0x38;
	[tilespmem:$0x8C80] =	vst v63  }
0x48: {  	p0 =	sne.s32 s19, s6;
	_ =	swait.ge [sflag:s16], $0x4000  }
.Ltmp1:
0x49: {  	[sflag:s16] =	ssyncset.done $0x0;
	(pc) =	sbr.rel @p0 .LBB2_1-.Ltmp1, $4  }
0x4a: {  	[sflag:s16] =	ssyncadd.s32 $0xFFFFC000  }
0x4b: {  	_ =	swait.ge [sflag:s17], $0x4000  }
0x4c: {  	[sflag:s17] =	ssyncset.done $0x0  }
0x4d: {  	[sflag:s17] =	ssyncadd.s32 $0xFFFFC000  }
0x4e: {  	_ =	sfence.sel $0x180000  }
0x4f: {  	[bflag:$0x0] =	sbarrier.arrive $0xFFFF  }
0x50: {  	p0 =	sne.s32 s0, $0x0;
	_ =	strace $0x90000056  }
0x51: {  	s0 =	sadd.s32 @!p0 $0x100000, s1;
	[bflag:$0x2] =	sbarrier.arrive $0xFFFF  }
0x52: {  	[sflag:s0] =	ssyncadd.tile.s32 @!p0 $0x1;
	_ =	shalt  }
.Lfunc_end2:
_tile_overlayer_lowered:
.L_overlay_start_2:
0x53: {  	(tag) =	ssettag $0x2  }
0x54: {  	s0 =	rddreg [dreg:$0x0];
	s2 =	stileid.u32  }
0x55: {  	s1 =	rddreg [dreg:$0x1];
	p0 =	sne.s32 s2, $0x0  }
0x56: {  	s3 =	rddreg [dreg:$0x2];
	[bflag:$0x3] =	sbarrier.arrive $0xFFFF;
	s2 =	simm.s32 @!p0 $0x1C05  }
0x57: {  	[timem:s3], [sflag:s2] =	dma.local @!p0 [hbm:s0], s1  }
0x58: {  	s0 =	simm.s32 @!p0 $0x5  }
0x59: {  	_ =	swait.ge @!p0 [sflag:s0], s1  }
0x5a: {  	s1 =	ssub.s32 @!p0 $0x0, s1;
	[sflag:s0] =	ssyncset.done @!p0 $0x0  }
0x5b: {  	[sflag:s0] =	ssyncadd.s32 @!p0 s1  }
0x5c: {  	[bflag:$0x3] =	sbarrier.arrive $0xFFFF  }
0x5d: {  	_ =	shalt  }

// kernel: kernel.37.cloned.1.call-start
scs
__scs_entry_jumppad:
0x0: {  	(pc) =	sbr.rel $0x88, $3  }
0x1: {  	(tag) =	ssettag $0x0;
	lr =	simm.s32 $0x1  }
0x2: {  	[smem:$0x3F9F] =	sst lr;
	_ =	strace $0xD0000000  }
0x3: {  	_ = 	snop  }
0x4: {  	_ = 	snop  }
0x5: {  	_ = 	snop  }
0x6: {  	_ = 	snop  }
0x7: {  	_ = 	snop  }
__scs_overlays_trampoline_lowered:
0x8: {  	[smem:$0x3FAE] =	sst s0  }
0x9: {  	[smem:$0x3FAF] =	sst s1  }
0xa: {  	[smem:$0x3FB0] =	sst s2  }
0xb: {  	[smem:$0x3FB1] =	sst s3  }
0xc: {  	[smem:$0x3FB2] =	sst s4  }
0xd: {  	[smem:$0x3FB3] =	sst s5  }
0xe: {  	[smem:$0x3FB4] =	sst s6  }
0xf: {  	[smem:$0x3FB5] =	sst s7  }
0x10: {  	[smem:$0x3FB6] =	sst s8  }
0x11: {  	[smem:$0x3FB7] =	sst s9;
	s0 =	simm.s32 @!p0 $0x0  }
0x12: {  	s1 =	sld [smem:$0x3F9D];
	s0 =	simm.s32 @p0 $0x1  }
0x13: {  	[smem:$0x3FB8] =	sst s0;
	s0 =	simm.s32 @!p1 $0x0  }
0x14: {  	s2 =	sld [smem:$0x3F9C];
	s0 =	simm.s32 @p1 $0x1  }
0x15: {  	[smem:$0x3FB9] =	sst s0;
	s0 =	simm.s32 @!p2 $0x0  }
0x16: {  	s3 =	sld [smem:$0x3FDB];
	s0 =	simm.s32 @p2 $0x1  }
0x17: {  	s4 =	simm.s32 $0x1BF5;
	[smem:$0x3FBB] =	sst s0  }
0x18: {  	s0 =	sld [smem:$0x3F9E];
	_ =	swait.ge [sflag:s4], $0x0  }
0x19: {  	s7 =	sld [smem:$0x3F9F]  }
0x1a: {  	s8 =	sadd.s32 $0xFFFFE003, lr  }
0x1b: {  	s9 =	sadd.s32 $0xFFFFFEF7, lr;
	s5 =	simm.s32 $0xFFFFFFFF;
	p2 =	slt.u32 s8, $0xFFFFF086  }
0x1c: {  	p1 =	slt.u32 s9, $0xF7A;
	s5 =	simm.s32 @!p2 $0x0  }
0x1d: {  	s5 =	simm.s32 @p1 $0x1;
	p0 =	seq.s32 s7, s2  }
0x1e: {  	s7 =	smul.u32 @!p0 $0xF7A, s2;
	p2 =	seq.s32 @!p0 s5, $0x0  }
0x1f: {  	s9 =	smul.u32 $0xF7A, s1;
	s8 =	simm.s32 @!p0 $0x1BF5;
	p2 =	por !p2, p0  }
0x20: {  	[sflag:s8] =	ssyncset.s32 @!p0 $0xFFFFF086;
	s6 =	sadd.s32 @!p0 s3, s7;
	s7 =	simm.s32 @!p0 $0x108  }
0x21: {  	s3 =	sadd.s32 s3, s9;
	s6 =	sadd.s32 @!p0 $0x88, s6;
	s7 =	simm.s32 @p2 $0x1082  }
0x22: {  	[simem:s7], [sflag:s8] =	dma.local @!p0 [hbm:s6], $0xF7A  }
0x23: {  	s9 =	sor.u32 $0xD0000000, s2;
	s6 =	simm.s32 $0x108;
	_ =	swait.ge @!p0 [sflag:s8], $0x0  }
0x24: {  	s3 =	sadd.s32 $0x88, s3;
	s6 =	simm.s32 @!p1 $0x1082;
	[sflag:s4] =	ssyncset.s32 $0xFFFFF086  }
0x25: {  	[simem:s6], [sflag:s4] =	dma.local [hbm:s3], $0xF7A  }
0x26: {  	[smem:$0x3F9F] =	sst s1;
	(tag) =	ssettag s2;
	_ =	strace s9  }
0x27: {  	s1 =	sld [smem:$0x3FAF]  }
0x28: {  	s2 =	sld [smem:$0x3FB0]  }
0x29: {  	s4 =	sld [smem:$0x3FB2]  }
0x2a: {  	p0 =	seq.s32 s5, $0x0;
	s5 =	sld [smem:$0x3FB3]  }
0x2b: {  	s6 =	sld [smem:$0x3FB4]  }
0x2c: {  	s7 =	sld [smem:$0x3FB5]  }
0x2d: {  	s3 =	simm.s32 $0x108;
	s8 =	sld [smem:$0x3FB6]  }
0x2e: {  	s3 =	simm.s32 @!p0 $0x1082;
	s9 =	sld [smem:$0x3FB7]  }
0x2f: {  	lr =	sadd.s32 s0, s3;
	s0 =	sld [smem:$0x3FAE]  }
0x30: {  	s3 =	sld [smem:$0x3FB1]  }
0x31: {  	[smem:$0x3FBA] =	sst s10  }
0x32: {  	s10 =	sld [smem:$0x3FB8];
	_ =	sdelay $0x3  }
0x33: {  	p0 =	seq.s32 s10, $0x1;
	s10 =	sld [smem:$0x3FBA];
	_ =	sdelay $0x3  }
0x34: {  	[smem:$0x3FBA] =	sst s10  }
0x35: {  	s10 =	sld [smem:$0x3FB9];
	_ =	sdelay $0x3  }
0x36: {  	p1 =	seq.s32 s10, $0x1;
	s10 =	sld [smem:$0x3FBA];
	_ =	sdelay $0x3  }
0x37: {  	[smem:$0x3FBA] =	sst s10  }
0x38: {  	s10 =	sld [smem:$0x3FBB]  }
0x39: {  	_ = 	snop;
	(pc) =	sbr.ind lr, $3  }
0x3a: {  	_ = 	snop  }
0x3b: {  	_ = 	snop  }
0x3c: {  	p2 =	seq.s32 s10, $0x1;
	s10 =	sld [smem:$0x3FBA]  }
0x3d: {  	_ =	shalt  }
0x3e: {  	_ =	shalt  }
0x3f: {  	_ =	shalt  }
0x40: {  	_ =	shalt  }
0x41: {  	_ =	shalt  }
0x42: {  	_ =	shalt  }
0x43: {  	_ =	shalt  }
0x44: {  	_ =	shalt  }
0x45: {  	_ =	shalt  }
0x46: {  	_ =	shalt  }
0x47: {  	_ =	shalt  }
0x48: {  	_ =	shalt  }
0x49: {  	_ =	shalt  }
0x4a: {  	_ =	shalt  }
0x4b: {  	_ =	shalt  }
0x4c: {  	_ =	shalt  }
0x4d: {  	_ =	shalt  }
0x4e: {  	_ =	shalt  }
0x4f: {  	_ =	shalt  }
0x50: {  	_ =	shalt  }
0x51: {  	_ =	shalt  }
0x52: {  	_ =	shalt  }
0x53: {  	_ =	shalt  }
0x54: {  	_ =	shalt  }
0x55: {  	_ =	shalt  }
0x56: {  	_ =	shalt  }
0x57: {  	_ =	shalt  }
0x58: {  	_ =	shalt  }
0x59: {  	_ =	shalt  }
0x5a: {  	_ =	shalt  }
0x5b: {  	_ =	shalt  }
0x5c: {  	_ =	shalt  }
0x5d: {  	_ =	shalt  }
0x5e: {  	_ =	shalt  }
0x5f: {  	_ =	shalt  }
0x60: {  	_ =	shalt  }
0x61: {  	_ =	shalt  }
0x62: {  	_ =	shalt  }
0x63: {  	_ =	shalt  }
0x64: {  	_ =	shalt  }
0x65: {  	_ =	shalt  }
0x66: {  	_ =	shalt  }
0x67: {  	_ =	shalt  }
0x68: {  	_ =	shalt  }
0x69: {  	_ =	shalt  }
0x6a: {  	_ =	shalt  }
0x6b: {  	_ =	shalt  }
0x6c: {  	_ =	shalt  }
0x6d: {  	_ =	shalt  }
0x6e: {  	_ =	shalt  }
0x6f: {  	_ =	shalt  }
0x70: {  	_ =	shalt  }
0x71: {  	_ =	shalt  }
0x72: {  	_ =	shalt  }
0x73: {  	_ =	shalt  }
0x74: {  	_ =	shalt  }
0x75: {  	_ =	shalt  }
0x76: {  	_ =	shalt  }
0x77: {  	_ =	shalt  }
0x78: {  	_ =	shalt  }
0x79: {  	_ =	shalt  }
0x7a: {  	_ =	shalt  }
0x7b: {  	_ =	shalt  }
0x7c: {  	_ =	shalt  }
0x7d: {  	_ =	shalt  }
0x7e: {  	_ =	shalt  }
0x7f: {  	_ =	shalt  }
0x80: {  	_ =	shalt  }
0x81: {  	_ =	shalt  }
0x82: {  	_ =	shalt  }
0x83: {  	_ =	shalt  }
0x84: {  	_ =	shalt  }
0x85: {  	_ =	shalt  }
0x86: {  	_ =	shalt  }
0x87: {  	_ =	shalt  }
.Lfunc_end0:
.L_simem_size_0:
called_computation.6_lowered:
.L_overlay_start_0:
0x88: {  	s2 =	sld [smem:$0x3FD9]  }
0x89: {  	s3 =	sld [smem:$0x3FFE];
	_ =	sdelay $0x1  }
0x8a: {  	s1 =	srdreg.scid  }
0x8b: {  	s0 =	sand.u32 $0x1, s1  }
0x8c: {  	s17 =	sshll.u32 s0, $0xA;
	s2 =	sadd.s32 s3, s2  }
0x8d: {  	s2 =	sadd.s32 s2, s17  }
0x8e: {  	[smem:$0x3FC6] =	sst s2  }
0x8f: {  	_ = 	snop  }
0x90: {  	(tm) =	ssettm $0x1  }
0x91: {  	s18 =	sld [smem:$0x3FFB];
	_ =	sdelay $0x3  }
0x92: {  	_ =	strace s18  }
0x93: {  	s2 =	sld [smem:$0x3FFC];
	_ =	sdelay $0x3  }
0x94: {  	_ =	strace s2  }
0x95: {  	s2 =	sld [smem:$0x3FFD];
	_ =	sdelay $0x3  }
0x96: {  	_ =	strace s2  }
0x97: {  	_ =	strace $0x8FFFFFFF  }
0x98: {  	s19 =	sld [smem:$0x3FDB];
	_ =	sdelay $0x1  }
0x99: {  	s20 =	simm.s32 $_scs_section_size  }
0x9a: {  	s4 =	simm.s32 $_size__tile_overlayer_lowered;
	s5 =	simm.s32 $_tile_overlayer_lowered  }
0x9b: {  	s6 =	simm.s32 $0x1BFF;
	s21 =	sshll.u32 s5, $0x1;
	s3 =	sadd.s32 s20, s19  }
0x9c: {  	s22 =	simm.s32 $0x0;
	s4 =	sshll.u32 s4, $0x1;
	s5 =	sadd.s32 s21, s3  }
0x9d: {  	[timem:s22], [sflag:s6] =	dma.local [hbm:s5], s4  }
0x9e: {  	_ =	swait.ge [sflag:s6], s4  }
0x9f: {  	s4 =	ssub.s32 $0x0, s4;
	[sflag:s6] =	ssyncset.done $0x0  }
0xa0: {  	[sflag:s6] =	ssyncadd.s32 s4;
	_ =	sdelay $0x1  }
0xa1: {  	s23 =	simm.s32 $0x1B8B  }
0xa2: {  	_ =	swait.ge [sflag:s23], $0x1  }
0xa3: {  	[sflag:s23] =	ssyncset.done $0x0  }
0xa4: {  	[sflag:s23] =	ssyncadd.s32 $0xFFFFFFFF  }
0xa5: {  	s4 =	sld [smem:$0x0]  }
0xa6: {  	s5 =	sand.u32 $0xFFFFFFFE, s1  }
0xa7: {  	p0 =	sne.s32 s1, s5  }
0xa8: {  	s5 =	sshll.u32 @p0 s5, $0xE  }
0xa9: {  	s5 =	sadd.s32 @p0 $0x11B8D, s5;
	s6 =	sshll.u32 @p0 s4, $0x11  }
0xaa: {  	s5 =	sor.u32 @p0 s6, s5  }
0xab: {  	[sflag:s5] =	ssyncadd.remote.s32 @p0 $0x1;
	_ =	sdelay $0x1  }
0xac: {  	s5 =	simm.s32 @p0 $0x1B8D  }
0xad: {  	_ =	swait.eq @p0 [sflag:s5], $0x1  }
0xae: {  	[sflag:s5] =	ssyncadd.s32 @p0 $0xFFFFFFFF  }
0xaf: {  	s6 =	sshll.u32 @!p0 s1, $0xE  }
0xb0: {  	s6 =	sor.u32 @!p0 $0x4000, s6;
	s5 =	simm.s32 @!p0 $0x1B8D  }
0xb1: {  	s4 =	sshll.u32 @!p0 s4, $0x11;
	s6 =	sadd.s32 @!p0 $0x11B8D, s6;
	_ =	swait.eq @!p0 [sflag:s5], $0x1  }
0xb2: {  	s4 =	sor.u32 @!p0 s4, s6;
	[sflag:s5] =	ssyncadd.s32 @!p0 $0xFFFFFFFF  }
0xb3: {  	s25 =	simm.s32 $0x1B8E;
	s24 =	sld [smem:$0x3FFE];
	[sflag:s4] =	ssyncadd.remote.s32 @!p0 $0x1  }
0xb4: {  	s26 =	simm.s32 $execute0_lowered;
	[smem:$0x3FD2] =	sst s25  }
0xb5: {  	s5 =	sshll.u32 s26, $0x1;
	_ =	strace $0x80000058;
	[dreg:$0x1] =	wrdreg $0xFFFFFFFF  }
0xb6: {  	s28 =	simm.s32 $_size_execute0_lowered;
	s3 =	sadd.s32 s3, s5;
	[dreg:$0x0] =	wrdreg $0x0  }
0xb7: {  	s5 =	sshll.u32 s28, $0x1;
	[dreg:$0x2] =	wrdreg s3  }
0xb8: {  	[dreg:$0x3] =	wrdreg s5  }
0xb9: {  	[dreg:$0x4] =	wrdreg $0xC0  }
0xba: {  	_ =	task [dreg:s22], $0x5FFFF  }
0xbb: {  	[dreg:$0x1] =	wrdreg $0xFFFFFFFF  }
0xbc: {  	[dreg:$0x0] =	wrdreg $0x60  }
0xbd: {  	[dreg:$0x2] =	wrdreg s24  }
0xbe: {  	[dreg:$0x3] =	wrdreg $0xF  }
0xbf: {  	_ =	task.clear_ibuf [dreg:s22], $0x4FFFF;
	_ =	strace $0x90000058  }
0xc0: {  	s29 =	simm.s32 $0xF;
	_ =	strace $0x8000005A  }
0xc1: {  	_ =	swait.ge [sflag:s29], $0x1  }
0xc2: {  	[sflag:s29] =	ssyncadd.s32 $0xFFFFFFFF  }
0xc3: {  	_ =	strace $0x9000005A  }
0xc4: {  	_ =	sfence  }
0xc5: {  	s30 =	sld [smem:$0x0];
	_ =	sdelay $0x2  }
0xc6: {  	s31 =	sshll.u32 s1, $0xD;
	s1 =	sshrl.u32 s1, $0x2  }
0xc7: {  	s4 =	sand.u32 $0x4000, s31;
	s1 =	sadd.s32 s1, s30  }
0xc8: {  	s0 =	sor.u32 s4, s0;
	s1 =	sshll.u32 s1, $0x11  }
0xc9: {  	s0 =	sor.u32 s1, s0  }
0xca: {  	s0 =	sadd.s32 $0x8F2B, s0  }
0xcb: {  	[sflag:s0] =	ssyncadd.remote.s32 $0x1  }
0xcc: {  	_ =	sfence.sel $0xFFFF  }
0xcd: {  	[dreg:$0x0] =	wrdreg $0xFFFFFFFF;
	(pc) =	sbr.abs _section_cstart, $3  }
0xce: {  	[dreg:$0x1] =	wrdreg $0xFFFFFFFF  }
0xcf: {  	_ =	task.clear_ibuf [dreg:s22], $0x2FFFF;
	_ =	strace $0x9FFFFFFF  }
0xd0: {  	(tm) =	ssettm $0x7FFFFFFF  }
0xd1: {  	_ =	shalt  }
tec
execute0_lowered:
.L_overlay_start_1:
0x0: {  	(tag) =	ssettag $0x1  }
0x1: {  	s1 =	srdreg.scid  }
0x2: {  	s0 =	stileid.u32;
	s5 =	rddreg [dreg:$0x0]  }
0x3: {  	s2 =	simm.s32 $0x0;
	s12 =	simm.s32 $0xC80;
	s13 =	simm.s32 $0x1  }
0x4: {  	s14 =	simm.s32 $0x4C80;
	s15 =	simm.s32 $0x2;
	s16 =	simm.s32 $0x3  }
0x5: {  	s17 =	simm.s32 $0x4;
	s18 =	simm.s32 $0xC00;
	s19 =	simm.s32 $0x0  }
0x6: {  	s4 =	sand.u32 $0x1, s1;
	s25 =	sshll.u32 s0, $0x1;
	s11 =	smul.u32 $0x19000, s0  }
0x7: {  	s1 =	rddreg [dreg:$0x1];
	s6 =	sor.u32 s4, s25;
	s30 =	smul.u32 $0xC800, s4  }
0x8: {  	[smem:$0x7FF] =	sst s2;
	s9 =	sadd.s32 $0x18BA600, s5;
	s3 =	smul.u32 $0xC80, s6  }
0x9: {  	_ =	strace $0x80000059;
	s26 =	ssub.s32 $0x2, s4;
	s8 =	smul.u32 $0x64000, s6  }
0xa: {  	s10 =	smul.u32 $0xC800, s6;
	s28 =	sshrl.u32 s26, $0x1;
	s11 =	sadd.s32 s11, s9  }
0xb: {  	s6 =	ssub.s32 s26, s28;
	s31 =	sadd.s32 s30, s11;
	s11 =	simm.s32 $0x80  }
0xc: {  	s3 =	sshrl.u32 s3, $0x3;
	s8 =	sshrl.u32 s8, $0x3;
	s6 =	smax.u32 s6, $0x1  }
0xd: {  	s7 =	sadd.s32 s3, s5;
	s3 =	sadd.s32 $0x2400, s5;
	s29 =	sadd.s32 s9, s8  }
0xe: {  	s4 =	sadd.s32 $0x10E4200, s7;
	s5 =	sadd.s32 $0xC000, s29;
	s7 =	sadd.s32 s9, s10  }
0xf: {  	s9 =	sadd.s32 $0x1800, s31;
	s10 =	simm.s32 $0x5;
	s8 =	sadd.s32 $0x800, s7  }
.LBB2_1:
0x10: {  	[tilespmem:s2], [sflag:$0x5] =	stream.linear.gather [hbm4b:s4+s2], $0xC80, $0x38;
	[tilespmem:$0x8C80] =	vst v63  }
0x11: {  	_ =	swait.ge [sflag:s10], $0xC80  }
0x12: {  	[sflag:s10] =	ssyncset.done $0x0  }
0x13: {  	[sflag:s10] =	ssyncadd.s32 $0xFFFFF380  }
0x14: {  	[tilespmem:s12], [sflag:$0x1] =	stream.indirect.gather [hbm4b:s3+s11], $0x80, s2, s11, $0xb8;
	[tilespmem:$0x8C80] =	vst v63  }
0x15: {  	_ =	swait.ge [sflag:s13], $0x4000  }
0x16: {  	[sflag:s13] =	ssyncset.done $0x0  }
0x17: {  	[sflag:s13] =	ssyncadd.s32 $0xFFFFC000  }
0x18: {  	[hbm4b:s7+s2] =	stream.linear.scatter [tilespmem:s12], [sflag:$0x3], $0x4000, $0x38;
	[tilespmem:$0x8C80] =	vst v63  }
0x19: {  	_ = 	snop  }
0x1a: {  	[tilespmem:s14], [sflag:$0x2] =	stream.indirect.gather [hbm4b:s3+s11], $0x80, s11, s11, $0xb8;
	[tilespmem:$0x8C80] =	vst v63  }
0x1b: {  	_ =	swait.ge [sflag:s15], $0x4000  }
0x1c: {  	[sflag:s15] =	ssyncset.done $0x0  }
0x1d: {  	[sflag:s15] =	ssyncadd.s32 $0xFFFFC000  }
0x1e: {  	[hbm4b:s8+s2] =	stream.linear.scatter [tilespmem:s14], [sflag:$0x4], $0x4000, $0x38;
	[tilespmem:$0x8C80] =	vst v63  }
0x1f: {  	_ =	swait.ge [sflag:s16], $0x4000  }
0x20: {  	[sflag:s16] =	ssyncset.done $0x0  }
0x21: {  	s20 =	simm.s32 $0x100;
	[sflag:s16] =	ssyncadd.s32 $0xFFFFC000  }
0x22: {  	[tilespmem:s12], [sflag:$0x1] =	stream.indirect.gather [hbm4b:s3+s11], $0x80, s20, s11, $0xb8;
	[tilespmem:$0x8C80] =	vst v63  }
0x23: {  	_ =	swait.ge [sflag:s13], $0x4000  }
0x24: {  	[sflag:s13] =	ssyncset.done $0x0  }
0x25: {  	s30 =	sadd.s32 $0xFFFFF800, s9;
	[sflag:s13] =	ssyncadd.s32 $0xFFFFC000  }
0x26: {  	[hbm4b:s30+s2] =	stream.linear.scatter [tilespmem:s12], [sflag:$0x3], $0x4000, $0x38;
	[tilespmem:$0x8C80] =	vst v63  }
0x27: {  	_ =	swait.ge [sflag:s17], $0x4000  }
0x28: {  	[sflag:s17] =	ssyncset.done $0x0  }
0x29: {  	s31 =	simm.s32 $0x180;
	[sflag:s17] =	ssyncadd.s32 $0xFFFFC000  }
0x2a: {  	[tilespmem:s14], [sflag:$0x2] =	stream.indirect.gather [hbm4b:s3+s11], $0x80, s31, s11, $0xb8;
	[tilespmem:$0x8C80] =	vst v63  }
0x2b: {  	_ =	swait.ge [sflag:s15], $0x4000  }
0x2c: {  	s21 =	sadd.s32 $0x1000, s9;
	[sflag:s15] =	ssyncset.done $0x0  }
0x2d: {  	s22 =	smov.u32 s9;
	s20 =	simm.s32 $0x400;
	[sflag:s15] =	ssyncadd.s32 $0xFFFFC000  }
.LBB2_2:
0x2e: {  	[hbm4b:s22+s2] =	stream.linear.scatter [tilespmem:s14], [sflag:$0x4], $0x4000, $0x38;
	[tilespmem:$0x8C80] =	vst v63  }
0x2f: {  	s23 =	smov.u32 s20;
	s22 =	smov.u32 s21  }
0x30: {  	p0 =	sne.s32 s20, $0x2800;
	s20 =	sadd.s32 $0x400, s20;
	_ =	swait.ge [sflag:s16], $0x4000  }
0x31: {  	s23 =	sshra.s32 s23, $0x2;
	[sflag:s16] =	ssyncset.done $0x0  }
0x32: {  	s24 =	sadd.s32 $0x100, s23;
	[sflag:s16] =	ssyncadd.s32 $0xFFFFC000  }
0x33: {  	[tilespmem:s12], [sflag:$0x1] =	stream.indirect.gather [hbm4b:s3+s11], $0x80, s24, s11, $0xb8;
	[tilespmem:$0x8C80] =	vst v63  }
0x34: {  	_ =	swait.ge [sflag:s13], $0x4000  }
0x35: {  	[sflag:s13] =	ssyncset.done $0x0  }
0x36: {  	s24 =	sadd.s32 $0xFFFFF800, s21;
	[sflag:s13] =	ssyncadd.s32 $0xFFFFC000  }
0x37: {  	[hbm4b:s24+s2] =	stream.linear.scatter [tilespmem:s12], [sflag:$0x3], $0x4000, $0x38;
	[tilespmem:$0x8C80] =	vst v63  }
0x38: {  	_ =	swait.ge [sflag:s17], $0x4000  }
0x39: {  	[sflag:s17] =	ssyncset.done $0x0  }
.Ltmp0:
0x3a: {  	s23 =	sadd.s32 $0x180, s23;
	[sflag:s17] =	ssyncadd.s32 $0xFFFFC000;
	(pc) =	sbr.rel @p0 .LBB2_2-.Ltmp0, $4  }
0x3b: {  	[tilespmem:s14], [sflag:$0x2] =	stream.indirect.gather [hbm4b:s3+s11], $0x80, s23, s11, $0xb8;
	[tilespmem:$0x8C80] =	vst v63  }
0x3c: {  	_ =	swait.ge [sflag:s15], $0x4000  }
0x3d: {  	[sflag:s15] =	ssyncset.done $0x0  }
0x3e: {  	s21 =	sadd.s32 $0x1000, s21;
	[sflag:s15] =	ssyncadd.s32 $0xFFFFC000  }
0x3f: {  	[hbm4b:s22+s2] =	stream.linear.scatter [tilespmem:s14], [sflag:$0x4], $0x4000, $0x38;
	[tilespmem:$0x8C80] =	vst v63  }
0x40: {  	_ =	swait.ge [sflag:s16], $0x4000  }
0x41: {  	[sflag:s16] =	ssyncset.done $0x0  }
0x42: {  	[sflag:s16] =	ssyncadd.s32 $0xFFFFC000  }
0x43: {  	[tilespmem:s12], [sflag:$0x1] =	stream.indirect.gather [hbm4b:s3+s11], $0x80, s18, s11, $0xb8;
	[tilespmem:$0x8C80] =	vst v63  }
0x44: {  	_ =	swait.ge [sflag:s13], $0x4000  }
0x45: {  	[sflag:s13] =	ssyncset.done $0x0  }
0x46: {  	s19 =	sadd.s32 $0x1, s19;
	[sflag:s13] =	ssyncadd.s32 $0xFFFFC000  }
0x47: {  	[hbm4b:s5+s2] =	stream.linear.scatter [tilespmem:s12], [sflag:$0x3], $0x4000, $0x38;
	[tilespmem:$0x8C80] =	vst v63  }
0x48: {  	p0 =	sne.s32 s19, s6;
	_ =	swait.ge [sflag:s16], $0x4000  }
.Ltmp1:
0x49: {  	[sflag:s16] =	ssyncset.done $0x0;
	(pc) =	sbr.rel @p0 .LBB2_1-.Ltmp1, $4  }
0x4a: {  	[sflag:s16] =	ssyncadd.s32 $0xFFFFC000  }
0x4b: {  	_ =	swait.ge [sflag:s17], $0x4000  }
0x4c: {  	[sflag:s17] =	ssyncset.done $0x0  }
0x4d: {  	[sflag:s17] =	ssyncadd.s32 $0xFFFFC000  }
0x4e: {  	_ =	sfence.sel $0x180000  }
0x4f: {  	[bflag:$0x0] =	sbarrier.arrive $0xFFFF  }
0x50: {  	p0 =	sne.s32 s0, $0x0;
	_ =	strace $0x90000059  }
0x51: {  	s0 =	sadd.s32 @!p0 $0x100000, s1;
	[bflag:$0x2] =	sbarrier.arrive $0xFFFF  }
0x52: {  	[sflag:s0] =	ssyncadd.tile.s32 @!p0 $0x1;
	_ =	shalt  }
.Lfunc_end2:
_tile_overlayer_lowered:
.L_overlay_start_2:
0x53: {  	(tag) =	ssettag $0x2  }
0x54: {  	s0 =	rddreg [dreg:$0x0];
	s2 =	stileid.u32  }
0x55: {  	s1 =	rddreg [dreg:$0x1];
	p0 =	sne.s32 s2, $0x0  }
0x56: {  	s3 =	rddreg [dreg:$0x2];
	[bflag:$0x3] =	sbarrier.arrive $0xFFFF;
	s2 =	simm.s32 @!p0 $0x1C05  }
0x57: {  	[timem:s3], [sflag:s2] =	dma.local @!p0 [hbm:s0], s1  }
0x58: {  	s0 =	simm.s32 @!p0 $0x5  }
0x59: {  	_ =	swait.ge @!p0 [sflag:s0], s1  }
0x5a: {  	s1 =	ssub.s32 @!p0 $0x0, s1;
	[sflag:s0] =	ssyncset.done @!p0 $0x0  }
0x5b: {  	[sflag:s0] =	ssyncadd.s32 @!p0 s1  }
0x5c: {  	[bflag:$0x3] =	sbarrier.arrive $0xFFFF  }
0x5d: {  	_ =	shalt  }

// kernel: kernel.40.cloned.1.call-start
scs
__scs_entry_jumppad:
0x0: {  	(pc) =	sbr.rel $0x88, $3  }
0x1: {  	(tag) =	ssettag $0x0;
	lr =	simm.s32 $0x1  }
0x2: {  	[smem:$0x3F9F] =	sst lr;
	_ =	strace $0xD0000000  }
0x3: {  	_ = 	snop  }
0x4: {  	_ = 	snop  }
0x5: {  	_ = 	snop  }
0x6: {  	_ = 	snop  }
0x7: {  	_ = 	snop  }
__scs_overlays_trampoline_lowered:
0x8: {  	[smem:$0x3FAE] =	sst s0  }
0x9: {  	[smem:$0x3FAF] =	sst s1  }
0xa: {  	[smem:$0x3FB0] =	sst s2  }
0xb: {  	[smem:$0x3FB1] =	sst s3  }
0xc: {  	[smem:$0x3FB2] =	sst s4  }
0xd: {  	[smem:$0x3FB3] =	sst s5  }
0xe: {  	[smem:$0x3FB4] =	sst s6  }
0xf: {  	[smem:$0x3FB5] =	sst s7  }
0x10: {  	[smem:$0x3FB6] =	sst s8  }
0x11: {  	[smem:$0x3FB7] =	sst s9;
	s0 =	simm.s32 @!p0 $0x0  }
0x12: {  	s1 =	sld [smem:$0x3F9D];
	s0 =	simm.s32 @p0 $0x1  }
0x13: {  	[smem:$0x3FB8] =	sst s0;
	s0 =	simm.s32 @!p1 $0x0  }
0x14: {  	s2 =	sld [smem:$0x3F9C];
	s0 =	simm.s32 @p1 $0x1  }
0x15: {  	[smem:$0x3FB9] =	sst s0;
	s0 =	simm.s32 @!p2 $0x0  }
0x16: {  	s3 =	sld [smem:$0x3FDB];
	s0 =	simm.s32 @p2 $0x1  }
0x17: {  	s4 =	simm.s32 $0x1BF5;
	[smem:$0x3FBB] =	sst s0  }
0x18: {  	s0 =	sld [smem:$0x3F9E];
	_ =	swait.ge [sflag:s4], $0x0  }
0x19: {  	s7 =	sld [smem:$0x3F9F]  }
0x1a: {  	s8 =	sadd.s32 $0xFFFFE003, lr  }
0x1b: {  	s9 =	sadd.s32 $0xFFFFFEF7, lr;
	s5 =	simm.s32 $0xFFFFFFFF;
	p2 =	slt.u32 s8, $0xFFFFF086  }
0x1c: {  	p1 =	slt.u32 s9, $0xF7A;
	s5 =	simm.s32 @!p2 $0x0  }
0x1d: {  	s5 =	simm.s32 @p1 $0x1;
	p0 =	seq.s32 s7, s2  }
0x1e: {  	s7 =	smul.u32 @!p0 $0xF7A, s2;
	p2 =	seq.s32 @!p0 s5, $0x0  }
0x1f: {  	s9 =	smul.u32 $0xF7A, s1;
	s8 =	simm.s32 @!p0 $0x1BF5;
	p2 =	por !p2, p0  }
0x20: {  	[sflag:s8] =	ssyncset.s32 @!p0 $0xFFFFF086;
	s6 =	sadd.s32 @!p0 s3, s7;
	s7 =	simm.s32 @!p0 $0x108  }
0x21: {  	s3 =	sadd.s32 s3, s9;
	s6 =	sadd.s32 @!p0 $0x88, s6;
	s7 =	simm.s32 @p2 $0x1082  }
0x22: {  	[simem:s7], [sflag:s8] =	dma.local @!p0 [hbm:s6], $0xF7A  }
0x23: {  	s9 =	sor.u32 $0xD0000000, s2;
	s6 =	simm.s32 $0x108;
	_ =	swait.ge @!p0 [sflag:s8], $0x0  }
0x24: {  	s3 =	sadd.s32 $0x88, s3;
	s6 =	simm.s32 @!p1 $0x1082;
	[sflag:s4] =	ssyncset.s32 $0xFFFFF086  }
0x25: {  	[simem:s6], [sflag:s4] =	dma.local [hbm:s3], $0xF7A  }
0x26: {  	[smem:$0x3F9F] =	sst s1;
	(tag) =	ssettag s2;
	_ =	strace s9  }
0x27: {  	s1 =	sld [smem:$0x3FAF]  }
0x28: {  	s2 =	sld [smem:$0x3FB0]  }
0x29: {  	s4 =	sld [smem:$0x3FB2]  }
0x2a: {  	p0 =	seq.s32 s5, $0x0;
	s5 =	sld [smem:$0x3FB3]  }
0x2b: {  	s6 =	sld [smem:$0x3FB4]  }
0x2c: {  	s7 =	sld [smem:$0x3FB5]  }
0x2d: {  	s3 =	simm.s32 $0x108;
	s8 =	sld [smem:$0x3FB6]  }
0x2e: {  	s3 =	simm.s32 @!p0 $0x1082;
	s9 =	sld [smem:$0x3FB7]  }
0x2f: {  	lr =	sadd.s32 s0, s3;
	s0 =	sld [smem:$0x3FAE]  }
0x30: {  	s3 =	sld [smem:$0x3FB1]  }
0x31: {  	[smem:$0x3FBA] =	sst s10  }
0x32: {  	s10 =	sld [smem:$0x3FB8];
	_ =	sdelay $0x3  }
0x33: {  	p0 =	seq.s32 s10, $0x1;
	s10 =	sld [smem:$0x3FBA];
	_ =	sdelay $0x3  }
0x34: {  	[smem:$0x3FBA] =	sst s10  }
0x35: {  	s10 =	sld [smem:$0x3FB9];
	_ =	sdelay $0x3  }
0x36: {  	p1 =	seq.s32 s10, $0x1;
	s10 =	sld [smem:$0x3FBA];
	_ =	sdelay $0x3  }
0x37: {  	[smem:$0x3FBA] =	sst s10  }
0x38: {  	s10 =	sld [smem:$0x3FBB]  }
0x39: {  	_ = 	snop;
	(pc) =	sbr.ind lr, $3  }
0x3a: {  	_ = 	snop  }
0x3b: {  	_ = 	snop  }
0x3c: {  	p2 =	seq.s32 s10, $0x1;
	s10 =	sld [smem:$0x3FBA]  }
0x3d: {  	_ =	shalt  }
0x3e: {  	_ =	shalt  }
0x3f: {  	_ =	shalt  }
0x40: {  	_ =	shalt  }
0x41: {  	_ =	shalt  }
0x42: {  	_ =	shalt  }
0x43: {  	_ =	shalt  }
0x44: {  	_ =	shalt  }
0x45: {  	_ =	shalt  }
0x46: {  	_ =	shalt  }
0x47: {  	_ =	shalt  }
0x48: {  	_ =	shalt  }
0x49: {  	_ =	shalt  }
0x4a: {  	_ =	shalt  }
0x4b: {  	_ =	shalt  }
0x4c: {  	_ =	shalt  }
0x4d: {  	_ =	shalt  }
0x4e: {  	_ =	shalt  }
0x4f: {  	_ =	shalt  }
0x50: {  	_ =	shalt  }
0x51: {  	_ =	shalt  }
0x52: {  	_ =	shalt  }
0x53: {  	_ =	shalt  }
0x54: {  	_ =	shalt  }
0x55: {  	_ =	shalt  }
0x56: {  	_ =	shalt  }
0x57: {  	_ =	shalt  }
0x58: {  	_ =	shalt  }
0x59: {  	_ =	shalt  }
0x5a: {  	_ =	shalt  }
0x5b: {  	_ =	shalt  }
0x5c: {  	_ =	shalt  }
0x5d: {  	_ =	shalt  }
0x5e: {  	_ =	shalt  }
0x5f: {  	_ =	shalt  }
0x60: {  	_ =	shalt  }
0x61: {  	_ =	shalt  }
0x62: {  	_ =	shalt  }
0x63: {  	_ =	shalt  }
0x64: {  	_ =	shalt  }
0x65: {  	_ =	shalt  }
0x66: {  	_ =	shalt  }
0x67: {  	_ =	shalt  }
0x68: {  	_ =	shalt  }
0x69: {  	_ =	shalt  }
0x6a: {  	_ =	shalt  }
0x6b: {  	_ =	shalt  }
0x6c: {  	_ =	shalt  }
0x6d: {  	_ =	shalt  }
0x6e: {  	_ =	shalt  }
0x6f: {  	_ =	shalt  }
0x70: {  	_ =	shalt  }
0x71: {  	_ =	shalt  }
0x72: {  	_ =	shalt  }
0x73: {  	_ =	shalt  }
0x74: {  	_ =	shalt  }
0x75: {  	_ =	shalt  }
0x76: {  	_ =	shalt  }
0x77: {  	_ =	shalt  }
0x78: {  	_ =	shalt  }
0x79: {  	_ =	shalt  }
0x7a: {  	_ =	shalt  }
0x7b: {  	_ =	shalt  }
0x7c: {  	_ =	shalt  }
0x7d: {  	_ =	shalt  }
0x7e: {  	_ =	shalt  }
0x7f: {  	_ =	shalt  }
0x80: {  	_ =	shalt  }
0x81: {  	_ =	shalt  }
0x82: {  	_ =	shalt  }
0x83: {  	_ =	shalt  }
0x84: {  	_ =	shalt  }
0x85: {  	_ =	shalt  }
0x86: {  	_ =	shalt  }
0x87: {  	_ =	shalt  }
.Lfunc_end0:
.L_simem_size_0:
called_computation.7_lowered:
.L_overlay_start_0:
0x88: {  	s2 =	sld [smem:$0x3FD9]  }
0x89: {  	s3 =	sld [smem:$0x3FFE];
	_ =	sdelay $0x1  }
0x8a: {  	s1 =	srdreg.scid  }
0x8b: {  	s0 =	sand.u32 $0x1, s1  }
0x8c: {  	s17 =	sshll.u32 s0, $0xA;
	s2 =	sadd.s32 s3, s2  }
0x8d: {  	s2 =	sadd.s32 s2, s17  }
0x8e: {  	[smem:$0x3FC6] =	sst s2  }
0x8f: {  	_ = 	snop  }
0x90: {  	(tm) =	ssettm $0x1  }
0x91: {  	s18 =	sld [smem:$0x3FFB];
	_ =	sdelay $0x3  }
0x92: {  	_ =	strace s18  }
0x93: {  	s2 =	sld [smem:$0x3FFC];
	_ =	sdelay $0x3  }
0x94: {  	_ =	strace s2  }
0x95: {  	s2 =	sld [smem:$0x3FFD];
	_ =	sdelay $0x3  }
0x96: {  	_ =	strace s2  }
0x97: {  	_ =	strace $0x8FFFFFFF  }
0x98: {  	s19 =	sld [smem:$0x3FDB];
	_ =	sdelay $0x1  }
0x99: {  	s20 =	simm.s32 $_scs_section_size  }
0x9a: {  	s4 =	simm.s32 $_size__tile_overlayer_lowered;
	s5 =	simm.s32 $_tile_overlayer_lowered  }
0x9b: {  	s6 =	simm.s32 $0x1BFF;
	s21 =	sshll.u32 s5, $0x1;
	s3 =	sadd.s32 s20, s19  }
0x9c: {  	s22 =	simm.s32 $0x0;
	s4 =	sshll.u32 s4, $0x1;
	s5 =	sadd.s32 s21, s3  }
0x9d: {  	[timem:s22], [sflag:s6] =	dma.local [hbm:s5], s4  }
0x9e: {  	_ =	swait.ge [sflag:s6], s4  }
0x9f: {  	s4 =	ssub.s32 $0x0, s4;
	[sflag:s6] =	ssyncset.done $0x0  }
0xa0: {  	[sflag:s6] =	ssyncadd.s32 s4;
	_ =	sdelay $0x1  }
0xa1: {  	s23 =	simm.s32 $0x1B8B  }
0xa2: {  	_ =	swait.ge [sflag:s23], $0x1  }
0xa3: {  	[sflag:s23] =	ssyncset.done $0x0  }
0xa4: {  	[sflag:s23] =	ssyncadd.s32 $0xFFFFFFFF  }
0xa5: {  	s4 =	sld [smem:$0x0]  }
0xa6: {  	s5 =	sand.u32 $0xFFFFFFFE, s1  }
0xa7: {  	p0 =	sne.s32 s1, s5  }
0xa8: {  	s5 =	sshll.u32 @p0 s5, $0xE  }
0xa9: {  	s5 =	sadd.s32 @p0 $0x11B8D, s5;
	s6 =	sshll.u32 @p0 s4, $0x11  }
0xaa: {  	s5 =	sor.u32 @p0 s6, s5  }
0xab: {  	[sflag:s5] =	ssyncadd.remote.s32 @p0 $0x1;
	_ =	sdelay $0x1  }
0xac: {  	s5 =	simm.s32 @p0 $0x1B8D  }
0xad: {  	_ =	swait.eq @p0 [sflag:s5], $0x1  }
0xae: {  	[sflag:s5] =	ssyncadd.s32 @p0 $0xFFFFFFFF  }
0xaf: {  	s6 =	sshll.u32 @!p0 s1, $0xE  }
0xb0: {  	s6 =	sor.u32 @!p0 $0x4000, s6;
	s5 =	simm.s32 @!p0 $0x1B8D  }
0xb1: {  	s4 =	sshll.u32 @!p0 s4, $0x11;
	s6 =	sadd.s32 @!p0 $0x11B8D, s6;
	_ =	swait.eq @!p0 [sflag:s5], $0x1  }
0xb2: {  	s4 =	sor.u32 @!p0 s4, s6;
	[sflag:s5] =	ssyncadd.s32 @!p0 $0xFFFFFFFF  }
0xb3: {  	s25 =	simm.s32 $0x1B8E;
	s24 =	sld [smem:$0x3FFE];
	[sflag:s4] =	ssyncadd.remote.s32 @!p0 $0x1  }
0xb4: {  	s26 =	simm.s32 $execute0_lowered;
	[smem:$0x3FD2] =	sst s25  }
0xb5: {  	s5 =	sshll.u32 s26, $0x1;
	_ =	strace $0x8000005B;
	[dreg:$0x1] =	wrdreg $0xFFFFFFFF  }
0xb6: {  	s28 =	simm.s32 $_size_execute0_lowered;
	s3 =	sadd.s32 s3, s5;
	[dreg:$0x0] =	wrdreg $0x0  }
0xb7: {  	s5 =	sshll.u32 s28, $0x1;
	[dreg:$0x2] =	wrdreg s3  }
0xb8: {  	[dreg:$0x3] =	wrdreg s5  }
0xb9: {  	[dreg:$0x4] =	wrdreg $0xC0  }
0xba: {  	_ =	task [dreg:s22], $0x5FFFF  }
0xbb: {  	[dreg:$0x1] =	wrdreg $0xFFFFFFFF  }
0xbc: {  	[dreg:$0x0] =	wrdreg $0x60  }
0xbd: {  	[dreg:$0x2] =	wrdreg s24  }
0xbe: {  	[dreg:$0x3] =	wrdreg $0x10  }
0xbf: {  	_ =	task.clear_ibuf [dreg:s22], $0x4FFFF;
	_ =	strace $0x9000005B  }
0xc0: {  	s29 =	simm.s32 $0x10;
	_ =	strace $0x8000005D  }
0xc1: {  	_ =	swait.ge [sflag:s29], $0x1  }
0xc2: {  	[sflag:s29] =	ssyncadd.s32 $0xFFFFFFFF  }
0xc3: {  	_ =	strace $0x9000005D  }
0xc4: {  	_ =	sfence  }
0xc5: {  	s30 =	sld [smem:$0x0];
	_ =	sdelay $0x2  }
0xc6: {  	s31 =	sshll.u32 s1, $0xD;
	s1 =	sshrl.u32 s1, $0x2  }
0xc7: {  	s4 =	sand.u32 $0x4000, s31;
	s1 =	sadd.s32 s1, s30  }
0xc8: {  	s0 =	sor.u32 s4, s0;
	s1 =	sshll.u32 s1, $0x11  }
0xc9: {  	s0 =	sor.u32 s1, s0  }
0xca: {  	s0 =	sadd.s32 $0x8F2B, s0  }
0xcb: {  	[sflag:s0] =	ssyncadd.remote.s32 $0x1  }
0xcc: {  	_ =	sfence.sel $0xFFFF  }
0xcd: {  	[dreg:$0x0] =	wrdreg $0xFFFFFFFF;
	(pc) =	sbr.abs _section_cstart, $3  }
0xce: {  	[dreg:$0x1] =	wrdreg $0xFFFFFFFF  }
0xcf: {  	_ =	task.clear_ibuf [dreg:s22], $0x2FFFF;
	_ =	strace $0x9FFFFFFF  }
0xd0: {  	(tm) =	ssettm $0x7FFFFFFF  }
0xd1: {  	_ =	shalt  }
tec
execute0_lowered:
.L_overlay_start_1:
0x0: {  	(tag) =	ssettag $0x1  }
0x1: {  	s1 =	srdreg.scid  }
0x2: {  	s0 =	stileid.u32;
	s5 =	rddreg [dreg:$0x0]  }
0x3: {  	s2 =	simm.s32 $0x0;
	s12 =	simm.s32 $0xC80;
	s13 =	simm.s32 $0x1  }
0x4: {  	s14 =	simm.s32 $0x4C80;
	s15 =	simm.s32 $0x2;
	s16 =	simm.s32 $0x3  }
0x5: {  	s17 =	simm.s32 $0x4;
	s18 =	simm.s32 $0xC00;
	s19 =	simm.s32 $0x0  }
0x6: {  	s4 =	sand.u32 $0x1, s1;
	s25 =	sshll.u32 s0, $0x1;
	s11 =	smul.u32 $0x19000, s0  }
0x7: {  	s1 =	rddreg [dreg:$0x1];
	s6 =	sor.u32 s4, s25;
	s30 =	smul.u32 $0xC800, s4  }
0x8: {  	[smem:$0x7FF] =	sst s2;
	s9 =	sadd.s32 $0x1A4A600, s5;
	s3 =	smul.u32 $0xC80, s6  }
0x9: {  	_ =	strace $0x8000005C;
	s26 =	ssub.s32 $0x2, s4;
	s8 =	smul.u32 $0x64000, s6  }
0xa: {  	s10 =	smul.u32 $0xC800, s6;
	s28 =	sshrl.u32 s26, $0x1;
	s11 =	sadd.s32 s11, s9  }
0xb: {  	s6 =	ssub.s32 s26, s28;
	s31 =	sadd.s32 s30, s11;
	s11 =	simm.s32 $0x80  }
0xc: {  	s3 =	sshrl.u32 s3, $0x3;
	s8 =	sshrl.u32 s8, $0x3;
	s6 =	smax.u32 s6, $0x1  }
0xd: {  	s7 =	sadd.s32 s3, s5;
	s3 =	sadd.s32 $0x2400, s5;
	s29 =	sadd.s32 s9, s8  }
0xe: {  	s4 =	sadd.s32 $0x10E7400, s7;
	s5 =	sadd.s32 $0xC000, s29;
	s7 =	sadd.s32 s9, s10  }
0xf: {  	s9 =	sadd.s32 $0x1800, s31;
	s10 =	simm.s32 $0x5;
	s8 =	sadd.s32 $0x800, s7  }
.LBB2_1:
0x10: {  	[tilespmem:s2], [sflag:$0x5] =	stream.linear.gather [hbm4b:s4+s2], $0xC80, $0x38;
	[tilespmem:$0x8C80] =	vst v63  }
0x11: {  	_ =	swait.ge [sflag:s10], $0xC80  }
0x12: {  	[sflag:s10] =	ssyncset.done $0x0  }
0x13: {  	[sflag:s10] =	ssyncadd.s32 $0xFFFFF380  }
0x14: {  	[tilespmem:s12], [sflag:$0x1] =	stream.indirect.gather [hbm4b:s3+s11], $0x80, s2, s11, $0xb8;
	[tilespmem:$0x8C80] =	vst v63  }
0x15: {  	_ =	swait.ge [sflag:s13], $0x4000  }
0x16: {  	[sflag:s13] =	ssyncset.done $0x0  }
0x17: {  	[sflag:s13] =	ssyncadd.s32 $0xFFFFC000  }
0x18: {  	[hbm4b:s7+s2] =	stream.linear.scatter [tilespmem:s12], [sflag:$0x3], $0x4000, $0x38;
	[tilespmem:$0x8C80] =	vst v63  }
0x19: {  	_ = 	snop  }
0x1a: {  	[tilespmem:s14], [sflag:$0x2] =	stream.indirect.gather [hbm4b:s3+s11], $0x80, s11, s11, $0xb8;
	[tilespmem:$0x8C80] =	vst v63  }
0x1b: {  	_ =	swait.ge [sflag:s15], $0x4000  }
0x1c: {  	[sflag:s15] =	ssyncset.done $0x0  }
0x1d: {  	[sflag:s15] =	ssyncadd.s32 $0xFFFFC000  }
0x1e: {  	[hbm4b:s8+s2] =	stream.linear.scatter [tilespmem:s14], [sflag:$0x4], $0x4000, $0x38;
	[tilespmem:$0x8C80] =	vst v63  }
0x1f: {  	_ =	swait.ge [sflag:s16], $0x4000  }
0x20: {  	[sflag:s16] =	ssyncset.done $0x0  }
0x21: {  	s20 =	simm.s32 $0x100;
	[sflag:s16] =	ssyncadd.s32 $0xFFFFC000  }
0x22: {  	[tilespmem:s12], [sflag:$0x1] =	stream.indirect.gather [hbm4b:s3+s11], $0x80, s20, s11, $0xb8;
	[tilespmem:$0x8C80] =	vst v63  }
0x23: {  	_ =	swait.ge [sflag:s13], $0x4000  }
0x24: {  	[sflag:s13] =	ssyncset.done $0x0  }
0x25: {  	s30 =	sadd.s32 $0xFFFFF800, s9;
	[sflag:s13] =	ssyncadd.s32 $0xFFFFC000  }
0x26: {  	[hbm4b:s30+s2] =	stream.linear.scatter [tilespmem:s12], [sflag:$0x3], $0x4000, $0x38;
	[tilespmem:$0x8C80] =	vst v63  }
0x27: {  	_ =	swait.ge [sflag:s17], $0x4000  }
0x28: {  	[sflag:s17] =	ssyncset.done $0x0  }
0x29: {  	s31 =	simm.s32 $0x180;
	[sflag:s17] =	ssyncadd.s32 $0xFFFFC000  }
0x2a: {  	[tilespmem:s14], [sflag:$0x2] =	stream.indirect.gather [hbm4b:s3+s11], $0x80, s31, s11, $0xb8;
	[tilespmem:$0x8C80] =	vst v63  }
0x2b: {  	_ =	swait.ge [sflag:s15], $0x4000  }
0x2c: {  	s21 =	sadd.s32 $0x1000, s9;
	[sflag:s15] =	ssyncset.done $0x0  }
0x2d: {  	s22 =	smov.u32 s9;
	s20 =	simm.s32 $0x400;
	[sflag:s15] =	ssyncadd.s32 $0xFFFFC000  }
.LBB2_2:
0x2e: {  	[hbm4b:s22+s2] =	stream.linear.scatter [tilespmem:s14], [sflag:$0x4], $0x4000, $0x38;
	[tilespmem:$0x8C80] =	vst v63  }
0x2f: {  	s23 =	smov.u32 s20;
	s22 =	smov.u32 s21  }
0x30: {  	p0 =	sne.s32 s20, $0x2800;
	s20 =	sadd.s32 $0x400, s20;
	_ =	swait.ge [sflag:s16], $0x4000  }
0x31: {  	s23 =	sshra.s32 s23, $0x2;
	[sflag:s16] =	ssyncset.done $0x0  }
0x32: {  	s24 =	sadd.s32 $0x100, s23;
	[sflag:s16] =	ssyncadd.s32 $0xFFFFC000  }
0x33: {  	[tilespmem:s12], [sflag:$0x1] =	stream.indirect.gather [hbm4b:s3+s11], $0x80, s24, s11, $0xb8;
	[tilespmem:$0x8C80] =	vst v63  }
0x34: {  	_ =	swait.ge [sflag:s13], $0x4000  }
0x35: {  	[sflag:s13] =	ssyncset.done $0x0  }
0x36: {  	s24 =	sadd.s32 $0xFFFFF800, s21;
	[sflag:s13] =	ssyncadd.s32 $0xFFFFC000  }
0x37: {  	[hbm4b:s24+s2] =	stream.linear.scatter [tilespmem:s12], [sflag:$0x3], $0x4000, $0x38;
	[tilespmem:$0x8C80] =	vst v63  }
0x38: {  	_ =	swait.ge [sflag:s17], $0x4000  }
0x39: {  	[sflag:s17] =	ssyncset.done $0x0  }
.Ltmp0:
0x3a: {  	s23 =	sadd.s32 $0x180, s23;
	[sflag:s17] =	ssyncadd.s32 $0xFFFFC000;
	(pc) =	sbr.rel @p0 .LBB2_2-.Ltmp0, $4  }
0x3b: {  	[tilespmem:s14], [sflag:$0x2] =	stream.indirect.gather [hbm4b:s3+s11], $0x80, s23, s11, $0xb8;
	[tilespmem:$0x8C80] =	vst v63  }
0x3c: {  	_ =	swait.ge [sflag:s15], $0x4000  }
0x3d: {  	[sflag:s15] =	ssyncset.done $0x0  }
0x3e: {  	s21 =	sadd.s32 $0x1000, s21;
	[sflag:s15] =	ssyncadd.s32 $0xFFFFC000  }
0x3f: {  	[hbm4b:s22+s2] =	stream.linear.scatter [tilespmem:s14], [sflag:$0x4], $0x4000, $0x38;
	[tilespmem:$0x8C80] =	vst v63  }
0x40: {  	_ =	swait.ge [sflag:s16], $0x4000  }
0x41: {  	[sflag:s16] =	ssyncset.done $0x0  }
0x42: {  	[sflag:s16] =	ssyncadd.s32 $0xFFFFC000  }
0x43: {  	[tilespmem:s12], [sflag:$0x1] =	stream.indirect.gather [hbm4b:s3+s11], $0x80, s18, s11, $0xb8;
	[tilespmem:$0x8C80] =	vst v63  }
0x44: {  	_ =	swait.ge [sflag:s13], $0x4000  }
0x45: {  	[sflag:s13] =	ssyncset.done $0x0  }
0x46: {  	s19 =	sadd.s32 $0x1, s19;
	[sflag:s13] =	ssyncadd.s32 $0xFFFFC000  }
0x47: {  	[hbm4b:s5+s2] =	stream.linear.scatter [tilespmem:s12], [sflag:$0x3], $0x4000, $0x38;
	[tilespmem:$0x8C80] =	vst v63  }
0x48: {  	p0 =	sne.s32 s19, s6;
	_ =	swait.ge [sflag:s16], $0x4000  }
.Ltmp1:
0x49: {  	[sflag:s16] =	ssyncset.done $0x0;
	(pc) =	sbr.rel @p0 .LBB2_1-.Ltmp1, $4  }
0x4a: {  	[sflag:s16] =	ssyncadd.s32 $0xFFFFC000  }
0x4b: {  	_ =	swait.ge [sflag:s17], $0x4000  }
0x4c: {  	[sflag:s17] =	ssyncset.done $0x0  }
0x4d: {  	[sflag:s17] =	ssyncadd.s32 $0xFFFFC000  }
0x4e: {  	_ =	sfence.sel $0x180000  }
0x4f: {  	[bflag:$0x0] =	sbarrier.arrive $0xFFFF  }
0x50: {  	p0 =	sne.s32 s0, $0x0;
	_ =	strace $0x9000005C  }
0x51: {  	s0 =	sadd.s32 @!p0 $0x100000, s1;
	[bflag:$0x2] =	sbarrier.arrive $0xFFFF  }
0x52: {  	[sflag:s0] =	ssyncadd.tile.s32 @!p0 $0x1;
	_ =	shalt  }
.Lfunc_end2:
_tile_overlayer_lowered:
.L_overlay_start_2:
0x53: {  	(tag) =	ssettag $0x2  }
0x54: {  	s0 =	rddreg [dreg:$0x0];
	s2 =	stileid.u32  }
0x55: {  	s1 =	rddreg [dreg:$0x1];
	p0 =	sne.s32 s2, $0x0  }
0x56: {  	s3 =	rddreg [dreg:$0x2];
	[bflag:$0x3] =	sbarrier.arrive $0xFFFF;
	s2 =	simm.s32 @!p0 $0x1C05  }
0x57: {  	[timem:s3], [sflag:s2] =	dma.local @!p0 [hbm:s0], s1  }
0x58: {  	s0 =	simm.s32 @!p0 $0x5  }
0x59: {  	_ =	swait.ge @!p0 [sflag:s0], s1  }
0x5a: {  	s1 =	ssub.s32 @!p0 $0x0, s1;
	[sflag:s0] =	ssyncset.done @!p0 $0x0  }
0x5b: {  	[sflag:s0] =	ssyncadd.s32 @!p0 s1  }
0x5c: {  	[bflag:$0x3] =	sbarrier.arrive $0xFFFF  }
0x5d: {  	_ =	shalt  }

</sc_bundles>
